<compile_context>
chip_gen: v7x
topology: tpu7x:2x2x1
jax: 0.10.2.dev20260603
libtpu: 0.0.44.dev20260713+nightly
codegen_flags: <defaults>
</compile_context>

<pallas_src>
import functools

import jax
import jax.numpy as jnp
from jax import lax
from jax.experimental import pallas as pl
from jax.experimental.pallas import tpu as pltpu
from jax.experimental.pallas import tpu_sc as plsc

_N = 10000
_DIN = 128
_D = 128
_E = 320000

_NC = 2
_NT = 16
_NW = _NC * _NT
_C = 128
_S = 80
_EP = _NW * _S * _C
_NP = 10112
_RT = _NP // _NT

_BR = 2528

_NB = 2
_TCH = _EP // _C

_S_FAST = 152
_S_SLOW = 8
_SUB_FAST = 48
_SUB_SLOW = 8
_FAST_CID = 0


def _sc_mesh():
    return plsc.VectorSubcoreMesh(core_axis_name="c", subcore_axis_name="s")


def _sc_degree(dst2, ones_rows, zrows):

    def body(dst_hbm, ones_hbm, z_hbm, out_hbm, dstv, onesv, acc):
        cid = lax.axis_index("c")
        sid = lax.axis_index("s")
        wid = sid * _NC + cid
        pltpu.sync_copy(z_hbm, acc.at[pl.ds(sid * _RT, _RT)])
        pltpu.sync_copy(ones_hbm, onesv)
        pltpu.sync_copy(dst_hbm.at[pl.ds(wid * _S, _S)], dstv)
        plsc.subcore_barrier()

        def step(k, carry):
            pltpu.sync_copy(onesv, acc.at[dstv.at[k]], add=True)
            return carry

        lax.fori_loop(0, _S, step, 0)
        plsc.subcore_barrier()
        pltpu.sync_copy(acc.at[pl.ds(sid * _RT, _RT)],
                        out_hbm.at[cid, pl.ds(sid * _RT, _RT)])

    return pl.kernel(
        body,
        out_type=jax.ShapeDtypeStruct((_NC, _NP, _D), jnp.float32),
        mesh=_sc_mesh(),
        scratch_types=[
            pltpu.VMEM((_S, _C), jnp.int32),
            pltpu.VMEM((_C, _D), jnp.float32),
            pltpu.VMEM_SHARED((_NP, _D), jnp.float32),
        ],
    )(dst2, ones_rows, zrows)


def _sc_scatter(f, src2, dst2, zrows):

    def body(f_hbm, src_hbm, dst_hbm, z_hbm, out_hbm, srcv, dstv,
             r0, r1, acc, g0, g1, s0, s1):
        rows = (r0, r1)
        gsem = (g0, g1)
        ssem = (s0, s1)
        cid = lax.axis_index("c")
        sid = lax.axis_index("s")
        fast = cid == _FAST_CID
        pltpu.sync_copy(z_hbm, acc.at[pl.ds(sid * _RT, _RT)])
        plsc.subcore_barrier()

        def run(n_chunks, sub, start):
            gh = sub // _NB

            def subslab(h, carry):
                off = pl.multiple_of(start + h * sub, 8)
                pltpu.sync_copy(src_hbm.at[pl.ds(off, sub)],
                                srcv.at[pl.ds(0, sub)])
                pltpu.sync_copy(dst_hbm.at[pl.ds(off, sub)],
                                dstv.at[pl.ds(0, sub)])
                for b in range(_NB):
                    pltpu.async_copy(f_hbm.at[srcv.at[b]], rows[b], gsem[b])

                def outer(g, c):
                    base = g * _NB
                    for b in range(_NB):
                        pltpu.make_async_copy(
                            f_hbm.at[srcv.at[base + b]], rows[b], gsem[b]).wait()
                        pltpu.async_copy(
                            rows[b], acc.at[dstv.at[base + b]], ssem[b], add=True)
                    for b in range(_NB):
                        pltpu.make_async_copy(
                            rows[b], acc.at[dstv.at[base + b]], ssem[b]).wait()

                        @pl.when(g < gh - 1)
                        def _():
                            pltpu.async_copy(
                                f_hbm.at[srcv.at[base + _NB + b]], rows[b],
                                gsem[b])

                    return c

                lax.fori_loop(0, gh, outer, 0)
                return carry

            lax.fori_loop(0, n_chunks // sub, subslab, 0)

        @pl.when(fast)
        def _():
            run(144, _SUB_FAST, sid * _S_FAST)
            run(_S_FAST - 144, _S_FAST - 144, sid * _S_FAST + 144)

        @pl.when(jnp.logical_not(fast))
        def _():
            run(_S_SLOW, _SUB_SLOW, _NT * _S_FAST + sid * _S_SLOW)

        plsc.subcore_barrier()
        pltpu.sync_copy(acc.at[pl.ds(sid * _RT, _RT)],
                        out_hbm.at[cid, pl.ds(sid * _RT, _RT)])

    return pl.kernel(
        body,
        out_type=jax.ShapeDtypeStruct((_NC, _NP, _D), jnp.float32),
        mesh=_sc_mesh(),
        scratch_types=[
            pltpu.VMEM((_SUB_FAST, _C), jnp.int32),
            pltpu.VMEM((_SUB_FAST, _C), jnp.int32),
        ] + [pltpu.VMEM((_C, _D), jnp.float32)] * _NB + [
            pltpu.VMEM_SHARED((_NP, _D), jnp.float32),
        ] + [pltpu.SemaphoreType.DMA] * (2 * _NB),
    )(f, src2, dst2, zrows)


def _row_spec(width=_D):
    return pl.BlockSpec((_BR, width), lambda i: (i, 0))


def _full_spec(shape):
    nd = len(shape)
    return pl.BlockSpec(shape, lambda i: (0,) * nd)


def _k2(x_pad, degpart, w, b):

    def body(x_ref, dp_ref, w_ref, b_ref, u_ref, dinv_ref):
        i = pl.program_id(0)
        deg = dp_ref[0, :, 0:1] + dp_ref[1, :, 0:1] + 1.0
        rows = lax.broadcasted_iota(jnp.int32, (_BR, 1), 0) + i * _BR
        dinv = jnp.where(rows < _N, lax.rsqrt(deg), 0.0)
        phi = jnp.maximum(
            jnp.dot(x_ref[...], w_ref[...], preferred_element_type=jnp.float32)
            + b_ref[...][None, :], 0.0)
        u_ref[...] = dinv * phi
        dinv_ref[...] = dinv

    return pl.pallas_call(
        body,
        grid=(_NP // _BR,),
        in_specs=[
            _row_spec(_DIN),
            pl.BlockSpec((_NC, _BR, _D), lambda i: (0, i, 0)),
            _full_spec((_DIN, _D)),
            _full_spec((_D,)),
        ],
        out_specs=[_row_spec(_D), _row_spec(1)],
        out_shape=[
            jax.ShapeDtypeStruct((_NP, _D), jnp.float32),
            jax.ShapeDtypeStruct((_NP, 1), jnp.float32),
        ],
    )(x_pad, degpart, w, b)


def _k4(acc, u1, dinv, w, b):

    def body(a_ref, u_ref, d_ref, w_ref, b_ref, q_ref, e_ref):
        d = d_ref[...]
        q = d * (a_ref[0] + a_ref[1] + u_ref[...])
        enc = jnp.dot(q, w_ref[...], preferred_element_type=jnp.float32) + b_ref[...][None, :]
        q_ref[...] = q
        e_ref[...] = d * enc

    return pl.pallas_call(
        body,
        grid=(_NP // _BR,),
        in_specs=[
            pl.BlockSpec((_NC, _BR, _D), lambda i: (0, i, 0)),
            _row_spec(_D),
            _row_spec(1),
            _full_spec((_D, _D)),
            _full_spec((_D,)),
        ],
        out_specs=[_row_spec(_D), _row_spec(_D)],
        out_shape=[
            jax.ShapeDtypeStruct((_NP, _D), jnp.float32),
            jax.ShapeDtypeStruct((_NP, _D), jnp.float32),
        ],
    )(acc, u1, dinv, w, b)


def _k6(acc, e1, dinv, eps, wm, bm, ws, bs, wz, bz):

    def body(a_ref, e_ref, d_ref, eps_ref, wm_ref, bm_ref, ws_ref, bs_ref,
             wz_ref, bz_ref, mean_ref, std_ref, z_ref, p_ref):
        d = d_ref[...]
        r = d * (a_ref[0] + a_ref[1] + e_ref[...])
        m = jnp.dot(r, wm_ref[...], preferred_element_type=jnp.float32) + bm_ref[...][None, :]
        s = jax.nn.softplus(
            jnp.dot(r, ws_ref[...], preferred_element_type=jnp.float32) + bs_ref[...][None, :])
        z = eps_ref[...] * s + m
        pz = jnp.maximum(
            jnp.dot(z, wz_ref[...], preferred_element_type=jnp.float32) + bz_ref[...][None, :],
            0.0)
        mean_ref[...] = m
        std_ref[...] = s
        z_ref[...] = z
        p_ref[...] = d * pz

    return pl.pallas_call(
        body,
        grid=(_NP // _BR,),
        in_specs=[
            pl.BlockSpec((_NC, _BR, _D), lambda i: (0, i, 0)),
            _row_spec(_D),
            _row_spec(1),
            _row_spec(_D),
            _full_spec((_D, _D)),
            _full_spec((_D,)),
            _full_spec((_D, _D)),
            _full_spec((_D,)),
            _full_spec((_D, _D)),
            _full_spec((_D,)),
        ],
        out_specs=[_row_spec(_D)] * 4,
        out_shape=[jax.ShapeDtypeStruct((_NP, _D), jnp.float32)] * 4,
    )(acc, e1, dinv, eps, wm, bm, ws, bs, wz, bz)


def _k8(acc, p1, dinv, q, wxz_t, wxz_b, wxh_t, wxh_b, bxz, bhz, bxh, bhh,
        prior_b, wpm, bpm, wps, bps):

    def body(a_ref, p_ref, d_ref, q_ref, wzt_ref, wzb_ref, wht_ref, whb_ref,
             bxz_ref, bhz_ref, bxh_ref, bhh_ref, pb_ref, wpm_ref, bpm_ref,
             wps_ref, bps_ref, h_ref, pm_ref, ps_ref):
        d = d_ref[...]
        t = d * (a_ref[0] + a_ref[1] + p_ref[...])
        qv = q_ref[...]
        ga = (jnp.dot(qv, wzt_ref[...], preferred_element_type=jnp.float32)
              + jnp.dot(t, wzb_ref[...], preferred_element_type=jnp.float32)
              + (bxz_ref[...] + bhz_ref[...])[None, :])
        z_g = jax.nn.sigmoid(ga)
        ha = (jnp.dot(qv, wht_ref[...], preferred_element_type=jnp.float32)
              + jnp.dot(t, whb_ref[...], preferred_element_type=jnp.float32)
              + (bxh_ref[...] + bhh_ref[...])[None, :])
        h_tilde = jnp.tanh(ha)
        h_ref[...] = (1.0 - z_g) * h_tilde
        pr = jnp.maximum(pb_ref[...], 0.0)[None, :]
        pm_row = jnp.dot(pr, wpm_ref[...], preferred_element_type=jnp.float32) + bpm_ref[...][None, :]
        ps_row = jax.nn.softplus(
            jnp.dot(pr, wps_ref[...], preferred_element_type=jnp.float32) + bps_ref[...][None, :])
        pm_ref[...] = jnp.broadcast_to(pm_row, (_BR, _D))
        ps_ref[...] = jnp.broadcast_to(ps_row, (_BR, _D))

    return pl.pallas_call(
        body,
        grid=(_NP // _BR,),
        in_specs=[
            pl.BlockSpec((_NC, _BR, _D), lambda i: (0, i, 0)),
            _row_spec(_D),
            _row_spec(1),
            _row_spec(_D),
            _full_spec((_D, _D)),
            _full_spec((_D, _D)),
            _full_spec((_D, _D)),
            _full_spec((_D, _D)),
            _full_spec((_D,)),
            _full_spec((_D,)),
            _full_spec((_D,)),
            _full_spec((_D,)),
            _full_spec((_D,)),
            _full_spec((_D, _D)),
            _full_spec((_D,)),
            _full_spec((_D, _D)),
            _full_spec((_D,)),
        ],
        out_specs=[_row_spec(_D)] * 3,
        out_shape=[jax.ShapeDtypeStruct((_NP, _D), jnp.float32)] * 3,
    )(acc, p1, dinv, q, wxz_t, wxz_b, wxh_t, wxh_b, bxz, bhz, bxh, bhh,
      prior_b, wpm, bpm, wps, bps)


_BRD = 400


def _k9(zs):

    def body(a_ref, b_ref, o_ref):
        o_ref[...] = jax.nn.sigmoid(
            lax.dot_general(a_ref[...], b_ref[...], (((1,), (1,)), ((), ())),
                            preferred_element_type=jnp.float32))

    return pl.pallas_call(
        body,
        grid=(_N // _BRD,),
        in_specs=[
            pl.BlockSpec((_BRD, _D), lambda i: (i, 0)),
            pl.BlockSpec((_N, _D), lambda i: (0, 0)),
        ],
        out_specs=pl.BlockSpec((_BRD, _N), lambda i: (i, 0)),
        out_shape=jax.ShapeDtypeStruct((_N, _N), jnp.float32),
    )(zs, zs)


def kernel(x, edge_index, phi_x_W, phi_x_b, phi_z_W, phi_z_b, enc_W, enc_b,
           enc_mean_W, enc_mean_b, enc_std_W, enc_std_b, prior_W, prior_b,
           prior_mean_W, prior_mean_b, prior_std_W, prior_std_b, rnn_xz_W,
           rnn_xz_b, rnn_hz_W, rnn_hz_b, rnn_xr_W, rnn_xr_b, rnn_hr_W,
           rnn_hr_b, rnn_xh_W, rnn_xh_b, rnn_hh_W, rnn_hh_b):
    f32 = jnp.float32
    src = edge_index[0].astype(jnp.int32)
    dst = edge_index[1].astype(jnp.int32)
    padv = jnp.full((_EP - _E,), _N, jnp.int32)
    src2 = jnp.concatenate([src, padv]).reshape(_TCH, _C)
    dst2 = jnp.concatenate([dst, padv]).reshape(_TCH, _C)
    zrows = jnp.zeros((_RT, _D), f32)
    zpad = jnp.zeros((_NP - _N, _D), f32)

    ones_rows = jnp.ones((_C, _D), f32)
    degpart = _sc_degree(dst2, ones_rows, zrows)

    x_pad = jnp.concatenate([x.astype(f32), zpad], axis=0)
    u1, dinv = _k2(x_pad, degpart, phi_x_W, phi_x_b)

    acc_a = _sc_scatter(u1, src2, dst2, zrows)
    q, e1 = _k4(acc_a, u1, dinv, enc_W[:_D], enc_b)

    acc_b = _sc_scatter(e1, src2, dst2, zrows)
    eps = jax.random.normal(jax.random.key(42), (_N, _D), dtype=f32)
    eps_pad = jnp.concatenate([eps, zpad], axis=0)
    enc_mean_p, enc_std_p, z_p, p1 = _k6(
        acc_b, e1, dinv, eps_pad, enc_mean_W, enc_mean_b, enc_std_W,
        enc_std_b, phi_z_W, phi_z_b)

    acc_c = _sc_scatter(p1, src2, dst2, zrows)
    h_p, pm_p, ps_p = _k8(
        acc_c, p1, dinv, q, rnn_xz_W[:_D], rnn_xz_W[_D:], rnn_xh_W[:_D],
        rnn_xh_W[_D:], rnn_xz_b, rnn_hz_b, rnn_xh_b, rnn_hh_b, prior_b,
        prior_mean_W, prior_mean_b, prior_std_W, prior_std_b)

    zs = z_p[:_N]
    dec = _k9(zs)

    return (dec, enc_mean_p[:_N], enc_std_p[:_N], pm_p[:_N], ps_p[:_N],
            h_p[:_N][None])

# --- scband reference (transcript-rebuilt; emitter-appended) ---
"""Pipeline reference for scband-vgrnn-28518582845658 (READ-ONLY COPY).

The authoritative reference and input builder live on the scoring server;
editing this copy changes nothing except your own understanding.
"""

import jax, jax.numpy as jnp
import numpy as np

N = 10000
E = 320000
DIN = 128
DH = 128

_PARAM_DIMS = [("phi_x", DIN, DH), ("phi_z", DH, DH), ("enc", 2 * DH, DH), ("enc_mean", DH, DH), ("enc_std", DH, DH), ("prior", DH, DH), ("prior_mean", DH, DH), ("prior_std", DH, DH), ("rnn_xz", 2 * DH, DH), ("rnn_hz", DH, DH), ("rnn_xr", 2 * DH, DH), ("rnn_hr", DH, DH), ("rnn_xh", 2 * DH, DH), ("rnn_hh", DH, DH)]


def setup_inputs(seed: int = 0) -> dict:
    key = jax.random.key(seed)
    ks = jax.random.split(key, 2 + len(_PARAM_DIMS))
    inp = {}
    inp["x"] = jax.random.normal(ks[0], (N, DIN), dtype=jnp.float32)
    inp["edge_index"] = jax.random.randint(ks[1], (2, E), 0, N, dtype=jnp.int32)
    for i, (nm, di, do) in enumerate(_PARAM_DIMS):
        inp[nm + "_W"] = jax.random.normal(ks[2 + i], (di, do), dtype=jnp.float32) * 0.05
        inp[nm + "_b"] = jnp.zeros((do,), dtype=jnp.float32)
    return inp


def gcn_conv(x, edge_index, W, b):
    # torch_geometric GCNConv: x' = D^-1/2 (A + I) D^-1/2 (X W) + b
    h = x @ W
    loop = jnp.arange(N, dtype=edge_index.dtype)
    src = jnp.concatenate([edge_index[0], loop])
    dst = jnp.concatenate([edge_index[1], loop])
    deg = jnp.zeros((N,), dtype=h.dtype).at[dst].add(1.0)
    dinv = jnp.where(deg > 0, 1.0 / jnp.sqrt(deg), 0.0)
    norm = dinv[src] * dinv[dst]
    out = jnp.zeros_like(h).at[dst].add(h[src] * norm[:, None])
    return out + b


def reference(x, edge_index, phi_x_W, phi_x_b, phi_z_W, phi_z_b, enc_W, enc_b, enc_mean_W, enc_mean_b, enc_std_W, enc_std_b, prior_W, prior_b, prior_mean_W, prior_mean_b, prior_std_W, prior_std_b, rnn_xz_W, rnn_xz_b, rnn_hz_W, rnn_hz_b, rnn_xr_W, rnn_xr_b, rnn_hr_W, rnn_hr_b, rnn_xh_W, rnn_xh_b, rnn_hh_W, rnn_hh_b):
    p = {"phi_x_W": phi_x_W, "phi_x_b": phi_x_b, "phi_z_W": phi_z_W, "phi_z_b": phi_z_b, "enc_W": enc_W, "enc_b": enc_b, "enc_mean_W": enc_mean_W, "enc_mean_b": enc_mean_b, "enc_std_W": enc_std_W, "enc_std_b": enc_std_b, "prior_W": prior_W, "prior_b": prior_b, "prior_mean_W": prior_mean_W, "prior_mean_b": prior_mean_b, "prior_std_W": prior_std_W, "prior_std_b": prior_std_b, "rnn_xz_W": rnn_xz_W, "rnn_xz_b": rnn_xz_b, "rnn_hz_W": rnn_hz_W, "rnn_hz_b": rnn_hz_b, "rnn_xr_W": rnn_xr_W, "rnn_xr_b": rnn_xr_b, "rnn_hr_W": rnn_hr_W, "rnn_hr_b": rnn_hr_b, "rnn_xh_W": rnn_xh_W, "rnn_xh_b": rnn_xh_b, "rnn_hh_W": rnn_hh_W, "rnn_hh_b": rnn_hh_b}
    h = jnp.zeros((1, N, DH), dtype=jnp.float32)  # hidden_in is None -> zeros
    phi_x_t = jax.nn.relu(x @ p["phi_x_W"] + p["phi_x_b"])
    enc_in = jnp.concatenate([phi_x_t, h[-1]], axis=1)
    enc = gcn_conv(enc_in, edge_index, p["enc_W"], p["enc_b"])
    enc_mean = gcn_conv(enc, edge_index, p["enc_mean_W"], p["enc_mean_b"])
    enc_std = jax.nn.softplus(gcn_conv(enc, edge_index, p["enc_std_W"], p["enc_std_b"]))
    prior = jax.nn.relu(h[-1] @ p["prior_W"] + p["prior_b"])
    prior_mean = prior @ p["prior_mean_W"] + p["prior_mean_b"]
    prior_std = jax.nn.softplus(prior @ p["prior_std_W"] + p["prior_std_b"])
    eps1 = jax.random.normal(jax.random.key(42), enc_std.shape, dtype=jnp.float32)
    z = eps1 * enc_std + enc_mean  # reparameterized sample
    phi_z = jax.nn.relu(z @ p["phi_z_W"] + p["phi_z_b"])
    dec = jax.nn.sigmoid(z @ z.T)  # InnerProductDecoder, dropout=0 / eval
    # GraphGruGCN, n_layer = 1
    inp = jnp.concatenate([phi_x_t, phi_z], axis=1)
    z_g = jax.nn.sigmoid(gcn_conv(inp, edge_index, p["rnn_xz_W"], p["rnn_xz_b"]) + gcn_conv(h[0], edge_index, p["rnn_hz_W"], p["rnn_hz_b"]))
    r_g = jax.nn.sigmoid(gcn_conv(inp, edge_index, p["rnn_xr_W"], p["rnn_xr_b"]) + gcn_conv(h[0], edge_index, p["rnn_hr_W"], p["rnn_hr_b"]))
    h_tilde = jnp.tanh(gcn_conv(inp, edge_index, p["rnn_xh_W"], p["rnn_xh_b"]) + gcn_conv(r_g * h[0], edge_index, p["rnn_hh_W"], p["rnn_hh_b"]))
    h_out = z_g * h[0] + (1.0 - z_g) * h_tilde
    h_new = h_out[None, :, :]
    return (dec, enc_mean, enc_std, prior_mean, prior_std, h_new)

if __name__ == "__main__":
    import jax
    _d = setup_inputs()
    print(jax.jit(kernel)(*tuple(_d.values())))

</pallas_src>

<mosaic_0001>
#map = affine_map<(d0, d1) -> (0, 0)>
#map1 = affine_map<(d0, d1) -> (0, 0, 0)>
module attributes {stable_mosaic.version = 14 : i64} {
  func.func @body(%arg0: i32, %arg1: i32, %arg2: memref<10112x128xf32, #tpu.memory_space<hbm>>, %arg3: memref<2560x128xi32, #tpu.memory_space<hbm>>, %arg4: memref<2560x128xi32, #tpu.memory_space<hbm>>, %arg5: memref<632x128xf32, #tpu.memory_space<hbm>>, %arg6: memref<2x10112x128xf32, #tpu.memory_space<hbm>>, %arg7: memref<48x128xi32, #tpu.memory_space<vmem>>, %arg8: memref<48x128xi32, #tpu.memory_space<vmem>>, %arg9: memref<128x128xf32, #tpu.memory_space<vmem>>, %arg10: memref<128x128xf32, #tpu.memory_space<vmem>>, %arg11: memref<10112x128xf32, #tpu.memory_space<vmem_shared>>, %arg12: memref<!tpu.dma_semaphore, #tpu.memory_space<semaphore_mem>>, %arg13: memref<!tpu.dma_semaphore, #tpu.memory_space<semaphore_mem>>, %arg14: memref<!tpu.dma_semaphore, #tpu.memory_space<semaphore_mem>>, %arg15: memref<!tpu.dma_semaphore, #tpu.memory_space<semaphore_mem>>) attributes {dimension_semantics = [#tpu.dimension_semantics<core_parallel>, #tpu.dimension_semantics<subcore_parallel>], iteration_bounds = array<i64: 2, 16>, scalar_prefetch = 0 : i64, scratch_operands = 9 : i64, tpu.core_type = #tpu.core_type<sc_vector_subcore>, window_params = [{transform_indices = #map}, {transform_indices = #map}, {transform_indices = #map}, {transform_indices = #map}, {transform_indices = #map1}]} {
    %eq3A = arith.constant 0 : i32
    %eq3A_0 = arith.cmpi eq, %arg0, %eq3A : i32
    %mul3A = arith.constant 632 : i32
    %mul3A_1 = arith.muli %arg1, %mul3A : i32
    "tpu.region"() ({
      %run_scoped3A = tpu.sem_alloc : memref<!tpu.dma_semaphore, #tpu.memory_space<semaphore_mem>>
      %dma_start3A = arith.constant 0 : i32
      %dma_start3A_12 = tpu.memref_slice %arg11[%mul3A_1, %dma_start3A] : memref<10112x128xf32, #tpu.memory_space<vmem_shared>> -> memref<632x128xf32, #tpu.memory_space<vmem_shared>>
      tpu.enqueue_dma source(%arg5 : memref<632x128xf32, #tpu.memory_space<hbm>>) target(%dma_start3A_12 : memref<632x128xf32, #tpu.memory_space<vmem_shared>>) target_semaphore(%run_scoped3A : memref<!tpu.dma_semaphore, #tpu.memory_space<semaphore_mem>>)
      %dma_wait3A = arith.constant 0 : i32
      %dma_wait3A_13 = tpu.memref_slice %arg11[%mul3A_1, %dma_wait3A] : memref<10112x128xf32, #tpu.memory_space<vmem_shared>> -> memref<632x128xf32, #tpu.memory_space<vmem_shared>>
      tpu.wait_dma2 semaphore(%run_scoped3A : memref<!tpu.dma_semaphore, #tpu.memory_space<semaphore_mem>>) src(%arg5 : memref<632x128xf32, #tpu.memory_space<hbm>>) dst(%dma_wait3A_13 : memref<632x128xf32, #tpu.memory_space<vmem_shared>>)
      tpu.yield
    }) : () -> ()
    %barrier3A = arith.constant 0 : index
    tpu.barrier barrier_id(%barrier3A)
    %convert_element_type3A = arith.extui %eq3A_0 : i1 to i32
    %cond3A = arith.constant 0 : i32
    %cond3A_2 = arith.cmpi ne, %convert_element_type3A, %cond3A : i32
    scf.if %cond3A_2 {
      %mul3A_12 = arith.constant 152 : i32
      %mul3A_13 = arith.muli %arg1, %mul3A_12 : i32
      %scan3A = arith.constant 0 : i32
      %scan3A_14 = arith.constant 0 : i32
      %scan3A_15 = arith.constant 3 : i32
      %scan3A_16 = arith.addi %scan3A_14, %scan3A_15 : i32
      %scan3A_17 = arith.constant 1 : i32
      scf.for %scan3A_47 = %scan3A_14 to %scan3A_16 step %scan3A_17  : i32 {
        %mul3A_48 = arith.constant 48 : i32
        %mul3A_49 = arith.muli %scan3A_47, %mul3A_48 : i32
        %add3A_50 = arith.addi %mul3A_13, %mul3A_49 : i32
        %multiple_of3A_51 = tpu.assume_multiple %add3A_50, 8 : i32
        "tpu.region"() ({
          %run_scoped3A = tpu.sem_alloc : memref<!tpu.dma_semaphore, #tpu.memory_space<semaphore_mem>>
          %dma_start3A_72 = arith.constant 0 : i32
          %dma_start3A_73 = arith.constant 0 : i32
          %dma_start3A_74 = tpu.memref_slice %arg7[%dma_start3A_72, %dma_start3A_73] : memref<48x128xi32, #tpu.memory_space<vmem>> -> memref<48x128xi32, #tpu.memory_space<vmem>>
          %dma_start3A_75 = arith.constant 0 : i32
          %dma_start3A_76 = tpu.memref_slice %arg3[%multiple_of3A_51, %dma_start3A_75] : memref<2560x128xi32, #tpu.memory_space<hbm>> -> memref<48x128xi32, #tpu.memory_space<hbm>>
          %dma_start3A_77 = arith.constant 0 : i32
          %dma_start3A_78 = arith.constant 0 : i32
          %dma_start3A_79 = tpu.memref_slice %arg7[%dma_start3A_77, %dma_start3A_78] : memref<48x128xi32, #tpu.memory_space<vmem>> -> memref<48x128xi32, #tpu.memory_space<vmem>>
          %dma_start3A_80 = arith.constant 0 : i32
          %dma_start3A_81 = tpu.memref_slice %arg3[%multiple_of3A_51, %dma_start3A_80] : memref<2560x128xi32, #tpu.memory_space<hbm>> -> memref<48x128xi32, #tpu.memory_space<hbm>>
          tpu.enqueue_dma source(%dma_start3A_81 : memref<48x128xi32, #tpu.memory_space<hbm>>) target(%dma_start3A_79 : memref<48x128xi32, #tpu.memory_space<vmem>>) target_semaphore(%run_scoped3A : memref<!tpu.dma_semaphore, #tpu.memory_space<semaphore_mem>>)
          %dma_wait3A = arith.constant 0 : i32
          %dma_wait3A_82 = arith.constant 0 : i32
          %dma_wait3A_83 = tpu.memref_slice %arg7[%dma_wait3A, %dma_wait3A_82] : memref<48x128xi32, #tpu.memory_space<vmem>> -> memref<48x128xi32, #tpu.memory_space<vmem>>
          %dma_wait3A_84 = arith.constant 0 : i32
          %dma_wait3A_85 = tpu.memref_slice %arg3[%multiple_of3A_51, %dma_wait3A_84] : memref<2560x128xi32, #tpu.memory_space<hbm>> -> memref<48x128xi32, #tpu.memory_space<hbm>>
          %dma_wait3A_86 = arith.constant 0 : i32
          %dma_wait3A_87 = arith.constant 0 : i32
          %dma_wait3A_88 = tpu.memref_slice %arg7[%dma_wait3A_86, %dma_wait3A_87] : memref<48x128xi32, #tpu.memory_space<vmem>> -> memref<48x128xi32, #tpu.memory_space<vmem>>
          %dma_wait3A_89 = arith.constant 0 : i32
          %dma_wait3A_90 = tpu.memref_slice %arg3[%multiple_of3A_51, %dma_wait3A_89] : memref<2560x128xi32, #tpu.memory_space<hbm>> -> memref<48x128xi32, #tpu.memory_space<hbm>>
          tpu.wait_dma2 semaphore(%run_scoped3A : memref<!tpu.dma_semaphore, #tpu.memory_space<semaphore_mem>>) src(%dma_wait3A_90 : memref<48x128xi32, #tpu.memory_space<hbm>>) dst(%dma_wait3A_88 : memref<48x128xi32, #tpu.memory_space<vmem>>)
          tpu.yield
        }) : () -> ()
        "tpu.region"() ({
          %run_scoped3A = tpu.sem_alloc : memref<!tpu.dma_semaphore, #tpu.memory_space<semaphore_mem>>
          %dma_start3A_72 = arith.constant 0 : i32
          %dma_start3A_73 = arith.constant 0 : i32
          %dma_start3A_74 = tpu.memref_slice %arg8[%dma_start3A_72, %dma_start3A_73] : memref<48x128xi32, #tpu.memory_space<vmem>> -> memref<48x128xi32, #tpu.memory_space<vmem>>
          %dma_start3A_75 = arith.constant 0 : i32
          %dma_start3A_76 = tpu.memref_slice %arg4[%multiple_of3A_51, %dma_start3A_75] : memref<2560x128xi32, #tpu.memory_space<hbm>> -> memref<48x128xi32, #tpu.memory_space<hbm>>
          %dma_start3A_77 = arith.constant 0 : i32
          %dma_start3A_78 = arith.constant 0 : i32
          %dma_start3A_79 = tpu.memref_slice %arg8[%dma_start3A_77, %dma_start3A_78] : memref<48x128xi32, #tpu.memory_space<vmem>> -> memref<48x128xi32, #tpu.memory_space<vmem>>
          %dma_start3A_80 = arith.constant 0 : i32
          %dma_start3A_81 = tpu.memref_slice %arg4[%multiple_of3A_51, %dma_start3A_80] : memref<2560x128xi32, #tpu.memory_space<hbm>> -> memref<48x128xi32, #tpu.memory_space<hbm>>
          tpu.enqueue_dma source(%dma_start3A_81 : memref<48x128xi32, #tpu.memory_space<hbm>>) target(%dma_start3A_79 : memref<48x128xi32, #tpu.memory_space<vmem>>) target_semaphore(%run_scoped3A : memref<!tpu.dma_semaphore, #tpu.memory_space<semaphore_mem>>)
          %dma_wait3A = arith.constant 0 : i32
          %dma_wait3A_82 = arith.constant 0 : i32
          %dma_wait3A_83 = tpu.memref_slice %arg8[%dma_wait3A, %dma_wait3A_82] : memref<48x128xi32, #tpu.memory_space<vmem>> -> memref<48x128xi32, #tpu.memory_space<vmem>>
          %dma_wait3A_84 = arith.constant 0 : i32
          %dma_wait3A_85 = tpu.memref_slice %arg4[%multiple_of3A_51, %dma_wait3A_84] : memref<2560x128xi32, #tpu.memory_space<hbm>> -> memref<48x128xi32, #tpu.memory_space<hbm>>
          %dma_wait3A_86 = arith.constant 0 : i32
          %dma_wait3A_87 = arith.constant 0 : i32
          %dma_wait3A_88 = tpu.memref_slice %arg8[%dma_wait3A_86, %dma_wait3A_87] : memref<48x128xi32, #tpu.memory_space<vmem>> -> memref<48x128xi32, #tpu.memory_space<vmem>>
          %dma_wait3A_89 = arith.constant 0 : i32
          %dma_wait3A_90 = tpu.memref_slice %arg4[%multiple_of3A_51, %dma_wait3A_89] : memref<2560x128xi32, #tpu.memory_space<hbm>> -> memref<48x128xi32, #tpu.memory_space<hbm>>
          tpu.wait_dma2 semaphore(%run_scoped3A : memref<!tpu.dma_semaphore, #tpu.memory_space<semaphore_mem>>) src(%dma_wait3A_90 : memref<48x128xi32, #tpu.memory_space<hbm>>) dst(%dma_wait3A_88 : memref<48x128xi32, #tpu.memory_space<vmem>>)
          tpu.yield
        }) : () -> ()
        %dma_start3A_52 = arith.constant 0 : i32
        %dma_start3A_53 = arith.constant 0 : i32
        %dma_start3A_54 = tpu.memref_slice %arg7[%dma_start3A_52, %dma_start3A_53] : memref<48x128xi32, #tpu.memory_space<vmem>> -> memref<1x128xi32, #tpu.memory_space<vmem>>
        %dma_start3A_55 = tpu.memref_squeeze %dma_start3A_54 : memref<1x128xi32, #tpu.memory_space<vmem>> -> memref<128xi32, #tpu.memory_space<vmem>>
        %dma_start3A_56 = arith.constant 0 : i32
        %dma_start3A_57 = arith.constant 0 : i32
        %dma_start3A_58 = tpu.memref_slice %arg2[%dma_start3A_56, %dma_start3A_57] : memref<10112x128xf32, #tpu.memory_space<hbm>> -> memref<10112x128xf32, #tpu.memory_space<hbm>>
        tpu.enqueue_indirect_dma source(%dma_start3A_58 : memref<10112x128xf32, #tpu.memory_space<hbm>>) target(%arg9 : memref<128x128xf32, #tpu.memory_space<vmem>>) offsets(%dma_start3A_55 : memref<128xi32, #tpu.memory_space<vmem>>) semaphore(%arg12 : memref<!tpu.dma_semaphore, #tpu.memory_space<semaphore_mem>>)
        %dma_start3A_59 = arith.constant 1 : i32
        %dma_start3A_60 = arith.constant 0 : i32
        %dma_start3A_61 = tpu.memref_slice %arg7[%dma_start3A_59, %dma_start3A_60] : memref<48x128xi32, #tpu.memory_space<vmem>> -> memref<1x128xi32, #tpu.memory_space<vmem>>
        %dma_start3A_62 = tpu.memref_squeeze %dma_start3A_61 : memref<1x128xi32, #tpu.memory_space<vmem>> -> memref<128xi32, #tpu.memory_space<vmem>>
        %dma_start3A_63 = arith.constant 0 : i32
        %dma_start3A_64 = arith.constant 0 : i32
        %dma_start3A_65 = tpu.memref_slice %arg2[%dma_start3A_63, %dma_start3A_64] : memref<10112x128xf32, #tpu.memory_space<hbm>> -> memref<10112x128xf32, #tpu.memory_space<hbm>>
        tpu.enqueue_indirect_dma source(%dma_start3A_65 : memref<10112x128xf32, #tpu.memory_space<hbm>>) target(%arg10 : memref<128x128xf32, #tpu.memory_space<vmem>>) offsets(%dma_start3A_62 : memref<128xi32, #tpu.memory_space<vmem>>) semaphore(%arg13 : memref<!tpu.dma_semaphore, #tpu.memory_space<semaphore_mem>>)
        %scan3A_66 = arith.constant 0 : i32
        %scan3A_67 = arith.constant 0 : i32
        %scan3A_68 = arith.constant 24 : i32
        %scan3A_69 = arith.addi %scan3A_67, %scan3A_68 : i32
        %scan3A_70 = arith.constant 1 : i32
        scf.for %scan3A_72 = %scan3A_67 to %scan3A_69 step %scan3A_70  : i32 {
          %mul3A_73 = arith.constant 2 : i32
          %mul3A_74 = arith.muli %scan3A_72, %mul3A_73 : i32
          %add3A_75 = arith.constant 0 : i32
          %add3A_76 = arith.addi %mul3A_74, %add3A_75 : i32
          %dma_wait3A = arith.constant 0 : i32
          %dma_wait3A_77 = tpu.memref_slice %arg7[%add3A_76, %dma_wait3A] : memref<48x128xi32, #tpu.memory_space<vmem>> -> memref<1x128xi32, #tpu.memory_space<vmem>>
          %dma_wait3A_78 = tpu.memref_squeeze %dma_wait3A_77 : memref<1x128xi32, #tpu.memory_space<vmem>> -> memref<128xi32, #tpu.memory_space<vmem>>
          %dma_wait3A_79 = arith.constant 0 : i32
          %dma_wait3A_80 = arith.constant 0 : i32
          %dma_wait3A_81 = tpu.memref_slice %arg2[%dma_wait3A_79, %dma_wait3A_80] : memref<10112x128xf32, #tpu.memory_space<hbm>> -> memref<10112x128xf32, #tpu.memory_space<hbm>>
          tpu.wait_indirect_dma semaphore(%arg12 : memref<!tpu.dma_semaphore, #tpu.memory_space<semaphore_mem>>) src(%dma_wait3A_81 : memref<10112x128xf32, #tpu.memory_space<hbm>>) dst(%arg9 : memref<128x128xf32, #tpu.memory_space<vmem>>)
          %add3A_82 = arith.constant 0 : i32
          %add3A_83 = arith.addi %mul3A_74, %add3A_82 : i32
          %dma_start3A_84 = arith.constant 0 : i32
          %dma_start3A_85 = tpu.memref_slice %arg8[%add3A_83, %dma_start3A_84] : memref<48x128xi32, #tpu.memory_space<vmem>> -> memref<1x128xi32, #tpu.memory_space<vmem>>
          %dma_start3A_86 = tpu.memref_squeeze %dma_start3A_85 : memref<1x128xi32, #tpu.memory_space<vmem>> -> memref<128xi32, #tpu.memory_space<vmem>>
          %dma_start3A_87 = arith.constant 0 : i32
          %dma_start3A_88 = arith.constant 0 : i32
          %dma_start3A_89 = tpu.memref_slice %arg11[%dma_start3A_87, %dma_start3A_88] : memref<10112x128xf32, #tpu.memory_space<vmem_shared>> -> memref<10112x128xf32, #tpu.memory_space<vmem_shared>>
          tpu.enqueue_indirect_dma source(%arg9 : memref<128x128xf32, #tpu.memory_space<vmem>>) target(%dma_start3A_89 : memref<10112x128xf32, #tpu.memory_space<vmem_shared>>) offsets(%dma_start3A_86 : memref<128xi32, #tpu.memory_space<vmem>>) semaphore(%arg14 : memref<!tpu.dma_semaphore, #tpu.memory_space<semaphore_mem>>) {add = true}
          %add3A_90 = arith.constant 1 : i32
          %add3A_91 = arith.addi %mul3A_74, %add3A_90 : i32
          %dma_wait3A_92 = arith.constant 0 : i32
          %dma_wait3A_93 = tpu.memref_slice %arg7[%add3A_91, %dma_wait3A_92] : memref<48x128xi32, #tpu.memory_space<vmem>> -> memref<1x128xi32, #tpu.memory_space<vmem>>
          %dma_wait3A_94 = tpu.memref_squeeze %dma_wait3A_93 : memref<1x128xi32, #tpu.memory_space<vmem>> -> memref<128xi32, #tpu.memory_space<vmem>>
          %dma_wait3A_95 = arith.constant 0 : i32
          %dma_wait3A_96 = arith.constant 0 : i32
          %dma_wait3A_97 = tpu.memref_slice %arg2[%dma_wait3A_95, %dma_wait3A_96] : memref<10112x128xf32, #tpu.memory_space<hbm>> -> memref<10112x128xf32, #tpu.memory_space<hbm>>
          tpu.wait_indirect_dma semaphore(%arg13 : memref<!tpu.dma_semaphore, #tpu.memory_space<semaphore_mem>>) src(%dma_wait3A_97 : memref<10112x128xf32, #tpu.memory_space<hbm>>) dst(%arg10 : memref<128x128xf32, #tpu.memory_space<vmem>>)
          %add3A_98 = arith.constant 1 : i32
          %add3A_99 = arith.addi %mul3A_74, %add3A_98 : i32
          %dma_start3A_100 = arith.constant 0 : i32
          %dma_start3A_101 = tpu.memref_slice %arg8[%add3A_99, %dma_start3A_100] : memref<48x128xi32, #tpu.memory_space<vmem>> -> memref<1x128xi32, #tpu.memory_space<vmem>>
          %dma_start3A_102 = tpu.memref_squeeze %dma_start3A_101 : memref<1x128xi32, #tpu.memory_space<vmem>> -> memref<128xi32, #tpu.memory_space<vmem>>
          %dma_start3A_103 = arith.constant 0 : i32
          %dma_start3A_104 = arith.constant 0 : i32
          %dma_start3A_105 = tpu.memref_slice %arg11[%dma_start3A_103, %dma_start3A_104] : memref<10112x128xf32, #tpu.memory_space<vmem_shared>> -> memref<10112x128xf32, #tpu.memory_space<vmem_shared>>
          tpu.enqueue_indirect_dma source(%arg10 : memref<128x128xf32, #tpu.memory_space<vmem>>) target(%dma_start3A_105 : memref<10112x128xf32, #tpu.memory_space<vmem_shared>>) offsets(%dma_start3A_102 : memref<128xi32, #tpu.memory_space<vmem>>) semaphore(%arg15 : memref<!tpu.dma_semaphore, #tpu.memory_space<semaphore_mem>>) {add = true}
          %add3A_106 = arith.constant 0 : i32
          %add3A_107 = arith.addi %mul3A_74, %add3A_106 : i32
          %dma_wait3A_108 = arith.constant 0 : i32
          %dma_wait3A_109 = tpu.memref_slice %arg8[%add3A_107, %dma_wait3A_108] : memref<48x128xi32, #tpu.memory_space<vmem>> -> memref<1x128xi32, #tpu.memory_space<vmem>>
          %dma_wait3A_110 = tpu.memref_squeeze %dma_wait3A_109 : memref<1x128xi32, #tpu.memory_space<vmem>> -> memref<128xi32, #tpu.memory_space<vmem>>
          %dma_wait3A_111 = arith.constant 0 : i32
          %dma_wait3A_112 = arith.constant 0 : i32
          %dma_wait3A_113 = tpu.memref_slice %arg11[%dma_wait3A_111, %dma_wait3A_112] : memref<10112x128xf32, #tpu.memory_space<vmem_shared>> -> memref<10112x128xf32, #tpu.memory_space<vmem_shared>>
          tpu.wait_indirect_dma semaphore(%arg14 : memref<!tpu.dma_semaphore, #tpu.memory_space<semaphore_mem>>) src(%arg9 : memref<128x128xf32, #tpu.memory_space<vmem>>) dst(%dma_wait3A_113 : memref<10112x128xf32, #tpu.memory_space<vmem_shared>>)
          %lt3A = arith.constant 23 : i32
          %lt3A_114 = arith.cmpi slt, %scan3A_72, %lt3A : i32
          %convert_element_type3A_115 = arith.extui %lt3A_114 : i1 to i32
          %cond3A_116 = arith.constant 0 : i32
          %cond3A_117 = arith.cmpi ne, %convert_element_type3A_115, %cond3A_116 : i32
          scf.if %cond3A_117 {
            %add3A_131 = arith.constant 2 : i32
            %add3A_132 = arith.addi %mul3A_74, %add3A_131 : i32
            %add3A_133 = arith.constant 0 : i32
            %add3A_134 = arith.addi %add3A_132, %add3A_133 : i32
            %dma_start3A_135 = arith.constant 0 : i32
            %dma_start3A_136 = tpu.memref_slice %arg7[%add3A_134, %dma_start3A_135] : memref<48x128xi32, #tpu.memory_space<vmem>> -> memref<1x128xi32, #tpu.memory_space<vmem>>
            %dma_start3A_137 = tpu.memref_squeeze %dma_start3A_136 : memref<1x128xi32, #tpu.memory_space<vmem>> -> memref<128xi32, #tpu.memory_space<vmem>>
            %dma_start3A_138 = arith.constant 0 : i32
            %dma_start3A_139 = arith.constant 0 : i32
            %dma_start3A_140 = tpu.memref_slice %arg2[%dma_start3A_138, %dma_start3A_139] : memref<10112x128xf32, #tpu.memory_space<hbm>> -> memref<10112x128xf32, #tpu.memory_space<hbm>>
            tpu.enqueue_indirect_dma source(%dma_start3A_140 : memref<10112x128xf32, #tpu.memory_space<hbm>>) target(%arg9 : memref<128x128xf32, #tpu.memory_space<vmem>>) offsets(%dma_start3A_137 : memref<128xi32, #tpu.memory_space<vmem>>) semaphore(%arg12 : memref<!tpu.dma_semaphore, #tpu.memory_space<semaphore_mem>>)
          } else {
          }
          %add3A_118 = arith.constant 1 : i32
          %add3A_119 = arith.addi %mul3A_74, %add3A_118 : i32
          %dma_wait3A_120 = arith.constant 0 : i32
          %dma_wait3A_121 = tpu.memref_slice %arg8[%add3A_119, %dma_wait3A_120] : memref<48x128xi32, #tpu.memory_space<vmem>> -> memref<1x128xi32, #tpu.memory_space<vmem>>
          %dma_wait3A_122 = tpu.memref_squeeze %dma_wait3A_121 : memref<1x128xi32, #tpu.memory_space<vmem>> -> memref<128xi32, #tpu.memory_space<vmem>>
          %dma_wait3A_123 = arith.constant 0 : i32
          %dma_wait3A_124 = arith.constant 0 : i32
          %dma_wait3A_125 = tpu.memref_slice %arg11[%dma_wait3A_123, %dma_wait3A_124] : memref<10112x128xf32, #tpu.memory_space<vmem_shared>> -> memref<10112x128xf32, #tpu.memory_space<vmem_shared>>
          tpu.wait_indirect_dma semaphore(%arg15 : memref<!tpu.dma_semaphore, #tpu.memory_space<semaphore_mem>>) src(%arg10 : memref<128x128xf32, #tpu.memory_space<vmem>>) dst(%dma_wait3A_125 : memref<10112x128xf32, #tpu.memory_space<vmem_shared>>)
          %lt3A_126 = arith.constant 23 : i32
          %lt3A_127 = arith.cmpi slt, %scan3A_72, %lt3A_126 : i32
          %convert_element_type3A_128 = arith.extui %lt3A_127 : i1 to i32
          %cond3A_129 = arith.constant 0 : i32
          %cond3A_130 = arith.cmpi ne, %convert_element_type3A_128, %cond3A_129 : i32
          scf.if %cond3A_130 {
            %add3A_131 = arith.constant 2 : i32
            %add3A_132 = arith.addi %mul3A_74, %add3A_131 : i32
            %add3A_133 = arith.constant 1 : i32
            %add3A_134 = arith.addi %add3A_132, %add3A_133 : i32
            %dma_start3A_135 = arith.constant 0 : i32
            %dma_start3A_136 = tpu.memref_slice %arg7[%add3A_134, %dma_start3A_135] : memref<48x128xi32, #tpu.memory_space<vmem>> -> memref<1x128xi32, #tpu.memory_space<vmem>>
            %dma_start3A_137 = tpu.memref_squeeze %dma_start3A_136 : memref<1x128xi32, #tpu.memory_space<vmem>> -> memref<128xi32, #tpu.memory_space<vmem>>
            %dma_start3A_138 = arith.constant 0 : i32
            %dma_start3A_139 = arith.constant 0 : i32
            %dma_start3A_140 = tpu.memref_slice %arg2[%dma_start3A_138, %dma_start3A_139] : memref<10112x128xf32, #tpu.memory_space<hbm>> -> memref<10112x128xf32, #tpu.memory_space<hbm>>
            tpu.enqueue_indirect_dma source(%dma_start3A_140 : memref<10112x128xf32, #tpu.memory_space<hbm>>) target(%arg10 : memref<128x128xf32, #tpu.memory_space<vmem>>) offsets(%dma_start3A_137 : memref<128xi32, #tpu.memory_space<vmem>>) semaphore(%arg13 : memref<!tpu.dma_semaphore, #tpu.memory_space<semaphore_mem>>)
          } else {
          }
        }
        %scan3A_71 = arith.constant 24 : i32
      }
      %scan3A_18 = arith.constant 3 : i32
      %mul3A_19 = arith.constant 152 : i32
      %mul3A_20 = arith.muli %arg1, %mul3A_19 : i32
      %add3A = arith.constant 144 : i32
      %add3A_21 = arith.addi %mul3A_20, %add3A : i32
      %scan3A_22 = arith.constant 0 : i32
      %scan3A_23 = arith.constant 0 : i32
      %mul3A_24 = arith.constant 8 : i32
      %mul3A_25 = arith.muli %scan3A_23, %mul3A_24 : i32
      %add3A_26 = arith.addi %add3A_21, %mul3A_25 : i32
      %multiple_of3A = tpu.assume_multiple %add3A_26, 8 : i32
      "tpu.region"() ({
        %run_scoped3A = tpu.sem_alloc : memref<!tpu.dma_semaphore, #tpu.memory_space<semaphore_mem>>
        %dma_start3A_47 = arith.constant 0 : i32
        %dma_start3A_48 = arith.constant 0 : i32
        %dma_start3A_49 = tpu.memref_slice %arg7[%dma_start3A_47, %dma_start3A_48] : memref<48x128xi32, #tpu.memory_space<vmem>> -> memref<8x128xi32, #tpu.memory_space<vmem>>
        %dma_start3A_50 = arith.constant 0 : i32
        %dma_start3A_51 = tpu.memref_slice %arg3[%multiple_of3A, %dma_start3A_50] : memref<2560x128xi32, #tpu.memory_space<hbm>> -> memref<8x128xi32, #tpu.memory_space<hbm>>
        %dma_start3A_52 = arith.constant 0 : i32
        %dma_start3A_53 = arith.constant 0 : i32
        %dma_start3A_54 = tpu.memref_slice %arg7[%dma_start3A_52, %dma_start3A_53] : memref<48x128xi32, #tpu.memory_space<vmem>> -> memref<8x128xi32, #tpu.memory_space<vmem>>
        %dma_start3A_55 = arith.constant 0 : i32
        %dma_start3A_56 = tpu.memref_slice %arg3[%multiple_of3A, %dma_start3A_55] : memref<2560x128xi32, #tpu.memory_space<hbm>> -> memref<8x128xi32, #tpu.memory_space<hbm>>
        tpu.enqueue_dma source(%dma_start3A_56 : memref<8x128xi32, #tpu.memory_space<hbm>>) target(%dma_start3A_54 : memref<8x128xi32, #tpu.memory_space<vmem>>) target_semaphore(%run_scoped3A : memref<!tpu.dma_semaphore, #tpu.memory_space<semaphore_mem>>)
        %dma_wait3A = arith.constant 0 : i32
        %dma_wait3A_57 = arith.constant 0 : i32
        %dma_wait3A_58 = tpu.memref_slice %arg7[%dma_wait3A, %dma_wait3A_57] : memref<48x128xi32, #tpu.memory_space<vmem>> -> memref<8x128xi32, #tpu.memory_space<vmem>>
        %dma_wait3A_59 = arith.constant 0 : i32
        %dma_wait3A_60 = tpu.memref_slice %arg3[%multiple_of3A, %dma_wait3A_59] : memref<2560x128xi32, #tpu.memory_space<hbm>> -> memref<8x128xi32, #tpu.memory_space<hbm>>
        %dma_wait3A_61 = arith.constant 0 : i32
        %dma_wait3A_62 = arith.constant 0 : i32
        %dma_wait3A_63 = tpu.memref_slice %arg7[%dma_wait3A_61, %dma_wait3A_62] : memref<48x128xi32, #tpu.memory_space<vmem>> -> memref<8x128xi32, #tpu.memory_space<vmem>>
        %dma_wait3A_64 = arith.constant 0 : i32
        %dma_wait3A_65 = tpu.memref_slice %arg3[%multiple_of3A, %dma_wait3A_64] : memref<2560x128xi32, #tpu.memory_space<hbm>> -> memref<8x128xi32, #tpu.memory_space<hbm>>
        tpu.wait_dma2 semaphore(%run_scoped3A : memref<!tpu.dma_semaphore, #tpu.memory_space<semaphore_mem>>) src(%dma_wait3A_65 : memref<8x128xi32, #tpu.memory_space<hbm>>) dst(%dma_wait3A_63 : memref<8x128xi32, #tpu.memory_space<vmem>>)
        tpu.yield
      }) : () -> ()
      "tpu.region"() ({
        %run_scoped3A = tpu.sem_alloc : memref<!tpu.dma_semaphore, #tpu.memory_space<semaphore_mem>>
        %dma_start3A_47 = arith.constant 0 : i32
        %dma_start3A_48 = arith.constant 0 : i32
        %dma_start3A_49 = tpu.memref_slice %arg8[%dma_start3A_47, %dma_start3A_48] : memref<48x128xi32, #tpu.memory_space<vmem>> -> memref<8x128xi32, #tpu.memory_space<vmem>>
        %dma_start3A_50 = arith.constant 0 : i32
        %dma_start3A_51 = tpu.memref_slice %arg4[%multiple_of3A, %dma_start3A_50] : memref<2560x128xi32, #tpu.memory_space<hbm>> -> memref<8x128xi32, #tpu.memory_space<hbm>>
        %dma_start3A_52 = arith.constant 0 : i32
        %dma_start3A_53 = arith.constant 0 : i32
        %dma_start3A_54 = tpu.memref_slice %arg8[%dma_start3A_52, %dma_start3A_53] : memref<48x128xi32, #tpu.memory_space<vmem>> -> memref<8x128xi32, #tpu.memory_space<vmem>>
        %dma_start3A_55 = arith.constant 0 : i32
        %dma_start3A_56 = tpu.memref_slice %arg4[%multiple_of3A, %dma_start3A_55] : memref<2560x128xi32, #tpu.memory_space<hbm>> -> memref<8x128xi32, #tpu.memory_space<hbm>>
        tpu.enqueue_dma source(%dma_start3A_56 : memref<8x128xi32, #tpu.memory_space<hbm>>) target(%dma_start3A_54 : memref<8x128xi32, #tpu.memory_space<vmem>>) target_semaphore(%run_scoped3A : memref<!tpu.dma_semaphore, #tpu.memory_space<semaphore_mem>>)
        %dma_wait3A = arith.constant 0 : i32
        %dma_wait3A_57 = arith.constant 0 : i32
        %dma_wait3A_58 = tpu.memref_slice %arg8[%dma_wait3A, %dma_wait3A_57] : memref<48x128xi32, #tpu.memory_space<vmem>> -> memref<8x128xi32, #tpu.memory_space<vmem>>
        %dma_wait3A_59 = arith.constant 0 : i32
        %dma_wait3A_60 = tpu.memref_slice %arg4[%multiple_of3A, %dma_wait3A_59] : memref<2560x128xi32, #tpu.memory_space<hbm>> -> memref<8x128xi32, #tpu.memory_space<hbm>>
        %dma_wait3A_61 = arith.constant 0 : i32
        %dma_wait3A_62 = arith.constant 0 : i32
        %dma_wait3A_63 = tpu.memref_slice %arg8[%dma_wait3A_61, %dma_wait3A_62] : memref<48x128xi32, #tpu.memory_space<vmem>> -> memref<8x128xi32, #tpu.memory_space<vmem>>
        %dma_wait3A_64 = arith.constant 0 : i32
        %dma_wait3A_65 = tpu.memref_slice %arg4[%multiple_of3A, %dma_wait3A_64] : memref<2560x128xi32, #tpu.memory_space<hbm>> -> memref<8x128xi32, #tpu.memory_space<hbm>>
        tpu.wait_dma2 semaphore(%run_scoped3A : memref<!tpu.dma_semaphore, #tpu.memory_space<semaphore_mem>>) src(%dma_wait3A_65 : memref<8x128xi32, #tpu.memory_space<hbm>>) dst(%dma_wait3A_63 : memref<8x128xi32, #tpu.memory_space<vmem>>)
        tpu.yield
      }) : () -> ()
      %dma_start3A = arith.constant 0 : i32
      %dma_start3A_27 = arith.constant 0 : i32
      %dma_start3A_28 = tpu.memref_slice %arg7[%dma_start3A, %dma_start3A_27] : memref<48x128xi32, #tpu.memory_space<vmem>> -> memref<1x128xi32, #tpu.memory_space<vmem>>
      %dma_start3A_29 = tpu.memref_squeeze %dma_start3A_28 : memref<1x128xi32, #tpu.memory_space<vmem>> -> memref<128xi32, #tpu.memory_space<vmem>>
      %dma_start3A_30 = arith.constant 0 : i32
      %dma_start3A_31 = arith.constant 0 : i32
      %dma_start3A_32 = tpu.memref_slice %arg2[%dma_start3A_30, %dma_start3A_31] : memref<10112x128xf32, #tpu.memory_space<hbm>> -> memref<10112x128xf32, #tpu.memory_space<hbm>>
      tpu.enqueue_indirect_dma source(%dma_start3A_32 : memref<10112x128xf32, #tpu.memory_space<hbm>>) target(%arg9 : memref<128x128xf32, #tpu.memory_space<vmem>>) offsets(%dma_start3A_29 : memref<128xi32, #tpu.memory_space<vmem>>) semaphore(%arg12 : memref<!tpu.dma_semaphore, #tpu.memory_space<semaphore_mem>>)
      %dma_start3A_33 = arith.constant 1 : i32
      %dma_start3A_34 = arith.constant 0 : i32
      %dma_start3A_35 = tpu.memref_slice %arg7[%dma_start3A_33, %dma_start3A_34] : memref<48x128xi32, #tpu.memory_space<vmem>> -> memref<1x128xi32, #tpu.memory_space<vmem>>
      %dma_start3A_36 = tpu.memref_squeeze %dma_start3A_35 : memref<1x128xi32, #tpu.memory_space<vmem>> -> memref<128xi32, #tpu.memory_space<vmem>>
      %dma_start3A_37 = arith.constant 0 : i32
      %dma_start3A_38 = arith.constant 0 : i32
      %dma_start3A_39 = tpu.memref_slice %arg2[%dma_start3A_37, %dma_start3A_38] : memref<10112x128xf32, #tpu.memory_space<hbm>> -> memref<10112x128xf32, #tpu.memory_space<hbm>>
      tpu.enqueue_indirect_dma source(%dma_start3A_39 : memref<10112x128xf32, #tpu.memory_space<hbm>>) target(%arg10 : memref<128x128xf32, #tpu.memory_space<vmem>>) offsets(%dma_start3A_36 : memref<128xi32, #tpu.memory_space<vmem>>) semaphore(%arg13 : memref<!tpu.dma_semaphore, #tpu.memory_space<semaphore_mem>>)
      %scan3A_40 = arith.constant 0 : i32
      %scan3A_41 = arith.constant 0 : i32
      %scan3A_42 = arith.constant 4 : i32
      %scan3A_43 = arith.addi %scan3A_41, %scan3A_42 : i32
      %scan3A_44 = arith.constant 1 : i32
      scf.for %scan3A_47 = %scan3A_41 to %scan3A_43 step %scan3A_44  : i32 {
        %mul3A_48 = arith.constant 2 : i32
        %mul3A_49 = arith.muli %scan3A_47, %mul3A_48 : i32
        %add3A_50 = arith.constant 0 : i32
        %add3A_51 = arith.addi %mul3A_49, %add3A_50 : i32
        %dma_wait3A = arith.constant 0 : i32
        %dma_wait3A_52 = tpu.memref_slice %arg7[%add3A_51, %dma_wait3A] : memref<48x128xi32, #tpu.memory_space<vmem>> -> memref<1x128xi32, #tpu.memory_space<vmem>>
        %dma_wait3A_53 = tpu.memref_squeeze %dma_wait3A_52 : memref<1x128xi32, #tpu.memory_space<vmem>> -> memref<128xi32, #tpu.memory_space<vmem>>
        %dma_wait3A_54 = arith.constant 0 : i32
        %dma_wait3A_55 = arith.constant 0 : i32
        %dma_wait3A_56 = tpu.memref_slice %arg2[%dma_wait3A_54, %dma_wait3A_55] : memref<10112x128xf32, #tpu.memory_space<hbm>> -> memref<10112x128xf32, #tpu.memory_space<hbm>>
        tpu.wait_indirect_dma semaphore(%arg12 : memref<!tpu.dma_semaphore, #tpu.memory_space<semaphore_mem>>) src(%dma_wait3A_56 : memref<10112x128xf32, #tpu.memory_space<hbm>>) dst(%arg9 : memref<128x128xf32, #tpu.memory_space<vmem>>)
        %add3A_57 = arith.constant 0 : i32
        %add3A_58 = arith.addi %mul3A_49, %add3A_57 : i32
        %dma_start3A_59 = arith.constant 0 : i32
        %dma_start3A_60 = tpu.memref_slice %arg8[%add3A_58, %dma_start3A_59] : memref<48x128xi32, #tpu.memory_space<vmem>> -> memref<1x128xi32, #tpu.memory_space<vmem>>
        %dma_start3A_61 = tpu.memref_squeeze %dma_start3A_60 : memref<1x128xi32, #tpu.memory_space<vmem>> -> memref<128xi32, #tpu.memory_space<vmem>>
        %dma_start3A_62 = arith.constant 0 : i32
        %dma_start3A_63 = arith.constant 0 : i32
        %dma_start3A_64 = tpu.memref_slice %arg11[%dma_start3A_62, %dma_start3A_63] : memref<10112x128xf32, #tpu.memory_space<vmem_shared>> -> memref<10112x128xf32, #tpu.memory_space<vmem_shared>>
        tpu.enqueue_indirect_dma source(%arg9 : memref<128x128xf32, #tpu.memory_space<vmem>>) target(%dma_start3A_64 : memref<10112x128xf32, #tpu.memory_space<vmem_shared>>) offsets(%dma_start3A_61 : memref<128xi32, #tpu.memory_space<vmem>>) semaphore(%arg14 : memref<!tpu.dma_semaphore, #tpu.memory_space<semaphore_mem>>) {add = true}
        %add3A_65 = arith.constant 1 : i32
        %add3A_66 = arith.addi %mul3A_49, %add3A_65 : i32
        %dma_wait3A_67 = arith.constant 0 : i32
        %dma_wait3A_68 = tpu.memref_slice %arg7[%add3A_66, %dma_wait3A_67] : memref<48x128xi32, #tpu.memory_space<vmem>> -> memref<1x128xi32, #tpu.memory_space<vmem>>
        %dma_wait3A_69 = tpu.memref_squeeze %dma_wait3A_68 : memref<1x128xi32, #tpu.memory_space<vmem>> -> memref<128xi32, #tpu.memory_space<vmem>>
        %dma_wait3A_70 = arith.constant 0 : i32
        %dma_wait3A_71 = arith.constant 0 : i32
        %dma_wait3A_72 = tpu.memref_slice %arg2[%dma_wait3A_70, %dma_wait3A_71] : memref<10112x128xf32, #tpu.memory_space<hbm>> -> memref<10112x128xf32, #tpu.memory_space<hbm>>
        tpu.wait_indirect_dma semaphore(%arg13 : memref<!tpu.dma_semaphore, #tpu.memory_space<semaphore_mem>>) src(%dma_wait3A_72 : memref<10112x128xf32, #tpu.memory_space<hbm>>) dst(%arg10 : memref<128x128xf32, #tpu.memory_space<vmem>>)
        %add3A_73 = arith.constant 1 : i32
        %add3A_74 = arith.addi %mul3A_49, %add3A_73 : i32
        %dma_start3A_75 = arith.constant 0 : i32
        %dma_start3A_76 = tpu.memref_slice %arg8[%add3A_74, %dma_start3A_75] : memref<48x128xi32, #tpu.memory_space<vmem>> -> memref<1x128xi32, #tpu.memory_space<vmem>>
        %dma_start3A_77 = tpu.memref_squeeze %dma_start3A_76 : memref<1x128xi32, #tpu.memory_space<vmem>> -> memref<128xi32, #tpu.memory_space<vmem>>
        %dma_start3A_78 = arith.constant 0 : i32
        %dma_start3A_79 = arith.constant 0 : i32
        %dma_start3A_80 = tpu.memref_slice %arg11[%dma_start3A_78, %dma_start3A_79] : memref<10112x128xf32, #tpu.memory_space<vmem_shared>> -> memref<10112x128xf32, #tpu.memory_space<vmem_shared>>
        tpu.enqueue_indirect_dma source(%arg10 : memref<128x128xf32, #tpu.memory_space<vmem>>) target(%dma_start3A_80 : memref<10112x128xf32, #tpu.memory_space<vmem_shared>>) offsets(%dma_start3A_77 : memref<128xi32, #tpu.memory_space<vmem>>) semaphore(%arg15 : memref<!tpu.dma_semaphore, #tpu.memory_space<semaphore_mem>>) {add = true}
        %add3A_81 = arith.constant 0 : i32
        %add3A_82 = arith.addi %mul3A_49, %add3A_81 : i32
        %dma_wait3A_83 = arith.constant 0 : i32
        %dma_wait3A_84 = tpu.memref_slice %arg8[%add3A_82, %dma_wait3A_83] : memref<48x128xi32, #tpu.memory_space<vmem>> -> memref<1x128xi32, #tpu.memory_space<vmem>>
        %dma_wait3A_85 = tpu.memref_squeeze %dma_wait3A_84 : memref<1x128xi32, #tpu.memory_space<vmem>> -> memref<128xi32, #tpu.memory_space<vmem>>
        %dma_wait3A_86 = arith.constant 0 : i32
        %dma_wait3A_87 = arith.constant 0 : i32
        %dma_wait3A_88 = tpu.memref_slice %arg11[%dma_wait3A_86, %dma_wait3A_87] : memref<10112x128xf32, #tpu.memory_space<vmem_shared>> -> memref<10112x128xf32, #tpu.memory_space<vmem_shared>>
        tpu.wait_indirect_dma semaphore(%arg14 : memref<!tpu.dma_semaphore, #tpu.memory_space<semaphore_mem>>) src(%arg9 : memref<128x128xf32, #tpu.memory_space<vmem>>) dst(%dma_wait3A_88 : memref<10112x128xf32, #tpu.memory_space<vmem_shared>>)
        %lt3A = arith.constant 3 : i32
        %lt3A_89 = arith.cmpi slt, %scan3A_47, %lt3A : i32
        %convert_element_type3A_90 = arith.extui %lt3A_89 : i1 to i32
        %cond3A_91 = arith.constant 0 : i32
        %cond3A_92 = arith.cmpi ne, %convert_element_type3A_90, %cond3A_91 : i32
        scf.if %cond3A_92 {
          %add3A_106 = arith.constant 2 : i32
          %add3A_107 = arith.addi %mul3A_49, %add3A_106 : i32
          %add3A_108 = arith.constant 0 : i32
          %add3A_109 = arith.addi %add3A_107, %add3A_108 : i32
          %dma_start3A_110 = arith.constant 0 : i32
          %dma_start3A_111 = tpu.memref_slice %arg7[%add3A_109, %dma_start3A_110] : memref<48x128xi32, #tpu.memory_space<vmem>> -> memref<1x128xi32, #tpu.memory_space<vmem>>
          %dma_start3A_112 = tpu.memref_squeeze %dma_start3A_111 : memref<1x128xi32, #tpu.memory_space<vmem>> -> memref<128xi32, #tpu.memory_space<vmem>>
          %dma_start3A_113 = arith.constant 0 : i32
          %dma_start3A_114 = arith.constant 0 : i32
          %dma_start3A_115 = tpu.memref_slice %arg2[%dma_start3A_113, %dma_start3A_114] : memref<10112x128xf32, #tpu.memory_space<hbm>> -> memref<10112x128xf32, #tpu.memory_space<hbm>>
          tpu.enqueue_indirect_dma source(%dma_start3A_115 : memref<10112x128xf32, #tpu.memory_space<hbm>>) target(%arg9 : memref<128x128xf32, #tpu.memory_space<vmem>>) offsets(%dma_start3A_112 : memref<128xi32, #tpu.memory_space<vmem>>) semaphore(%arg12 : memref<!tpu.dma_semaphore, #tpu.memory_space<semaphore_mem>>)
        } else {
        }
        %add3A_93 = arith.constant 1 : i32
        %add3A_94 = arith.addi %mul3A_49, %add3A_93 : i32
        %dma_wait3A_95 = arith.constant 0 : i32
        %dma_wait3A_96 = tpu.memref_slice %arg8[%add3A_94, %dma_wait3A_95] : memref<48x128xi32, #tpu.memory_space<vmem>> -> memref<1x128xi32, #tpu.memory_space<vmem>>
        %dma_wait3A_97 = tpu.memref_squeeze %dma_wait3A_96 : memref<1x128xi32, #tpu.memory_space<vmem>> -> memref<128xi32, #tpu.memory_space<vmem>>
        %dma_wait3A_98 = arith.constant 0 : i32
        %dma_wait3A_99 = arith.constant 0 : i32
        %dma_wait3A_100 = tpu.memref_slice %arg11[%dma_wait3A_98, %dma_wait3A_99] : memref<10112x128xf32, #tpu.memory_space<vmem_shared>> -> memref<10112x128xf32, #tpu.memory_space<vmem_shared>>
        tpu.wait_indirect_dma semaphore(%arg15 : memref<!tpu.dma_semaphore, #tpu.memory_space<semaphore_mem>>) src(%arg10 : memref<128x128xf32, #tpu.memory_space<vmem>>) dst(%dma_wait3A_100 : memref<10112x128xf32, #tpu.memory_space<vmem_shared>>)
        %lt3A_101 = arith.constant 3 : i32
        %lt3A_102 = arith.cmpi slt, %scan3A_47, %lt3A_101 : i32
        %convert_element_type3A_103 = arith.extui %lt3A_102 : i1 to i32
        %cond3A_104 = arith.constant 0 : i32
        %cond3A_105 = arith.cmpi ne, %convert_element_type3A_103, %cond3A_104 : i32
        scf.if %cond3A_105 {
          %add3A_106 = arith.constant 2 : i32
          %add3A_107 = arith.addi %mul3A_49, %add3A_106 : i32
          %add3A_108 = arith.constant 1 : i32
          %add3A_109 = arith.addi %add3A_107, %add3A_108 : i32
          %dma_start3A_110 = arith.constant 0 : i32
          %dma_start3A_111 = tpu.memref_slice %arg7[%add3A_109, %dma_start3A_110] : memref<48x128xi32, #tpu.memory_space<vmem>> -> memref<1x128xi32, #tpu.memory_space<vmem>>
          %dma_start3A_112 = tpu.memref_squeeze %dma_start3A_111 : memref<1x128xi32, #tpu.memory_space<vmem>> -> memref<128xi32, #tpu.memory_space<vmem>>
          %dma_start3A_113 = arith.constant 0 : i32
          %dma_start3A_114 = arith.constant 0 : i32
          %dma_start3A_115 = tpu.memref_slice %arg2[%dma_start3A_113, %dma_start3A_114] : memref<10112x128xf32, #tpu.memory_space<hbm>> -> memref<10112x128xf32, #tpu.memory_space<hbm>>
          tpu.enqueue_indirect_dma source(%dma_start3A_115 : memref<10112x128xf32, #tpu.memory_space<hbm>>) target(%arg10 : memref<128x128xf32, #tpu.memory_space<vmem>>) offsets(%dma_start3A_112 : memref<128xi32, #tpu.memory_space<vmem>>) semaphore(%arg13 : memref<!tpu.dma_semaphore, #tpu.memory_space<semaphore_mem>>)
        } else {
        }
      }
      %scan3A_45 = arith.constant 4 : i32
      %scan3A_46 = arith.constant 1 : i32
    } else {
    }
    %not3A = arith.constant true
    %not3A_3 = arith.xori %eq3A_0, %not3A : i1
    %convert_element_type3A_4 = arith.extui %not3A_3 : i1 to i32
    %cond3A_5 = arith.constant 0 : i32
    %cond3A_6 = arith.cmpi ne, %convert_element_type3A_4, %cond3A_5 : i32
    scf.if %cond3A_6 {
      %mul3A_12 = arith.constant 8 : i32
      %mul3A_13 = arith.muli %arg1, %mul3A_12 : i32
      %add3A = arith.constant 2432 : i32
      %add3A_14 = arith.addi %add3A, %mul3A_13 : i32
      %scan3A = arith.constant 0 : i32
      %scan3A_15 = arith.constant 0 : i32
      %mul3A_16 = arith.constant 8 : i32
      %mul3A_17 = arith.muli %scan3A_15, %mul3A_16 : i32
      %add3A_18 = arith.addi %add3A_14, %mul3A_17 : i32
      %multiple_of3A = tpu.assume_multiple %add3A_18, 8 : i32
      "tpu.region"() ({
        %run_scoped3A = tpu.sem_alloc : memref<!tpu.dma_semaphore, #tpu.memory_space<semaphore_mem>>
        %dma_start3A_39 = arith.constant 0 : i32
        %dma_start3A_40 = arith.constant 0 : i32
        %dma_start3A_41 = tpu.memref_slice %arg7[%dma_start3A_39, %dma_start3A_40] : memref<48x128xi32, #tpu.memory_space<vmem>> -> memref<8x128xi32, #tpu.memory_space<vmem>>
        %dma_start3A_42 = arith.constant 0 : i32
        %dma_start3A_43 = tpu.memref_slice %arg3[%multiple_of3A, %dma_start3A_42] : memref<2560x128xi32, #tpu.memory_space<hbm>> -> memref<8x128xi32, #tpu.memory_space<hbm>>
        %dma_start3A_44 = arith.constant 0 : i32
        %dma_start3A_45 = arith.constant 0 : i32
        %dma_start3A_46 = tpu.memref_slice %arg7[%dma_start3A_44, %dma_start3A_45] : memref<48x128xi32, #tpu.memory_space<vmem>> -> memref<8x128xi32, #tpu.memory_space<vmem>>
        %dma_start3A_47 = arith.constant 0 : i32
        %dma_start3A_48 = tpu.memref_slice %arg3[%multiple_of3A, %dma_start3A_47] : memref<2560x128xi32, #tpu.memory_space<hbm>> -> memref<8x128xi32, #tpu.memory_space<hbm>>
        tpu.enqueue_dma source(%dma_start3A_48 : memref<8x128xi32, #tpu.memory_space<hbm>>) target(%dma_start3A_46 : memref<8x128xi32, #tpu.memory_space<vmem>>) target_semaphore(%run_scoped3A : memref<!tpu.dma_semaphore, #tpu.memory_space<semaphore_mem>>)
        %dma_wait3A = arith.constant 0 : i32
        %dma_wait3A_49 = arith.constant 0 : i32
        %dma_wait3A_50 = tpu.memref_slice %arg7[%dma_wait3A, %dma_wait3A_49] : memref<48x128xi32, #tpu.memory_space<vmem>> -> memref<8x128xi32, #tpu.memory_space<vmem>>
        %dma_wait3A_51 = arith.constant 0 : i32
        %dma_wait3A_52 = tpu.memref_slice %arg3[%multiple_of3A, %dma_wait3A_51] : memref<2560x128xi32, #tpu.memory_space<hbm>> -> memref<8x128xi32, #tpu.memory_space<hbm>>
        %dma_wait3A_53 = arith.constant 0 : i32
        %dma_wait3A_54 = arith.constant 0 : i32
        %dma_wait3A_55 = tpu.memref_slice %arg7[%dma_wait3A_53, %dma_wait3A_54] : memref<48x128xi32, #tpu.memory_space<vmem>> -> memref<8x128xi32, #tpu.memory_space<vmem>>
        %dma_wait3A_56 = arith.constant 0 : i32
        %dma_wait3A_57 = tpu.memref_slice %arg3[%multiple_of3A, %dma_wait3A_56] : memref<2560x128xi32, #tpu.memory_space<hbm>> -> memref<8x128xi32, #tpu.memory_space<hbm>>
        tpu.wait_dma2 semaphore(%run_scoped3A : memref<!tpu.dma_semaphore, #tpu.memory_space<semaphore_mem>>) src(%dma_wait3A_57 : memref<8x128xi32, #tpu.memory_space<hbm>>) dst(%dma_wait3A_55 : memref<8x128xi32, #tpu.memory_space<vmem>>)
        tpu.yield
      }) : () -> ()
      "tpu.region"() ({
        %run_scoped3A = tpu.sem_alloc : memref<!tpu.dma_semaphore, #tpu.memory_space<semaphore_mem>>
        %dma_start3A_39 = arith.constant 0 : i32
        %dma_start3A_40 = arith.constant 0 : i32
        %dma_start3A_41 = tpu.memref_slice %arg8[%dma_start3A_39, %dma_start3A_40] : memref<48x128xi32, #tpu.memory_space<vmem>> -> memref<8x128xi32, #tpu.memory_space<vmem>>
        %dma_start3A_42 = arith.constant 0 : i32
        %dma_start3A_43 = tpu.memref_slice %arg4[%multiple_of3A, %dma_start3A_42] : memref<2560x128xi32, #tpu.memory_space<hbm>> -> memref<8x128xi32, #tpu.memory_space<hbm>>
        %dma_start3A_44 = arith.constant 0 : i32
        %dma_start3A_45 = arith.constant 0 : i32
        %dma_start3A_46 = tpu.memref_slice %arg8[%dma_start3A_44, %dma_start3A_45] : memref<48x128xi32, #tpu.memory_space<vmem>> -> memref<8x128xi32, #tpu.memory_space<vmem>>
        %dma_start3A_47 = arith.constant 0 : i32
        %dma_start3A_48 = tpu.memref_slice %arg4[%multiple_of3A, %dma_start3A_47] : memref<2560x128xi32, #tpu.memory_space<hbm>> -> memref<8x128xi32, #tpu.memory_space<hbm>>
        tpu.enqueue_dma source(%dma_start3A_48 : memref<8x128xi32, #tpu.memory_space<hbm>>) target(%dma_start3A_46 : memref<8x128xi32, #tpu.memory_space<vmem>>) target_semaphore(%run_scoped3A : memref<!tpu.dma_semaphore, #tpu.memory_space<semaphore_mem>>)
        %dma_wait3A = arith.constant 0 : i32
        %dma_wait3A_49 = arith.constant 0 : i32
        %dma_wait3A_50 = tpu.memref_slice %arg8[%dma_wait3A, %dma_wait3A_49] : memref<48x128xi32, #tpu.memory_space<vmem>> -> memref<8x128xi32, #tpu.memory_space<vmem>>
        %dma_wait3A_51 = arith.constant 0 : i32
        %dma_wait3A_52 = tpu.memref_slice %arg4[%multiple_of3A, %dma_wait3A_51] : memref<2560x128xi32, #tpu.memory_space<hbm>> -> memref<8x128xi32, #tpu.memory_space<hbm>>
        %dma_wait3A_53 = arith.constant 0 : i32
        %dma_wait3A_54 = arith.constant 0 : i32
        %dma_wait3A_55 = tpu.memref_slice %arg8[%dma_wait3A_53, %dma_wait3A_54] : memref<48x128xi32, #tpu.memory_space<vmem>> -> memref<8x128xi32, #tpu.memory_space<vmem>>
        %dma_wait3A_56 = arith.constant 0 : i32
        %dma_wait3A_57 = tpu.memref_slice %arg4[%multiple_of3A, %dma_wait3A_56] : memref<2560x128xi32, #tpu.memory_space<hbm>> -> memref<8x128xi32, #tpu.memory_space<hbm>>
        tpu.wait_dma2 semaphore(%run_scoped3A : memref<!tpu.dma_semaphore, #tpu.memory_space<semaphore_mem>>) src(%dma_wait3A_57 : memref<8x128xi32, #tpu.memory_space<hbm>>) dst(%dma_wait3A_55 : memref<8x128xi32, #tpu.memory_space<vmem>>)
        tpu.yield
      }) : () -> ()
      %dma_start3A = arith.constant 0 : i32
      %dma_start3A_19 = arith.constant 0 : i32
      %dma_start3A_20 = tpu.memref_slice %arg7[%dma_start3A, %dma_start3A_19] : memref<48x128xi32, #tpu.memory_space<vmem>> -> memref<1x128xi32, #tpu.memory_space<vmem>>
      %dma_start3A_21 = tpu.memref_squeeze %dma_start3A_20 : memref<1x128xi32, #tpu.memory_space<vmem>> -> memref<128xi32, #tpu.memory_space<vmem>>
      %dma_start3A_22 = arith.constant 0 : i32
      %dma_start3A_23 = arith.constant 0 : i32
      %dma_start3A_24 = tpu.memref_slice %arg2[%dma_start3A_22, %dma_start3A_23] : memref<10112x128xf32, #tpu.memory_space<hbm>> -> memref<10112x128xf32, #tpu.memory_space<hbm>>
      tpu.enqueue_indirect_dma source(%dma_start3A_24 : memref<10112x128xf32, #tpu.memory_space<hbm>>) target(%arg9 : memref<128x128xf32, #tpu.memory_space<vmem>>) offsets(%dma_start3A_21 : memref<128xi32, #tpu.memory_space<vmem>>) semaphore(%arg12 : memref<!tpu.dma_semaphore, #tpu.memory_space<semaphore_mem>>)
      %dma_start3A_25 = arith.constant 1 : i32
      %dma_start3A_26 = arith.constant 0 : i32
      %dma_start3A_27 = tpu.memref_slice %arg7[%dma_start3A_25, %dma_start3A_26] : memref<48x128xi32, #tpu.memory_space<vmem>> -> memref<1x128xi32, #tpu.memory_space<vmem>>
      %dma_start3A_28 = tpu.memref_squeeze %dma_start3A_27 : memref<1x128xi32, #tpu.memory_space<vmem>> -> memref<128xi32, #tpu.memory_space<vmem>>
      %dma_start3A_29 = arith.constant 0 : i32
      %dma_start3A_30 = arith.constant 0 : i32
      %dma_start3A_31 = tpu.memref_slice %arg2[%dma_start3A_29, %dma_start3A_30] : memref<10112x128xf32, #tpu.memory_space<hbm>> -> memref<10112x128xf32, #tpu.memory_space<hbm>>
      tpu.enqueue_indirect_dma source(%dma_start3A_31 : memref<10112x128xf32, #tpu.memory_space<hbm>>) target(%arg10 : memref<128x128xf32, #tpu.memory_space<vmem>>) offsets(%dma_start3A_28 : memref<128xi32, #tpu.memory_space<vmem>>) semaphore(%arg13 : memref<!tpu.dma_semaphore, #tpu.memory_space<semaphore_mem>>)
      %scan3A_32 = arith.constant 0 : i32
      %scan3A_33 = arith.constant 0 : i32
      %scan3A_34 = arith.constant 4 : i32
      %scan3A_35 = arith.addi %scan3A_33, %scan3A_34 : i32
      %scan3A_36 = arith.constant 1 : i32
      scf.for %scan3A_39 = %scan3A_33 to %scan3A_35 step %scan3A_36  : i32 {
        %mul3A_40 = arith.constant 2 : i32
        %mul3A_41 = arith.muli %scan3A_39, %mul3A_40 : i32
        %add3A_42 = arith.constant 0 : i32
        %add3A_43 = arith.addi %mul3A_41, %add3A_42 : i32
        %dma_wait3A = arith.constant 0 : i32
        %dma_wait3A_44 = tpu.memref_slice %arg7[%add3A_43, %dma_wait3A] : memref<48x128xi32, #tpu.memory_space<vmem>> -> memref<1x128xi32, #tpu.memory_space<vmem>>
        %dma_wait3A_45 = tpu.memref_squeeze %dma_wait3A_44 : memref<1x128xi32, #tpu.memory_space<vmem>> -> memref<128xi32, #tpu.memory_space<vmem>>
        %dma_wait3A_46 = arith.constant 0 : i32
        %dma_wait3A_47 = arith.constant 0 : i32
        %dma_wait3A_48 = tpu.memref_slice %arg2[%dma_wait3A_46, %dma_wait3A_47] : memref<10112x128xf32, #tpu.memory_space<hbm>> -> memref<10112x128xf32, #tpu.memory_space<hbm>>
        tpu.wait_indirect_dma semaphore(%arg12 : memref<!tpu.dma_semaphore, #tpu.memory_space<semaphore_mem>>) src(%dma_wait3A_48 : memref<10112x128xf32, #tpu.memory_space<hbm>>) dst(%arg9 : memref<128x128xf32, #tpu.memory_space<vmem>>)
        %add3A_49 = arith.constant 0 : i32
        %add3A_50 = arith.addi %mul3A_41, %add3A_49 : i32
        %dma_start3A_51 = arith.constant 0 : i32
        %dma_start3A_52 = tpu.memref_slice %arg8[%add3A_50, %dma_start3A_51] : memref<48x128xi32, #tpu.memory_space<vmem>> -> memref<1x128xi32, #tpu.memory_space<vmem>>
        %dma_start3A_53 = tpu.memref_squeeze %dma_start3A_52 : memref<1x128xi32, #tpu.memory_space<vmem>> -> memref<128xi32, #tpu.memory_space<vmem>>
        %dma_start3A_54 = arith.constant 0 : i32
        %dma_start3A_55 = arith.constant 0 : i32
        %dma_start3A_56 = tpu.memref_slice %arg11[%dma_start3A_54, %dma_start3A_55] : memref<10112x128xf32, #tpu.memory_space<vmem_shared>> -> memref<10112x128xf32, #tpu.memory_space<vmem_shared>>
        tpu.enqueue_indirect_dma source(%arg9 : memref<128x128xf32, #tpu.memory_space<vmem>>) target(%dma_start3A_56 : memref<10112x128xf32, #tpu.memory_space<vmem_shared>>) offsets(%dma_start3A_53 : memref<128xi32, #tpu.memory_space<vmem>>) semaphore(%arg14 : memref<!tpu.dma_semaphore, #tpu.memory_space<semaphore_mem>>) {add = true}
        %add3A_57 = arith.constant 1 : i32
        %add3A_58 = arith.addi %mul3A_41, %add3A_57 : i32
        %dma_wait3A_59 = arith.constant 0 : i32
        %dma_wait3A_60 = tpu.memref_slice %arg7[%add3A_58, %dma_wait3A_59] : memref<48x128xi32, #tpu.memory_space<vmem>> -> memref<1x128xi32, #tpu.memory_space<vmem>>
        %dma_wait3A_61 = tpu.memref_squeeze %dma_wait3A_60 : memref<1x128xi32, #tpu.memory_space<vmem>> -> memref<128xi32, #tpu.memory_space<vmem>>
        %dma_wait3A_62 = arith.constant 0 : i32
        %dma_wait3A_63 = arith.constant 0 : i32
        %dma_wait3A_64 = tpu.memref_slice %arg2[%dma_wait3A_62, %dma_wait3A_63] : memref<10112x128xf32, #tpu.memory_space<hbm>> -> memref<10112x128xf32, #tpu.memory_space<hbm>>
        tpu.wait_indirect_dma semaphore(%arg13 : memref<!tpu.dma_semaphore, #tpu.memory_space<semaphore_mem>>) src(%dma_wait3A_64 : memref<10112x128xf32, #tpu.memory_space<hbm>>) dst(%arg10 : memref<128x128xf32, #tpu.memory_space<vmem>>)
        %add3A_65 = arith.constant 1 : i32
        %add3A_66 = arith.addi %mul3A_41, %add3A_65 : i32
        %dma_start3A_67 = arith.constant 0 : i32
        %dma_start3A_68 = tpu.memref_slice %arg8[%add3A_66, %dma_start3A_67] : memref<48x128xi32, #tpu.memory_space<vmem>> -> memref<1x128xi32, #tpu.memory_space<vmem>>
        %dma_start3A_69 = tpu.memref_squeeze %dma_start3A_68 : memref<1x128xi32, #tpu.memory_space<vmem>> -> memref<128xi32, #tpu.memory_space<vmem>>
        %dma_start3A_70 = arith.constant 0 : i32
        %dma_start3A_71 = arith.constant 0 : i32
        %dma_start3A_72 = tpu.memref_slice %arg11[%dma_start3A_70, %dma_start3A_71] : memref<10112x128xf32, #tpu.memory_space<vmem_shared>> -> memref<10112x128xf32, #tpu.memory_space<vmem_shared>>
        tpu.enqueue_indirect_dma source(%arg10 : memref<128x128xf32, #tpu.memory_space<vmem>>) target(%dma_start3A_72 : memref<10112x128xf32, #tpu.memory_space<vmem_shared>>) offsets(%dma_start3A_69 : memref<128xi32, #tpu.memory_space<vmem>>) semaphore(%arg15 : memref<!tpu.dma_semaphore, #tpu.memory_space<semaphore_mem>>) {add = true}
        %add3A_73 = arith.constant 0 : i32
        %add3A_74 = arith.addi %mul3A_41, %add3A_73 : i32
        %dma_wait3A_75 = arith.constant 0 : i32
        %dma_wait3A_76 = tpu.memref_slice %arg8[%add3A_74, %dma_wait3A_75] : memref<48x128xi32, #tpu.memory_space<vmem>> -> memref<1x128xi32, #tpu.memory_space<vmem>>
        %dma_wait3A_77 = tpu.memref_squeeze %dma_wait3A_76 : memref<1x128xi32, #tpu.memory_space<vmem>> -> memref<128xi32, #tpu.memory_space<vmem>>
        %dma_wait3A_78 = arith.constant 0 : i32
        %dma_wait3A_79 = arith.constant 0 : i32
        %dma_wait3A_80 = tpu.memref_slice %arg11[%dma_wait3A_78, %dma_wait3A_79] : memref<10112x128xf32, #tpu.memory_space<vmem_shared>> -> memref<10112x128xf32, #tpu.memory_space<vmem_shared>>
        tpu.wait_indirect_dma semaphore(%arg14 : memref<!tpu.dma_semaphore, #tpu.memory_space<semaphore_mem>>) src(%arg9 : memref<128x128xf32, #tpu.memory_space<vmem>>) dst(%dma_wait3A_80 : memref<10112x128xf32, #tpu.memory_space<vmem_shared>>)
        %lt3A = arith.constant 3 : i32
        %lt3A_81 = arith.cmpi slt, %scan3A_39, %lt3A : i32
        %convert_element_type3A_82 = arith.extui %lt3A_81 : i1 to i32
        %cond3A_83 = arith.constant 0 : i32
        %cond3A_84 = arith.cmpi ne, %convert_element_type3A_82, %cond3A_83 : i32
        scf.if %cond3A_84 {
          %add3A_98 = arith.constant 2 : i32
          %add3A_99 = arith.addi %mul3A_41, %add3A_98 : i32
          %add3A_100 = arith.constant 0 : i32
          %add3A_101 = arith.addi %add3A_99, %add3A_100 : i32
          %dma_start3A_102 = arith.constant 0 : i32
          %dma_start3A_103 = tpu.memref_slice %arg7[%add3A_101, %dma_start3A_102] : memref<48x128xi32, #tpu.memory_space<vmem>> -> memref<1x128xi32, #tpu.memory_space<vmem>>
          %dma_start3A_104 = tpu.memref_squeeze %dma_start3A_103 : memref<1x128xi32, #tpu.memory_space<vmem>> -> memref<128xi32, #tpu.memory_space<vmem>>
          %dma_start3A_105 = arith.constant 0 : i32
          %dma_start3A_106 = arith.constant 0 : i32
          %dma_start3A_107 = tpu.memref_slice %arg2[%dma_start3A_105, %dma_start3A_106] : memref<10112x128xf32, #tpu.memory_space<hbm>> -> memref<10112x128xf32, #tpu.memory_space<hbm>>
          tpu.enqueue_indirect_dma source(%dma_start3A_107 : memref<10112x128xf32, #tpu.memory_space<hbm>>) target(%arg9 : memref<128x128xf32, #tpu.memory_space<vmem>>) offsets(%dma_start3A_104 : memref<128xi32, #tpu.memory_space<vmem>>) semaphore(%arg12 : memref<!tpu.dma_semaphore, #tpu.memory_space<semaphore_mem>>)
        } else {
        }
        %add3A_85 = arith.constant 1 : i32
        %add3A_86 = arith.addi %mul3A_41, %add3A_85 : i32
        %dma_wait3A_87 = arith.constant 0 : i32
        %dma_wait3A_88 = tpu.memref_slice %arg8[%add3A_86, %dma_wait3A_87] : memref<48x128xi32, #tpu.memory_space<vmem>> -> memref<1x128xi32, #tpu.memory_space<vmem>>
        %dma_wait3A_89 = tpu.memref_squeeze %dma_wait3A_88 : memref<1x128xi32, #tpu.memory_space<vmem>> -> memref<128xi32, #tpu.memory_space<vmem>>
        %dma_wait3A_90 = arith.constant 0 : i32
        %dma_wait3A_91 = arith.constant 0 : i32
        %dma_wait3A_92 = tpu.memref_slice %arg11[%dma_wait3A_90, %dma_wait3A_91] : memref<10112x128xf32, #tpu.memory_space<vmem_shared>> -> memref<10112x128xf32, #tpu.memory_space<vmem_shared>>
        tpu.wait_indirect_dma semaphore(%arg15 : memref<!tpu.dma_semaphore, #tpu.memory_space<semaphore_mem>>) src(%arg10 : memref<128x128xf32, #tpu.memory_space<vmem>>) dst(%dma_wait3A_92 : memref<10112x128xf32, #tpu.memory_space<vmem_shared>>)
        %lt3A_93 = arith.constant 3 : i32
        %lt3A_94 = arith.cmpi slt, %scan3A_39, %lt3A_93 : i32
        %convert_element_type3A_95 = arith.extui %lt3A_94 : i1 to i32
        %cond3A_96 = arith.constant 0 : i32
        %cond3A_97 = arith.cmpi ne, %convert_element_type3A_95, %cond3A_96 : i32
        scf.if %cond3A_97 {
          %add3A_98 = arith.constant 2 : i32
          %add3A_99 = arith.addi %mul3A_41, %add3A_98 : i32
          %add3A_100 = arith.constant 1 : i32
          %add3A_101 = arith.addi %add3A_99, %add3A_100 : i32
          %dma_start3A_102 = arith.constant 0 : i32
          %dma_start3A_103 = tpu.memref_slice %arg7[%add3A_101, %dma_start3A_102] : memref<48x128xi32, #tpu.memory_space<vmem>> -> memref<1x128xi32, #tpu.memory_space<vmem>>
          %dma_start3A_104 = tpu.memref_squeeze %dma_start3A_103 : memref<1x128xi32, #tpu.memory_space<vmem>> -> memref<128xi32, #tpu.memory_space<vmem>>
          %dma_start3A_105 = arith.constant 0 : i32
          %dma_start3A_106 = arith.constant 0 : i32
          %dma_start3A_107 = tpu.memref_slice %arg2[%dma_start3A_105, %dma_start3A_106] : memref<10112x128xf32, #tpu.memory_space<hbm>> -> memref<10112x128xf32, #tpu.memory_space<hbm>>
          tpu.enqueue_indirect_dma source(%dma_start3A_107 : memref<10112x128xf32, #tpu.memory_space<hbm>>) target(%arg10 : memref<128x128xf32, #tpu.memory_space<vmem>>) offsets(%dma_start3A_104 : memref<128xi32, #tpu.memory_space<vmem>>) semaphore(%arg13 : memref<!tpu.dma_semaphore, #tpu.memory_space<semaphore_mem>>)
        } else {
        }
      }
      %scan3A_37 = arith.constant 4 : i32
      %scan3A_38 = arith.constant 1 : i32
    } else {
    }
    %barrier3A_7 = arith.constant 0 : index
    tpu.barrier barrier_id(%barrier3A_7)
    %mul3A_8 = arith.constant 632 : i32
    %mul3A_9 = arith.muli %arg1, %mul3A_8 : i32
    %mul3A_10 = arith.constant 632 : i32
    %mul3A_11 = arith.muli %arg1, %mul3A_10 : i32
    "tpu.region"() ({
      %run_scoped3A = tpu.sem_alloc : memref<!tpu.dma_semaphore, #tpu.memory_space<semaphore_mem>>
      %dma_start3A = arith.constant 0 : i32
      %dma_start3A_12 = tpu.memref_slice %arg6[%arg0, %mul3A_11, %dma_start3A] : memref<2x10112x128xf32, #tpu.memory_space<hbm>> -> memref<1x632x128xf32, #tpu.memory_space<hbm>>
      %dma_start3A_13 = tpu.memref_squeeze %dma_start3A_12 : memref<1x632x128xf32, #tpu.memory_space<hbm>> -> memref<632x128xf32, #tpu.memory_space<hbm>>
      %dma_start3A_14 = arith.constant 0 : i32
      %dma_start3A_15 = tpu.memref_slice %arg11[%mul3A_9, %dma_start3A_14] : memref<10112x128xf32, #tpu.memory_space<vmem_shared>> -> memref<632x128xf32, #tpu.memory_space<vmem_shared>>
      tpu.enqueue_dma source(%dma_start3A_15 : memref<632x128xf32, #tpu.memory_space<vmem_shared>>) target(%dma_start3A_13 : memref<632x128xf32, #tpu.memory_space<hbm>>) target_semaphore(%run_scoped3A : memref<!tpu.dma_semaphore, #tpu.memory_space<semaphore_mem>>)
      %dma_wait3A = arith.constant 0 : i32
      %dma_wait3A_16 = tpu.memref_slice %arg6[%arg0, %mul3A_11, %dma_wait3A] : memref<2x10112x128xf32, #tpu.memory_space<hbm>> -> memref<1x632x128xf32, #tpu.memory_space<hbm>>
      %dma_wait3A_17 = tpu.memref_squeeze %dma_wait3A_16 : memref<1x632x128xf32, #tpu.memory_space<hbm>> -> memref<632x128xf32, #tpu.memory_space<hbm>>
      %dma_wait3A_18 = arith.constant 0 : i32
      %dma_wait3A_19 = tpu.memref_slice %arg11[%mul3A_9, %dma_wait3A_18] : memref<10112x128xf32, #tpu.memory_space<vmem_shared>> -> memref<632x128xf32, #tpu.memory_space<vmem_shared>>
      tpu.wait_dma2 semaphore(%run_scoped3A : memref<!tpu.dma_semaphore, #tpu.memory_space<semaphore_mem>>) src(%dma_wait3A_19 : memref<632x128xf32, #tpu.memory_space<vmem_shared>>) dst(%dma_wait3A_17 : memref<632x128xf32, #tpu.memory_space<hbm>>)
      tpu.yield
    }) : () -> ()
    return
  }
}

#map = affine_map<(d0, d1) -> (0, 0)>
#map1 = affine_map<(d0, d1) -> (0, 0, 0)>
module attributes {stable_mosaic.version = 14 : i64} {
  func.func @body(%arg0: i32, %arg1: i32, %arg2: memref<10112x128xf32, #tpu.memory_space<hbm>>, %arg3: memref<2560x128xi32, #tpu.memory_space<hbm>>, %arg4: memref<2560x128xi32, #tpu.memory_space<hbm>>, %arg5: memref<632x128xf32, #tpu.memory_space<hbm>>, %arg6: memref<2x10112x128xf32, #tpu.memory_space<hbm>>, %arg7: memref<48x128xi32, #tpu.memory_space<vmem>>, %arg8: memref<48x128xi32, #tpu.memory_space<vmem>>, %arg9: memref<128x128xf32, #tpu.memory_space<vmem>>, %arg10: memref<128x128xf32, #tpu.memory_space<vmem>>, %arg11: memref<10112x128xf32, #tpu.memory_space<vmem_shared>>, %arg12: memref<!tpu.dma_semaphore, #tpu.memory_space<semaphore_mem>>, %arg13: memref<!tpu.dma_semaphore, #tpu.memory_space<semaphore_mem>>, %arg14: memref<!tpu.dma_semaphore, #tpu.memory_space<semaphore_mem>>, %arg15: memref<!tpu.dma_semaphore, #tpu.memory_space<semaphore_mem>>) attributes {dimension_semantics = [#tpu.dimension_semantics<core_parallel>, #tpu.dimension_semantics<subcore_parallel>], iteration_bounds = array<i64: 2, 16>, scalar_prefetch = 0 : i64, scratch_operands = 9 : i64, tpu.core_type = #tpu.core_type<sc_vector_subcore>, window_params = [{transform_indices = #map}, {transform_indices = #map}, {transform_indices = #map}, {transform_indices = #map}, {transform_indices = #map1}]} {
    %eq3A = arith.constant 0 : i32
    %eq3A_0 = arith.cmpi eq, %arg0, %eq3A : i32
    %mul3A = arith.constant 632 : i32
    %mul3A_1 = arith.muli %arg1, %mul3A : i32
    "tpu.region"() ({
      %run_scoped3A = tpu.sem_alloc : memref<!tpu.dma_semaphore, #tpu.memory_space<semaphore_mem>>
      %dma_start3A = arith.constant 0 : i32
      %dma_start3A_12 = tpu.memref_slice %arg11[%mul3A_1, %dma_start3A] : memref<10112x128xf32, #tpu.memory_space<vmem_shared>> -> memref<632x128xf32, #tpu.memory_space<vmem_shared>>
      tpu.enqueue_dma source(%arg5 : memref<632x128xf32, #tpu.memory_space<hbm>>) target(%dma_start3A_12 : memref<632x128xf32, #tpu.memory_space<vmem_shared>>) target_semaphore(%run_scoped3A : memref<!tpu.dma_semaphore, #tpu.memory_space<semaphore_mem>>)
      %dma_wait3A = arith.constant 0 : i32
      %dma_wait3A_13 = tpu.memref_slice %arg11[%mul3A_1, %dma_wait3A] : memref<10112x128xf32, #tpu.memory_space<vmem_shared>> -> memref<632x128xf32, #tpu.memory_space<vmem_shared>>
      tpu.wait_dma2 semaphore(%run_scoped3A : memref<!tpu.dma_semaphore, #tpu.memory_space<semaphore_mem>>) src(%arg5 : memref<632x128xf32, #tpu.memory_space<hbm>>) dst(%dma_wait3A_13 : memref<632x128xf32, #tpu.memory_space<vmem_shared>>)
      tpu.yield
    }) : () -> ()
    %barrier3A = arith.constant 0 : index
    tpu.barrier barrier_id(%barrier3A)
    %convert_element_type3A = arith.extui %eq3A_0 : i1 to i32
    %cond3A = arith.constant 0 : i32
    %cond3A_2 = arith.cmpi ne, %convert_element_type3A, %cond3A : i32
    scf.if %cond3A_2 {
      %mul3A_12 = arith.constant 152 : i32
      %mul3A_13 = arith.muli %arg1, %mul3A_12 : i32
      %scan3A = arith.constant 0 : i32
      %scan3A_14 = arith.constant 0 : i32
      %scan3A_15 = arith.constant 3 : i32
      %scan3A_16 = arith.addi %scan3A_14, %scan3A_15 : i32
      %scan3A_17 = arith.constant 1 : i32
      scf.for %scan3A_47 = %scan3A_14 to %scan3A_16 step %scan3A_17  : i32 {
        %mul3A_48 = arith.constant 48 : i32
        %mul3A_49 = arith.muli %scan3A_47, %mul3A_48 : i32
        %add3A_50 = arith.addi %mul3A_13, %mul3A_49 : i32
        %multiple_of3A_51 = tpu.assume_multiple %add3A_50, 8 : i32
        "tpu.region"() ({
          %run_scoped3A = tpu.sem_alloc : memref<!tpu.dma_semaphore, #tpu.memory_space<semaphore_mem>>
          %dma_start3A_72 = arith.constant 0 : i32
          %dma_start3A_73 = arith.constant 0 : i32
          %dma_start3A_74 = tpu.memref_slice %arg7[%dma_start3A_72, %dma_start3A_73] : memref<48x128xi32, #tpu.memory_space<vmem>> -> memref<48x128xi32, #tpu.memory_space<vmem>>
          %dma_start3A_75 = arith.constant 0 : i32
          %dma_start3A_76 = tpu.memref_slice %arg3[%multiple_of3A_51, %dma_start3A_75] : memref<2560x128xi32, #tpu.memory_space<hbm>> -> memref<48x128xi32, #tpu.memory_space<hbm>>
          %dma_start3A_77 = arith.constant 0 : i32
          %dma_start3A_78 = arith.constant 0 : i32
          %dma_start3A_79 = tpu.memref_slice %arg7[%dma_start3A_77, %dma_start3A_78] : memref<48x128xi32, #tpu.memory_space<vmem>> -> memref<48x128xi32, #tpu.memory_space<vmem>>
          %dma_start3A_80 = arith.constant 0 : i32
          %dma_start3A_81 = tpu.memref_slice %arg3[%multiple_of3A_51, %dma_start3A_80] : memref<2560x128xi32, #tpu.memory_space<hbm>> -> memref<48x128xi32, #tpu.memory_space<hbm>>
          tpu.enqueue_dma source(%dma_start3A_81 : memref<48x128xi32, #tpu.memory_space<hbm>>) target(%dma_start3A_79 : memref<48x128xi32, #tpu.memory_space<vmem>>) target_semaphore(%run_scoped3A : memref<!tpu.dma_semaphore, #tpu.memory_space<semaphore_mem>>)
          %dma_wait3A = arith.constant 0 : i32
          %dma_wait3A_82 = arith.constant 0 : i32
          %dma_wait3A_83 = tpu.memref_slice %arg7[%dma_wait3A, %dma_wait3A_82] : memref<48x128xi32, #tpu.memory_space<vmem>> -> memref<48x128xi32, #tpu.memory_space<vmem>>
          %dma_wait3A_84 = arith.constant 0 : i32
          %dma_wait3A_85 = tpu.memref_slice %arg3[%multiple_of3A_51, %dma_wait3A_84] : memref<2560x128xi32, #tpu.memory_space<hbm>> -> memref<48x128xi32, #tpu.memory_space<hbm>>
          %dma_wait3A_86 = arith.constant 0 : i32
          %dma_wait3A_87 = arith.constant 0 : i32
          %dma_wait3A_88 = tpu.memref_slice %arg7[%dma_wait3A_86, %dma_wait3A_87] : memref<48x128xi32, #tpu.memory_space<vmem>> -> memref<48x128xi32, #tpu.memory_space<vmem>>
          %dma_wait3A_89 = arith.constant 0 : i32
          %dma_wait3A_90 = tpu.memref_slice %arg3[%multiple_of3A_51, %dma_wait3A_89] : memref<2560x128xi32, #tpu.memory_space<hbm>> -> memref<48x128xi32, #tpu.memory_space<hbm>>
          tpu.wait_dma2 semaphore(%run_scoped3A : memref<!tpu.dma_semaphore, #tpu.memory_space<semaphore_mem>>) src(%dma_wait3A_90 : memref<48x128xi32, #tpu.memory_space<hbm>>) dst(%dma_wait3A_88 : memref<48x128xi32, #tpu.memory_space<vmem>>)
          tpu.yield
        }) : () -> ()
        "tpu.region"() ({
          %run_scoped3A = tpu.sem_alloc : memref<!tpu.dma_semaphore, #tpu.memory_space<semaphore_mem>>
          %dma_start3A_72 = arith.constant 0 : i32
          %dma_start3A_73 = arith.constant 0 : i32
          %dma_start3A_74 = tpu.memref_slice %arg8[%dma_start3A_72, %dma_start3A_73] : memref<48x128xi32, #tpu.memory_space<vmem>> -> memref<48x128xi32, #tpu.memory_space<vmem>>
          %dma_start3A_75 = arith.constant 0 : i32
          %dma_start3A_76 = tpu.memref_slice %arg4[%multiple_of3A_51, %dma_start3A_75] : memref<2560x128xi32, #tpu.memory_space<hbm>> -> memref<48x128xi32, #tpu.memory_space<hbm>>
          %dma_start3A_77 = arith.constant 0 : i32
          %dma_start3A_78 = arith.constant 0 : i32
          %dma_start3A_79 = tpu.memref_slice %arg8[%dma_start3A_77, %dma_start3A_78] : memref<48x128xi32, #tpu.memory_space<vmem>> -> memref<48x128xi32, #tpu.memory_space<vmem>>
          %dma_start3A_80 = arith.constant 0 : i32
          %dma_start3A_81 = tpu.memref_slice %arg4[%multiple_of3A_51, %dma_start3A_80] : memref<2560x128xi32, #tpu.memory_space<hbm>> -> memref<48x128xi32, #tpu.memory_space<hbm>>
          tpu.enqueue_dma source(%dma_start3A_81 : memref<48x128xi32, #tpu.memory_space<hbm>>) target(%dma_start3A_79 : memref<48x128xi32, #tpu.memory_space<vmem>>) target_semaphore(%run_scoped3A : memref<!tpu.dma_semaphore, #tpu.memory_space<semaphore_mem>>)
          %dma_wait3A = arith.constant 0 : i32
          %dma_wait3A_82 = arith.constant 0 : i32
          %dma_wait3A_83 = tpu.memref_slice %arg8[%dma_wait3A, %dma_wait3A_82] : memref<48x128xi32, #tpu.memory_space<vmem>> -> memref<48x128xi32, #tpu.memory_space<vmem>>
          %dma_wait3A_84 = arith.constant 0 : i32
          %dma_wait3A_85 = tpu.memref_slice %arg4[%multiple_of3A_51, %dma_wait3A_84] : memref<2560x128xi32, #tpu.memory_space<hbm>> -> memref<48x128xi32, #tpu.memory_space<hbm>>
          %dma_wait3A_86 = arith.constant 0 : i32
          %dma_wait3A_87 = arith.constant 0 : i32
          %dma_wait3A_88 = tpu.memref_slice %arg8[%dma_wait3A_86, %dma_wait3A_87] : memref<48x128xi32, #tpu.memory_space<vmem>> -> memref<48x128xi32, #tpu.memory_space<vmem>>
          %dma_wait3A_89 = arith.constant 0 : i32
          %dma_wait3A_90 = tpu.memref_slice %arg4[%multiple_of3A_51, %dma_wait3A_89] : memref<2560x128xi32, #tpu.memory_space<hbm>> -> memref<48x128xi32, #tpu.memory_space<hbm>>
          tpu.wait_dma2 semaphore(%run_scoped3A : memref<!tpu.dma_semaphore, #tpu.memory_space<semaphore_mem>>) src(%dma_wait3A_90 : memref<48x128xi32, #tpu.memory_space<hbm>>) dst(%dma_wait3A_88 : memref<48x128xi32, #tpu.memory_space<vmem>>)
          tpu.yield
        }) : () -> ()
        %dma_start3A_52 = arith.constant 0 : i32
        %dma_start3A_53 = arith.constant 0 : i32
        %dma_start3A_54 = tpu.memref_slice %arg7[%dma_start3A_52, %dma_start3A_53] : memref<48x128xi32, #tpu.memory_space<vmem>> -> memref<1x128xi32, #tpu.memory_space<vmem>>
        %dma_start3A_55 = tpu.memref_squeeze %dma_start3A_54 : memref<1x128xi32, #tpu.memory_space<vmem>> -> memref<128xi32, #tpu.memory_space<vmem>>
        %dma_start3A_56 = arith.constant 0 : i32
        %dma_start3A_57 = arith.constant 0 : i32
        %dma_start3A_58 = tpu.memref_slice %arg2[%dma_start3A_56, %dma_start3A_57] : memref<10112x128xf32, #tpu.memory_space<hbm>> -> memref<10112x128xf32, #tpu.memory_space<hbm>>
        tpu.enqueue_indirect_dma source(%dma_start3A_58 : memref<10112x128xf32, #tpu.memory_space<hbm>>) target(%arg9 : memref<128x128xf32, #tpu.memory_space<vmem>>) offsets(%dma_start3A_55 : memref<128xi32, #tpu.memory_space<vmem>>) semaphore(%arg12 : memref<!tpu.dma_semaphore, #tpu.memory_space<semaphore_mem>>)
        %dma_start3A_59 = arith.constant 1 : i32
        %dma_start3A_60 = arith.constant 0 : i32
        %dma_start3A_61 = tpu.memref_slice %arg7[%dma_start3A_59, %dma_start3A_60] : memref<48x128xi32, #tpu.memory_space<vmem>> -> memref<1x128xi32, #tpu.memory_space<vmem>>
        %dma_start3A_62 = tpu.memref_squeeze %dma_start3A_61 : memref<1x128xi32, #tpu.memory_space<vmem>> -> memref<128xi32, #tpu.memory_space<vmem>>
        %dma_start3A_63 = arith.constant 0 : i32
        %dma_start3A_64 = arith.constant 0 : i32
        %dma_start3A_65 = tpu.memref_slice %arg2[%dma_start3A_63, %dma_start3A_64] : memref<10112x128xf32, #tpu.memory_space<hbm>> -> memref<10112x128xf32, #tpu.memory_space<hbm>>
        tpu.enqueue_indirect_dma source(%dma_start3A_65 : memref<10112x128xf32, #tpu.memory_space<hbm>>) target(%arg10 : memref<128x128xf32, #tpu.memory_space<vmem>>) offsets(%dma_start3A_62 : memref<128xi32, #tpu.memory_space<vmem>>) semaphore(%arg13 : memref<!tpu.dma_semaphore, #tpu.memory_space<semaphore_mem>>)
        %scan3A_66 = arith.constant 0 : i32
        %scan3A_67 = arith.constant 0 : i32
        %scan3A_68 = arith.constant 24 : i32
        %scan3A_69 = arith.addi %scan3A_67, %scan3A_68 : i32
        %scan3A_70 = arith.constant 1 : i32
        scf.for %scan3A_72 = %scan3A_67 to %scan3A_69 step %scan3A_70  : i32 {
          %mul3A_73 = arith.constant 2 : i32
          %mul3A_74 = arith.muli %scan3A_72, %mul3A_73 : i32
          %add3A_75 = arith.constant 0 : i32
          %add3A_76 = arith.addi %mul3A_74, %add3A_75 : i32
          %dma_wait3A = arith.constant 0 : i32
          %dma_wait3A_77 = tpu.memref_slice %arg7[%add3A_76, %dma_wait3A] : memref<48x128xi32, #tpu.memory_space<vmem>> -> memref<1x128xi32, #tpu.memory_space<vmem>>
          %dma_wait3A_78 = tpu.memref_squeeze %dma_wait3A_77 : memref<1x128xi32, #tpu.memory_space<vmem>> -> memref<128xi32, #tpu.memory_space<vmem>>
          %dma_wait3A_79 = arith.constant 0 : i32
          %dma_wait3A_80 = arith.constant 0 : i32
          %dma_wait3A_81 = tpu.memref_slice %arg2[%dma_wait3A_79, %dma_wait3A_80] : memref<10112x128xf32, #tpu.memory_space<hbm>> -> memref<10112x128xf32, #tpu.memory_space<hbm>>
          tpu.wait_indirect_dma semaphore(%arg12 : memref<!tpu.dma_semaphore, #tpu.memory_space<semaphore_mem>>) src(%dma_wait3A_81 : memref<10112x128xf32, #tpu.memory_space<hbm>>) dst(%arg9 : memref<128x128xf32, #tpu.memory_space<vmem>>)
          %add3A_82 = arith.constant 0 : i32
          %add3A_83 = arith.addi %mul3A_74, %add3A_82 : i32
          %dma_start3A_84 = arith.constant 0 : i32
          %dma_start3A_85 = tpu.memref_slice %arg8[%add3A_83, %dma_start3A_84] : memref<48x128xi32, #tpu.memory_space<vmem>> -> memref<1x128xi32, #tpu.memory_space<vmem>>
          %dma_start3A_86 = tpu.memref_squeeze %dma_start3A_85 : memref<1x128xi32, #tpu.memory_space<vmem>> -> memref<128xi32, #tpu.memory_space<vmem>>
          %dma_start3A_87 = arith.constant 0 : i32
          %dma_start3A_88 = arith.constant 0 : i32
          %dma_start3A_89 = tpu.memref_slice %arg11[%dma_start3A_87, %dma_start3A_88] : memref<10112x128xf32, #tpu.memory_space<vmem_shared>> -> memref<10112x128xf32, #tpu.memory_space<vmem_shared>>
          tpu.enqueue_indirect_dma source(%arg9 : memref<128x128xf32, #tpu.memory_space<vmem>>) target(%dma_start3A_89 : memref<10112x128xf32, #tpu.memory_space<vmem_shared>>) offsets(%dma_start3A_86 : memref<128xi32, #tpu.memory_space<vmem>>) semaphore(%arg14 : memref<!tpu.dma_semaphore, #tpu.memory_space<semaphore_mem>>) {add = true}
          %add3A_90 = arith.constant 1 : i32
          %add3A_91 = arith.addi %mul3A_74, %add3A_90 : i32
          %dma_wait3A_92 = arith.constant 0 : i32
          %dma_wait3A_93 = tpu.memref_slice %arg7[%add3A_91, %dma_wait3A_92] : memref<48x128xi32, #tpu.memory_space<vmem>> -> memref<1x128xi32, #tpu.memory_space<vmem>>
          %dma_wait3A_94 = tpu.memref_squeeze %dma_wait3A_93 : memref<1x128xi32, #tpu.memory_space<vmem>> -> memref<128xi32, #tpu.memory_space<vmem>>
          %dma_wait3A_95 = arith.constant 0 : i32
          %dma_wait3A_96 = arith.constant 0 : i32
          %dma_wait3A_97 = tpu.memref_slice %arg2[%dma_wait3A_95, %dma_wait3A_96] : memref<10112x128xf32, #tpu.memory_space<hbm>> -> memref<10112x128xf32, #tpu.memory_space<hbm>>
          tpu.wait_indirect_dma semaphore(%arg13 : memref<!tpu.dma_semaphore, #tpu.memory_space<semaphore_mem>>) src(%dma_wait3A_97 : memref<10112x128xf32, #tpu.memory_space<hbm>>) dst(%arg10 : memref<128x128xf32, #tpu.memory_space<vmem>>)
          %add3A_98 = arith.constant 1 : i32
          %add3A_99 = arith.addi %mul3A_74, %add3A_98 : i32
          %dma_start3A_100 = arith.constant 0 : i32
          %dma_start3A_101 = tpu.memref_slice %arg8[%add3A_99, %dma_start3A_100] : memref<48x128xi32, #tpu.memory_space<vmem>> -> memref<1x128xi32, #tpu.memory_space<vmem>>
          %dma_start3A_102 = tpu.memref_squeeze %dma_start3A_101 : memref<1x128xi32, #tpu.memory_space<vmem>> -> memref<128xi32, #tpu.memory_space<vmem>>
          %dma_start3A_103 = arith.constant 0 : i32
          %dma_start3A_104 = arith.constant 0 : i32
          %dma_start3A_105 = tpu.memref_slice %arg11[%dma_start3A_103, %dma_start3A_104] : memref<10112x128xf32, #tpu.memory_space<vmem_shared>> -> memref<10112x128xf32, #tpu.memory_space<vmem_shared>>
          tpu.enqueue_indirect_dma source(%arg10 : memref<128x128xf32, #tpu.memory_space<vmem>>) target(%dma_start3A_105 : memref<10112x128xf32, #tpu.memory_space<vmem_shared>>) offsets(%dma_start3A_102 : memref<128xi32, #tpu.memory_space<vmem>>) semaphore(%arg15 : memref<!tpu.dma_semaphore, #tpu.memory_space<semaphore_mem>>) {add = true}
          %add3A_106 = arith.constant 0 : i32
          %add3A_107 = arith.addi %mul3A_74, %add3A_106 : i32
          %dma_wait3A_108 = arith.constant 0 : i32
          %dma_wait3A_109 = tpu.memref_slice %arg8[%add3A_107, %dma_wait3A_108] : memref<48x128xi32, #tpu.memory_space<vmem>> -> memref<1x128xi32, #tpu.memory_space<vmem>>
          %dma_wait3A_110 = tpu.memref_squeeze %dma_wait3A_109 : memref<1x128xi32, #tpu.memory_space<vmem>> -> memref<128xi32, #tpu.memory_space<vmem>>
          %dma_wait3A_111 = arith.constant 0 : i32
          %dma_wait3A_112 = arith.constant 0 : i32
          %dma_wait3A_113 = tpu.memref_slice %arg11[%dma_wait3A_111, %dma_wait3A_112] : memref<10112x128xf32, #tpu.memory_space<vmem_shared>> -> memref<10112x128xf32, #tpu.memory_space<vmem_shared>>
          tpu.wait_indirect_dma semaphore(%arg14 : memref<!tpu.dma_semaphore, #tpu.memory_space<semaphore_mem>>) src(%arg9 : memref<128x128xf32, #tpu.memory_space<vmem>>) dst(%dma_wait3A_113 : memref<10112x128xf32, #tpu.memory_space<vmem_shared>>)
          %lt3A = arith.constant 23 : i32
          %lt3A_114 = arith.cmpi slt, %scan3A_72, %lt3A : i32
          %convert_element_type3A_115 = arith.extui %lt3A_114 : i1 to i32
          %cond3A_116 = arith.constant 0 : i32
          %cond3A_117 = arith.cmpi ne, %convert_element_type3A_115, %cond3A_116 : i32
          scf.if %cond3A_117 {
            %add3A_131 = arith.constant 2 : i32
            %add3A_132 = arith.addi %mul3A_74, %add3A_131 : i32
            %add3A_133 = arith.constant 0 : i32
            %add3A_134 = arith.addi %add3A_132, %add3A_133 : i32
            %dma_start3A_135 = arith.constant 0 : i32
            %dma_start3A_136 = tpu.memref_slice %arg7[%add3A_134, %dma_start3A_135] : memref<48x128xi32, #tpu.memory_space<vmem>> -> memref<1x128xi32, #tpu.memory_space<vmem>>
            %dma_start3A_137 = tpu.memref_squeeze %dma_start3A_136 : memref<1x128xi32, #tpu.memory_space<vmem>> -> memref<128xi32, #tpu.memory_space<vmem>>
            %dma_start3A_138 = arith.constant 0 : i32
            %dma_start3A_139 = arith.constant 0 : i32
            %dma_start3A_140 = tpu.memref_slice %arg2[%dma_start3A_138, %dma_start3A_139] : memref<10112x128xf32, #tpu.memory_space<hbm>> -> memref<10112x128xf32, #tpu.memory_space<hbm>>
            tpu.enqueue_indirect_dma source(%dma_start3A_140 : memref<10112x128xf32, #tpu.memory_space<hbm>>) target(%arg9 : memref<128x128xf32, #tpu.memory_space<vmem>>) offsets(%dma_start3A_137 : memref<128xi32, #tpu.memory_space<vmem>>) semaphore(%arg12 : memref<!tpu.dma_semaphore, #tpu.memory_space<semaphore_mem>>)
          } else {
          }
          %add3A_118 = arith.constant 1 : i32
          %add3A_119 = arith.addi %mul3A_74, %add3A_118 : i32
          %dma_wait3A_120 = arith.constant 0 : i32
          %dma_wait3A_121 = tpu.memref_slice %arg8[%add3A_119, %dma_wait3A_120] : memref<48x128xi32, #tpu.memory_space<vmem>> -> memref<1x128xi32, #tpu.memory_space<vmem>>
          %dma_wait3A_122 = tpu.memref_squeeze %dma_wait3A_121 : memref<1x128xi32, #tpu.memory_space<vmem>> -> memref<128xi32, #tpu.memory_space<vmem>>
          %dma_wait3A_123 = arith.constant 0 : i32
          %dma_wait3A_124 = arith.constant 0 : i32
          %dma_wait3A_125 = tpu.memref_slice %arg11[%dma_wait3A_123, %dma_wait3A_124] : memref<10112x128xf32, #tpu.memory_space<vmem_shared>> -> memref<10112x128xf32, #tpu.memory_space<vmem_shared>>
          tpu.wait_indirect_dma semaphore(%arg15 : memref<!tpu.dma_semaphore, #tpu.memory_space<semaphore_mem>>) src(%arg10 : memref<128x128xf32, #tpu.memory_space<vmem>>) dst(%dma_wait3A_125 : memref<10112x128xf32, #tpu.memory_space<vmem_shared>>)
          %lt3A_126 = arith.constant 23 : i32
          %lt3A_127 = arith.cmpi slt, %scan3A_72, %lt3A_126 : i32
          %convert_element_type3A_128 = arith.extui %lt3A_127 : i1 to i32
          %cond3A_129 = arith.constant 0 : i32
          %cond3A_130 = arith.cmpi ne, %convert_element_type3A_128, %cond3A_129 : i32
          scf.if %cond3A_130 {
            %add3A_131 = arith.constant 2 : i32
            %add3A_132 = arith.addi %mul3A_74, %add3A_131 : i32
            %add3A_133 = arith.constant 1 : i32
            %add3A_134 = arith.addi %add3A_132, %add3A_133 : i32
            %dma_start3A_135 = arith.constant 0 : i32
            %dma_start3A_136 = tpu.memref_slice %arg7[%add3A_134, %dma_start3A_135] : memref<48x128xi32, #tpu.memory_space<vmem>> -> memref<1x128xi32, #tpu.memory_space<vmem>>
            %dma_start3A_137 = tpu.memref_squeeze %dma_start3A_136 : memref<1x128xi32, #tpu.memory_space<vmem>> -> memref<128xi32, #tpu.memory_space<vmem>>
            %dma_start3A_138 = arith.constant 0 : i32
            %dma_start3A_139 = arith.constant 0 : i32
            %dma_start3A_140 = tpu.memref_slice %arg2[%dma_start3A_138, %dma_start3A_139] : memref<10112x128xf32, #tpu.memory_space<hbm>> -> memref<10112x128xf32, #tpu.memory_space<hbm>>
            tpu.enqueue_indirect_dma source(%dma_start3A_140 : memref<10112x128xf32, #tpu.memory_space<hbm>>) target(%arg10 : memref<128x128xf32, #tpu.memory_space<vmem>>) offsets(%dma_start3A_137 : memref<128xi32, #tpu.memory_space<vmem>>) semaphore(%arg13 : memref<!tpu.dma_semaphore, #tpu.memory_space<semaphore_mem>>)
          } else {
          }
        }
        %scan3A_71 = arith.constant 24 : i32
      }
      %scan3A_18 = arith.constant 3 : i32
      %mul3A_19 = arith.constant 152 : i32
      %mul3A_20 = arith.muli %arg1, %mul3A_19 : i32
      %add3A = arith.constant 144 : i32
      %add3A_21 = arith.addi %mul3A_20, %add3A : i32
      %scan3A_22 = arith.constant 0 : i32
      %scan3A_23 = arith.constant 0 : i32
      %mul3A_24 = arith.constant 8 : i32
      %mul3A_25 = arith.muli %scan3A_23, %mul3A_24 : i32
      %add3A_26 = arith.addi %add3A_21, %mul3A_25 : i32
      %multiple_of3A = tpu.assume_multiple %add3A_26, 8 : i32
      "tpu.region"() ({
        %run_scoped3A = tpu.sem_alloc : memref<!tpu.dma_semaphore, #tpu.memory_space<semaphore_mem>>
        %dma_start3A_47 = arith.constant 0 : i32
        %dma_start3A_48 = arith.constant 0 : i32
        %dma_start3A_49 = tpu.memref_slice %arg7[%dma_start3A_47, %dma_start3A_48] : memref<48x128xi32, #tpu.memory_space<vmem>> -> memref<8x128xi32, #tpu.memory_space<vmem>>
        %dma_start3A_50 = arith.constant 0 : i32
        %dma_start3A_51 = tpu.memref_slice %arg3[%multiple_of3A, %dma_start3A_50] : memref<2560x128xi32, #tpu.memory_space<hbm>> -> memref<8x128xi32, #tpu.memory_space<hbm>>
        %dma_start3A_52 = arith.constant 0 : i32
        %dma_start3A_53 = arith.constant 0 : i32
        %dma_start3A_54 = tpu.memref_slice %arg7[%dma_start3A_52, %dma_start3A_53] : memref<48x128xi32, #tpu.memory_space<vmem>> -> memref<8x128xi32, #tpu.memory_space<vmem>>
        %dma_start3A_55 = arith.constant 0 : i32
        %dma_start3A_56 = tpu.memref_slice %arg3[%multiple_of3A, %dma_start3A_55] : memref<2560x128xi32, #tpu.memory_space<hbm>> -> memref<8x128xi32, #tpu.memory_space<hbm>>
        tpu.enqueue_dma source(%dma_start3A_56 : memref<8x128xi32, #tpu.memory_space<hbm>>) target(%dma_start3A_54 : memref<8x128xi32, #tpu.memory_space<vmem>>) target_semaphore(%run_scoped3A : memref<!tpu.dma_semaphore, #tpu.memory_space<semaphore_mem>>)
        %dma_wait3A = arith.constant 0 : i32
        %dma_wait3A_57 = arith.constant 0 : i32
        %dma_wait3A_58 = tpu.memref_slice %arg7[%dma_wait3A, %dma_wait3A_57] : memref<48x128xi32, #tpu.memory_space<vmem>> -> memref<8x128xi32, #tpu.memory_space<vmem>>
        %dma_wait3A_59 = arith.constant 0 : i32
        %dma_wait3A_60 = tpu.memref_slice %arg3[%multiple_of3A, %dma_wait3A_59] : memref<2560x128xi32, #tpu.memory_space<hbm>> -> memref<8x128xi32, #tpu.memory_space<hbm>>
        %dma_wait3A_61 = arith.constant 0 : i32
        %dma_wait3A_62 = arith.constant 0 : i32
        %dma_wait3A_63 = tpu.memref_slice %arg7[%dma_wait3A_61, %dma_wait3A_62] : memref<48x128xi32, #tpu.memory_space<vmem>> -> memref<8x128xi32, #tpu.memory_space<vmem>>
        %dma_wait3A_64 = arith.constant 0 : i32
        %dma_wait3A_65 = tpu.memref_slice %arg3[%multiple_of3A, %dma_wait3A_64] : memref<2560x128xi32, #tpu.memory_space<hbm>> -> memref<8x128xi32, #tpu.memory_space<hbm>>
        tpu.wait_dma2 semaphore(%run_scoped3A : memref<!tpu.dma_semaphore, #tpu.memory_space<semaphore_mem>>) src(%dma_wait3A_65 : memref<8x128xi32, #tpu.memory_space<hbm>>) dst(%dma_wait3A_63 : memref<8x128xi32, #tpu.memory_space<vmem>>)
        tpu.yield
      }) : () -> ()
      "tpu.region"() ({
        %run_scoped3A = tpu.sem_alloc : memref<!tpu.dma_semaphore, #tpu.memory_space<semaphore_mem>>
        %dma_start3A_47 = arith.constant 0 : i32
        %dma_start3A_48 = arith.constant 0 : i32
        %dma_start3A_49 = tpu.memref_slice %arg8[%dma_start3A_47, %dma_start3A_48] : memref<48x128xi32, #tpu.memory_space<vmem>> -> memref<8x128xi32, #tpu.memory_space<vmem>>
        %dma_start3A_50 = arith.constant 0 : i32
        %dma_start3A_51 = tpu.memref_slice %arg4[%multiple_of3A, %dma_start3A_50] : memref<2560x128xi32, #tpu.memory_space<hbm>> -> memref<8x128xi32, #tpu.memory_space<hbm>>
        %dma_start3A_52 = arith.constant 0 : i32
        %dma_start3A_53 = arith.constant 0 : i32
        %dma_start3A_54 = tpu.memref_slice %arg8[%dma_start3A_52, %dma_start3A_53] : memref<48x128xi32, #tpu.memory_space<vmem>> -> memref<8x128xi32, #tpu.memory_space<vmem>>
        %dma_start3A_55 = arith.constant 0 : i32
        %dma_start3A_56 = tpu.memref_slice %arg4[%multiple_of3A, %dma_start3A_55] : memref<2560x128xi32, #tpu.memory_space<hbm>> -> memref<8x128xi32, #tpu.memory_space<hbm>>
        tpu.enqueue_dma source(%dma_start3A_56 : memref<8x128xi32, #tpu.memory_space<hbm>>) target(%dma_start3A_54 : memref<8x128xi32, #tpu.memory_space<vmem>>) target_semaphore(%run_scoped3A : memref<!tpu.dma_semaphore, #tpu.memory_space<semaphore_mem>>)
        %dma_wait3A = arith.constant 0 : i32
        %dma_wait3A_57 = arith.constant 0 : i32
        %dma_wait3A_58 = tpu.memref_slice %arg8[%dma_wait3A, %dma_wait3A_57] : memref<48x128xi32, #tpu.memory_space<vmem>> -> memref<8x128xi32, #tpu.memory_space<vmem>>
        %dma_wait3A_59 = arith.constant 0 : i32
        %dma_wait3A_60 = tpu.memref_slice %arg4[%multiple_of3A, %dma_wait3A_59] : memref<2560x128xi32, #tpu.memory_space<hbm>> -> memref<8x128xi32, #tpu.memory_space<hbm>>
        %dma_wait3A_61 = arith.constant 0 : i32
        %dma_wait3A_62 = arith.constant 0 : i32
        %dma_wait3A_63 = tpu.memref_slice %arg8[%dma_wait3A_61, %dma_wait3A_62] : memref<48x128xi32, #tpu.memory_space<vmem>> -> memref<8x128xi32, #tpu.memory_space<vmem>>
        %dma_wait3A_64 = arith.constant 0 : i32
        %dma_wait3A_65 = tpu.memref_slice %arg4[%multiple_of3A, %dma_wait3A_64] : memref<2560x128xi32, #tpu.memory_space<hbm>> -> memref<8x128xi32, #tpu.memory_space<hbm>>
        tpu.wait_dma2 semaphore(%run_scoped3A : memref<!tpu.dma_semaphore, #tpu.memory_space<semaphore_mem>>) src(%dma_wait3A_65 : memref<8x128xi32, #tpu.memory_space<hbm>>) dst(%dma_wait3A_63 : memref<8x128xi32, #tpu.memory_space<vmem>>)
        tpu.yield
      }) : () -> ()
      %dma_start3A = arith.constant 0 : i32
      %dma_start3A_27 = arith.constant 0 : i32
      %dma_start3A_28 = tpu.memref_slice %arg7[%dma_start3A, %dma_start3A_27] : memref<48x128xi32, #tpu.memory_space<vmem>> -> memref<1x128xi32, #tpu.memory_space<vmem>>
      %dma_start3A_29 = tpu.memref_squeeze %dma_start3A_28 : memref<1x128xi32, #tpu.memory_space<vmem>> -> memref<128xi32, #tpu.memory_space<vmem>>
      %dma_start3A_30 = arith.constant 0 : i32
      %dma_start3A_31 = arith.constant 0 : i32
      %dma_start3A_32 = tpu.memref_slice %arg2[%dma_start3A_30, %dma_start3A_31] : memref<10112x128xf32, #tpu.memory_space<hbm>> -> memref<10112x128xf32, #tpu.memory_space<hbm>>
      tpu.enqueue_indirect_dma source(%dma_start3A_32 : memref<10112x128xf32, #tpu.memory_space<hbm>>) target(%arg9 : memref<128x128xf32, #tpu.memory_space<vmem>>) offsets(%dma_start3A_29 : memref<128xi32, #tpu.memory_space<vmem>>) semaphore(%arg12 : memref<!tpu.dma_semaphore, #tpu.memory_space<semaphore_mem>>)
      %dma_start3A_33 = arith.constant 1 : i32
      %dma_start3A_34 = arith.constant 0 : i32
      %dma_start3A_35 = tpu.memref_slice %arg7[%dma_start3A_33, %dma_start3A_34] : memref<48x128xi32, #tpu.memory_space<vmem>> -> memref<1x128xi32, #tpu.memory_space<vmem>>
      %dma_start3A_36 = tpu.memref_squeeze %dma_start3A_35 : memref<1x128xi32, #tpu.memory_space<vmem>> -> memref<128xi32, #tpu.memory_space<vmem>>
      %dma_start3A_37 = arith.constant 0 : i32
      %dma_start3A_38 = arith.constant 0 : i32
      %dma_start3A_39 = tpu.memref_slice %arg2[%dma_start3A_37, %dma_start3A_38] : memref<10112x128xf32, #tpu.memory_space<hbm>> -> memref<10112x128xf32, #tpu.memory_space<hbm>>
      tpu.enqueue_indirect_dma source(%dma_start3A_39 : memref<10112x128xf32, #tpu.memory_space<hbm>>) target(%arg10 : memref<128x128xf32, #tpu.memory_space<vmem>>) offsets(%dma_start3A_36 : memref<128xi32, #tpu.memory_space<vmem>>) semaphore(%arg13 : memref<!tpu.dma_semaphore, #tpu.memory_space<semaphore_mem>>)
      %scan3A_40 = arith.constant 0 : i32
      %scan3A_41 = arith.constant 0 : i32
      %scan3A_42 = arith.constant 4 : i32
      %scan3A_43 = arith.addi %scan3A_41, %scan3A_42 : i32
      %scan3A_44 = arith.constant 1 : i32
      scf.for %scan3A_47 = %scan3A_41 to %scan3A_43 step %scan3A_44  : i32 {
        %mul3A_48 = arith.constant 2 : i32
        %mul3A_49 = arith.muli %scan3A_47, %mul3A_48 : i32
        %add3A_50 = arith.constant 0 : i32
        %add3A_51 = arith.addi %mul3A_49, %add3A_50 : i32
        %dma_wait3A = arith.constant 0 : i32
        %dma_wait3A_52 = tpu.memref_slice %arg7[%add3A_51, %dma_wait3A] : memref<48x128xi32, #tpu.memory_space<vmem>> -> memref<1x128xi32, #tpu.memory_space<vmem>>
        %dma_wait3A_53 = tpu.memref_squeeze %dma_wait3A_52 : memref<1x128xi32, #tpu.memory_space<vmem>> -> memref<128xi32, #tpu.memory_space<vmem>>
        %dma_wait3A_54 = arith.constant 0 : i32
        %dma_wait3A_55 = arith.constant 0 : i32
        %dma_wait3A_56 = tpu.memref_slice %arg2[%dma_wait3A_54, %dma_wait3A_55] : memref<10112x128xf32, #tpu.memory_space<hbm>> -> memref<10112x128xf32, #tpu.memory_space<hbm>>
        tpu.wait_indirect_dma semaphore(%arg12 : memref<!tpu.dma_semaphore, #tpu.memory_space<semaphore_mem>>) src(%dma_wait3A_56 : memref<10112x128xf32, #tpu.memory_space<hbm>>) dst(%arg9 : memref<128x128xf32, #tpu.memory_space<vmem>>)
        %add3A_57 = arith.constant 0 : i32
        %add3A_58 = arith.addi %mul3A_49, %add3A_57 : i32
        %dma_start3A_59 = arith.constant 0 : i32
        %dma_start3A_60 = tpu.memref_slice %arg8[%add3A_58, %dma_start3A_59] : memref<48x128xi32, #tpu.memory_space<vmem>> -> memref<1x128xi32, #tpu.memory_space<vmem>>
        %dma_start3A_61 = tpu.memref_squeeze %dma_start3A_60 : memref<1x128xi32, #tpu.memory_space<vmem>> -> memref<128xi32, #tpu.memory_space<vmem>>
        %dma_start3A_62 = arith.constant 0 : i32
        %dma_start3A_63 = arith.constant 0 : i32
        %dma_start3A_64 = tpu.memref_slice %arg11[%dma_start3A_62, %dma_start3A_63] : memref<10112x128xf32, #tpu.memory_space<vmem_shared>> -> memref<10112x128xf32, #tpu.memory_space<vmem_shared>>
        tpu.enqueue_indirect_dma source(%arg9 : memref<128x128xf32, #tpu.memory_space<vmem>>) target(%dma_start3A_64 : memref<10112x128xf32, #tpu.memory_space<vmem_shared>>) offsets(%dma_start3A_61 : memref<128xi32, #tpu.memory_space<vmem>>) semaphore(%arg14 : memref<!tpu.dma_semaphore, #tpu.memory_space<semaphore_mem>>) {add = true}
        %add3A_65 = arith.constant 1 : i32
        %add3A_66 = arith.addi %mul3A_49, %add3A_65 : i32
        %dma_wait3A_67 = arith.constant 0 : i32
        %dma_wait3A_68 = tpu.memref_slice %arg7[%add3A_66, %dma_wait3A_67] : memref<48x128xi32, #tpu.memory_space<vmem>> -> memref<1x128xi32, #tpu.memory_space<vmem>>
        %dma_wait3A_69 = tpu.memref_squeeze %dma_wait3A_68 : memref<1x128xi32, #tpu.memory_space<vmem>> -> memref<128xi32, #tpu.memory_space<vmem>>
        %dma_wait3A_70 = arith.constant 0 : i32
        %dma_wait3A_71 = arith.constant 0 : i32
        %dma_wait3A_72 = tpu.memref_slice %arg2[%dma_wait3A_70, %dma_wait3A_71] : memref<10112x128xf32, #tpu.memory_space<hbm>> -> memref<10112x128xf32, #tpu.memory_space<hbm>>
        tpu.wait_indirect_dma semaphore(%arg13 : memref<!tpu.dma_semaphore, #tpu.memory_space<semaphore_mem>>) src(%dma_wait3A_72 : memref<10112x128xf32, #tpu.memory_space<hbm>>) dst(%arg10 : memref<128x128xf32, #tpu.memory_space<vmem>>)
        %add3A_73 = arith.constant 1 : i32
        %add3A_74 = arith.addi %mul3A_49, %add3A_73 : i32
        %dma_start3A_75 = arith.constant 0 : i32
        %dma_start3A_76 = tpu.memref_slice %arg8[%add3A_74, %dma_start3A_75] : memref<48x128xi32, #tpu.memory_space<vmem>> -> memref<1x128xi32, #tpu.memory_space<vmem>>
        %dma_start3A_77 = tpu.memref_squeeze %dma_start3A_76 : memref<1x128xi32, #tpu.memory_space<vmem>> -> memref<128xi32, #tpu.memory_space<vmem>>
        %dma_start3A_78 = arith.constant 0 : i32
        %dma_start3A_79 = arith.constant 0 : i32
        %dma_start3A_80 = tpu.memref_slice %arg11[%dma_start3A_78, %dma_start3A_79] : memref<10112x128xf32, #tpu.memory_space<vmem_shared>> -> memref<10112x128xf32, #tpu.memory_space<vmem_shared>>
        tpu.enqueue_indirect_dma source(%arg10 : memref<128x128xf32, #tpu.memory_space<vmem>>) target(%dma_start3A_80 : memref<10112x128xf32, #tpu.memory_space<vmem_shared>>) offsets(%dma_start3A_77 : memref<128xi32, #tpu.memory_space<vmem>>) semaphore(%arg15 : memref<!tpu.dma_semaphore, #tpu.memory_space<semaphore_mem>>) {add = true}
        %add3A_81 = arith.constant 0 : i32
        %add3A_82 = arith.addi %mul3A_49, %add3A_81 : i32
        %dma_wait3A_83 = arith.constant 0 : i32
        %dma_wait3A_84 = tpu.memref_slice %arg8[%add3A_82, %dma_wait3A_83] : memref<48x128xi32, #tpu.memory_space<vmem>> -> memref<1x128xi32, #tpu.memory_space<vmem>>
        %dma_wait3A_85 = tpu.memref_squeeze %dma_wait3A_84 : memref<1x128xi32, #tpu.memory_space<vmem>> -> memref<128xi32, #tpu.memory_space<vmem>>
        %dma_wait3A_86 = arith.constant 0 : i32
        %dma_wait3A_87 = arith.constant 0 : i32
        %dma_wait3A_88 = tpu.memref_slice %arg11[%dma_wait3A_86, %dma_wait3A_87] : memref<10112x128xf32, #tpu.memory_space<vmem_shared>> -> memref<10112x128xf32, #tpu.memory_space<vmem_shared>>
        tpu.wait_indirect_dma semaphore(%arg14 : memref<!tpu.dma_semaphore, #tpu.memory_space<semaphore_mem>>) src(%arg9 : memref<128x128xf32, #tpu.memory_space<vmem>>) dst(%dma_wait3A_88 : memref<10112x128xf32, #tpu.memory_space<vmem_shared>>)
        %lt3A = arith.constant 3 : i32
        %lt3A_89 = arith.cmpi slt, %scan3A_47, %lt3A : i32
        %convert_element_type3A_90 = arith.extui %lt3A_89 : i1 to i32
        %cond3A_91 = arith.constant 0 : i32
        %cond3A_92 = arith.cmpi ne, %convert_element_type3A_90, %cond3A_91 : i32
        scf.if %cond3A_92 {
          %add3A_106 = arith.constant 2 : i32
          %add3A_107 = arith.addi %mul3A_49, %add3A_106 : i32
          %add3A_108 = arith.constant 0 : i32
          %add3A_109 = arith.addi %add3A_107, %add3A_108 : i32
          %dma_start3A_110 = arith.constant 0 : i32
          %dma_start3A_111 = tpu.memref_slice %arg7[%add3A_109, %dma_start3A_110] : memref<48x128xi32, #tpu.memory_space<vmem>> -> memref<1x128xi32, #tpu.memory_space<vmem>>
          %dma_start3A_112 = tpu.memref_squeeze %dma_start3A_111 : memref<1x128xi32, #tpu.memory_space<vmem>> -> memref<128xi32, #tpu.memory_space<vmem>>
          %dma_start3A_113 = arith.constant 0 : i32
          %dma_start3A_114 = arith.constant 0 : i32
          %dma_start3A_115 = tpu.memref_slice %arg2[%dma_start3A_113, %dma_start3A_114] : memref<10112x128xf32, #tpu.memory_space<hbm>> -> memref<10112x128xf32, #tpu.memory_space<hbm>>
          tpu.enqueue_indirect_dma source(%dma_start3A_115 : memref<10112x128xf32, #tpu.memory_space<hbm>>) target(%arg9 : memref<128x128xf32, #tpu.memory_space<vmem>>) offsets(%dma_start3A_112 : memref<128xi32, #tpu.memory_space<vmem>>) semaphore(%arg12 : memref<!tpu.dma_semaphore, #tpu.memory_space<semaphore_mem>>)
        } else {
        }
        %add3A_93 = arith.constant 1 : i32
        %add3A_94 = arith.addi %mul3A_49, %add3A_93 : i32
        %dma_wait3A_95 = arith.constant 0 : i32
        %dma_wait3A_96 = tpu.memref_slice %arg8[%add3A_94, %dma_wait3A_95] : memref<48x128xi32, #tpu.memory_space<vmem>> -> memref<1x128xi32, #tpu.memory_space<vmem>>
        %dma_wait3A_97 = tpu.memref_squeeze %dma_wait3A_96 : memref<1x128xi32, #tpu.memory_space<vmem>> -> memref<128xi32, #tpu.memory_space<vmem>>
        %dma_wait3A_98 = arith.constant 0 : i32
        %dma_wait3A_99 = arith.constant 0 : i32
        %dma_wait3A_100 = tpu.memref_slice %arg11[%dma_wait3A_98, %dma_wait3A_99] : memref<10112x128xf32, #tpu.memory_space<vmem_shared>> -> memref<10112x128xf32, #tpu.memory_space<vmem_shared>>
        tpu.wait_indirect_dma semaphore(%arg15 : memref<!tpu.dma_semaphore, #tpu.memory_space<semaphore_mem>>) src(%arg10 : memref<128x128xf32, #tpu.memory_space<vmem>>) dst(%dma_wait3A_100 : memref<10112x128xf32, #tpu.memory_space<vmem_shared>>)
        %lt3A_101 = arith.constant 3 : i32
        %lt3A_102 = arith.cmpi slt, %scan3A_47, %lt3A_101 : i32
        %convert_element_type3A_103 = arith.extui %lt3A_102 : i1 to i32
        %cond3A_104 = arith.constant 0 : i32
        %cond3A_105 = arith.cmpi ne, %convert_element_type3A_103, %cond3A_104 : i32
        scf.if %cond3A_105 {
          %add3A_106 = arith.constant 2 : i32
          %add3A_107 = arith.addi %mul3A_49, %add3A_106 : i32
          %add3A_108 = arith.constant 1 : i32
          %add3A_109 = arith.addi %add3A_107, %add3A_108 : i32
          %dma_start3A_110 = arith.constant 0 : i32
          %dma_start3A_111 = tpu.memref_slice %arg7[%add3A_109, %dma_start3A_110] : memref<48x128xi32, #tpu.memory_space<vmem>> -> memref<1x128xi32, #tpu.memory_space<vmem>>
          %dma_start3A_112 = tpu.memref_squeeze %dma_start3A_111 : memref<1x128xi32, #tpu.memory_space<vmem>> -> memref<128xi32, #tpu.memory_space<vmem>>
          %dma_start3A_113 = arith.constant 0 : i32
          %dma_start3A_114 = arith.constant 0 : i32
          %dma_start3A_115 = tpu.memref_slice %arg2[%dma_start3A_113, %dma_start3A_114] : memref<10112x128xf32, #tpu.memory_space<hbm>> -> memref<10112x128xf32, #tpu.memory_space<hbm>>
          tpu.enqueue_indirect_dma source(%dma_start3A_115 : memref<10112x128xf32, #tpu.memory_space<hbm>>) target(%arg10 : memref<128x128xf32, #tpu.memory_space<vmem>>) offsets(%dma_start3A_112 : memref<128xi32, #tpu.memory_space<vmem>>) semaphore(%arg13 : memref<!tpu.dma_semaphore, #tpu.memory_space<semaphore_mem>>)
        } else {
        }
      }
      %scan3A_45 = arith.constant 4 : i32
      %scan3A_46 = arith.constant 1 : i32
    } else {
    }
    %not3A = arith.constant true
    %not3A_3 = arith.xori %eq3A_0, %not3A : i1
    %convert_element_type3A_4 = arith.extui %not3A_3 : i1 to i32
    %cond3A_5 = arith.constant 0 : i32
    %cond3A_6 = arith.cmpi ne, %convert_element_type3A_4, %cond3A_5 : i32
    scf.if %cond3A_6 {
      %mul3A_12 = arith.constant 8 : i32
      %mul3A_13 = arith.muli %arg1, %mul3A_12 : i32
      %add3A = arith.constant 2432 : i32
      %add3A_14 = arith.addi %add3A, %mul3A_13 : i32
      %scan3A = arith.constant 0 : i32
      %scan3A_15 = arith.constant 0 : i32
      %mul3A_16 = arith.constant 8 : i32
      %mul3A_17 = arith.muli %scan3A_15, %mul3A_16 : i32
      %add3A_18 = arith.addi %add3A_14, %mul3A_17 : i32
      %multiple_of3A = tpu.assume_multiple %add3A_18, 8 : i32
      "tpu.region"() ({
        %run_scoped3A = tpu.sem_alloc : memref<!tpu.dma_semaphore, #tpu.memory_space<semaphore_mem>>
        %dma_start3A_39 = arith.constant 0 : i32
        %dma_start3A_40 = arith.constant 0 : i32
        %dma_start3A_41 = tpu.memref_slice %arg7[%dma_start3A_39, %dma_start3A_40] : memref<48x128xi32, #tpu.memory_space<vmem>> -> memref<8x128xi32, #tpu.memory_space<vmem>>
        %dma_start3A_42 = arith.constant 0 : i32
        %dma_start3A_43 = tpu.memref_slice %arg3[%multiple_of3A, %dma_start3A_42] : memref<2560x128xi32, #tpu.memory_space<hbm>> -> memref<8x128xi32, #tpu.memory_space<hbm>>
        %dma_start3A_44 = arith.constant 0 : i32
        %dma_start3A_45 = arith.constant 0 : i32
        %dma_start3A_46 = tpu.memref_slice %arg7[%dma_start3A_44, %dma_start3A_45] : memref<48x128xi32, #tpu.memory_space<vmem>> -> memref<8x128xi32, #tpu.memory_space<vmem>>
        %dma_start3A_47 = arith.constant 0 : i32
        %dma_start3A_48 = tpu.memref_slice %arg3[%multiple_of3A, %dma_start3A_47] : memref<2560x128xi32, #tpu.memory_space<hbm>> -> memref<8x128xi32, #tpu.memory_space<hbm>>
        tpu.enqueue_dma source(%dma_start3A_48 : memref<8x128xi32, #tpu.memory_space<hbm>>) target(%dma_start3A_46 : memref<8x128xi32, #tpu.memory_space<vmem>>) target_semaphore(%run_scoped3A : memref<!tpu.dma_semaphore, #tpu.memory_space<semaphore_mem>>)
        %dma_wait3A = arith.constant 0 : i32
        %dma_wait3A_49 = arith.constant 0 : i32
        %dma_wait3A_50 = tpu.memref_slice %arg7[%dma_wait3A, %dma_wait3A_49] : memref<48x128xi32, #tpu.memory_space<vmem>> -> memref<8x128xi32, #tpu.memory_space<vmem>>
        %dma_wait3A_51 = arith.constant 0 : i32
        %dma_wait3A_52 = tpu.memref_slice %arg3[%multiple_of3A, %dma_wait3A_51] : memref<2560x128xi32, #tpu.memory_space<hbm>> -> memref<8x128xi32, #tpu.memory_space<hbm>>
        %dma_wait3A_53 = arith.constant 0 : i32
        %dma_wait3A_54 = arith.constant 0 : i32
        %dma_wait3A_55 = tpu.memref_slice %arg7[%dma_wait3A_53, %dma_wait3A_54] : memref<48x128xi32, #tpu.memory_space<vmem>> -> memref<8x128xi32, #tpu.memory_space<vmem>>
        %dma_wait3A_56 = arith.constant 0 : i32
        %dma_wait3A_57 = tpu.memref_slice %arg3[%multiple_of3A, %dma_wait3A_56] : memref<2560x128xi32, #tpu.memory_space<hbm>> -> memref<8x128xi32, #tpu.memory_space<hbm>>
        tpu.wait_dma2 semaphore(%run_scoped3A : memref<!tpu.dma_semaphore, #tpu.memory_space<semaphore_mem>>) src(%dma_wait3A_57 : memref<8x128xi32, #tpu.memory_space<hbm>>) dst(%dma_wait3A_55 : memref<8x128xi32, #tpu.memory_space<vmem>>)
        tpu.yield
      }) : () -> ()
      "tpu.region"() ({
        %run_scoped3A = tpu.sem_alloc : memref<!tpu.dma_semaphore, #tpu.memory_space<semaphore_mem>>
        %dma_start3A_39 = arith.constant 0 : i32
        %dma_start3A_40 = arith.constant 0 : i32
        %dma_start3A_41 = tpu.memref_slice %arg8[%dma_start3A_39, %dma_start3A_40] : memref<48x128xi32, #tpu.memory_space<vmem>> -> memref<8x128xi32, #tpu.memory_space<vmem>>
        %dma_start3A_42 = arith.constant 0 : i32
        %dma_start3A_43 = tpu.memref_slice %arg4[%multiple_of3A, %dma_start3A_42] : memref<2560x128xi32, #tpu.memory_space<hbm>> -> memref<8x128xi32, #tpu.memory_space<hbm>>
        %dma_start3A_44 = arith.constant 0 : i32
        %dma_start3A_45 = arith.constant 0 : i32
        %dma_start3A_46 = tpu.memref_slice %arg8[%dma_start3A_44, %dma_start3A_45] : memref<48x128xi32, #tpu.memory_space<vmem>> -> memref<8x128xi32, #tpu.memory_space<vmem>>
        %dma_start3A_47 = arith.constant 0 : i32
        %dma_start3A_48 = tpu.memref_slice %arg4[%multiple_of3A, %dma_start3A_47] : memref<2560x128xi32, #tpu.memory_space<hbm>> -> memref<8x128xi32, #tpu.memory_space<hbm>>
        tpu.enqueue_dma source(%dma_start3A_48 : memref<8x128xi32, #tpu.memory_space<hbm>>) target(%dma_start3A_46 : memref<8x128xi32, #tpu.memory_space<vmem>>) target_semaphore(%run_scoped3A : memref<!tpu.dma_semaphore, #tpu.memory_space<semaphore_mem>>)
        %dma_wait3A = arith.constant 0 : i32
        %dma_wait3A_49 = arith.constant 0 : i32
        %dma_wait3A_50 = tpu.memref_slice %arg8[%dma_wait3A, %dma_wait3A_49] : memref<48x128xi32, #tpu.memory_space<vmem>> -> memref<8x128xi32, #tpu.memory_space<vmem>>
        %dma_wait3A_51 = arith.constant 0 : i32
        %dma_wait3A_52 = tpu.memref_slice %arg4[%multiple_of3A, %dma_wait3A_51] : memref<2560x128xi32, #tpu.memory_space<hbm>> -> memref<8x128xi32, #tpu.memory_space<hbm>>
        %dma_wait3A_53 = arith.constant 0 : i32
        %dma_wait3A_54 = arith.constant 0 : i32
        %dma_wait3A_55 = tpu.memref_slice %arg8[%dma_wait3A_53, %dma_wait3A_54] : memref<48x128xi32, #tpu.memory_space<vmem>> -> memref<8x128xi32, #tpu.memory_space<vmem>>
        %dma_wait3A_56 = arith.constant 0 : i32
        %dma_wait3A_57 = tpu.memref_slice %arg4[%multiple_of3A, %dma_wait3A_56] : memref<2560x128xi32, #tpu.memory_space<hbm>> -> memref<8x128xi32, #tpu.memory_space<hbm>>
        tpu.wait_dma2 semaphore(%run_scoped3A : memref<!tpu.dma_semaphore, #tpu.memory_space<semaphore_mem>>) src(%dma_wait3A_57 : memref<8x128xi32, #tpu.memory_space<hbm>>) dst(%dma_wait3A_55 : memref<8x128xi32, #tpu.memory_space<vmem>>)
        tpu.yield
      }) : () -> ()
      %dma_start3A = arith.constant 0 : i32
      %dma_start3A_19 = arith.constant 0 : i32
      %dma_start3A_20 = tpu.memref_slice %arg7[%dma_start3A, %dma_start3A_19] : memref<48x128xi32, #tpu.memory_space<vmem>> -> memref<1x128xi32, #tpu.memory_space<vmem>>
      %dma_start3A_21 = tpu.memref_squeeze %dma_start3A_20 : memref<1x128xi32, #tpu.memory_space<vmem>> -> memref<128xi32, #tpu.memory_space<vmem>>
      %dma_start3A_22 = arith.constant 0 : i32
      %dma_start3A_23 = arith.constant 0 : i32
      %dma_start3A_24 = tpu.memref_slice %arg2[%dma_start3A_22, %dma_start3A_23] : memref<10112x128xf32, #tpu.memory_space<hbm>> -> memref<10112x128xf32, #tpu.memory_space<hbm>>
      tpu.enqueue_indirect_dma source(%dma_start3A_24 : memref<10112x128xf32, #tpu.memory_space<hbm>>) target(%arg9 : memref<128x128xf32, #tpu.memory_space<vmem>>) offsets(%dma_start3A_21 : memref<128xi32, #tpu.memory_space<vmem>>) semaphore(%arg12 : memref<!tpu.dma_semaphore, #tpu.memory_space<semaphore_mem>>)
      %dma_start3A_25 = arith.constant 1 : i32
      %dma_start3A_26 = arith.constant 0 : i32
      %dma_start3A_27 = tpu.memref_slice %arg7[%dma_start3A_25, %dma_start3A_26] : memref<48x128xi32, #tpu.memory_space<vmem>> -> memref<1x128xi32, #tpu.memory_space<vmem>>
      %dma_start3A_28 = tpu.memref_squeeze %dma_start3A_27 : memref<1x128xi32, #tpu.memory_space<vmem>> -> memref<128xi32, #tpu.memory_space<vmem>>
      %dma_start3A_29 = arith.constant 0 : i32
      %dma_start3A_30 = arith.constant 0 : i32
      %dma_start3A_31 = tpu.memref_slice %arg2[%dma_start3A_29, %dma_start3A_30] : memref<10112x128xf32, #tpu.memory_space<hbm>> -> memref<10112x128xf32, #tpu.memory_space<hbm>>
      tpu.enqueue_indirect_dma source(%dma_start3A_31 : memref<10112x128xf32, #tpu.memory_space<hbm>>) target(%arg10 : memref<128x128xf32, #tpu.memory_space<vmem>>) offsets(%dma_start3A_28 : memref<128xi32, #tpu.memory_space<vmem>>) semaphore(%arg13 : memref<!tpu.dma_semaphore, #tpu.memory_space<semaphore_mem>>)
      %scan3A_32 = arith.constant 0 : i32
      %scan3A_33 = arith.constant 0 : i32
      %scan3A_34 = arith.constant 4 : i32
      %scan3A_35 = arith.addi %scan3A_33, %scan3A_34 : i32
      %scan3A_36 = arith.constant 1 : i32
      scf.for %scan3A_39 = %scan3A_33 to %scan3A_35 step %scan3A_36  : i32 {
        %mul3A_40 = arith.constant 2 : i32
        %mul3A_41 = arith.muli %scan3A_39, %mul3A_40 : i32
        %add3A_42 = arith.constant 0 : i32
        %add3A_43 = arith.addi %mul3A_41, %add3A_42 : i32
        %dma_wait3A = arith.constant 0 : i32
        %dma_wait3A_44 = tpu.memref_slice %arg7[%add3A_43, %dma_wait3A] : memref<48x128xi32, #tpu.memory_space<vmem>> -> memref<1x128xi32, #tpu.memory_space<vmem>>
        %dma_wait3A_45 = tpu.memref_squeeze %dma_wait3A_44 : memref<1x128xi32, #tpu.memory_space<vmem>> -> memref<128xi32, #tpu.memory_space<vmem>>
        %dma_wait3A_46 = arith.constant 0 : i32
        %dma_wait3A_47 = arith.constant 0 : i32
        %dma_wait3A_48 = tpu.memref_slice %arg2[%dma_wait3A_46, %dma_wait3A_47] : memref<10112x128xf32, #tpu.memory_space<hbm>> -> memref<10112x128xf32, #tpu.memory_space<hbm>>
        tpu.wait_indirect_dma semaphore(%arg12 : memref<!tpu.dma_semaphore, #tpu.memory_space<semaphore_mem>>) src(%dma_wait3A_48 : memref<10112x128xf32, #tpu.memory_space<hbm>>) dst(%arg9 : memref<128x128xf32, #tpu.memory_space<vmem>>)
        %add3A_49 = arith.constant 0 : i32
        %add3A_50 = arith.addi %mul3A_41, %add3A_49 : i32
        %dma_start3A_51 = arith.constant 0 : i32
        %dma_start3A_52 = tpu.memref_slice %arg8[%add3A_50, %dma_start3A_51] : memref<48x128xi32, #tpu.memory_space<vmem>> -> memref<1x128xi32, #tpu.memory_space<vmem>>
        %dma_start3A_53 = tpu.memref_squeeze %dma_start3A_52 : memref<1x128xi32, #tpu.memory_space<vmem>> -> memref<128xi32, #tpu.memory_space<vmem>>
        %dma_start3A_54 = arith.constant 0 : i32
        %dma_start3A_55 = arith.constant 0 : i32
        %dma_start3A_56 = tpu.memref_slice %arg11[%dma_start3A_54, %dma_start3A_55] : memref<10112x128xf32, #tpu.memory_space<vmem_shared>> -> memref<10112x128xf32, #tpu.memory_space<vmem_shared>>
        tpu.enqueue_indirect_dma source(%arg9 : memref<128x128xf32, #tpu.memory_space<vmem>>) target(%dma_start3A_56 : memref<10112x128xf32, #tpu.memory_space<vmem_shared>>) offsets(%dma_start3A_53 : memref<128xi32, #tpu.memory_space<vmem>>) semaphore(%arg14 : memref<!tpu.dma_semaphore, #tpu.memory_space<semaphore_mem>>) {add = true}
        %add3A_57 = arith.constant 1 : i32
        %add3A_58 = arith.addi %mul3A_41, %add3A_57 : i32
        %dma_wait3A_59 = arith.constant 0 : i32
        %dma_wait3A_60 = tpu.memref_slice %arg7[%add3A_58, %dma_wait3A_59] : memref<48x128xi32, #tpu.memory_space<vmem>> -> memref<1x128xi32, #tpu.memory_space<vmem>>
        %dma_wait3A_61 = tpu.memref_squeeze %dma_wait3A_60 : memref<1x128xi32, #tpu.memory_space<vmem>> -> memref<128xi32, #tpu.memory_space<vmem>>
        %dma_wait3A_62 = arith.constant 0 : i32
        %dma_wait3A_63 = arith.constant 0 : i32
        %dma_wait3A_64 = tpu.memref_slice %arg2[%dma_wait3A_62, %dma_wait3A_63] : memref<10112x128xf32, #tpu.memory_space<hbm>> -> memref<10112x128xf32, #tpu.memory_space<hbm>>
        tpu.wait_indirect_dma semaphore(%arg13 : memref<!tpu.dma_semaphore, #tpu.memory_space<semaphore_mem>>) src(%dma_wait3A_64 : memref<10112x128xf32, #tpu.memory_space<hbm>>) dst(%arg10 : memref<128x128xf32, #tpu.memory_space<vmem>>)
        %add3A_65 = arith.constant 1 : i32
        %add3A_66 = arith.addi %mul3A_41, %add3A_65 : i32
        %dma_start3A_67 = arith.constant 0 : i32
        %dma_start3A_68 = tpu.memref_slice %arg8[%add3A_66, %dma_start3A_67] : memref<48x128xi32, #tpu.memory_space<vmem>> -> memref<1x128xi32, #tpu.memory_space<vmem>>
        %dma_start3A_69 = tpu.memref_squeeze %dma_start3A_68 : memref<1x128xi32, #tpu.memory_space<vmem>> -> memref<128xi32, #tpu.memory_space<vmem>>
        %dma_start3A_70 = arith.constant 0 : i32
        %dma_start3A_71 = arith.constant 0 : i32
        %dma_start3A_72 = tpu.memref_slice %arg11[%dma_start3A_70, %dma_start3A_71] : memref<10112x128xf32, #tpu.memory_space<vmem_shared>> -> memref<10112x128xf32, #tpu.memory_space<vmem_shared>>
        tpu.enqueue_indirect_dma source(%arg10 : memref<128x128xf32, #tpu.memory_space<vmem>>) target(%dma_start3A_72 : memref<10112x128xf32, #tpu.memory_space<vmem_shared>>) offsets(%dma_start3A_69 : memref<128xi32, #tpu.memory_space<vmem>>) semaphore(%arg15 : memref<!tpu.dma_semaphore, #tpu.memory_space<semaphore_mem>>) {add = true}
        %add3A_73 = arith.constant 0 : i32
        %add3A_74 = arith.addi %mul3A_41, %add3A_73 : i32
        %dma_wait3A_75 = arith.constant 0 : i32
        %dma_wait3A_76 = tpu.memref_slice %arg8[%add3A_74, %dma_wait3A_75] : memref<48x128xi32, #tpu.memory_space<vmem>> -> memref<1x128xi32, #tpu.memory_space<vmem>>
        %dma_wait3A_77 = tpu.memref_squeeze %dma_wait3A_76 : memref<1x128xi32, #tpu.memory_space<vmem>> -> memref<128xi32, #tpu.memory_space<vmem>>
        %dma_wait3A_78 = arith.constant 0 : i32
        %dma_wait3A_79 = arith.constant 0 : i32
        %dma_wait3A_80 = tpu.memref_slice %arg11[%dma_wait3A_78, %dma_wait3A_79] : memref<10112x128xf32, #tpu.memory_space<vmem_shared>> -> memref<10112x128xf32, #tpu.memory_space<vmem_shared>>
        tpu.wait_indirect_dma semaphore(%arg14 : memref<!tpu.dma_semaphore, #tpu.memory_space<semaphore_mem>>) src(%arg9 : memref<128x128xf32, #tpu.memory_space<vmem>>) dst(%dma_wait3A_80 : memref<10112x128xf32, #tpu.memory_space<vmem_shared>>)
        %lt3A = arith.constant 3 : i32
        %lt3A_81 = arith.cmpi slt, %scan3A_39, %lt3A : i32
        %convert_element_type3A_82 = arith.extui %lt3A_81 : i1 to i32
        %cond3A_83 = arith.constant 0 : i32
        %cond3A_84 = arith.cmpi ne, %convert_element_type3A_82, %cond3A_83 : i32
        scf.if %cond3A_84 {
          %add3A_98 = arith.constant 2 : i32
          %add3A_99 = arith.addi %mul3A_41, %add3A_98 : i32
          %add3A_100 = arith.constant 0 : i32
          %add3A_101 = arith.addi %add3A_99, %add3A_100 : i32
          %dma_start3A_102 = arith.constant 0 : i32
          %dma_start3A_103 = tpu.memref_slice %arg7[%add3A_101, %dma_start3A_102] : memref<48x128xi32, #tpu.memory_space<vmem>> -> memref<1x128xi32, #tpu.memory_space<vmem>>
          %dma_start3A_104 = tpu.memref_squeeze %dma_start3A_103 : memref<1x128xi32, #tpu.memory_space<vmem>> -> memref<128xi32, #tpu.memory_space<vmem>>
          %dma_start3A_105 = arith.constant 0 : i32
          %dma_start3A_106 = arith.constant 0 : i32
          %dma_start3A_107 = tpu.memref_slice %arg2[%dma_start3A_105, %dma_start3A_106] : memref<10112x128xf32, #tpu.memory_space<hbm>> -> memref<10112x128xf32, #tpu.memory_space<hbm>>
          tpu.enqueue_indirect_dma source(%dma_start3A_107 : memref<10112x128xf32, #tpu.memory_space<hbm>>) target(%arg9 : memref<128x128xf32, #tpu.memory_space<vmem>>) offsets(%dma_start3A_104 : memref<128xi32, #tpu.memory_space<vmem>>) semaphore(%arg12 : memref<!tpu.dma_semaphore, #tpu.memory_space<semaphore_mem>>)
        } else {
        }
        %add3A_85 = arith.constant 1 : i32
        %add3A_86 = arith.addi %mul3A_41, %add3A_85 : i32
        %dma_wait3A_87 = arith.constant 0 : i32
        %dma_wait3A_88 = tpu.memref_slice %arg8[%add3A_86, %dma_wait3A_87] : memref<48x128xi32, #tpu.memory_space<vmem>> -> memref<1x128xi32, #tpu.memory_space<vmem>>
        %dma_wait3A_89 = tpu.memref_squeeze %dma_wait3A_88 : memref<1x128xi32, #tpu.memory_space<vmem>> -> memref<128xi32, #tpu.memory_space<vmem>>
        %dma_wait3A_90 = arith.constant 0 : i32
        %dma_wait3A_91 = arith.constant 0 : i32
        %dma_wait3A_92 = tpu.memref_slice %arg11[%dma_wait3A_90, %dma_wait3A_91] : memref<10112x128xf32, #tpu.memory_space<vmem_shared>> -> memref<10112x128xf32, #tpu.memory_space<vmem_shared>>
        tpu.wait_indirect_dma semaphore(%arg15 : memref<!tpu.dma_semaphore, #tpu.memory_space<semaphore_mem>>) src(%arg10 : memref<128x128xf32, #tpu.memory_space<vmem>>) dst(%dma_wait3A_92 : memref<10112x128xf32, #tpu.memory_space<vmem_shared>>)
        %lt3A_93 = arith.constant 3 : i32
        %lt3A_94 = arith.cmpi slt, %scan3A_39, %lt3A_93 : i32
        %convert_element_type3A_95 = arith.extui %lt3A_94 : i1 to i32
        %cond3A_96 = arith.constant 0 : i32
        %cond3A_97 = arith.cmpi ne, %convert_element_type3A_95, %cond3A_96 : i32
        scf.if %cond3A_97 {
          %add3A_98 = arith.constant 2 : i32
          %add3A_99 = arith.addi %mul3A_41, %add3A_98 : i32
          %add3A_100 = arith.constant 1 : i32
          %add3A_101 = arith.addi %add3A_99, %add3A_100 : i32
          %dma_start3A_102 = arith.constant 0 : i32
          %dma_start3A_103 = tpu.memref_slice %arg7[%add3A_101, %dma_start3A_102] : memref<48x128xi32, #tpu.memory_space<vmem>> -> memref<1x128xi32, #tpu.memory_space<vmem>>
          %dma_start3A_104 = tpu.memref_squeeze %dma_start3A_103 : memref<1x128xi32, #tpu.memory_space<vmem>> -> memref<128xi32, #tpu.memory_space<vmem>>
          %dma_start3A_105 = arith.constant 0 : i32
          %dma_start3A_106 = arith.constant 0 : i32
          %dma_start3A_107 = tpu.memref_slice %arg2[%dma_start3A_105, %dma_start3A_106] : memref<10112x128xf32, #tpu.memory_space<hbm>> -> memref<10112x128xf32, #tpu.memory_space<hbm>>
          tpu.enqueue_indirect_dma source(%dma_start3A_107 : memref<10112x128xf32, #tpu.memory_space<hbm>>) target(%arg10 : memref<128x128xf32, #tpu.memory_space<vmem>>) offsets(%dma_start3A_104 : memref<128xi32, #tpu.memory_space<vmem>>) semaphore(%arg13 : memref<!tpu.dma_semaphore, #tpu.memory_space<semaphore_mem>>)
        } else {
        }
      }
      %scan3A_37 = arith.constant 4 : i32
      %scan3A_38 = arith.constant 1 : i32
    } else {
    }
    %barrier3A_7 = arith.constant 0 : index
    tpu.barrier barrier_id(%barrier3A_7)
    %mul3A_8 = arith.constant 632 : i32
    %mul3A_9 = arith.muli %arg1, %mul3A_8 : i32
    %mul3A_10 = arith.constant 632 : i32
    %mul3A_11 = arith.muli %arg1, %mul3A_10 : i32
    "tpu.region"() ({
      %run_scoped3A = tpu.sem_alloc : memref<!tpu.dma_semaphore, #tpu.memory_space<semaphore_mem>>
      %dma_start3A = arith.constant 0 : i32
      %dma_start3A_12 = tpu.memref_slice %arg6[%arg0, %mul3A_11, %dma_start3A] : memref<2x10112x128xf32, #tpu.memory_space<hbm>> -> memref<1x632x128xf32, #tpu.memory_space<hbm>>
      %dma_start3A_13 = tpu.memref_squeeze %dma_start3A_12 : memref<1x632x128xf32, #tpu.memory_space<hbm>> -> memref<632x128xf32, #tpu.memory_space<hbm>>
      %dma_start3A_14 = arith.constant 0 : i32
      %dma_start3A_15 = tpu.memref_slice %arg11[%mul3A_9, %dma_start3A_14] : memref<10112x128xf32, #tpu.memory_space<vmem_shared>> -> memref<632x128xf32, #tpu.memory_space<vmem_shared>>
      tpu.enqueue_dma source(%dma_start3A_15 : memref<632x128xf32, #tpu.memory_space<vmem_shared>>) target(%dma_start3A_13 : memref<632x128xf32, #tpu.memory_space<hbm>>) target_semaphore(%run_scoped3A : memref<!tpu.dma_semaphore, #tpu.memory_space<semaphore_mem>>)
      %dma_wait3A = arith.constant 0 : i32
      %dma_wait3A_16 = tpu.memref_slice %arg6[%arg0, %mul3A_11, %dma_wait3A] : memref<2x10112x128xf32, #tpu.memory_space<hbm>> -> memref<1x632x128xf32, #tpu.memory_space<hbm>>
      %dma_wait3A_17 = tpu.memref_squeeze %dma_wait3A_16 : memref<1x632x128xf32, #tpu.memory_space<hbm>> -> memref<632x128xf32, #tpu.memory_space<hbm>>
      %dma_wait3A_18 = arith.constant 0 : i32
      %dma_wait3A_19 = tpu.memref_slice %arg11[%mul3A_9, %dma_wait3A_18] : memref<10112x128xf32, #tpu.memory_space<vmem_shared>> -> memref<632x128xf32, #tpu.memory_space<vmem_shared>>
      tpu.wait_dma2 semaphore(%run_scoped3A : memref<!tpu.dma_semaphore, #tpu.memory_space<semaphore_mem>>) src(%dma_wait3A_19 : memref<632x128xf32, #tpu.memory_space<vmem_shared>>) dst(%dma_wait3A_17 : memref<632x128xf32, #tpu.memory_space<hbm>>)
      tpu.yield
    }) : () -> ()
    return
  }
}

#map = affine_map<(d0, d1) -> (0, 0)>
#map1 = affine_map<(d0, d1) -> (0, 0, 0)>
module attributes {stable_mosaic.version = 14 : i64} {
  func.func @body(%arg0: i32, %arg1: i32, %arg2: memref<10112x128xf32, #tpu.memory_space<hbm>>, %arg3: memref<2560x128xi32, #tpu.memory_space<hbm>>, %arg4: memref<2560x128xi32, #tpu.memory_space<hbm>>, %arg5: memref<632x128xf32, #tpu.memory_space<hbm>>, %arg6: memref<2x10112x128xf32, #tpu.memory_space<hbm>>, %arg7: memref<48x128xi32, #tpu.memory_space<vmem>>, %arg8: memref<48x128xi32, #tpu.memory_space<vmem>>, %arg9: memref<128x128xf32, #tpu.memory_space<vmem>>, %arg10: memref<128x128xf32, #tpu.memory_space<vmem>>, %arg11: memref<10112x128xf32, #tpu.memory_space<vmem_shared>>, %arg12: memref<!tpu.dma_semaphore, #tpu.memory_space<semaphore_mem>>, %arg13: memref<!tpu.dma_semaphore, #tpu.memory_space<semaphore_mem>>, %arg14: memref<!tpu.dma_semaphore, #tpu.memory_space<semaphore_mem>>, %arg15: memref<!tpu.dma_semaphore, #tpu.memory_space<semaphore_mem>>) attributes {dimension_semantics = [#tpu.dimension_semantics<core_parallel>, #tpu.dimension_semantics<subcore_parallel>], iteration_bounds = array<i64: 2, 16>, scalar_prefetch = 0 : i64, scratch_operands = 9 : i64, tpu.core_type = #tpu.core_type<sc_vector_subcore>, window_params = [{transform_indices = #map}, {transform_indices = #map}, {transform_indices = #map}, {transform_indices = #map}, {transform_indices = #map1}]} {
    %eq3A = arith.constant 0 : i32
    %eq3A_0 = arith.cmpi eq, %arg0, %eq3A : i32
    %mul3A = arith.constant 632 : i32
    %mul3A_1 = arith.muli %arg1, %mul3A : i32
    "tpu.region"() ({
      %run_scoped3A = tpu.sem_alloc : memref<!tpu.dma_semaphore, #tpu.memory_space<semaphore_mem>>
      %dma_start3A = arith.constant 0 : i32
      %dma_start3A_12 = tpu.memref_slice %arg11[%mul3A_1, %dma_start3A] : memref<10112x128xf32, #tpu.memory_space<vmem_shared>> -> memref<632x128xf32, #tpu.memory_space<vmem_shared>>
      tpu.enqueue_dma source(%arg5 : memref<632x128xf32, #tpu.memory_space<hbm>>) target(%dma_start3A_12 : memref<632x128xf32, #tpu.memory_space<vmem_shared>>) target_semaphore(%run_scoped3A : memref<!tpu.dma_semaphore, #tpu.memory_space<semaphore_mem>>)
      %dma_wait3A = arith.constant 0 : i32
      %dma_wait3A_13 = tpu.memref_slice %arg11[%mul3A_1, %dma_wait3A] : memref<10112x128xf32, #tpu.memory_space<vmem_shared>> -> memref<632x128xf32, #tpu.memory_space<vmem_shared>>
      tpu.wait_dma2 semaphore(%run_scoped3A : memref<!tpu.dma_semaphore, #tpu.memory_space<semaphore_mem>>) src(%arg5 : memref<632x128xf32, #tpu.memory_space<hbm>>) dst(%dma_wait3A_13 : memref<632x128xf32, #tpu.memory_space<vmem_shared>>)
      tpu.yield
    }) : () -> ()
    %barrier3A = arith.constant 0 : index
    tpu.barrier barrier_id(%barrier3A)
    %convert_element_type3A = arith.extui %eq3A_0 : i1 to i32
    %cond3A = arith.constant 0 : i32
    %cond3A_2 = arith.cmpi ne, %convert_element_type3A, %cond3A : i32
    scf.if %cond3A_2 {
      %mul3A_12 = arith.constant 152 : i32
      %mul3A_13 = arith.muli %arg1, %mul3A_12 : i32
      %scan3A = arith.constant 0 : i32
      %scan3A_14 = arith.constant 0 : i32
      %scan3A_15 = arith.constant 3 : i32
      %scan3A_16 = arith.addi %scan3A_14, %scan3A_15 : i32
      %scan3A_17 = arith.constant 1 : i32
      scf.for %scan3A_47 = %scan3A_14 to %scan3A_16 step %scan3A_17  : i32 {
        %mul3A_48 = arith.constant 48 : i32
        %mul3A_49 = arith.muli %scan3A_47, %mul3A_48 : i32
        %add3A_50 = arith.addi %mul3A_13, %mul3A_49 : i32
        %multiple_of3A_51 = tpu.assume_multiple %add3A_50, 8 : i32
        "tpu.region"() ({
          %run_scoped3A = tpu.sem_alloc : memref<!tpu.dma_semaphore, #tpu.memory_space<semaphore_mem>>
          %dma_start3A_72 = arith.constant 0 : i32
          %dma_start3A_73 = arith.constant 0 : i32
          %dma_start3A_74 = tpu.memref_slice %arg7[%dma_start3A_72, %dma_start3A_73] : memref<48x128xi32, #tpu.memory_space<vmem>> -> memref<48x128xi32, #tpu.memory_space<vmem>>
          %dma_start3A_75 = arith.constant 0 : i32
          %dma_start3A_76 = tpu.memref_slice %arg3[%multiple_of3A_51, %dma_start3A_75] : memref<2560x128xi32, #tpu.memory_space<hbm>> -> memref<48x128xi32, #tpu.memory_space<hbm>>
          %dma_start3A_77 = arith.constant 0 : i32
          %dma_start3A_78 = arith.constant 0 : i32
          %dma_start3A_79 = tpu.memref_slice %arg7[%dma_start3A_77, %dma_start3A_78] : memref<48x128xi32, #tpu.memory_space<vmem>> -> memref<48x128xi32, #tpu.memory_space<vmem>>
          %dma_start3A_80 = arith.constant 0 : i32
          %dma_start3A_81 = tpu.memref_slice %arg3[%multiple_of3A_51, %dma_start3A_80] : memref<2560x128xi32, #tpu.memory_space<hbm>> -> memref<48x128xi32, #tpu.memory_space<hbm>>
          tpu.enqueue_dma source(%dma_start3A_81 : memref<48x128xi32, #tpu.memory_space<hbm>>) target(%dma_start3A_79 : memref<48x128xi32, #tpu.memory_space<vmem>>) target_semaphore(%run_scoped3A : memref<!tpu.dma_semaphore, #tpu.memory_space<semaphore_mem>>)
          %dma_wait3A = arith.constant 0 : i32
          %dma_wait3A_82 = arith.constant 0 : i32
          %dma_wait3A_83 = tpu.memref_slice %arg7[%dma_wait3A, %dma_wait3A_82] : memref<48x128xi32, #tpu.memory_space<vmem>> -> memref<48x128xi32, #tpu.memory_space<vmem>>
          %dma_wait3A_84 = arith.constant 0 : i32
          %dma_wait3A_85 = tpu.memref_slice %arg3[%multiple_of3A_51, %dma_wait3A_84] : memref<2560x128xi32, #tpu.memory_space<hbm>> -> memref<48x128xi32, #tpu.memory_space<hbm>>
          %dma_wait3A_86 = arith.constant 0 : i32
          %dma_wait3A_87 = arith.constant 0 : i32
          %dma_wait3A_88 = tpu.memref_slice %arg7[%dma_wait3A_86, %dma_wait3A_87] : memref<48x128xi32, #tpu.memory_space<vmem>> -> memref<48x128xi32, #tpu.memory_space<vmem>>
          %dma_wait3A_89 = arith.constant 0 : i32
          %dma_wait3A_90 = tpu.memref_slice %arg3[%multiple_of3A_51, %dma_wait3A_89] : memref<2560x128xi32, #tpu.memory_space<hbm>> -> memref<48x128xi32, #tpu.memory_space<hbm>>
          tpu.wait_dma2 semaphore(%run_scoped3A : memref<!tpu.dma_semaphore, #tpu.memory_space<semaphore_mem>>) src(%dma_wait3A_90 : memref<48x128xi32, #tpu.memory_space<hbm>>) dst(%dma_wait3A_88 : memref<48x128xi32, #tpu.memory_space<vmem>>)
          tpu.yield
        }) : () -> ()
        "tpu.region"() ({
          %run_scoped3A = tpu.sem_alloc : memref<!tpu.dma_semaphore, #tpu.memory_space<semaphore_mem>>
          %dma_start3A_72 = arith.constant 0 : i32
          %dma_start3A_73 = arith.constant 0 : i32
          %dma_start3A_74 = tpu.memref_slice %arg8[%dma_start3A_72, %dma_start3A_73] : memref<48x128xi32, #tpu.memory_space<vmem>> -> memref<48x128xi32, #tpu.memory_space<vmem>>
          %dma_start3A_75 = arith.constant 0 : i32
          %dma_start3A_76 = tpu.memref_slice %arg4[%multiple_of3A_51, %dma_start3A_75] : memref<2560x128xi32, #tpu.memory_space<hbm>> -> memref<48x128xi32, #tpu.memory_space<hbm>>
          %dma_start3A_77 = arith.constant 0 : i32
          %dma_start3A_78 = arith.constant 0 : i32
          %dma_start3A_79 = tpu.memref_slice %arg8[%dma_start3A_77, %dma_start3A_78] : memref<48x128xi32, #tpu.memory_space<vmem>> -> memref<48x128xi32, #tpu.memory_space<vmem>>
          %dma_start3A_80 = arith.constant 0 : i32
          %dma_start3A_81 = tpu.memref_slice %arg4[%multiple_of3A_51, %dma_start3A_80] : memref<2560x128xi32, #tpu.memory_space<hbm>> -> memref<48x128xi32, #tpu.memory_space<hbm>>
          tpu.enqueue_dma source(%dma_start3A_81 : memref<48x128xi32, #tpu.memory_space<hbm>>) target(%dma_start3A_79 : memref<48x128xi32, #tpu.memory_space<vmem>>) target_semaphore(%run_scoped3A : memref<!tpu.dma_semaphore, #tpu.memory_space<semaphore_mem>>)
          %dma_wait3A = arith.constant 0 : i32
          %dma_wait3A_82 = arith.constant 0 : i32
          %dma_wait3A_83 = tpu.memref_slice %arg8[%dma_wait3A, %dma_wait3A_82] : memref<48x128xi32, #tpu.memory_space<vmem>> -> memref<48x128xi32, #tpu.memory_space<vmem>>
          %dma_wait3A_84 = arith.constant 0 : i32
          %dma_wait3A_85 = tpu.memref_slice %arg4[%multiple_of3A_51, %dma_wait3A_84] : memref<2560x128xi32, #tpu.memory_space<hbm>> -> memref<48x128xi32, #tpu.memory_space<hbm>>
          %dma_wait3A_86 = arith.constant 0 : i32
          %dma_wait3A_87 = arith.constant 0 : i32
          %dma_wait3A_88 = tpu.memref_slice %arg8[%dma_wait3A_86, %dma_wait3A_87] : memref<48x128xi32, #tpu.memory_space<vmem>> -> memref<48x128xi32, #tpu.memory_space<vmem>>
          %dma_wait3A_89 = arith.constant 0 : i32
          %dma_wait3A_90 = tpu.memref_slice %arg4[%multiple_of3A_51, %dma_wait3A_89] : memref<2560x128xi32, #tpu.memory_space<hbm>> -> memref<48x128xi32, #tpu.memory_space<hbm>>
          tpu.wait_dma2 semaphore(%run_scoped3A : memref<!tpu.dma_semaphore, #tpu.memory_space<semaphore_mem>>) src(%dma_wait3A_90 : memref<48x128xi32, #tpu.memory_space<hbm>>) dst(%dma_wait3A_88 : memref<48x128xi32, #tpu.memory_space<vmem>>)
          tpu.yield
        }) : () -> ()
        %dma_start3A_52 = arith.constant 0 : i32
        %dma_start3A_53 = arith.constant 0 : i32
        %dma_start3A_54 = tpu.memref_slice %arg7[%dma_start3A_52, %dma_start3A_53] : memref<48x128xi32, #tpu.memory_space<vmem>> -> memref<1x128xi32, #tpu.memory_space<vmem>>
        %dma_start3A_55 = tpu.memref_squeeze %dma_start3A_54 : memref<1x128xi32, #tpu.memory_space<vmem>> -> memref<128xi32, #tpu.memory_space<vmem>>
        %dma_start3A_56 = arith.constant 0 : i32
        %dma_start3A_57 = arith.constant 0 : i32
        %dma_start3A_58 = tpu.memref_slice %arg2[%dma_start3A_56, %dma_start3A_57] : memref<10112x128xf32, #tpu.memory_space<hbm>> -> memref<10112x128xf32, #tpu.memory_space<hbm>>
        tpu.enqueue_indirect_dma source(%dma_start3A_58 : memref<10112x128xf32, #tpu.memory_space<hbm>>) target(%arg9 : memref<128x128xf32, #tpu.memory_space<vmem>>) offsets(%dma_start3A_55 : memref<128xi32, #tpu.memory_space<vmem>>) semaphore(%arg12 : memref<!tpu.dma_semaphore, #tpu.memory_space<semaphore_mem>>)
        %dma_start3A_59 = arith.constant 1 : i32
        %dma_start3A_60 = arith.constant 0 : i32
        %dma_start3A_61 = tpu.memref_slice %arg7[%dma_start3A_59, %dma_start3A_60] : memref<48x128xi32, #tpu.memory_space<vmem>> -> memref<1x128xi32, #tpu.memory_space<vmem>>
        %dma_start3A_62 = tpu.memref_squeeze %dma_start3A_61 : memref<1x128xi32, #tpu.memory_space<vmem>> -> memref<128xi32, #tpu.memory_space<vmem>>
        %dma_start3A_63 = arith.constant 0 : i32
        %dma_start3A_64 = arith.constant 0 : i32
        %dma_start3A_65 = tpu.memref_slice %arg2[%dma_start3A_63, %dma_start3A_64] : memref<10112x128xf32, #tpu.memory_space<hbm>> -> memref<10112x128xf32, #tpu.memory_space<hbm>>
        tpu.enqueue_indirect_dma source(%dma_start3A_65 : memref<10112x128xf32, #tpu.memory_space<hbm>>) target(%arg10 : memref<128x128xf32, #tpu.memory_space<vmem>>) offsets(%dma_start3A_62 : memref<128xi32, #tpu.memory_space<vmem>>) semaphore(%arg13 : memref<!tpu.dma_semaphore, #tpu.memory_space<semaphore_mem>>)
        %scan3A_66 = arith.constant 0 : i32
        %scan3A_67 = arith.constant 0 : i32
        %scan3A_68 = arith.constant 24 : i32
        %scan3A_69 = arith.addi %scan3A_67, %scan3A_68 : i32
        %scan3A_70 = arith.constant 1 : i32
        scf.for %scan3A_72 = %scan3A_67 to %scan3A_69 step %scan3A_70  : i32 {
          %mul3A_73 = arith.constant 2 : i32
          %mul3A_74 = arith.muli %scan3A_72, %mul3A_73 : i32
          %add3A_75 = arith.constant 0 : i32
          %add3A_76 = arith.addi %mul3A_74, %add3A_75 : i32
          %dma_wait3A = arith.constant 0 : i32
          %dma_wait3A_77 = tpu.memref_slice %arg7[%add3A_76, %dma_wait3A] : memref<48x128xi32, #tpu.memory_space<vmem>> -> memref<1x128xi32, #tpu.memory_space<vmem>>
          %dma_wait3A_78 = tpu.memref_squeeze %dma_wait3A_77 : memref<1x128xi32, #tpu.memory_space<vmem>> -> memref<128xi32, #tpu.memory_space<vmem>>
          %dma_wait3A_79 = arith.constant 0 : i32
          %dma_wait3A_80 = arith.constant 0 : i32
          %dma_wait3A_81 = tpu.memref_slice %arg2[%dma_wait3A_79, %dma_wait3A_80] : memref<10112x128xf32, #tpu.memory_space<hbm>> -> memref<10112x128xf32, #tpu.memory_space<hbm>>
          tpu.wait_indirect_dma semaphore(%arg12 : memref<!tpu.dma_semaphore, #tpu.memory_space<semaphore_mem>>) src(%dma_wait3A_81 : memref<10112x128xf32, #tpu.memory_space<hbm>>) dst(%arg9 : memref<128x128xf32, #tpu.memory_space<vmem>>)
          %add3A_82 = arith.constant 0 : i32
          %add3A_83 = arith.addi %mul3A_74, %add3A_82 : i32
          %dma_start3A_84 = arith.constant 0 : i32
          %dma_start3A_85 = tpu.memref_slice %arg8[%add3A_83, %dma_start3A_84] : memref<48x128xi32, #tpu.memory_space<vmem>> -> memref<1x128xi32, #tpu.memory_space<vmem>>
          %dma_start3A_86 = tpu.memref_squeeze %dma_start3A_85 : memref<1x128xi32, #tpu.memory_space<vmem>> -> memref<128xi32, #tpu.memory_space<vmem>>
          %dma_start3A_87 = arith.constant 0 : i32
          %dma_start3A_88 = arith.constant 0 : i32
          %dma_start3A_89 = tpu.memref_slice %arg11[%dma_start3A_87, %dma_start3A_88] : memref<10112x128xf32, #tpu.memory_space<vmem_shared>> -> memref<10112x128xf32, #tpu.memory_space<vmem_shared>>
          tpu.enqueue_indirect_dma source(%arg9 : memref<128x128xf32, #tpu.memory_space<vmem>>) target(%dma_start3A_89 : memref<10112x128xf32, #tpu.memory_space<vmem_shared>>) offsets(%dma_start3A_86 : memref<128xi32, #tpu.memory_space<vmem>>) semaphore(%arg14 : memref<!tpu.dma_semaphore, #tpu.memory_space<semaphore_mem>>) {add = true}
          %add3A_90 = arith.constant 1 : i32
          %add3A_91 = arith.addi %mul3A_74, %add3A_90 : i32
          %dma_wait3A_92 = arith.constant 0 : i32
          %dma_wait3A_93 = tpu.memref_slice %arg7[%add3A_91, %dma_wait3A_92] : memref<48x128xi32, #tpu.memory_space<vmem>> -> memref<1x128xi32, #tpu.memory_space<vmem>>
          %dma_wait3A_94 = tpu.memref_squeeze %dma_wait3A_93 : memref<1x128xi32, #tpu.memory_space<vmem>> -> memref<128xi32, #tpu.memory_space<vmem>>
          %dma_wait3A_95 = arith.constant 0 : i32
          %dma_wait3A_96 = arith.constant 0 : i32
          %dma_wait3A_97 = tpu.memref_slice %arg2[%dma_wait3A_95, %dma_wait3A_96] : memref<10112x128xf32, #tpu.memory_space<hbm>> -> memref<10112x128xf32, #tpu.memory_space<hbm>>
          tpu.wait_indirect_dma semaphore(%arg13 : memref<!tpu.dma_semaphore, #tpu.memory_space<semaphore_mem>>) src(%dma_wait3A_97 : memref<10112x128xf32, #tpu.memory_space<hbm>>) dst(%arg10 : memref<128x128xf32, #tpu.memory_space<vmem>>)
          %add3A_98 = arith.constant 1 : i32
          %add3A_99 = arith.addi %mul3A_74, %add3A_98 : i32
          %dma_start3A_100 = arith.constant 0 : i32
          %dma_start3A_101 = tpu.memref_slice %arg8[%add3A_99, %dma_start3A_100] : memref<48x128xi32, #tpu.memory_space<vmem>> -> memref<1x128xi32, #tpu.memory_space<vmem>>
          %dma_start3A_102 = tpu.memref_squeeze %dma_start3A_101 : memref<1x128xi32, #tpu.memory_space<vmem>> -> memref<128xi32, #tpu.memory_space<vmem>>
          %dma_start3A_103 = arith.constant 0 : i32
          %dma_start3A_104 = arith.constant 0 : i32
          %dma_start3A_105 = tpu.memref_slice %arg11[%dma_start3A_103, %dma_start3A_104] : memref<10112x128xf32, #tpu.memory_space<vmem_shared>> -> memref<10112x128xf32, #tpu.memory_space<vmem_shared>>
          tpu.enqueue_indirect_dma source(%arg10 : memref<128x128xf32, #tpu.memory_space<vmem>>) target(%dma_start3A_105 : memref<10112x128xf32, #tpu.memory_space<vmem_shared>>) offsets(%dma_start3A_102 : memref<128xi32, #tpu.memory_space<vmem>>) semaphore(%arg15 : memref<!tpu.dma_semaphore, #tpu.memory_space<semaphore_mem>>) {add = true}
          %add3A_106 = arith.constant 0 : i32
          %add3A_107 = arith.addi %mul3A_74, %add3A_106 : i32
          %dma_wait3A_108 = arith.constant 0 : i32
          %dma_wait3A_109 = tpu.memref_slice %arg8[%add3A_107, %dma_wait3A_108] : memref<48x128xi32, #tpu.memory_space<vmem>> -> memref<1x128xi32, #tpu.memory_space<vmem>>
          %dma_wait3A_110 = tpu.memref_squeeze %dma_wait3A_109 : memref<1x128xi32, #tpu.memory_space<vmem>> -> memref<128xi32, #tpu.memory_space<vmem>>
          %dma_wait3A_111 = arith.constant 0 : i32
          %dma_wait3A_112 = arith.constant 0 : i32
          %dma_wait3A_113 = tpu.memref_slice %arg11[%dma_wait3A_111, %dma_wait3A_112] : memref<10112x128xf32, #tpu.memory_space<vmem_shared>> -> memref<10112x128xf32, #tpu.memory_space<vmem_shared>>
          tpu.wait_indirect_dma semaphore(%arg14 : memref<!tpu.dma_semaphore, #tpu.memory_space<semaphore_mem>>) src(%arg9 : memref<128x128xf32, #tpu.memory_space<vmem>>) dst(%dma_wait3A_113 : memref<10112x128xf32, #tpu.memory_space<vmem_shared>>)
          %lt3A = arith.constant 23 : i32
          %lt3A_114 = arith.cmpi slt, %scan3A_72, %lt3A : i32
          %convert_element_type3A_115 = arith.extui %lt3A_114 : i1 to i32
          %cond3A_116 = arith.constant 0 : i32
          %cond3A_117 = arith.cmpi ne, %convert_element_type3A_115, %cond3A_116 : i32
          scf.if %cond3A_117 {
            %add3A_131 = arith.constant 2 : i32
            %add3A_132 = arith.addi %mul3A_74, %add3A_131 : i32
            %add3A_133 = arith.constant 0 : i32
            %add3A_134 = arith.addi %add3A_132, %add3A_133 : i32
            %dma_start3A_135 = arith.constant 0 : i32
            %dma_start3A_136 = tpu.memref_slice %arg7[%add3A_134, %dma_start3A_135] : memref<48x128xi32, #tpu.memory_space<vmem>> -> memref<1x128xi32, #tpu.memory_space<vmem>>
            %dma_start3A_137 = tpu.memref_squeeze %dma_start3A_136 : memref<1x128xi32, #tpu.memory_space<vmem>> -> memref<128xi32, #tpu.memory_space<vmem>>
            %dma_start3A_138 = arith.constant 0 : i32
            %dma_start3A_139 = arith.constant 0 : i32
            %dma_start3A_140 = tpu.memref_slice %arg2[%dma_start3A_138, %dma_start3A_139] : memref<10112x128xf32, #tpu.memory_space<hbm>> -> memref<10112x128xf32, #tpu.memory_space<hbm>>
            tpu.enqueue_indirect_dma source(%dma_start3A_140 : memref<10112x128xf32, #tpu.memory_space<hbm>>) target(%arg9 : memref<128x128xf32, #tpu.memory_space<vmem>>) offsets(%dma_start3A_137 : memref<128xi32, #tpu.memory_space<vmem>>) semaphore(%arg12 : memref<!tpu.dma_semaphore, #tpu.memory_space<semaphore_mem>>)
          } else {
          }
          %add3A_118 = arith.constant 1 : i32
          %add3A_119 = arith.addi %mul3A_74, %add3A_118 : i32
          %dma_wait3A_120 = arith.constant 0 : i32
          %dma_wait3A_121 = tpu.memref_slice %arg8[%add3A_119, %dma_wait3A_120] : memref<48x128xi32, #tpu.memory_space<vmem>> -> memref<1x128xi32, #tpu.memory_space<vmem>>
          %dma_wait3A_122 = tpu.memref_squeeze %dma_wait3A_121 : memref<1x128xi32, #tpu.memory_space<vmem>> -> memref<128xi32, #tpu.memory_space<vmem>>
          %dma_wait3A_123 = arith.constant 0 : i32
          %dma_wait3A_124 = arith.constant 0 : i32
          %dma_wait3A_125 = tpu.memref_slice %arg11[%dma_wait3A_123, %dma_wait3A_124] : memref<10112x128xf32, #tpu.memory_space<vmem_shared>> -> memref<10112x128xf32, #tpu.memory_space<vmem_shared>>
          tpu.wait_indirect_dma semaphore(%arg15 : memref<!tpu.dma_semaphore, #tpu.memory_space<semaphore_mem>>) src(%arg10 : memref<128x128xf32, #tpu.memory_space<vmem>>) dst(%dma_wait3A_125 : memref<10112x128xf32, #tpu.memory_space<vmem_shared>>)
          %lt3A_126 = arith.constant 23 : i32
          %lt3A_127 = arith.cmpi slt, %scan3A_72, %lt3A_126 : i32
          %convert_element_type3A_128 = arith.extui %lt3A_127 : i1 to i32
          %cond3A_129 = arith.constant 0 : i32
          %cond3A_130 = arith.cmpi ne, %convert_element_type3A_128, %cond3A_129 : i32
          scf.if %cond3A_130 {
            %add3A_131 = arith.constant 2 : i32
            %add3A_132 = arith.addi %mul3A_74, %add3A_131 : i32
            %add3A_133 = arith.constant 1 : i32
            %add3A_134 = arith.addi %add3A_132, %add3A_133 : i32
            %dma_start3A_135 = arith.constant 0 : i32
            %dma_start3A_136 = tpu.memref_slice %arg7[%add3A_134, %dma_start3A_135] : memref<48x128xi32, #tpu.memory_space<vmem>> -> memref<1x128xi32, #tpu.memory_space<vmem>>
            %dma_start3A_137 = tpu.memref_squeeze %dma_start3A_136 : memref<1x128xi32, #tpu.memory_space<vmem>> -> memref<128xi32, #tpu.memory_space<vmem>>
            %dma_start3A_138 = arith.constant 0 : i32
            %dma_start3A_139 = arith.constant 0 : i32
            %dma_start3A_140 = tpu.memref_slice %arg2[%dma_start3A_138, %dma_start3A_139] : memref<10112x128xf32, #tpu.memory_space<hbm>> -> memref<10112x128xf32, #tpu.memory_space<hbm>>
            tpu.enqueue_indirect_dma source(%dma_start3A_140 : memref<10112x128xf32, #tpu.memory_space<hbm>>) target(%arg10 : memref<128x128xf32, #tpu.memory_space<vmem>>) offsets(%dma_start3A_137 : memref<128xi32, #tpu.memory_space<vmem>>) semaphore(%arg13 : memref<!tpu.dma_semaphore, #tpu.memory_space<semaphore_mem>>)
          } else {
          }
        }
        %scan3A_71 = arith.constant 24 : i32
      }
      %scan3A_18 = arith.constant 3 : i32
      %mul3A_19 = arith.constant 152 : i32
      %mul3A_20 = arith.muli %arg1, %mul3A_19 : i32
      %add3A = arith.constant 144 : i32
      %add3A_21 = arith.addi %mul3A_20, %add3A : i32
      %scan3A_22 = arith.constant 0 : i32
      %scan3A_23 = arith.constant 0 : i32
      %mul3A_24 = arith.constant 8 : i32
      %mul3A_25 = arith.muli %scan3A_23, %mul3A_24 : i32
      %add3A_26 = arith.addi %add3A_21, %mul3A_25 : i32
      %multiple_of3A = tpu.assume_multiple %add3A_26, 8 : i32
      "tpu.region"() ({
        %run_scoped3A = tpu.sem_alloc : memref<!tpu.dma_semaphore, #tpu.memory_space<semaphore_mem>>
        %dma_start3A_47 = arith.constant 0 : i32
        %dma_start3A_48 = arith.constant 0 : i32
        %dma_start3A_49 = tpu.memref_slice %arg7[%dma_start3A_47, %dma_start3A_48] : memref<48x128xi32, #tpu.memory_space<vmem>> -> memref<8x128xi32, #tpu.memory_space<vmem>>
        %dma_start3A_50 = arith.constant 0 : i32
        %dma_start3A_51 = tpu.memref_slice %arg3[%multiple_of3A, %dma_start3A_50] : memref<2560x128xi32, #tpu.memory_space<hbm>> -> memref<8x128xi32, #tpu.memory_space<hbm>>
        %dma_start3A_52 = arith.constant 0 : i32
        %dma_start3A_53 = arith.constant 0 : i32
        %dma_start3A_54 = tpu.memref_slice %arg7[%dma_start3A_52, %dma_start3A_53] : memref<48x128xi32, #tpu.memory_space<vmem>> -> memref<8x128xi32, #tpu.memory_space<vmem>>
        %dma_start3A_55 = arith.constant 0 : i32
        %dma_start3A_56 = tpu.memref_slice %arg3[%multiple_of3A, %dma_start3A_55] : memref<2560x128xi32, #tpu.memory_space<hbm>> -> memref<8x128xi32, #tpu.memory_space<hbm>>
        tpu.enqueue_dma source(%dma_start3A_56 : memref<8x128xi32, #tpu.memory_space<hbm>>) target(%dma_start3A_54 : memref<8x128xi32, #tpu.memory_space<vmem>>) target_semaphore(%run_scoped3A : memref<!tpu.dma_semaphore, #tpu.memory_space<semaphore_mem>>)
        %dma_wait3A = arith.constant 0 : i32
        %dma_wait3A_57 = arith.constant 0 : i32
        %dma_wait3A_58 = tpu.memref_slice %arg7[%dma_wait3A, %dma_wait3A_57] : memref<48x128xi32, #tpu.memory_space<vmem>> -> memref<8x128xi32, #tpu.memory_space<vmem>>
        %dma_wait3A_59 = arith.constant 0 : i32
        %dma_wait3A_60 = tpu.memref_slice %arg3[%multiple_of3A, %dma_wait3A_59] : memref<2560x128xi32, #tpu.memory_space<hbm>> -> memref<8x128xi32, #tpu.memory_space<hbm>>
        %dma_wait3A_61 = arith.constant 0 : i32
        %dma_wait3A_62 = arith.constant 0 : i32
        %dma_wait3A_63 = tpu.memref_slice %arg7[%dma_wait3A_61, %dma_wait3A_62] : memref<48x128xi32, #tpu.memory_space<vmem>> -> memref<8x128xi32, #tpu.memory_space<vmem>>
        %dma_wait3A_64 = arith.constant 0 : i32
        %dma_wait3A_65 = tpu.memref_slice %arg3[%multiple_of3A, %dma_wait3A_64] : memref<2560x128xi32, #tpu.memory_space<hbm>> -> memref<8x128xi32, #tpu.memory_space<hbm>>
        tpu.wait_dma2 semaphore(%run_scoped3A : memref<!tpu.dma_semaphore, #tpu.memory_space<semaphore_mem>>) src(%dma_wait3A_65 : memref<8x128xi32, #tpu.memory_space<hbm>>) dst(%dma_wait3A_63 : memref<8x128xi32, #tpu.memory_space<vmem>>)
        tpu.yield
      }) : () -> ()
      "tpu.region"() ({
        %run_scoped3A = tpu.sem_alloc : memref<!tpu.dma_semaphore, #tpu.memory_space<semaphore_mem>>
        %dma_start3A_47 = arith.constant 0 : i32
        %dma_start3A_48 = arith.constant 0 : i32
        %dma_start3A_49 = tpu.memref_slice %arg8[%dma_start3A_47, %dma_start3A_48] : memref<48x128xi32, #tpu.memory_space<vmem>> -> memref<8x128xi32, #tpu.memory_space<vmem>>
        %dma_start3A_50 = arith.constant 0 : i32
        %dma_start3A_51 = tpu.memref_slice %arg4[%multiple_of3A, %dma_start3A_50] : memref<2560x128xi32, #tpu.memory_space<hbm>> -> memref<8x128xi32, #tpu.memory_space<hbm>>
        %dma_start3A_52 = arith.constant 0 : i32
        %dma_start3A_53 = arith.constant 0 : i32
        %dma_start3A_54 = tpu.memref_slice %arg8[%dma_start3A_52, %dma_start3A_53] : memref<48x128xi32, #tpu.memory_space<vmem>> -> memref<8x128xi32, #tpu.memory_space<vmem>>
        %dma_start3A_55 = arith.constant 0 : i32
        %dma_start3A_56 = tpu.memref_slice %arg4[%multiple_of3A, %dma_start3A_55] : memref<2560x128xi32, #tpu.memory_space<hbm>> -> memref<8x128xi32, #tpu.memory_space<hbm>>
        tpu.enqueue_dma source(%dma_start3A_56 : memref<8x128xi32, #tpu.memory_space<hbm>>) target(%dma_start3A_54 : memref<8x128xi32, #tpu.memory_space<vmem>>) target_semaphore(%run_scoped3A : memref<!tpu.dma_semaphore, #tpu.memory_space<semaphore_mem>>)
        %dma_wait3A = arith.constant 0 : i32
        %dma_wait3A_57 = arith.constant 0 : i32
        %dma_wait3A_58 = tpu.memref_slice %arg8[%dma_wait3A, %dma_wait3A_57] : memref<48x128xi32, #tpu.memory_space<vmem>> -> memref<8x128xi32, #tpu.memory_space<vmem>>
        %dma_wait3A_59 = arith.constant 0 : i32
        %dma_wait3A_60 = tpu.memref_slice %arg4[%multiple_of3A, %dma_wait3A_59] : memref<2560x128xi32, #tpu.memory_space<hbm>> -> memref<8x128xi32, #tpu.memory_space<hbm>>
        %dma_wait3A_61 = arith.constant 0 : i32
        %dma_wait3A_62 = arith.constant 0 : i32
        %dma_wait3A_63 = tpu.memref_slice %arg8[%dma_wait3A_61, %dma_wait3A_62] : memref<48x128xi32, #tpu.memory_space<vmem>> -> memref<8x128xi32, #tpu.memory_space<vmem>>
        %dma_wait3A_64 = arith.constant 0 : i32
        %dma_wait3A_65 = tpu.memref_slice %arg4[%multiple_of3A, %dma_wait3A_64] : memref<2560x128xi32, #tpu.memory_space<hbm>> -> memref<8x128xi32, #tpu.memory_space<hbm>>
        tpu.wait_dma2 semaphore(%run_scoped3A : memref<!tpu.dma_semaphore, #tpu.memory_space<semaphore_mem>>) src(%dma_wait3A_65 : memref<8x128xi32, #tpu.memory_space<hbm>>) dst(%dma_wait3A_63 : memref<8x128xi32, #tpu.memory_space<vmem>>)
        tpu.yield
      }) : () -> ()
      %dma_start3A = arith.constant 0 : i32
      %dma_start3A_27 = arith.constant 0 : i32
      %dma_start3A_28 = tpu.memref_slice %arg7[%dma_start3A, %dma_start3A_27] : memref<48x128xi32, #tpu.memory_space<vmem>> -> memref<1x128xi32, #tpu.memory_space<vmem>>
      %dma_start3A_29 = tpu.memref_squeeze %dma_start3A_28 : memref<1x128xi32, #tpu.memory_space<vmem>> -> memref<128xi32, #tpu.memory_space<vmem>>
      %dma_start3A_30 = arith.constant 0 : i32
      %dma_start3A_31 = arith.constant 0 : i32
      %dma_start3A_32 = tpu.memref_slice %arg2[%dma_start3A_30, %dma_start3A_31] : memref<10112x128xf32, #tpu.memory_space<hbm>> -> memref<10112x128xf32, #tpu.memory_space<hbm>>
      tpu.enqueue_indirect_dma source(%dma_start3A_32 : memref<10112x128xf32, #tpu.memory_space<hbm>>) target(%arg9 : memref<128x128xf32, #tpu.memory_space<vmem>>) offsets(%dma_start3A_29 : memref<128xi32, #tpu.memory_space<vmem>>) semaphore(%arg12 : memref<!tpu.dma_semaphore, #tpu.memory_space<semaphore_mem>>)
      %dma_start3A_33 = arith.constant 1 : i32
      %dma_start3A_34 = arith.constant 0 : i32
      %dma_start3A_35 = tpu.memref_slice %arg7[%dma_start3A_33, %dma_start3A_34] : memref<48x128xi32, #tpu.memory_space<vmem>> -> memref<1x128xi32, #tpu.memory_space<vmem>>
      %dma_start3A_36 = tpu.memref_squeeze %dma_start3A_35 : memref<1x128xi32, #tpu.memory_space<vmem>> -> memref<128xi32, #tpu.memory_space<vmem>>
      %dma_start3A_37 = arith.constant 0 : i32
      %dma_start3A_38 = arith.constant 0 : i32
      %dma_start3A_39 = tpu.memref_slice %arg2[%dma_start3A_37, %dma_start3A_38] : memref<10112x128xf32, #tpu.memory_space<hbm>> -> memref<10112x128xf32, #tpu.memory_space<hbm>>
      tpu.enqueue_indirect_dma source(%dma_start3A_39 : memref<10112x128xf32, #tpu.memory_space<hbm>>) target(%arg10 : memref<128x128xf32, #tpu.memory_space<vmem>>) offsets(%dma_start3A_36 : memref<128xi32, #tpu.memory_space<vmem>>) semaphore(%arg13 : memref<!tpu.dma_semaphore, #tpu.memory_space<semaphore_mem>>)
      %scan3A_40 = arith.constant 0 : i32
      %scan3A_41 = arith.constant 0 : i32
      %scan3A_42 = arith.constant 4 : i32
      %scan3A_43 = arith.addi %scan3A_41, %scan3A_42 : i32
      %scan3A_44 = arith.constant 1 : i32
      scf.for %scan3A_47 = %scan3A_41 to %scan3A_43 step %scan3A_44  : i32 {
        %mul3A_48 = arith.constant 2 : i32
        %mul3A_49 = arith.muli %scan3A_47, %mul3A_48 : i32
        %add3A_50 = arith.constant 0 : i32
        %add3A_51 = arith.addi %mul3A_49, %add3A_50 : i32
        %dma_wait3A = arith.constant 0 : i32
        %dma_wait3A_52 = tpu.memref_slice %arg7[%add3A_51, %dma_wait3A] : memref<48x128xi32, #tpu.memory_space<vmem>> -> memref<1x128xi32, #tpu.memory_space<vmem>>
        %dma_wait3A_53 = tpu.memref_squeeze %dma_wait3A_52 : memref<1x128xi32, #tpu.memory_space<vmem>> -> memref<128xi32, #tpu.memory_space<vmem>>
        %dma_wait3A_54 = arith.constant 0 : i32
        %dma_wait3A_55 = arith.constant 0 : i32
        %dma_wait3A_56 = tpu.memref_slice %arg2[%dma_wait3A_54, %dma_wait3A_55] : memref<10112x128xf32, #tpu.memory_space<hbm>> -> memref<10112x128xf32, #tpu.memory_space<hbm>>
        tpu.wait_indirect_dma semaphore(%arg12 : memref<!tpu.dma_semaphore, #tpu.memory_space<semaphore_mem>>) src(%dma_wait3A_56 : memref<10112x128xf32, #tpu.memory_space<hbm>>) dst(%arg9 : memref<128x128xf32, #tpu.memory_space<vmem>>)
        %add3A_57 = arith.constant 0 : i32
        %add3A_58 = arith.addi %mul3A_49, %add3A_57 : i32
        %dma_start3A_59 = arith.constant 0 : i32
        %dma_start3A_60 = tpu.memref_slice %arg8[%add3A_58, %dma_start3A_59] : memref<48x128xi32, #tpu.memory_space<vmem>> -> memref<1x128xi32, #tpu.memory_space<vmem>>
        %dma_start3A_61 = tpu.memref_squeeze %dma_start3A_60 : memref<1x128xi32, #tpu.memory_space<vmem>> -> memref<128xi32, #tpu.memory_space<vmem>>
        %dma_start3A_62 = arith.constant 0 : i32
        %dma_start3A_63 = arith.constant 0 : i32
        %dma_start3A_64 = tpu.memref_slice %arg11[%dma_start3A_62, %dma_start3A_63] : memref<10112x128xf32, #tpu.memory_space<vmem_shared>> -> memref<10112x128xf32, #tpu.memory_space<vmem_shared>>
        tpu.enqueue_indirect_dma source(%arg9 : memref<128x128xf32, #tpu.memory_space<vmem>>) target(%dma_start3A_64 : memref<10112x128xf32, #tpu.memory_space<vmem_shared>>) offsets(%dma_start3A_61 : memref<128xi32, #tpu.memory_space<vmem>>) semaphore(%arg14 : memref<!tpu.dma_semaphore, #tpu.memory_space<semaphore_mem>>) {add = true}
        %add3A_65 = arith.constant 1 : i32
        %add3A_66 = arith.addi %mul3A_49, %add3A_65 : i32
        %dma_wait3A_67 = arith.constant 0 : i32
        %dma_wait3A_68 = tpu.memref_slice %arg7[%add3A_66, %dma_wait3A_67] : memref<48x128xi32, #tpu.memory_space<vmem>> -> memref<1x128xi32, #tpu.memory_space<vmem>>
        %dma_wait3A_69 = tpu.memref_squeeze %dma_wait3A_68 : memref<1x128xi32, #tpu.memory_space<vmem>> -> memref<128xi32, #tpu.memory_space<vmem>>
        %dma_wait3A_70 = arith.constant 0 : i32
        %dma_wait3A_71 = arith.constant 0 : i32
        %dma_wait3A_72 = tpu.memref_slice %arg2[%dma_wait3A_70, %dma_wait3A_71] : memref<10112x128xf32, #tpu.memory_space<hbm>> -> memref<10112x128xf32, #tpu.memory_space<hbm>>
        tpu.wait_indirect_dma semaphore(%arg13 : memref<!tpu.dma_semaphore, #tpu.memory_space<semaphore_mem>>) src(%dma_wait3A_72 : memref<10112x128xf32, #tpu.memory_space<hbm>>) dst(%arg10 : memref<128x128xf32, #tpu.memory_space<vmem>>)
        %add3A_73 = arith.constant 1 : i32
        %add3A_74 = arith.addi %mul3A_49, %add3A_73 : i32
        %dma_start3A_75 = arith.constant 0 : i32
        %dma_start3A_76 = tpu.memref_slice %arg8[%add3A_74, %dma_start3A_75] : memref<48x128xi32, #tpu.memory_space<vmem>> -> memref<1x128xi32, #tpu.memory_space<vmem>>
        %dma_start3A_77 = tpu.memref_squeeze %dma_start3A_76 : memref<1x128xi32, #tpu.memory_space<vmem>> -> memref<128xi32, #tpu.memory_space<vmem>>
        %dma_start3A_78 = arith.constant 0 : i32
        %dma_start3A_79 = arith.constant 0 : i32
        %dma_start3A_80 = tpu.memref_slice %arg11[%dma_start3A_78, %dma_start3A_79] : memref<10112x128xf32, #tpu.memory_space<vmem_shared>> -> memref<10112x128xf32, #tpu.memory_space<vmem_shared>>
        tpu.enqueue_indirect_dma source(%arg10 : memref<128x128xf32, #tpu.memory_space<vmem>>) target(%dma_start3A_80 : memref<10112x128xf32, #tpu.memory_space<vmem_shared>>) offsets(%dma_start3A_77 : memref<128xi32, #tpu.memory_space<vmem>>) semaphore(%arg15 : memref<!tpu.dma_semaphore, #tpu.memory_space<semaphore_mem>>) {add = true}
        %add3A_81 = arith.constant 0 : i32
        %add3A_82 = arith.addi %mul3A_49, %add3A_81 : i32
        %dma_wait3A_83 = arith.constant 0 : i32
        %dma_wait3A_84 = tpu.memref_slice %arg8[%add3A_82, %dma_wait3A_83] : memref<48x128xi32, #tpu.memory_space<vmem>> -> memref<1x128xi32, #tpu.memory_space<vmem>>
        %dma_wait3A_85 = tpu.memref_squeeze %dma_wait3A_84 : memref<1x128xi32, #tpu.memory_space<vmem>> -> memref<128xi32, #tpu.memory_space<vmem>>
        %dma_wait3A_86 = arith.constant 0 : i32
        %dma_wait3A_87 = arith.constant 0 : i32
        %dma_wait3A_88 = tpu.memref_slice %arg11[%dma_wait3A_86, %dma_wait3A_87] : memref<10112x128xf32, #tpu.memory_space<vmem_shared>> -> memref<10112x128xf32, #tpu.memory_space<vmem_shared>>
        tpu.wait_indirect_dma semaphore(%arg14 : memref<!tpu.dma_semaphore, #tpu.memory_space<semaphore_mem>>) src(%arg9 : memref<128x128xf32, #tpu.memory_space<vmem>>) dst(%dma_wait3A_88 : memref<10112x128xf32, #tpu.memory_space<vmem_shared>>)
        %lt3A = arith.constant 3 : i32
        %lt3A_89 = arith.cmpi slt, %scan3A_47, %lt3A : i32
        %convert_element_type3A_90 = arith.extui %lt3A_89 : i1 to i32
        %cond3A_91 = arith.constant 0 : i32
        %cond3A_92 = arith.cmpi ne, %convert_element_type3A_90, %cond3A_91 : i32
        scf.if %cond3A_92 {
          %add3A_106 = arith.constant 2 : i32
          %add3A_107 = arith.addi %mul3A_49, %add3A_106 : i32
          %add3A_108 = arith.constant 0 : i32
          %add3A_109 = arith.addi %add3A_107, %add3A_108 : i32
          %dma_start3A_110 = arith.constant 0 : i32
          %dma_start3A_111 = tpu.memref_slice %arg7[%add3A_109, %dma_start3A_110] : memref<48x128xi32, #tpu.memory_space<vmem>> -> memref<1x128xi32, #tpu.memory_space<vmem>>
          %dma_start3A_112 = tpu.memref_squeeze %dma_start3A_111 : memref<1x128xi32, #tpu.memory_space<vmem>> -> memref<128xi32, #tpu.memory_space<vmem>>
          %dma_start3A_113 = arith.constant 0 : i32
          %dma_start3A_114 = arith.constant 0 : i32
          %dma_start3A_115 = tpu.memref_slice %arg2[%dma_start3A_113, %dma_start3A_114] : memref<10112x128xf32, #tpu.memory_space<hbm>> -> memref<10112x128xf32, #tpu.memory_space<hbm>>
          tpu.enqueue_indirect_dma source(%dma_start3A_115 : memref<10112x128xf32, #tpu.memory_space<hbm>>) target(%arg9 : memref<128x128xf32, #tpu.memory_space<vmem>>) offsets(%dma_start3A_112 : memref<128xi32, #tpu.memory_space<vmem>>) semaphore(%arg12 : memref<!tpu.dma_semaphore, #tpu.memory_space<semaphore_mem>>)
        } else {
        }
        %add3A_93 = arith.constant 1 : i32
        %add3A_94 = arith.addi %mul3A_49, %add3A_93 : i32
        %dma_wait3A_95 = arith.constant 0 : i32
        %dma_wait3A_96 = tpu.memref_slice %arg8[%add3A_94, %dma_wait3A_95] : memref<48x128xi32, #tpu.memory_space<vmem>> -> memref<1x128xi32, #tpu.memory_space<vmem>>
        %dma_wait3A_97 = tpu.memref_squeeze %dma_wait3A_96 : memref<1x128xi32, #tpu.memory_space<vmem>> -> memref<128xi32, #tpu.memory_space<vmem>>
        %dma_wait3A_98 = arith.constant 0 : i32
        %dma_wait3A_99 = arith.constant 0 : i32
        %dma_wait3A_100 = tpu.memref_slice %arg11[%dma_wait3A_98, %dma_wait3A_99] : memref<10112x128xf32, #tpu.memory_space<vmem_shared>> -> memref<10112x128xf32, #tpu.memory_space<vmem_shared>>
        tpu.wait_indirect_dma semaphore(%arg15 : memref<!tpu.dma_semaphore, #tpu.memory_space<semaphore_mem>>) src(%arg10 : memref<128x128xf32, #tpu.memory_space<vmem>>) dst(%dma_wait3A_100 : memref<10112x128xf32, #tpu.memory_space<vmem_shared>>)
        %lt3A_101 = arith.constant 3 : i32
        %lt3A_102 = arith.cmpi slt, %scan3A_47, %lt3A_101 : i32
        %convert_element_type3A_103 = arith.extui %lt3A_102 : i1 to i32
        %cond3A_104 = arith.constant 0 : i32
        %cond3A_105 = arith.cmpi ne, %convert_element_type3A_103, %cond3A_104 : i32
        scf.if %cond3A_105 {
          %add3A_106 = arith.constant 2 : i32
          %add3A_107 = arith.addi %mul3A_49, %add3A_106 : i32
          %add3A_108 = arith.constant 1 : i32
          %add3A_109 = arith.addi %add3A_107, %add3A_108 : i32
          %dma_start3A_110 = arith.constant 0 : i32
          %dma_start3A_111 = tpu.memref_slice %arg7[%add3A_109, %dma_start3A_110] : memref<48x128xi32, #tpu.memory_space<vmem>> -> memref<1x128xi32, #tpu.memory_space<vmem>>
          %dma_start3A_112 = tpu.memref_squeeze %dma_start3A_111 : memref<1x128xi32, #tpu.memory_space<vmem>> -> memref<128xi32, #tpu.memory_space<vmem>>
          %dma_start3A_113 = arith.constant 0 : i32
          %dma_start3A_114 = arith.constant 0 : i32
          %dma_start3A_115 = tpu.memref_slice %arg2[%dma_start3A_113, %dma_start3A_114] : memref<10112x128xf32, #tpu.memory_space<hbm>> -> memref<10112x128xf32, #tpu.memory_space<hbm>>
          tpu.enqueue_indirect_dma source(%dma_start3A_115 : memref<10112x128xf32, #tpu.memory_space<hbm>>) target(%arg10 : memref<128x128xf32, #tpu.memory_space<vmem>>) offsets(%dma_start3A_112 : memref<128xi32, #tpu.memory_space<vmem>>) semaphore(%arg13 : memref<!tpu.dma_semaphore, #tpu.memory_space<semaphore_mem>>)
        } else {
        }
      }
      %scan3A_45 = arith.constant 4 : i32
      %scan3A_46 = arith.constant 1 : i32
    } else {
    }
    %not3A = arith.constant true
    %not3A_3 = arith.xori %eq3A_0, %not3A : i1
    %convert_element_type3A_4 = arith.extui %not3A_3 : i1 to i32
    %cond3A_5 = arith.constant 0 : i32
    %cond3A_6 = arith.cmpi ne, %convert_element_type3A_4, %cond3A_5 : i32
    scf.if %cond3A_6 {
      %mul3A_12 = arith.constant 8 : i32
      %mul3A_13 = arith.muli %arg1, %mul3A_12 : i32
      %add3A = arith.constant 2432 : i32
      %add3A_14 = arith.addi %add3A, %mul3A_13 : i32
      %scan3A = arith.constant 0 : i32
      %scan3A_15 = arith.constant 0 : i32
      %mul3A_16 = arith.constant 8 : i32
      %mul3A_17 = arith.muli %scan3A_15, %mul3A_16 : i32
      %add3A_18 = arith.addi %add3A_14, %mul3A_17 : i32
      %multiple_of3A = tpu.assume_multiple %add3A_18, 8 : i32
      "tpu.region"() ({
        %run_scoped3A = tpu.sem_alloc : memref<!tpu.dma_semaphore, #tpu.memory_space<semaphore_mem>>
        %dma_start3A_39 = arith.constant 0 : i32
        %dma_start3A_40 = arith.constant 0 : i32
        %dma_start3A_41 = tpu.memref_slice %arg7[%dma_start3A_39, %dma_start3A_40] : memref<48x128xi32, #tpu.memory_space<vmem>> -> memref<8x128xi32, #tpu.memory_space<vmem>>
        %dma_start3A_42 = arith.constant 0 : i32
        %dma_start3A_43 = tpu.memref_slice %arg3[%multiple_of3A, %dma_start3A_42] : memref<2560x128xi32, #tpu.memory_space<hbm>> -> memref<8x128xi32, #tpu.memory_space<hbm>>
        %dma_start3A_44 = arith.constant 0 : i32
        %dma_start3A_45 = arith.constant 0 : i32
        %dma_start3A_46 = tpu.memref_slice %arg7[%dma_start3A_44, %dma_start3A_45] : memref<48x128xi32, #tpu.memory_space<vmem>> -> memref<8x128xi32, #tpu.memory_space<vmem>>
        %dma_start3A_47 = arith.constant 0 : i32
        %dma_start3A_48 = tpu.memref_slice %arg3[%multiple_of3A, %dma_start3A_47] : memref<2560x128xi32, #tpu.memory_space<hbm>> -> memref<8x128xi32, #tpu.memory_space<hbm>>
        tpu.enqueue_dma source(%dma_start3A_48 : memref<8x128xi32, #tpu.memory_space<hbm>>) target(%dma_start3A_46 : memref<8x128xi32, #tpu.memory_space<vmem>>) target_semaphore(%run_scoped3A : memref<!tpu.dma_semaphore, #tpu.memory_space<semaphore_mem>>)
        %dma_wait3A = arith.constant 0 : i32
        %dma_wait3A_49 = arith.constant 0 : i32
        %dma_wait3A_50 = tpu.memref_slice %arg7[%dma_wait3A, %dma_wait3A_49] : memref<48x128xi32, #tpu.memory_space<vmem>> -> memref<8x128xi32, #tpu.memory_space<vmem>>
        %dma_wait3A_51 = arith.constant 0 : i32
        %dma_wait3A_52 = tpu.memref_slice %arg3[%multiple_of3A, %dma_wait3A_51] : memref<2560x128xi32, #tpu.memory_space<hbm>> -> memref<8x128xi32, #tpu.memory_space<hbm>>
        %dma_wait3A_53 = arith.constant 0 : i32
        %dma_wait3A_54 = arith.constant 0 : i32
        %dma_wait3A_55 = tpu.memref_slice %arg7[%dma_wait3A_53, %dma_wait3A_54] : memref<48x128xi32, #tpu.memory_space<vmem>> -> memref<8x128xi32, #tpu.memory_space<vmem>>
        %dma_wait3A_56 = arith.constant 0 : i32
        %dma_wait3A_57 = tpu.memref_slice %arg3[%multiple_of3A, %dma_wait3A_56] : memref<2560x128xi32, #tpu.memory_space<hbm>> -> memref<8x128xi32, #tpu.memory_space<hbm>>
        tpu.wait_dma2 semaphore(%run_scoped3A : memref<!tpu.dma_semaphore, #tpu.memory_space<semaphore_mem>>) src(%dma_wait3A_57 : memref<8x128xi32, #tpu.memory_space<hbm>>) dst(%dma_wait3A_55 : memref<8x128xi32, #tpu.memory_space<vmem>>)
        tpu.yield
      }) : () -> ()
      "tpu.region"() ({
        %run_scoped3A = tpu.sem_alloc : memref<!tpu.dma_semaphore, #tpu.memory_space<semaphore_mem>>
        %dma_start3A_39 = arith.constant 0 : i32
        %dma_start3A_40 = arith.constant 0 : i32
        %dma_start3A_41 = tpu.memref_slice %arg8[%dma_start3A_39, %dma_start3A_40] : memref<48x128xi32, #tpu.memory_space<vmem>> -> memref<8x128xi32, #tpu.memory_space<vmem>>
        %dma_start3A_42 = arith.constant 0 : i32
        %dma_start3A_43 = tpu.memref_slice %arg4[%multiple_of3A, %dma_start3A_42] : memref<2560x128xi32, #tpu.memory_space<hbm>> -> memref<8x128xi32, #tpu.memory_space<hbm>>
        %dma_start3A_44 = arith.constant 0 : i32
        %dma_start3A_45 = arith.constant 0 : i32
        %dma_start3A_46 = tpu.memref_slice %arg8[%dma_start3A_44, %dma_start3A_45] : memref<48x128xi32, #tpu.memory_space<vmem>> -> memref<8x128xi32, #tpu.memory_space<vmem>>
        %dma_start3A_47 = arith.constant 0 : i32
        %dma_start3A_48 = tpu.memref_slice %arg4[%multiple_of3A, %dma_start3A_47] : memref<2560x128xi32, #tpu.memory_space<hbm>> -> memref<8x128xi32, #tpu.memory_space<hbm>>
        tpu.enqueue_dma source(%dma_start3A_48 : memref<8x128xi32, #tpu.memory_space<hbm>>) target(%dma_start3A_46 : memref<8x128xi32, #tpu.memory_space<vmem>>) target_semaphore(%run_scoped3A : memref<!tpu.dma_semaphore, #tpu.memory_space<semaphore_mem>>)
        %dma_wait3A = arith.constant 0 : i32
        %dma_wait3A_49 = arith.constant 0 : i32
        %dma_wait3A_50 = tpu.memref_slice %arg8[%dma_wait3A, %dma_wait3A_49] : memref<48x128xi32, #tpu.memory_space<vmem>> -> memref<8x128xi32, #tpu.memory_space<vmem>>
        %dma_wait3A_51 = arith.constant 0 : i32
        %dma_wait3A_52 = tpu.memref_slice %arg4[%multiple_of3A, %dma_wait3A_51] : memref<2560x128xi32, #tpu.memory_space<hbm>> -> memref<8x128xi32, #tpu.memory_space<hbm>>
        %dma_wait3A_53 = arith.constant 0 : i32
        %dma_wait3A_54 = arith.constant 0 : i32
        %dma_wait3A_55 = tpu.memref_slice %arg8[%dma_wait3A_53, %dma_wait3A_54] : memref<48x128xi32, #tpu.memory_space<vmem>> -> memref<8x128xi32, #tpu.memory_space<vmem>>
        %dma_wait3A_56 = arith.constant 0 : i32
        %dma_wait3A_57 = tpu.memref_slice %arg4[%multiple_of3A, %dma_wait3A_56] : memref<2560x128xi32, #tpu.memory_space<hbm>> -> memref<8x128xi32, #tpu.memory_space<hbm>>
        tpu.wait_dma2 semaphore(%run_scoped3A : memref<!tpu.dma_semaphore, #tpu.memory_space<semaphore_mem>>) src(%dma_wait3A_57 : memref<8x128xi32, #tpu.memory_space<hbm>>) dst(%dma_wait3A_55 : memref<8x128xi32, #tpu.memory_space<vmem>>)
        tpu.yield
      }) : () -> ()
      %dma_start3A = arith.constant 0 : i32
      %dma_start3A_19 = arith.constant 0 : i32
      %dma_start3A_20 = tpu.memref_slice %arg7[%dma_start3A, %dma_start3A_19] : memref<48x128xi32, #tpu.memory_space<vmem>> -> memref<1x128xi32, #tpu.memory_space<vmem>>
      %dma_start3A_21 = tpu.memref_squeeze %dma_start3A_20 : memref<1x128xi32, #tpu.memory_space<vmem>> -> memref<128xi32, #tpu.memory_space<vmem>>
      %dma_start3A_22 = arith.constant 0 : i32
      %dma_start3A_23 = arith.constant 0 : i32
      %dma_start3A_24 = tpu.memref_slice %arg2[%dma_start3A_22, %dma_start3A_23] : memref<10112x128xf32, #tpu.memory_space<hbm>> -> memref<10112x128xf32, #tpu.memory_space<hbm>>
      tpu.enqueue_indirect_dma source(%dma_start3A_24 : memref<10112x128xf32, #tpu.memory_space<hbm>>) target(%arg9 : memref<128x128xf32, #tpu.memory_space<vmem>>) offsets(%dma_start3A_21 : memref<128xi32, #tpu.memory_space<vmem>>) semaphore(%arg12 : memref<!tpu.dma_semaphore, #tpu.memory_space<semaphore_mem>>)
      %dma_start3A_25 = arith.constant 1 : i32
      %dma_start3A_26 = arith.constant 0 : i32
      %dma_start3A_27 = tpu.memref_slice %arg7[%dma_start3A_25, %dma_start3A_26] : memref<48x128xi32, #tpu.memory_space<vmem>> -> memref<1x128xi32, #tpu.memory_space<vmem>>
      %dma_start3A_28 = tpu.memref_squeeze %dma_start3A_27 : memref<1x128xi32, #tpu.memory_space<vmem>> -> memref<128xi32, #tpu.memory_space<vmem>>
      %dma_start3A_29 = arith.constant 0 : i32
      %dma_start3A_30 = arith.constant 0 : i32
      %dma_start3A_31 = tpu.memref_slice %arg2[%dma_start3A_29, %dma_start3A_30] : memref<10112x128xf32, #tpu.memory_space<hbm>> -> memref<10112x128xf32, #tpu.memory_space<hbm>>
      tpu.enqueue_indirect_dma source(%dma_start3A_31 : memref<10112x128xf32, #tpu.memory_space<hbm>>) target(%arg10 : memref<128x128xf32, #tpu.memory_space<vmem>>) offsets(%dma_start3A_28 : memref<128xi32, #tpu.memory_space<vmem>>) semaphore(%arg13 : memref<!tpu.dma_semaphore, #tpu.memory_space<semaphore_mem>>)
      %scan3A_32 = arith.constant 0 : i32
      %scan3A_33 = arith.constant 0 : i32
      %scan3A_34 = arith.constant 4 : i32
      %scan3A_35 = arith.addi %scan3A_33, %scan3A_34 : i32
      %scan3A_36 = arith.constant 1 : i32
      scf.for %scan3A_39 = %scan3A_33 to %scan3A_35 step %scan3A_36  : i32 {
        %mul3A_40 = arith.constant 2 : i32
        %mul3A_41 = arith.muli %scan3A_39, %mul3A_40 : i32
        %add3A_42 = arith.constant 0 : i32
        %add3A_43 = arith.addi %mul3A_41, %add3A_42 : i32
        %dma_wait3A = arith.constant 0 : i32
        %dma_wait3A_44 = tpu.memref_slice %arg7[%add3A_43, %dma_wait3A] : memref<48x128xi32, #tpu.memory_space<vmem>> -> memref<1x128xi32, #tpu.memory_space<vmem>>
        %dma_wait3A_45 = tpu.memref_squeeze %dma_wait3A_44 : memref<1x128xi32, #tpu.memory_space<vmem>> -> memref<128xi32, #tpu.memory_space<vmem>>
        %dma_wait3A_46 = arith.constant 0 : i32
        %dma_wait3A_47 = arith.constant 0 : i32
        %dma_wait3A_48 = tpu.memref_slice %arg2[%dma_wait3A_46, %dma_wait3A_47] : memref<10112x128xf32, #tpu.memory_space<hbm>> -> memref<10112x128xf32, #tpu.memory_space<hbm>>
        tpu.wait_indirect_dma semaphore(%arg12 : memref<!tpu.dma_semaphore, #tpu.memory_space<semaphore_mem>>) src(%dma_wait3A_48 : memref<10112x128xf32, #tpu.memory_space<hbm>>) dst(%arg9 : memref<128x128xf32, #tpu.memory_space<vmem>>)
        %add3A_49 = arith.constant 0 : i32
        %add3A_50 = arith.addi %mul3A_41, %add3A_49 : i32
        %dma_start3A_51 = arith.constant 0 : i32
        %dma_start3A_52 = tpu.memref_slice %arg8[%add3A_50, %dma_start3A_51] : memref<48x128xi32, #tpu.memory_space<vmem>> -> memref<1x128xi32, #tpu.memory_space<vmem>>
        %dma_start3A_53 = tpu.memref_squeeze %dma_start3A_52 : memref<1x128xi32, #tpu.memory_space<vmem>> -> memref<128xi32, #tpu.memory_space<vmem>>
        %dma_start3A_54 = arith.constant 0 : i32
        %dma_start3A_55 = arith.constant 0 : i32
        %dma_start3A_56 = tpu.memref_slice %arg11[%dma_start3A_54, %dma_start3A_55] : memref<10112x128xf32, #tpu.memory_space<vmem_shared>> -> memref<10112x128xf32, #tpu.memory_space<vmem_shared>>
        tpu.enqueue_indirect_dma source(%arg9 : memref<128x128xf32, #tpu.memory_space<vmem>>) target(%dma_start3A_56 : memref<10112x128xf32, #tpu.memory_space<vmem_shared>>) offsets(%dma_start3A_53 : memref<128xi32, #tpu.memory_space<vmem>>) semaphore(%arg14 : memref<!tpu.dma_semaphore, #tpu.memory_space<semaphore_mem>>) {add = true}
        %add3A_57 = arith.constant 1 : i32
        %add3A_58 = arith.addi %mul3A_41, %add3A_57 : i32
        %dma_wait3A_59 = arith.constant 0 : i32
        %dma_wait3A_60 = tpu.memref_slice %arg7[%add3A_58, %dma_wait3A_59] : memref<48x128xi32, #tpu.memory_space<vmem>> -> memref<1x128xi32, #tpu.memory_space<vmem>>
        %dma_wait3A_61 = tpu.memref_squeeze %dma_wait3A_60 : memref<1x128xi32, #tpu.memory_space<vmem>> -> memref<128xi32, #tpu.memory_space<vmem>>
        %dma_wait3A_62 = arith.constant 0 : i32
        %dma_wait3A_63 = arith.constant 0 : i32
        %dma_wait3A_64 = tpu.memref_slice %arg2[%dma_wait3A_62, %dma_wait3A_63] : memref<10112x128xf32, #tpu.memory_space<hbm>> -> memref<10112x128xf32, #tpu.memory_space<hbm>>
        tpu.wait_indirect_dma semaphore(%arg13 : memref<!tpu.dma_semaphore, #tpu.memory_space<semaphore_mem>>) src(%dma_wait3A_64 : memref<10112x128xf32, #tpu.memory_space<hbm>>) dst(%arg10 : memref<128x128xf32, #tpu.memory_space<vmem>>)
        %add3A_65 = arith.constant 1 : i32
        %add3A_66 = arith.addi %mul3A_41, %add3A_65 : i32
        %dma_start3A_67 = arith.constant 0 : i32
        %dma_start3A_68 = tpu.memref_slice %arg8[%add3A_66, %dma_start3A_67] : memref<48x128xi32, #tpu.memory_space<vmem>> -> memref<1x128xi32, #tpu.memory_space<vmem>>
        %dma_start3A_69 = tpu.memref_squeeze %dma_start3A_68 : memref<1x128xi32, #tpu.memory_space<vmem>> -> memref<128xi32, #tpu.memory_space<vmem>>
        %dma_start3A_70 = arith.constant 0 : i32
        %dma_start3A_71 = arith.constant 0 : i32
        %dma_start3A_72 = tpu.memref_slice %arg11[%dma_start3A_70, %dma_start3A_71] : memref<10112x128xf32, #tpu.memory_space<vmem_shared>> -> memref<10112x128xf32, #tpu.memory_space<vmem_shared>>
        tpu.enqueue_indirect_dma source(%arg10 : memref<128x128xf32, #tpu.memory_space<vmem>>) target(%dma_start3A_72 : memref<10112x128xf32, #tpu.memory_space<vmem_shared>>) offsets(%dma_start3A_69 : memref<128xi32, #tpu.memory_space<vmem>>) semaphore(%arg15 : memref<!tpu.dma_semaphore, #tpu.memory_space<semaphore_mem>>) {add = true}
        %add3A_73 = arith.constant 0 : i32
        %add3A_74 = arith.addi %mul3A_41, %add3A_73 : i32
        %dma_wait3A_75 = arith.constant 0 : i32
        %dma_wait3A_76 = tpu.memref_slice %arg8[%add3A_74, %dma_wait3A_75] : memref<48x128xi32, #tpu.memory_space<vmem>> -> memref<1x128xi32, #tpu.memory_space<vmem>>
        %dma_wait3A_77 = tpu.memref_squeeze %dma_wait3A_76 : memref<1x128xi32, #tpu.memory_space<vmem>> -> memref<128xi32, #tpu.memory_space<vmem>>
        %dma_wait3A_78 = arith.constant 0 : i32
        %dma_wait3A_79 = arith.constant 0 : i32
        %dma_wait3A_80 = tpu.memref_slice %arg11[%dma_wait3A_78, %dma_wait3A_79] : memref<10112x128xf32, #tpu.memory_space<vmem_shared>> -> memref<10112x128xf32, #tpu.memory_space<vmem_shared>>
        tpu.wait_indirect_dma semaphore(%arg14 : memref<!tpu.dma_semaphore, #tpu.memory_space<semaphore_mem>>) src(%arg9 : memref<128x128xf32, #tpu.memory_space<vmem>>) dst(%dma_wait3A_80 : memref<10112x128xf32, #tpu.memory_space<vmem_shared>>)
        %lt3A = arith.constant 3 : i32
        %lt3A_81 = arith.cmpi slt, %scan3A_39, %lt3A : i32
        %convert_element_type3A_82 = arith.extui %lt3A_81 : i1 to i32
        %cond3A_83 = arith.constant 0 : i32
        %cond3A_84 = arith.cmpi ne, %convert_element_type3A_82, %cond3A_83 : i32
        scf.if %cond3A_84 {
          %add3A_98 = arith.constant 2 : i32
          %add3A_99 = arith.addi %mul3A_41, %add3A_98 : i32
          %add3A_100 = arith.constant 0 : i32
          %add3A_101 = arith.addi %add3A_99, %add3A_100 : i32
          %dma_start3A_102 = arith.constant 0 : i32
          %dma_start3A_103 = tpu.memref_slice %arg7[%add3A_101, %dma_start3A_102] : memref<48x128xi32, #tpu.memory_space<vmem>> -> memref<1x128xi32, #tpu.memory_space<vmem>>
          %dma_start3A_104 = tpu.memref_squeeze %dma_start3A_103 : memref<1x128xi32, #tpu.memory_space<vmem>> -> memref<128xi32, #tpu.memory_space<vmem>>
          %dma_start3A_105 = arith.constant 0 : i32
          %dma_start3A_106 = arith.constant 0 : i32
          %dma_start3A_107 = tpu.memref_slice %arg2[%dma_start3A_105, %dma_start3A_106] : memref<10112x128xf32, #tpu.memory_space<hbm>> -> memref<10112x128xf32, #tpu.memory_space<hbm>>
          tpu.enqueue_indirect_dma source(%dma_start3A_107 : memref<10112x128xf32, #tpu.memory_space<hbm>>) target(%arg9 : memref<128x128xf32, #tpu.memory_space<vmem>>) offsets(%dma_start3A_104 : memref<128xi32, #tpu.memory_space<vmem>>) semaphore(%arg12 : memref<!tpu.dma_semaphore, #tpu.memory_space<semaphore_mem>>)
        } else {
        }
        %add3A_85 = arith.constant 1 : i32
        %add3A_86 = arith.addi %mul3A_41, %add3A_85 : i32
        %dma_wait3A_87 = arith.constant 0 : i32
        %dma_wait3A_88 = tpu.memref_slice %arg8[%add3A_86, %dma_wait3A_87] : memref<48x128xi32, #tpu.memory_space<vmem>> -> memref<1x128xi32, #tpu.memory_space<vmem>>
        %dma_wait3A_89 = tpu.memref_squeeze %dma_wait3A_88 : memref<1x128xi32, #tpu.memory_space<vmem>> -> memref<128xi32, #tpu.memory_space<vmem>>
        %dma_wait3A_90 = arith.constant 0 : i32
        %dma_wait3A_91 = arith.constant 0 : i32
        %dma_wait3A_92 = tpu.memref_slice %arg11[%dma_wait3A_90, %dma_wait3A_91] : memref<10112x128xf32, #tpu.memory_space<vmem_shared>> -> memref<10112x128xf32, #tpu.memory_space<vmem_shared>>
        tpu.wait_indirect_dma semaphore(%arg15 : memref<!tpu.dma_semaphore, #tpu.memory_space<semaphore_mem>>) src(%arg10 : memref<128x128xf32, #tpu.memory_space<vmem>>) dst(%dma_wait3A_92 : memref<10112x128xf32, #tpu.memory_space<vmem_shared>>)
        %lt3A_93 = arith.constant 3 : i32
        %lt3A_94 = arith.cmpi slt, %scan3A_39, %lt3A_93 : i32
        %convert_element_type3A_95 = arith.extui %lt3A_94 : i1 to i32
        %cond3A_96 = arith.constant 0 : i32
        %cond3A_97 = arith.cmpi ne, %convert_element_type3A_95, %cond3A_96 : i32
        scf.if %cond3A_97 {
          %add3A_98 = arith.constant 2 : i32
          %add3A_99 = arith.addi %mul3A_41, %add3A_98 : i32
          %add3A_100 = arith.constant 1 : i32
          %add3A_101 = arith.addi %add3A_99, %add3A_100 : i32
          %dma_start3A_102 = arith.constant 0 : i32
          %dma_start3A_103 = tpu.memref_slice %arg7[%add3A_101, %dma_start3A_102] : memref<48x128xi32, #tpu.memory_space<vmem>> -> memref<1x128xi32, #tpu.memory_space<vmem>>
          %dma_start3A_104 = tpu.memref_squeeze %dma_start3A_103 : memref<1x128xi32, #tpu.memory_space<vmem>> -> memref<128xi32, #tpu.memory_space<vmem>>
          %dma_start3A_105 = arith.constant 0 : i32
          %dma_start3A_106 = arith.constant 0 : i32
          %dma_start3A_107 = tpu.memref_slice %arg2[%dma_start3A_105, %dma_start3A_106] : memref<10112x128xf32, #tpu.memory_space<hbm>> -> memref<10112x128xf32, #tpu.memory_space<hbm>>
          tpu.enqueue_indirect_dma source(%dma_start3A_107 : memref<10112x128xf32, #tpu.memory_space<hbm>>) target(%arg10 : memref<128x128xf32, #tpu.memory_space<vmem>>) offsets(%dma_start3A_104 : memref<128xi32, #tpu.memory_space<vmem>>) semaphore(%arg13 : memref<!tpu.dma_semaphore, #tpu.memory_space<semaphore_mem>>)
        } else {
        }
      }
      %scan3A_37 = arith.constant 4 : i32
      %scan3A_38 = arith.constant 1 : i32
    } else {
    }
    %barrier3A_7 = arith.constant 0 : index
    tpu.barrier barrier_id(%barrier3A_7)
    %mul3A_8 = arith.constant 632 : i32
    %mul3A_9 = arith.muli %arg1, %mul3A_8 : i32
    %mul3A_10 = arith.constant 632 : i32
    %mul3A_11 = arith.muli %arg1, %mul3A_10 : i32
    "tpu.region"() ({
      %run_scoped3A = tpu.sem_alloc : memref<!tpu.dma_semaphore, #tpu.memory_space<semaphore_mem>>
      %dma_start3A = arith.constant 0 : i32
      %dma_start3A_12 = tpu.memref_slice %arg6[%arg0, %mul3A_11, %dma_start3A] : memref<2x10112x128xf32, #tpu.memory_space<hbm>> -> memref<1x632x128xf32, #tpu.memory_space<hbm>>
      %dma_start3A_13 = tpu.memref_squeeze %dma_start3A_12 : memref<1x632x128xf32, #tpu.memory_space<hbm>> -> memref<632x128xf32, #tpu.memory_space<hbm>>
      %dma_start3A_14 = arith.constant 0 : i32
      %dma_start3A_15 = tpu.memref_slice %arg11[%mul3A_9, %dma_start3A_14] : memref<10112x128xf32, #tpu.memory_space<vmem_shared>> -> memref<632x128xf32, #tpu.memory_space<vmem_shared>>
      tpu.enqueue_dma source(%dma_start3A_15 : memref<632x128xf32, #tpu.memory_space<vmem_shared>>) target(%dma_start3A_13 : memref<632x128xf32, #tpu.memory_space<hbm>>) target_semaphore(%run_scoped3A : memref<!tpu.dma_semaphore, #tpu.memory_space<semaphore_mem>>)
      %dma_wait3A = arith.constant 0 : i32
      %dma_wait3A_16 = tpu.memref_slice %arg6[%arg0, %mul3A_11, %dma_wait3A] : memref<2x10112x128xf32, #tpu.memory_space<hbm>> -> memref<1x632x128xf32, #tpu.memory_space<hbm>>
      %dma_wait3A_17 = tpu.memref_squeeze %dma_wait3A_16 : memref<1x632x128xf32, #tpu.memory_space<hbm>> -> memref<632x128xf32, #tpu.memory_space<hbm>>
      %dma_wait3A_18 = arith.constant 0 : i32
      %dma_wait3A_19 = tpu.memref_slice %arg11[%mul3A_9, %dma_wait3A_18] : memref<10112x128xf32, #tpu.memory_space<vmem_shared>> -> memref<632x128xf32, #tpu.memory_space<vmem_shared>>
      tpu.wait_dma2 semaphore(%run_scoped3A : memref<!tpu.dma_semaphore, #tpu.memory_space<semaphore_mem>>) src(%dma_wait3A_19 : memref<632x128xf32, #tpu.memory_space<vmem_shared>>) dst(%dma_wait3A_17 : memref<632x128xf32, #tpu.memory_space<hbm>>)
      tpu.yield
    }) : () -> ()
    return
  }
}

#map = affine_map<(d0, d1) -> (0, 0)>
#map1 = affine_map<(d0, d1) -> (0, 0, 0)>
module attributes {stable_mosaic.version = 14 : i64} {
  func.func @body(%arg0: i32, %arg1: i32, %arg2: memref<2560x128xi32, #tpu.memory_space<hbm>>, %arg3: memref<128x128xf32, #tpu.memory_space<hbm>>, %arg4: memref<632x128xf32, #tpu.memory_space<hbm>>, %arg5: memref<2x10112x128xf32, #tpu.memory_space<hbm>>, %arg6: memref<80x128xi32, #tpu.memory_space<vmem>>, %arg7: memref<128x128xf32, #tpu.memory_space<vmem>>, %arg8: memref<10112x128xf32, #tpu.memory_space<vmem_shared>>) attributes {dimension_semantics = [#tpu.dimension_semantics<core_parallel>, #tpu.dimension_semantics<subcore_parallel>], iteration_bounds = array<i64: 2, 16>, scalar_prefetch = 0 : i64, scratch_operands = 3 : i64, tpu.core_type = #tpu.core_type<sc_vector_subcore>, window_params = [{transform_indices = #map}, {transform_indices = #map}, {transform_indices = #map}, {transform_indices = #map1}]} {
    %mul3A = arith.constant 2 : i32
    %mul3A_0 = arith.muli %arg1, %mul3A : i32
    %add3A = arith.addi %mul3A_0, %arg0 : i32
    %mul3A_1 = arith.constant 632 : i32
    %mul3A_2 = arith.muli %arg1, %mul3A_1 : i32
    "tpu.region"() ({
      %run_scoped3A = tpu.sem_alloc : memref<!tpu.dma_semaphore, #tpu.memory_space<semaphore_mem>>
      %dma_start3A = arith.constant 0 : i32
      %dma_start3A_15 = tpu.memref_slice %arg8[%mul3A_2, %dma_start3A] : memref<10112x128xf32, #tpu.memory_space<vmem_shared>> -> memref<632x128xf32, #tpu.memory_space<vmem_shared>>
      tpu.enqueue_dma source(%arg4 : memref<632x128xf32, #tpu.memory_space<hbm>>) target(%dma_start3A_15 : memref<632x128xf32, #tpu.memory_space<vmem_shared>>) target_semaphore(%run_scoped3A : memref<!tpu.dma_semaphore, #tpu.memory_space<semaphore_mem>>)
      %dma_wait3A = arith.constant 0 : i32
      %dma_wait3A_16 = tpu.memref_slice %arg8[%mul3A_2, %dma_wait3A] : memref<10112x128xf32, #tpu.memory_space<vmem_shared>> -> memref<632x128xf32, #tpu.memory_space<vmem_shared>>
      tpu.wait_dma2 semaphore(%run_scoped3A : memref<!tpu.dma_semaphore, #tpu.memory_space<semaphore_mem>>) src(%arg4 : memref<632x128xf32, #tpu.memory_space<hbm>>) dst(%dma_wait3A_16 : memref<632x128xf32, #tpu.memory_space<vmem_shared>>)
      tpu.yield
    }) : () -> ()
    "tpu.region"() ({
      %run_scoped3A = tpu.sem_alloc : memref<!tpu.dma_semaphore, #tpu.memory_space<semaphore_mem>>
      tpu.enqueue_dma source(%arg3 : memref<128x128xf32, #tpu.memory_space<hbm>>) target(%arg7 : memref<128x128xf32, #tpu.memory_space<vmem>>) target_semaphore(%run_scoped3A : memref<!tpu.dma_semaphore, #tpu.memory_space<semaphore_mem>>)
      tpu.wait_dma2 semaphore(%run_scoped3A : memref<!tpu.dma_semaphore, #tpu.memory_space<semaphore_mem>>) src(%arg3 : memref<128x128xf32, #tpu.memory_space<hbm>>) dst(%arg7 : memref<128x128xf32, #tpu.memory_space<vmem>>)
      tpu.yield
    }) : () -> ()
    %mul3A_3 = arith.constant 80 : i32
    %mul3A_4 = arith.muli %add3A, %mul3A_3 : i32
    "tpu.region"() ({
      %run_scoped3A = tpu.sem_alloc : memref<!tpu.dma_semaphore, #tpu.memory_space<semaphore_mem>>
      %dma_start3A = arith.constant 0 : i32
      %dma_start3A_15 = tpu.memref_slice %arg2[%mul3A_4, %dma_start3A] : memref<2560x128xi32, #tpu.memory_space<hbm>> -> memref<80x128xi32, #tpu.memory_space<hbm>>
      %dma_start3A_16 = arith.constant 0 : i32
      %dma_start3A_17 = tpu.memref_slice %arg2[%mul3A_4, %dma_start3A_16] : memref<2560x128xi32, #tpu.memory_space<hbm>> -> memref<80x128xi32, #tpu.memory_space<hbm>>
      tpu.enqueue_dma source(%dma_start3A_17 : memref<80x128xi32, #tpu.memory_space<hbm>>) target(%arg6 : memref<80x128xi32, #tpu.memory_space<vmem>>) target_semaphore(%run_scoped3A : memref<!tpu.dma_semaphore, #tpu.memory_space<semaphore_mem>>)
      %dma_wait3A = arith.constant 0 : i32
      %dma_wait3A_18 = tpu.memref_slice %arg2[%mul3A_4, %dma_wait3A] : memref<2560x128xi32, #tpu.memory_space<hbm>> -> memref<80x128xi32, #tpu.memory_space<hbm>>
      %dma_wait3A_19 = arith.constant 0 : i32
      %dma_wait3A_20 = tpu.memref_slice %arg2[%mul3A_4, %dma_wait3A_19] : memref<2560x128xi32, #tpu.memory_space<hbm>> -> memref<80x128xi32, #tpu.memory_space<hbm>>
      tpu.wait_dma2 semaphore(%run_scoped3A : memref<!tpu.dma_semaphore, #tpu.memory_space<semaphore_mem>>) src(%dma_wait3A_20 : memref<80x128xi32, #tpu.memory_space<hbm>>) dst(%arg6 : memref<80x128xi32, #tpu.memory_space<vmem>>)
      tpu.yield
    }) : () -> ()
    %barrier3A = arith.constant 0 : index
    tpu.barrier barrier_id(%barrier3A)
    %scan3A = arith.constant 0 : i32
    %scan3A_5 = arith.constant 0 : i32
    %scan3A_6 = arith.constant 80 : i32
    %scan3A_7 = arith.addi %scan3A_5, %scan3A_6 : i32
    %scan3A_8 = arith.constant 1 : i32
    scf.for %scan3A_15 = %scan3A_5 to %scan3A_7 step %scan3A_8  : i32 {
      "tpu.region"() ({
        %run_scoped3A = tpu.sem_alloc : memref<!tpu.dma_semaphore, #tpu.memory_space<semaphore_mem>>
        %dma_start3A = arith.constant 0 : i32
        %dma_start3A_16 = tpu.memref_slice %arg6[%scan3A_15, %dma_start3A] : memref<80x128xi32, #tpu.memory_space<vmem>> -> memref<1x128xi32, #tpu.memory_space<vmem>>
        %dma_start3A_17 = tpu.memref_squeeze %dma_start3A_16 : memref<1x128xi32, #tpu.memory_space<vmem>> -> memref<128xi32, #tpu.memory_space<vmem>>
        %dma_start3A_18 = arith.constant 0 : i32
        %dma_start3A_19 = arith.constant 0 : i32
        %dma_start3A_20 = tpu.memref_slice %arg8[%dma_start3A_18, %dma_start3A_19] : memref<10112x128xf32, #tpu.memory_space<vmem_shared>> -> memref<10112x128xf32, #tpu.memory_space<vmem_shared>>
        tpu.enqueue_indirect_dma source(%arg7 : memref<128x128xf32, #tpu.memory_space<vmem>>) target(%dma_start3A_20 : memref<10112x128xf32, #tpu.memory_space<vmem_shared>>) offsets(%dma_start3A_17 : memref<128xi32, #tpu.memory_space<vmem>>) semaphore(%run_scoped3A : memref<!tpu.dma_semaphore, #tpu.memory_space<semaphore_mem>>) {add = true}
        %dma_wait3A = arith.constant 0 : i32
        %dma_wait3A_21 = tpu.memref_slice %arg6[%scan3A_15, %dma_wait3A] : memref<80x128xi32, #tpu.memory_space<vmem>> -> memref<1x128xi32, #tpu.memory_space<vmem>>
        %dma_wait3A_22 = tpu.memref_squeeze %dma_wait3A_21 : memref<1x128xi32, #tpu.memory_space<vmem>> -> memref<128xi32, #tpu.memory_space<vmem>>
        %dma_wait3A_23 = arith.constant 0 : i32
        %dma_wait3A_24 = arith.constant 0 : i32
        %dma_wait3A_25 = tpu.memref_slice %arg8[%dma_wait3A_23, %dma_wait3A_24] : memref<10112x128xf32, #tpu.memory_space<vmem_shared>> -> memref<10112x128xf32, #tpu.memory_space<vmem_shared>>
        tpu.wait_indirect_dma semaphore(%run_scoped3A : memref<!tpu.dma_semaphore, #tpu.memory_space<semaphore_mem>>) src(%arg7 : memref<128x128xf32, #tpu.memory_space<vmem>>) dst(%dma_wait3A_25 : memref<10112x128xf32, #tpu.memory_space<vmem_shared>>)
        tpu.yield
      }) : () -> ()
    }
    %scan3A_9 = arith.constant 80 : i32
    %barrier3A_10 = arith.constant 0 : index
    tpu.barrier barrier_id(%barrier3A_10)
    %mul3A_11 = arith.constant 632 : i32
    %mul3A_12 = arith.muli %arg1, %mul3A_11 : i32
    %mul3A_13 = arith.constant 632 : i32
    %mul3A_14 = arith.muli %arg1, %mul3A_13 : i32
    "tpu.region"() ({
      %run_scoped3A = tpu.sem_alloc : memref<!tpu.dma_semaphore, #tpu.memory_space<semaphore_mem>>
      %dma_start3A = arith.constant 0 : i32
      %dma_start3A_15 = tpu.memref_slice %arg5[%arg0, %mul3A_14, %dma_start3A] : memref<2x10112x128xf32, #tpu.memory_space<hbm>> -> memref<1x632x128xf32, #tpu.memory_space<hbm>>
      %dma_start3A_16 = tpu.memref_squeeze %dma_start3A_15 : memref<1x632x128xf32, #tpu.memory_space<hbm>> -> memref<632x128xf32, #tpu.memory_space<hbm>>
      %dma_start3A_17 = arith.constant 0 : i32
      %dma_start3A_18 = tpu.memref_slice %arg8[%mul3A_12, %dma_start3A_17] : memref<10112x128xf32, #tpu.memory_space<vmem_shared>> -> memref<632x128xf32, #tpu.memory_space<vmem_shared>>
      tpu.enqueue_dma source(%dma_start3A_18 : memref<632x128xf32, #tpu.memory_space<vmem_shared>>) target(%dma_start3A_16 : memref<632x128xf32, #tpu.memory_space<hbm>>) target_semaphore(%run_scoped3A : memref<!tpu.dma_semaphore, #tpu.memory_space<semaphore_mem>>)
      %dma_wait3A = arith.constant 0 : i32
      %dma_wait3A_19 = tpu.memref_slice %arg5[%arg0, %mul3A_14, %dma_wait3A] : memref<2x10112x128xf32, #tpu.memory_space<hbm>> -> memref<1x632x128xf32, #tpu.memory_space<hbm>>
      %dma_wait3A_20 = tpu.memref_squeeze %dma_wait3A_19 : memref<1x632x128xf32, #tpu.memory_space<hbm>> -> memref<632x128xf32, #tpu.memory_space<hbm>>
      %dma_wait3A_21 = arith.constant 0 : i32
      %dma_wait3A_22 = tpu.memref_slice %arg8[%mul3A_12, %dma_wait3A_21] : memref<10112x128xf32, #tpu.memory_space<vmem_shared>> -> memref<632x128xf32, #tpu.memory_space<vmem_shared>>
      tpu.wait_dma2 semaphore(%run_scoped3A : memref<!tpu.dma_semaphore, #tpu.memory_space<semaphore_mem>>) src(%dma_wait3A_22 : memref<632x128xf32, #tpu.memory_space<vmem_shared>>) dst(%dma_wait3A_20 : memref<632x128xf32, #tpu.memory_space<hbm>>)
      tpu.yield
    }) : () -> ()
    return
  }
}

module attributes {stable_mosaic.version = 14 : i64} {
  func.func @body(%arg0: i32, %arg1: memref<2528x128xf32, #tpu.memory_space<vmem>>, %arg2: memref<2x2528x128xf32, #tpu.memory_space<vmem>>, %arg3: memref<128x128xf32, #tpu.memory_space<vmem>>, %arg4: memref<128xf32, #tpu.memory_space<vmem>>, %arg5: memref<2528x128xf32, #tpu.memory_space<vmem>>, %arg6: memref<2528x1xf32, #tpu.memory_space<vmem>>) attributes {dimension_semantics = [#tpu.dimension_semantics<arbitrary>], iteration_bounds = array<i64: 4>, scalar_prefetch = 0 : i64, scratch_operands = 0 : i64, tpu.core_type = #tpu.core_type<tc>, window_params = [{transform_indices = @transform_0, window_bounds = array<i64: 2528, 128>}, {transform_indices = @transform_1, window_bounds = array<i64: 2, 2528, 128>}, {pipeline_mode = #tpu.pipeline_mode<synchronous>, transform_indices = @transform_2, window_bounds = array<i64: 128, 128>}, {pipeline_mode = #tpu.pipeline_mode<synchronous>, transform_indices = @transform_3, window_bounds = array<i64: 128>}, {transform_indices = @transform_4, window_bounds = array<i64: 2528, 128>}, {transform_indices = @transform_5, window_bounds = array<i64: 2528, 1>}]} {
    %get3A = arith.constant 0 : index
    %get3A_0 = arith.constant 0 : index
    %get3A_1 = arith.constant 0 : index
    %get3A_2 = vector.load %arg2[%get3A, %get3A_0, %get3A_1] : memref<2x2528x128xf32, #tpu.memory_space<vmem>>, vector<1x2528x1xf32>
    %get3A_3 = vector.shape_cast %get3A_2 : vector<1x2528x1xf32> to vector<2528x1xf32>
    %get3A_4 = arith.constant 1 : index
    %get3A_5 = arith.constant 0 : index
    %get3A_6 = arith.constant 0 : index
    %get3A_7 = vector.load %arg2[%get3A_4, %get3A_5, %get3A_6] : memref<2x2528x128xf32, #tpu.memory_space<vmem>>, vector<1x2528x1xf32>
    %get3A_8 = vector.shape_cast %get3A_7 : vector<1x2528x1xf32> to vector<2528x1xf32>
    %add3A = arith.addf %get3A_3, %get3A_8 : vector<2528x1xf32>
    %add3A_9 = arith.constant 1.000000e+00 : f32
    %add3A_10 = vector.broadcast %add3A_9 : f32 to vector<2528x1xf32>
    %add3A_11 = arith.addf %add3A, %add3A_10 : vector<2528x1xf32>
    %iota3A = tpu.iota {dimensions = array<i32: 0>} : vector<2528x1xi32>
    %mul3A = arith.constant 2528 : i32
    %mul3A_12 = arith.muli %arg0, %mul3A : i32
    %add3A_13 = vector.broadcast %mul3A_12 : i32 to vector<2528x1xi32>
    %add3A_14 = arith.addi %iota3A, %add3A_13 : vector<2528x1xi32>
    %lt3A = arith.constant 10000 : i32
    %lt3A_15 = vector.broadcast %lt3A : i32 to vector<2528x1xi32>
    %lt3A_16 = arith.cmpi slt, %add3A_14, %lt3A_15 : vector<2528x1xi32>
    %rsqrt3A = math.rsqrt %add3A_11 : vector<2528x1xf32>
    %jit3A = arith.constant 0.000000e+00 : f32
    %broadcast_in_dim3A = vector.broadcast %jit3A : f32 to vector<2528x1xf32>
    %select_n3A = arith.select %lt3A_16, %rsqrt3A, %broadcast_in_dim3A : vector<2528x1xi1>, vector<2528x1xf32>
    %get3A_17 = arith.constant 0 : index
    %get3A_18 = arith.constant 0 : index
    %get3A_19 = vector.load %arg1[%get3A_17, %get3A_18] : memref<2528x128xf32, #tpu.memory_space<vmem>>, vector<2528x128xf32>
    %get3A_20 = arith.constant 0 : index
    %get3A_21 = arith.constant 0 : index
    %get3A_22 = vector.load %arg3[%get3A_20, %get3A_21] : memref<128x128xf32, #tpu.memory_space<vmem>>, vector<128x128xf32>
    %dot_general3A = arith.constant dense<0.000000e+00> : vector<2528x128xf32>
    %dot_general3A_23 = tpu.matmul %get3A_19, %get3A_22, %dot_general3A {dimension_numbers = #tpu.dot_dimension_numbers<[1], [0], [0], [1], [0, 0, 1, 1], [], []>, transpose_lhs_hint = false} : vector<2528x128xf32>, vector<128x128xf32>, vector<2528x128xf32> -> vector<2528x128xf32>
    %get3A_24 = arith.constant 0 : index
    %get3A_25 = vector.load %arg4[%get3A_24] : memref<128xf32, #tpu.memory_space<vmem>>, vector<128xf32>
    %broadcast_in_dim3A_26 = vector.shape_cast %get3A_25 : vector<128xf32> to vector<1x128xf32>
    %add3A_27 = vector.broadcast %broadcast_in_dim3A_26 : vector<1x128xf32> to vector<2528x128xf32>
    %add3A_28 = arith.addf %dot_general3A_23, %add3A_27 : vector<2528x128xf32>
    %max3A = arith.constant 0.000000e+00 : f32
    %max3A_29 = vector.broadcast %max3A : f32 to vector<2528x128xf32>
    %max3A_30 = arith.maximumf %add3A_28, %max3A_29 : vector<2528x128xf32>
    %mul3A_31 = vector.broadcast %select_n3A : vector<2528x1xf32> to vector<2528x128xf32>
    %mul3A_32 = arith.mulf %mul3A_31, %max3A_30 : vector<2528x128xf32>
    %swap3A = arith.constant 0 : index
    %swap3A_33 = arith.constant 0 : index
    %swap3A_34 = vector.load %arg5[%swap3A, %swap3A_33] : memref<2528x128xf32, #tpu.memory_space<vmem>>, vector<2528x128xf32>
    tpu.vector_store %arg5[%swap3A, %swap3A_33], %mul3A_32 {strides = array<i32>} : memref<2528x128xf32, #tpu.memory_space<vmem>>, vector<2528x128xf32>,
    %swap3A_35 = arith.constant 0 : index
    %swap3A_36 = arith.constant 0 : index
    %swap3A_37 = vector.load %arg6[%swap3A_35, %swap3A_36] : memref<2528x1xf32, #tpu.memory_space<vmem>>, vector<2528x1xf32>
    tpu.vector_store %arg6[%swap3A_35, %swap3A_36], %select_n3A {strides = array<i32>} : memref<2528x1xf32, #tpu.memory_space<vmem>>, vector<2528x1xf32>,
    return
  }
  func.func @transform_0(%arg0: i32) -> (i32, i32) {
    %c0_i32 = arith.constant 0 : i32
    %c0_i32_0 = arith.constant 0 : i32
    return %arg0, %c0_i32 : i32, i32
  }
  func.func @transform_1(%arg0: i32) -> (i32, i32, i32) {
    %c0_i32 = arith.constant 0 : i32
    %c0_i32_0 = arith.constant 0 : i32
    %c0_i32_1 = arith.constant 0 : i32
    return %c0_i32, %arg0, %c0_i32_0 : i32, i32, i32
  }
  func.func @transform_2(%arg0: i32) -> (i32, i32) {
    %c0_i32 = arith.constant 0 : i32
    %c0_i32_0 = arith.constant 0 : i32
    %c0_i32_1 = arith.constant 0 : i32
    return %c0_i32, %c0_i32_0 : i32, i32
  }
  func.func @transform_3(%arg0: i32) -> i32 {
    %c0_i32 = arith.constant 0 : i32
    %c0_i32_0 = arith.constant 0 : i32
    return %c0_i32 : i32
  }
  func.func @transform_4(%arg0: i32) -> (i32, i32) {
    %c0_i32 = arith.constant 0 : i32
    %c0_i32_0 = arith.constant 0 : i32
    return %arg0, %c0_i32 : i32, i32
  }
  func.func @transform_5(%arg0: i32) -> (i32, i32) {
    %c0_i32 = arith.constant 0 : i32
    %c0_i32_0 = arith.constant 0 : i32
    return %arg0, %c0_i32 : i32, i32
  }
}

module attributes {stable_mosaic.version = 14 : i64} {
  func.func @body(%arg0: i32, %arg1: memref<2x2528x128xf32, #tpu.memory_space<vmem>>, %arg2: memref<2528x128xf32, #tpu.memory_space<vmem>>, %arg3: memref<2528x1xf32, #tpu.memory_space<vmem>>, %arg4: memref<128x128xf32, #tpu.memory_space<vmem>>, %arg5: memref<128xf32, #tpu.memory_space<vmem>>, %arg6: memref<2528x128xf32, #tpu.memory_space<vmem>>, %arg7: memref<2528x128xf32, #tpu.memory_space<vmem>>) attributes {dimension_semantics = [#tpu.dimension_semantics<arbitrary>], iteration_bounds = array<i64: 4>, scalar_prefetch = 0 : i64, scratch_operands = 0 : i64, tpu.core_type = #tpu.core_type<tc>, window_params = [{transform_indices = @transform_0, window_bounds = array<i64: 2, 2528, 128>}, {transform_indices = @transform_1, window_bounds = array<i64: 2528, 128>}, {transform_indices = @transform_2, window_bounds = array<i64: 2528, 1>}, {pipeline_mode = #tpu.pipeline_mode<synchronous>, transform_indices = @transform_3, window_bounds = array<i64: 128, 128>}, {pipeline_mode = #tpu.pipeline_mode<synchronous>, transform_indices = @transform_4, window_bounds = array<i64: 128>}, {transform_indices = @transform_5, window_bounds = array<i64: 2528, 128>}, {transform_indices = @transform_6, window_bounds = array<i64: 2528, 128>}]} {
    %get3A = arith.constant 0 : index
    %get3A_0 = arith.constant 0 : index
    %get3A_1 = vector.load %arg3[%get3A, %get3A_0] : memref<2528x1xf32, #tpu.memory_space<vmem>>, vector<2528x1xf32>
    %get3A_2 = arith.constant 0 : index
    %get3A_3 = arith.constant 0 : index
    %get3A_4 = arith.constant 0 : index
    %get3A_5 = vector.load %arg1[%get3A_2, %get3A_3, %get3A_4] : memref<2x2528x128xf32, #tpu.memory_space<vmem>>, vector<1x2528x128xf32>
    %get3A_6 = vector.shape_cast %get3A_5 : vector<1x2528x128xf32> to vector<2528x128xf32>
    %get3A_7 = arith.constant 1 : index
    %get3A_8 = arith.constant 0 : index
    %get3A_9 = arith.constant 0 : index
    %get3A_10 = vector.load %arg1[%get3A_7, %get3A_8, %get3A_9] : memref<2x2528x128xf32, #tpu.memory_space<vmem>>, vector<1x2528x128xf32>
    %get3A_11 = vector.shape_cast %get3A_10 : vector<1x2528x128xf32> to vector<2528x128xf32>
    %add3A = arith.addf %get3A_6, %get3A_11 : vector<2528x128xf32>
    %get3A_12 = arith.constant 0 : index
    %get3A_13 = arith.constant 0 : index
    %get3A_14 = vector.load %arg2[%get3A_12, %get3A_13] : memref<2528x128xf32, #tpu.memory_space<vmem>>, vector<2528x128xf32>
    %add3A_15 = arith.addf %add3A, %get3A_14 : vector<2528x128xf32>
    %mul3A = vector.broadcast %get3A_1 : vector<2528x1xf32> to vector<2528x128xf32>
    %mul3A_16 = arith.mulf %mul3A, %add3A_15 : vector<2528x128xf32>
    %get3A_17 = arith.constant 0 : index
    %get3A_18 = arith.constant 0 : index
    %get3A_19 = vector.load %arg4[%get3A_17, %get3A_18] : memref<128x128xf32, #tpu.memory_space<vmem>>, vector<128x128xf32>
    %dot_general3A = arith.constant dense<0.000000e+00> : vector<2528x128xf32>
    %dot_general3A_20 = tpu.matmul %mul3A_16, %get3A_19, %dot_general3A {dimension_numbers = #tpu.dot_dimension_numbers<[1], [0], [0], [1], [0, 0, 1, 1], [], []>, transpose_lhs_hint = false} : vector<2528x128xf32>, vector<128x128xf32>, vector<2528x128xf32> -> vector<2528x128xf32>
    %get3A_21 = arith.constant 0 : index
    %get3A_22 = vector.load %arg5[%get3A_21] : memref<128xf32, #tpu.memory_space<vmem>>, vector<128xf32>
    %broadcast_in_dim3A = vector.shape_cast %get3A_22 : vector<128xf32> to vector<1x128xf32>
    %add3A_23 = vector.broadcast %broadcast_in_dim3A : vector<1x128xf32> to vector<2528x128xf32>
    %add3A_24 = arith.addf %dot_general3A_20, %add3A_23 : vector<2528x128xf32>
    %swap3A = arith.constant 0 : index
    %swap3A_25 = arith.constant 0 : index
    %swap3A_26 = vector.load %arg6[%swap3A, %swap3A_25] : memref<2528x128xf32, #tpu.memory_space<vmem>>, vector<2528x128xf32>
    tpu.vector_store %arg6[%swap3A, %swap3A_25], %mul3A_16 {strides = array<i32>} : memref<2528x128xf32, #tpu.memory_space<vmem>>, vector<2528x128xf32>,
    %mul3A_27 = vector.broadcast %get3A_1 : vector<2528x1xf32> to vector<2528x128xf32>
    %mul3A_28 = arith.mulf %mul3A_27, %add3A_24 : vector<2528x128xf32>
    %swap3A_29 = arith.constant 0 : index
    %swap3A_30 = arith.constant 0 : index
    %swap3A_31 = vector.load %arg7[%swap3A_29, %swap3A_30] : memref<2528x128xf32, #tpu.memory_space<vmem>>, vector<2528x128xf32>
    tpu.vector_store %arg7[%swap3A_29, %swap3A_30], %mul3A_28 {strides = array<i32>} : memref<2528x128xf32, #tpu.memory_space<vmem>>, vector<2528x128xf32>,
    return
  }
  func.func @transform_0(%arg0: i32) -> (i32, i32, i32) {
    %c0_i32 = arith.constant 0 : i32
    %c0_i32_0 = arith.constant 0 : i32
    %c0_i32_1 = arith.constant 0 : i32
    return %c0_i32, %arg0, %c0_i32_0 : i32, i32, i32
  }
  func.func @transform_1(%arg0: i32) -> (i32, i32) {
    %c0_i32 = arith.constant 0 : i32
    %c0_i32_0 = arith.constant 0 : i32
    return %arg0, %c0_i32 : i32, i32
  }
  func.func @transform_2(%arg0: i32) -> (i32, i32) {
    %c0_i32 = arith.constant 0 : i32
    %c0_i32_0 = arith.constant 0 : i32
    return %arg0, %c0_i32 : i32, i32
  }
  func.func @transform_3(%arg0: i32) -> (i32, i32) {
    %c0_i32 = arith.constant 0 : i32
    %c0_i32_0 = arith.constant 0 : i32
    %c0_i32_1 = arith.constant 0 : i32
    return %c0_i32, %c0_i32_0 : i32, i32
  }
  func.func @transform_4(%arg0: i32) -> i32 {
    %c0_i32 = arith.constant 0 : i32
    %c0_i32_0 = arith.constant 0 : i32
    return %c0_i32 : i32
  }
  func.func @transform_5(%arg0: i32) -> (i32, i32) {
    %c0_i32 = arith.constant 0 : i32
    %c0_i32_0 = arith.constant 0 : i32
    return %arg0, %c0_i32 : i32, i32
  }
  func.func @transform_6(%arg0: i32) -> (i32, i32) {
    %c0_i32 = arith.constant 0 : i32
    %c0_i32_0 = arith.constant 0 : i32
    return %arg0, %c0_i32 : i32, i32
  }
}

module attributes {stable_mosaic.version = 14 : i64} {
  func.func @body(%arg0: i32, %arg1: memref<2x2528x128xf32, #tpu.memory_space<vmem>>, %arg2: memref<2528x128xf32, #tpu.memory_space<vmem>>, %arg3: memref<2528x1xf32, #tpu.memory_space<vmem>>, %arg4: memref<2528x128xf32, #tpu.memory_space<vmem>>, %arg5: memref<128x128xf32, #tpu.memory_space<vmem>>, %arg6: memref<128xf32, #tpu.memory_space<vmem>>, %arg7: memref<128x128xf32, #tpu.memory_space<vmem>>, %arg8: memref<128xf32, #tpu.memory_space<vmem>>, %arg9: memref<128x128xf32, #tpu.memory_space<vmem>>, %arg10: memref<128xf32, #tpu.memory_space<vmem>>, %arg11: memref<2528x128xf32, #tpu.memory_space<vmem>>, %arg12: memref<2528x128xf32, #tpu.memory_space<vmem>>, %arg13: memref<2528x128xf32, #tpu.memory_space<vmem>>, %arg14: memref<2528x128xf32, #tpu.memory_space<vmem>>) attributes {dimension_semantics = [#tpu.dimension_semantics<arbitrary>], iteration_bounds = array<i64: 4>, scalar_prefetch = 0 : i64, scratch_operands = 0 : i64, tpu.core_type = #tpu.core_type<tc>, window_params = [{transform_indices = @transform_0, window_bounds = array<i64: 2, 2528, 128>}, {transform_indices = @transform_1, window_bounds = array<i64: 2528, 128>}, {transform_indices = @transform_2, window_bounds = array<i64: 2528, 1>}, {transform_indices = @transform_3, window_bounds = array<i64: 2528, 128>}, {pipeline_mode = #tpu.pipeline_mode<synchronous>, transform_indices = @transform_4, window_bounds = array<i64: 128, 128>}, {pipeline_mode = #tpu.pipeline_mode<synchronous>, transform_indices = @transform_5, window_bounds = array<i64: 128>}, {pipeline_mode = #tpu.pipeline_mode<synchronous>, transform_indices = @transform_6, window_bounds = array<i64: 128, 128>}, {pipeline_mode = #tpu.pipeline_mode<synchronous>, transform_indices = @transform_7, window_bounds = array<i64: 128>}, {pipeline_mode = #tpu.pipeline_mode<synchronous>, transform_indices = @transform_8, window_bounds = array<i64: 128, 128>}, {pipeline_mode = #tpu.pipeline_mode<synchronous>, transform_indices = @transform_9, window_bounds = array<i64: 128>}, {transform_indices = @transform_10, window_bounds = array<i64: 2528, 128>}, {transform_indices = @transform_11, window_bounds = array<i64: 2528, 128>}, {transform_indices = @transform_12, window_bounds = array<i64: 2528, 128>}, {transform_indices = @transform_13, window_bounds = array<i64: 2528, 128>}]} {
    %get3A = arith.constant 0 : index
    %get3A_0 = arith.constant 0 : index
    %get3A_1 = vector.load %arg3[%get3A, %get3A_0] : memref<2528x1xf32, #tpu.memory_space<vmem>>, vector<2528x1xf32>
    %get3A_2 = arith.constant 0 : index
    %get3A_3 = arith.constant 0 : index
    %get3A_4 = arith.constant 0 : index
    %get3A_5 = vector.load %arg1[%get3A_2, %get3A_3, %get3A_4] : memref<2x2528x128xf32, #tpu.memory_space<vmem>>, vector<1x2528x128xf32>
    %get3A_6 = vector.shape_cast %get3A_5 : vector<1x2528x128xf32> to vector<2528x128xf32>
    %get3A_7 = arith.constant 1 : index
    %get3A_8 = arith.constant 0 : index
    %get3A_9 = arith.constant 0 : index
    %get3A_10 = vector.load %arg1[%get3A_7, %get3A_8, %get3A_9] : memref<2x2528x128xf32, #tpu.memory_space<vmem>>, vector<1x2528x128xf32>
    %get3A_11 = vector.shape_cast %get3A_10 : vector<1x2528x128xf32> to vector<2528x128xf32>
    %add3A = arith.addf %get3A_6, %get3A_11 : vector<2528x128xf32>
    %get3A_12 = arith.constant 0 : index
    %get3A_13 = arith.constant 0 : index
    %get3A_14 = vector.load %arg2[%get3A_12, %get3A_13] : memref<2528x128xf32, #tpu.memory_space<vmem>>, vector<2528x128xf32>
    %add3A_15 = arith.addf %add3A, %get3A_14 : vector<2528x128xf32>
    %mul3A = vector.broadcast %get3A_1 : vector<2528x1xf32> to vector<2528x128xf32>
    %mul3A_16 = arith.mulf %mul3A, %add3A_15 : vector<2528x128xf32>
    %get3A_17 = arith.constant 0 : index
    %get3A_18 = arith.constant 0 : index
    %get3A_19 = vector.load %arg5[%get3A_17, %get3A_18] : memref<128x128xf32, #tpu.memory_space<vmem>>, vector<128x128xf32>
    %dot_general3A = arith.constant dense<0.000000e+00> : vector<2528x128xf32>
    %dot_general3A_20 = tpu.matmul %mul3A_16, %get3A_19, %dot_general3A {dimension_numbers = #tpu.dot_dimension_numbers<[1], [0], [0], [1], [0, 0, 1, 1], [], []>, transpose_lhs_hint = false} : vector<2528x128xf32>, vector<128x128xf32>, vector<2528x128xf32> -> vector<2528x128xf32>
    %get3A_21 = arith.constant 0 : index
    %get3A_22 = vector.load %arg6[%get3A_21] : memref<128xf32, #tpu.memory_space<vmem>>, vector<128xf32>
    %broadcast_in_dim3A = vector.shape_cast %get3A_22 : vector<128xf32> to vector<1x128xf32>
    %add3A_23 = vector.broadcast %broadcast_in_dim3A : vector<1x128xf32> to vector<2528x128xf32>
    %add3A_24 = arith.addf %dot_general3A_20, %add3A_23 : vector<2528x128xf32>
    %get3A_25 = arith.constant 0 : index
    %get3A_26 = arith.constant 0 : index
    %get3A_27 = vector.load %arg7[%get3A_25, %get3A_26] : memref<128x128xf32, #tpu.memory_space<vmem>>, vector<128x128xf32>
    %dot_general3A_28 = arith.constant dense<0.000000e+00> : vector<2528x128xf32>
    %dot_general3A_29 = tpu.matmul %mul3A_16, %get3A_27, %dot_general3A_28 {dimension_numbers = #tpu.dot_dimension_numbers<[1], [0], [0], [1], [0, 0, 1, 1], [], []>, transpose_lhs_hint = false} : vector<2528x128xf32>, vector<128x128xf32>, vector<2528x128xf32> -> vector<2528x128xf32>
    %get3A_30 = arith.constant 0 : index
    %get3A_31 = vector.load %arg8[%get3A_30] : memref<128xf32, #tpu.memory_space<vmem>>, vector<128xf32>
    %broadcast_in_dim3A_32 = vector.shape_cast %get3A_31 : vector<128xf32> to vector<1x128xf32>
    %add3A_33 = vector.broadcast %broadcast_in_dim3A_32 : vector<1x128xf32> to vector<2528x128xf32>
    %add3A_34 = arith.addf %dot_general3A_29, %add3A_33 : vector<2528x128xf32>
    %custom_jvp_call3A = arith.constant 0.000000e+00 : f32
    %max3A = vector.broadcast %custom_jvp_call3A : f32 to vector<2528x128xf32>
    %max3A_35 = arith.maximumf %add3A_34, %max3A : vector<2528x128xf32>
    %sub3A = vector.broadcast %custom_jvp_call3A : f32 to vector<2528x128xf32>
    %sub3A_36 = arith.subf %add3A_34, %sub3A : vector<2528x128xf32>
    %ne3A = arith.cmpf one, %sub3A_36, %sub3A_36 : vector<2528x128xf32>
    %add3A_37 = vector.broadcast %custom_jvp_call3A : f32 to vector<2528x128xf32>
    %add3A_38 = arith.addf %add3A_34, %add3A_37 : vector<2528x128xf32>
    %abs3A = math.absf %sub3A_36 : vector<2528x128xf32>
    %neg3A = arith.constant 0.000000e+00 : f32
    %neg3A_39 = vector.broadcast %neg3A : f32 to vector<2528x128xf32>
    %neg3A_40 = arith.subf %neg3A_39, %abs3A : vector<2528x128xf32>
    %exp3A = math.exp %neg3A_40 : vector<2528x128xf32>
    %log1p3A = math.log1p %exp3A : vector<2528x128xf32>
    %add3A_41 = arith.addf %max3A_35, %log1p3A : vector<2528x128xf32>
    %select_n3A = arith.select %ne3A, %add3A_38, %add3A_41 : vector<2528x128xi1>, vector<2528x128xf32>
    %get3A_42 = arith.constant 0 : index
    %get3A_43 = arith.constant 0 : index
    %get3A_44 = vector.load %arg4[%get3A_42, %get3A_43] : memref<2528x128xf32, #tpu.memory_space<vmem>>, vector<2528x128xf32>
    %mul3A_45 = arith.mulf %get3A_44, %select_n3A : vector<2528x128xf32>
    %add3A_46 = arith.addf %mul3A_45, %add3A_24 : vector<2528x128xf32>
    %get3A_47 = arith.constant 0 : index
    %get3A_48 = arith.constant 0 : index
    %get3A_49 = vector.load %arg9[%get3A_47, %get3A_48] : memref<128x128xf32, #tpu.memory_space<vmem>>, vector<128x128xf32>
    %dot_general3A_50 = arith.constant dense<0.000000e+00> : vector<2528x128xf32>
    %dot_general3A_51 = tpu.matmul %add3A_46, %get3A_49, %dot_general3A_50 {dimension_numbers = #tpu.dot_dimension_numbers<[1], [0], [0], [1], [0, 0, 1, 1], [], []>, transpose_lhs_hint = false} : vector<2528x128xf32>, vector<128x128xf32>, vector<2528x128xf32> -> vector<2528x128xf32>
    %get3A_52 = arith.constant 0 : index
    %get3A_53 = vector.load %arg10[%get3A_52] : memref<128xf32, #tpu.memory_space<vmem>>, vector<128xf32>
    %broadcast_in_dim3A_54 = vector.shape_cast %get3A_53 : vector<128xf32> to vector<1x128xf32>
    %add3A_55 = vector.broadcast %broadcast_in_dim3A_54 : vector<1x128xf32> to vector<2528x128xf32>
    %add3A_56 = arith.addf %dot_general3A_51, %add3A_55 : vector<2528x128xf32>
    %max3A_57 = arith.constant 0.000000e+00 : f32
    %max3A_58 = vector.broadcast %max3A_57 : f32 to vector<2528x128xf32>
    %max3A_59 = arith.maximumf %add3A_56, %max3A_58 : vector<2528x128xf32>
    %swap3A = arith.constant 0 : index
    %swap3A_60 = arith.constant 0 : index
    %swap3A_61 = vector.load %arg11[%swap3A, %swap3A_60] : memref<2528x128xf32, #tpu.memory_space<vmem>>, vector<2528x128xf32>
    tpu.vector_store %arg11[%swap3A, %swap3A_60], %add3A_24 {strides = array<i32>} : memref<2528x128xf32, #tpu.memory_space<vmem>>, vector<2528x128xf32>,
    %swap3A_62 = arith.constant 0 : index
    %swap3A_63 = arith.constant 0 : index
    %swap3A_64 = vector.load %arg12[%swap3A_62, %swap3A_63] : memref<2528x128xf32, #tpu.memory_space<vmem>>, vector<2528x128xf32>
    tpu.vector_store %arg12[%swap3A_62, %swap3A_63], %select_n3A {strides = array<i32>} : memref<2528x128xf32, #tpu.memory_space<vmem>>, vector<2528x128xf32>,
    %swap3A_65 = arith.constant 0 : index
    %swap3A_66 = arith.constant 0 : index
    %swap3A_67 = vector.load %arg13[%swap3A_65, %swap3A_66] : memref<2528x128xf32, #tpu.memory_space<vmem>>, vector<2528x128xf32>
    tpu.vector_store %arg13[%swap3A_65, %swap3A_66], %add3A_46 {strides = array<i32>} : memref<2528x128xf32, #tpu.memory_space<vmem>>, vector<2528x128xf32>,
    %mul3A_68 = vector.broadcast %get3A_1 : vector<2528x1xf32> to vector<2528x128xf32>
    %mul3A_69 = arith.mulf %mul3A_68, %max3A_59 : vector<2528x128xf32>
    %swap3A_70 = arith.constant 0 : index
    %swap3A_71 = arith.constant 0 : index
    %swap3A_72 = vector.load %arg14[%swap3A_70, %swap3A_71] : memref<2528x128xf32, #tpu.memory_space<vmem>>, vector<2528x128xf32>
    tpu.vector_store %arg14[%swap3A_70, %swap3A_71], %mul3A_69 {strides = array<i32>} : memref<2528x128xf32, #tpu.memory_space<vmem>>, vector<2528x128xf32>,
    return
  }
  func.func @transform_0(%arg0: i32) -> (i32, i32, i32) {
    %c0_i32 = arith.constant 0 : i32
    %c0_i32_0 = arith.constant 0 : i32
    %c0_i32_1 = arith.constant 0 : i32
    return %c0_i32, %arg0, %c0_i32_0 : i32, i32, i32
  }
  func.func @transform_1(%arg0: i32) -> (i32, i32) {
    %c0_i32 = arith.constant 0 : i32
    %c0_i32_0 = arith.constant 0 : i32
    return %arg0, %c0_i32 : i32, i32
  }
  func.func @transform_2(%arg0: i32) -> (i32, i32) {
    %c0_i32 = arith.constant 0 : i32
    %c0_i32_0 = arith.constant 0 : i32
    return %arg0, %c0_i32 : i32, i32
  }
  func.func @transform_3(%arg0: i32) -> (i32, i32) {
    %c0_i32 = arith.constant 0 : i32
    %c0_i32_0 = arith.constant 0 : i32
    return %arg0, %c0_i32 : i32, i32
  }
  func.func @transform_4(%arg0: i32) -> (i32, i32) {
    %c0_i32 = arith.constant 0 : i32
    %c0_i32_0 = arith.constant 0 : i32
    %c0_i32_1 = arith.constant 0 : i32
    return %c0_i32, %c0_i32_0 : i32, i32
  }
  func.func @transform_5(%arg0: i32) -> i32 {
    %c0_i32 = arith.constant 0 : i32
    %c0_i32_0 = arith.constant 0 : i32
    return %c0_i32 : i32
  }
  func.func @transform_6(%arg0: i32) -> (i32, i32) {
    %c0_i32 = arith.constant 0 : i32
    %c0_i32_0 = arith.constant 0 : i32
    %c0_i32_1 = arith.constant 0 : i32
    return %c0_i32, %c0_i32_0 : i32, i32
  }
  func.func @transform_7(%arg0: i32) -> i32 {
    %c0_i32 = arith.constant 0 : i32
    %c0_i32_0 = arith.constant 0 : i32
    return %c0_i32 : i32
  }
  func.func @transform_8(%arg0: i32) -> (i32, i32) {
    %c0_i32 = arith.constant 0 : i32
    %c0_i32_0 = arith.constant 0 : i32
    %c0_i32_1 = arith.constant 0 : i32
    return %c0_i32, %c0_i32_0 : i32, i32
  }
  func.func @transform_9(%arg0: i32) -> i32 {
    %c0_i32 = arith.constant 0 : i32
    %c0_i32_0 = arith.constant 0 : i32
    return %c0_i32 : i32
  }
  func.func @transform_10(%arg0: i32) -> (i32, i32) {
    %c0_i32 = arith.constant 0 : i32
    %c0_i32_0 = arith.constant 0 : i32
    return %arg0, %c0_i32 : i32, i32
  }
  func.func @transform_11(%arg0: i32) -> (i32, i32) {
    %c0_i32 = arith.constant 0 : i32
    %c0_i32_0 = arith.constant 0 : i32
    return %arg0, %c0_i32 : i32, i32
  }
  func.func @transform_12(%arg0: i32) -> (i32, i32) {
    %c0_i32 = arith.constant 0 : i32
    %c0_i32_0 = arith.constant 0 : i32
    return %arg0, %c0_i32 : i32, i32
  }
  func.func @transform_13(%arg0: i32) -> (i32, i32) {
    %c0_i32 = arith.constant 0 : i32
    %c0_i32_0 = arith.constant 0 : i32
    return %arg0, %c0_i32 : i32, i32
  }
}

module attributes {stable_mosaic.version = 14 : i64} {
  func.func @body(%arg0: i32, %arg1: memref<400x128xf32, #tpu.memory_space<vmem>>, %arg2: memref<10000x128xf32, #tpu.memory_space<vmem>>, %arg3: memref<400x10000xf32, #tpu.memory_space<vmem>>) attributes {dimension_semantics = [#tpu.dimension_semantics<arbitrary>], iteration_bounds = array<i64: 25>, scalar_prefetch = 0 : i64, scratch_operands = 0 : i64, tpu.core_type = #tpu.core_type<tc>, window_params = [{transform_indices = @transform_0, window_bounds = array<i64: 400, 128>}, {pipeline_mode = #tpu.pipeline_mode<synchronous>, transform_indices = @transform_1, window_bounds = array<i64: 10000, 128>}, {transform_indices = @transform_2, window_bounds = array<i64: 400, 10000>}]} {
    %get3A = arith.constant 0 : index
    %get3A_0 = arith.constant 0 : index
    %get3A_1 = vector.load %arg1[%get3A, %get3A_0] : memref<400x128xf32, #tpu.memory_space<vmem>>, vector<400x128xf32>
    %get3A_2 = arith.constant 0 : index
    %get3A_3 = arith.constant 0 : index
    %get3A_4 = vector.load %arg2[%get3A_2, %get3A_3] : memref<10000x128xf32, #tpu.memory_space<vmem>>, vector<10000x128xf32>
    %dot_general3A = arith.constant dense<0.000000e+00> : vector<400x10000xf32>
    %dot_general3A_5 = tpu.matmul %get3A_1, %get3A_4, %dot_general3A {dimension_numbers = #tpu.dot_dimension_numbers<[1], [1], [0], [0], [0, 0, 1, 0], [], []>, transpose_lhs_hint = false} : vector<400x128xf32>, vector<10000x128xf32>, vector<400x10000xf32> -> vector<400x10000xf32>
    %logistic3A = arith.negf %dot_general3A_5 : vector<400x10000xf32>
    %logistic3A_6 = math.exp %logistic3A : vector<400x10000xf32>
    %logistic3A_7 = arith.constant 1.000000e+00 : f32
    %logistic3A_8 = vector.broadcast %logistic3A_7 : f32 to vector<400x10000xf32>
    %logistic3A_9 = arith.addf %logistic3A_8, %logistic3A_6 : vector<400x10000xf32>
    %logistic3A_10 = arith.divf %logistic3A_8, %logistic3A_9 : vector<400x10000xf32>
    %swap3A = arith.constant 0 : index
    %swap3A_11 = arith.constant 0 : index
    %swap3A_12 = vector.load %arg3[%swap3A, %swap3A_11] : memref<400x10000xf32, #tpu.memory_space<vmem>>, vector<400x10000xf32>
    tpu.vector_store %arg3[%swap3A, %swap3A_11], %logistic3A_10 {strides = array<i32>} : memref<400x10000xf32, #tpu.memory_space<vmem>>, vector<400x10000xf32>,
    return
  }
  func.func @transform_0(%arg0: i32) -> (i32, i32) {
    %c0_i32 = arith.constant 0 : i32
    %c0_i32_0 = arith.constant 0 : i32
    return %arg0, %c0_i32 : i32, i32
  }
  func.func @transform_1(%arg0: i32) -> (i32, i32) {
    %c0_i32 = arith.constant 0 : i32
    %c0_i32_0 = arith.constant 0 : i32
    %c0_i32_1 = arith.constant 0 : i32
    return %c0_i32, %c0_i32_0 : i32, i32
  }
  func.func @transform_2(%arg0: i32) -> (i32, i32) {
    %c0_i32 = arith.constant 0 : i32
    %c0_i32_0 = arith.constant 0 : i32
    return %arg0, %c0_i32 : i32, i32
  }
}

module attributes {stable_mosaic.version = 14 : i64} {
  func.func @body(%arg0: i32, %arg1: memref<2x2528x128xf32, #tpu.memory_space<vmem>>, %arg2: memref<2528x128xf32, #tpu.memory_space<vmem>>, %arg3: memref<2528x1xf32, #tpu.memory_space<vmem>>, %arg4: memref<2528x128xf32, #tpu.memory_space<vmem>>, %arg5: memref<128x128xf32, #tpu.memory_space<vmem>>, %arg6: memref<128x128xf32, #tpu.memory_space<vmem>>, %arg7: memref<128x128xf32, #tpu.memory_space<vmem>>, %arg8: memref<128x128xf32, #tpu.memory_space<vmem>>, %arg9: memref<128xf32, #tpu.memory_space<vmem>>, %arg10: memref<128xf32, #tpu.memory_space<vmem>>, %arg11: memref<128xf32, #tpu.memory_space<vmem>>, %arg12: memref<128xf32, #tpu.memory_space<vmem>>, %arg13: memref<128xf32, #tpu.memory_space<vmem>>, %arg14: memref<128x128xf32, #tpu.memory_space<vmem>>, %arg15: memref<128xf32, #tpu.memory_space<vmem>>, %arg16: memref<128x128xf32, #tpu.memory_space<vmem>>, %arg17: memref<128xf32, #tpu.memory_space<vmem>>, %arg18: memref<2528x128xf32, #tpu.memory_space<vmem>>, %arg19: memref<2528x128xf32, #tpu.memory_space<vmem>>, %arg20: memref<2528x128xf32, #tpu.memory_space<vmem>>) attributes {dimension_semantics = [#tpu.dimension_semantics<arbitrary>], iteration_bounds = array<i64: 4>, scalar_prefetch = 0 : i64, scratch_operands = 0 : i64, tpu.core_type = #tpu.core_type<tc>, window_params = [{transform_indices = @transform_0, window_bounds = array<i64: 2, 2528, 128>}, {transform_indices = @transform_1, window_bounds = array<i64: 2528, 128>}, {transform_indices = @transform_2, window_bounds = array<i64: 2528, 1>}, {transform_indices = @transform_3, window_bounds = array<i64: 2528, 128>}, {pipeline_mode = #tpu.pipeline_mode<synchronous>, transform_indices = @transform_4, window_bounds = array<i64: 128, 128>}, {pipeline_mode = #tpu.pipeline_mode<synchronous>, transform_indices = @transform_5, window_bounds = array<i64: 128, 128>}, {pipeline_mode = #tpu.pipeline_mode<synchronous>, transform_indices = @transform_6, window_bounds = array<i64: 128, 128>}, {pipeline_mode = #tpu.pipeline_mode<synchronous>, transform_indices = @transform_7, window_bounds = array<i64: 128, 128>}, {pipeline_mode = #tpu.pipeline_mode<synchronous>, transform_indices = @transform_8, window_bounds = array<i64: 128>}, {pipeline_mode = #tpu.pipeline_mode<synchronous>, transform_indices = @transform_9, window_bounds = array<i64: 128>}, {pipeline_mode = #tpu.pipeline_mode<synchronous>, transform_indices = @transform_10, window_bounds = array<i64: 128>}, {pipeline_mode = #tpu.pipeline_mode<synchronous>, transform_indices = @transform_11, window_bounds = array<i64: 128>}, {pipeline_mode = #tpu.pipeline_mode<synchronous>, transform_indices = @transform_12, window_bounds = array<i64: 128>}, {pipeline_mode = #tpu.pipeline_mode<synchronous>, transform_indices = @transform_13, window_bounds = array<i64: 128, 128>}, {pipeline_mode = #tpu.pipeline_mode<synchronous>, transform_indices = @transform_14, window_bounds = array<i64: 128>}, {pipeline_mode = #tpu.pipeline_mode<synchronous>, transform_indices = @transform_15, window_bounds = array<i64: 128, 128>}, {pipeline_mode = #tpu.pipeline_mode<synchronous>, transform_indices = @transform_16, window_bounds = array<i64: 128>}, {transform_indices = @transform_17, window_bounds = array<i64: 2528, 128>}, {transform_indices = @transform_18, window_bounds = array<i64: 2528, 128>}, {transform_indices = @transform_19, window_bounds = array<i64: 2528, 128>}]} {
    %get3A = arith.constant 0 : index
    %get3A_0 = arith.constant 0 : index
    %get3A_1 = vector.load %arg3[%get3A, %get3A_0] : memref<2528x1xf32, #tpu.memory_space<vmem>>, vector<2528x1xf32>
    %get3A_2 = arith.constant 0 : index
    %get3A_3 = arith.constant 0 : index
    %get3A_4 = arith.constant 0 : index
    %get3A_5 = vector.load %arg1[%get3A_2, %get3A_3, %get3A_4] : memref<2x2528x128xf32, #tpu.memory_space<vmem>>, vector<1x2528x128xf32>
    %get3A_6 = vector.shape_cast %get3A_5 : vector<1x2528x128xf32> to vector<2528x128xf32>
    %get3A_7 = arith.constant 1 : index
    %get3A_8 = arith.constant 0 : index
    %get3A_9 = arith.constant 0 : index
    %get3A_10 = vector.load %arg1[%get3A_7, %get3A_8, %get3A_9] : memref<2x2528x128xf32, #tpu.memory_space<vmem>>, vector<1x2528x128xf32>
    %get3A_11 = vector.shape_cast %get3A_10 : vector<1x2528x128xf32> to vector<2528x128xf32>
    %add3A = arith.addf %get3A_6, %get3A_11 : vector<2528x128xf32>
    %get3A_12 = arith.constant 0 : index
    %get3A_13 = arith.constant 0 : index
    %get3A_14 = vector.load %arg2[%get3A_12, %get3A_13] : memref<2528x128xf32, #tpu.memory_space<vmem>>, vector<2528x128xf32>
    %add3A_15 = arith.addf %add3A, %get3A_14 : vector<2528x128xf32>
    %mul3A = vector.broadcast %get3A_1 : vector<2528x1xf32> to vector<2528x128xf32>
    %mul3A_16 = arith.mulf %mul3A, %add3A_15 : vector<2528x128xf32>
    %get3A_17 = arith.constant 0 : index
    %get3A_18 = arith.constant 0 : index
    %get3A_19 = vector.load %arg4[%get3A_17, %get3A_18] : memref<2528x128xf32, #tpu.memory_space<vmem>>, vector<2528x128xf32>
    %get3A_20 = arith.constant 0 : index
    %get3A_21 = arith.constant 0 : index
    %get3A_22 = vector.load %arg5[%get3A_20, %get3A_21] : memref<128x128xf32, #tpu.memory_space<vmem>>, vector<128x128xf32>
    %dot_general3A = arith.constant dense<0.000000e+00> : vector<2528x128xf32>
    %dot_general3A_23 = tpu.matmul %get3A_19, %get3A_22, %dot_general3A {dimension_numbers = #tpu.dot_dimension_numbers<[1], [0], [0], [1], [0, 0, 1, 1], [], []>, transpose_lhs_hint = false} : vector<2528x128xf32>, vector<128x128xf32>, vector<2528x128xf32> -> vector<2528x128xf32>
    %get3A_24 = arith.constant 0 : index
    %get3A_25 = arith.constant 0 : index
    %get3A_26 = vector.load %arg6[%get3A_24, %get3A_25] : memref<128x128xf32, #tpu.memory_space<vmem>>, vector<128x128xf32>
    %dot_general3A_27 = arith.constant dense<0.000000e+00> : vector<2528x128xf32>
    %dot_general3A_28 = tpu.matmul %mul3A_16, %get3A_26, %dot_general3A_27 {dimension_numbers = #tpu.dot_dimension_numbers<[1], [0], [0], [1], [0, 0, 1, 1], [], []>, transpose_lhs_hint = false} : vector<2528x128xf32>, vector<128x128xf32>, vector<2528x128xf32> -> vector<2528x128xf32>
    %add3A_29 = arith.addf %dot_general3A_23, %dot_general3A_28 : vector<2528x128xf32>
    %get3A_30 = arith.constant 0 : index
    %get3A_31 = vector.load %arg9[%get3A_30] : memref<128xf32, #tpu.memory_space<vmem>>, vector<128xf32>
    %get3A_32 = arith.constant 0 : index
    %get3A_33 = vector.load %arg10[%get3A_32] : memref<128xf32, #tpu.memory_space<vmem>>, vector<128xf32>
    %add3A_34 = arith.addf %get3A_31, %get3A_33 : vector<128xf32>
    %broadcast_in_dim3A = vector.shape_cast %add3A_34 : vector<128xf32> to vector<1x128xf32>
    %add3A_35 = vector.broadcast %broadcast_in_dim3A : vector<1x128xf32> to vector<2528x128xf32>
    %add3A_36 = arith.addf %add3A_29, %add3A_35 : vector<2528x128xf32>
    %logistic3A = arith.negf %add3A_36 : vector<2528x128xf32>
    %logistic3A_37 = math.exp %logistic3A : vector<2528x128xf32>
    %logistic3A_38 = arith.constant 1.000000e+00 : f32
    %logistic3A_39 = vector.broadcast %logistic3A_38 : f32 to vector<2528x128xf32>
    %logistic3A_40 = arith.addf %logistic3A_39, %logistic3A_37 : vector<2528x128xf32>
    %logistic3A_41 = arith.divf %logistic3A_39, %logistic3A_40 : vector<2528x128xf32>
    %get3A_42 = arith.constant 0 : index
    %get3A_43 = arith.constant 0 : index
    %get3A_44 = vector.load %arg7[%get3A_42, %get3A_43] : memref<128x128xf32, #tpu.memory_space<vmem>>, vector<128x128xf32>
    %dot_general3A_45 = arith.constant dense<0.000000e+00> : vector<2528x128xf32>
    %dot_general3A_46 = tpu.matmul %get3A_19, %get3A_44, %dot_general3A_45 {dimension_numbers = #tpu.dot_dimension_numbers<[1], [0], [0], [1], [0, 0, 1, 1], [], []>, transpose_lhs_hint = false} : vector<2528x128xf32>, vector<128x128xf32>, vector<2528x128xf32> -> vector<2528x128xf32>
    %get3A_47 = arith.constant 0 : index
    %get3A_48 = arith.constant 0 : index
    %get3A_49 = vector.load %arg8[%get3A_47, %get3A_48] : memref<128x128xf32, #tpu.memory_space<vmem>>, vector<128x128xf32>
    %dot_general3A_50 = arith.constant dense<0.000000e+00> : vector<2528x128xf32>
    %dot_general3A_51 = tpu.matmul %mul3A_16, %get3A_49, %dot_general3A_50 {dimension_numbers = #tpu.dot_dimension_numbers<[1], [0], [0], [1], [0, 0, 1, 1], [], []>, transpose_lhs_hint = false} : vector<2528x128xf32>, vector<128x128xf32>, vector<2528x128xf32> -> vector<2528x128xf32>
    %add3A_52 = arith.addf %dot_general3A_46, %dot_general3A_51 : vector<2528x128xf32>
    %get3A_53 = arith.constant 0 : index
    %get3A_54 = vector.load %arg11[%get3A_53] : memref<128xf32, #tpu.memory_space<vmem>>, vector<128xf32>
    %get3A_55 = arith.constant 0 : index
    %get3A_56 = vector.load %arg12[%get3A_55] : memref<128xf32, #tpu.memory_space<vmem>>, vector<128xf32>
    %add3A_57 = arith.addf %get3A_54, %get3A_56 : vector<128xf32>
    %broadcast_in_dim3A_58 = vector.shape_cast %add3A_57 : vector<128xf32> to vector<1x128xf32>
    %add3A_59 = vector.broadcast %broadcast_in_dim3A_58 : vector<1x128xf32> to vector<2528x128xf32>
    %add3A_60 = arith.addf %add3A_52, %add3A_59 : vector<2528x128xf32>
    %tanh3A = math.tanh %add3A_60 : vector<2528x128xf32>
    %sub3A = arith.constant 1.000000e+00 : f32
    %sub3A_61 = vector.broadcast %sub3A : f32 to vector<2528x128xf32>
    %sub3A_62 = arith.subf %sub3A_61, %logistic3A_41 : vector<2528x128xf32>
    %mul3A_63 = arith.mulf %sub3A_62, %tanh3A : vector<2528x128xf32>
    %swap3A = arith.constant 0 : index
    %swap3A_64 = arith.constant 0 : index
    %swap3A_65 = vector.load %arg18[%swap3A, %swap3A_64] : memref<2528x128xf32, #tpu.memory_space<vmem>>, vector<2528x128xf32>
    tpu.vector_store %arg18[%swap3A, %swap3A_64], %mul3A_63 {strides = array<i32>} : memref<2528x128xf32, #tpu.memory_space<vmem>>, vector<2528x128xf32>,
    %get3A_66 = arith.constant 0 : index
    %get3A_67 = vector.load %arg13[%get3A_66] : memref<128xf32, #tpu.memory_space<vmem>>, vector<128xf32>
    %max3A = arith.constant 0.000000e+00 : f32
    %max3A_68 = vector.broadcast %max3A : f32 to vector<128xf32>
    %max3A_69 = arith.maximumf %get3A_67, %max3A_68 : vector<128xf32>
    %broadcast_in_dim3A_70 = vector.shape_cast %max3A_69 : vector<128xf32> to vector<1x128xf32>
    %get3A_71 = arith.constant 0 : index
    %get3A_72 = arith.constant 0 : index
    %get3A_73 = vector.load %arg14[%get3A_71, %get3A_72] : memref<128x128xf32, #tpu.memory_space<vmem>>, vector<128x128xf32>
    %dot_general3A_74 = arith.constant dense<0.000000e+00> : vector<1x128xf32>
    %dot_general3A_75 = tpu.matmul %broadcast_in_dim3A_70, %get3A_73, %dot_general3A_74 {dimension_numbers = #tpu.dot_dimension_numbers<[1], [0], [0], [1], [0, 0, 1, 1], [], []>, transpose_lhs_hint = false} : vector<1x128xf32>, vector<128x128xf32>, vector<1x128xf32> -> vector<1x128xf32>
    %get3A_76 = arith.constant 0 : index
    %get3A_77 = vector.load %arg15[%get3A_76] : memref<128xf32, #tpu.memory_space<vmem>>, vector<128xf32>
    %broadcast_in_dim3A_78 = vector.shape_cast %get3A_77 : vector<128xf32> to vector<1x128xf32>
    %add3A_79 = arith.addf %dot_general3A_75, %broadcast_in_dim3A_78 : vector<1x128xf32>
    %get3A_80 = arith.constant 0 : index
    %get3A_81 = arith.constant 0 : index
    %get3A_82 = vector.load %arg16[%get3A_80, %get3A_81] : memref<128x128xf32, #tpu.memory_space<vmem>>, vector<128x128xf32>
    %dot_general3A_83 = arith.constant dense<0.000000e+00> : vector<1x128xf32>
    %dot_general3A_84 = tpu.matmul %broadcast_in_dim3A_70, %get3A_82, %dot_general3A_83 {dimension_numbers = #tpu.dot_dimension_numbers<[1], [0], [0], [1], [0, 0, 1, 1], [], []>, transpose_lhs_hint = false} : vector<1x128xf32>, vector<128x128xf32>, vector<1x128xf32> -> vector<1x128xf32>
    %get3A_85 = arith.constant 0 : index
    %get3A_86 = vector.load %arg17[%get3A_85] : memref<128xf32, #tpu.memory_space<vmem>>, vector<128xf32>
    %broadcast_in_dim3A_87 = vector.shape_cast %get3A_86 : vector<128xf32> to vector<1x128xf32>
    %add3A_88 = arith.addf %dot_general3A_84, %broadcast_in_dim3A_87 : vector<1x128xf32>
    %custom_jvp_call3A = arith.constant 0.000000e+00 : f32
    %max3A_89 = vector.broadcast %custom_jvp_call3A : f32 to vector<1x128xf32>
    %max3A_90 = arith.maximumf %add3A_88, %max3A_89 : vector<1x128xf32>
    %sub3A_91 = vector.broadcast %custom_jvp_call3A : f32 to vector<1x128xf32>
    %sub3A_92 = arith.subf %add3A_88, %sub3A_91 : vector<1x128xf32>
    %ne3A = arith.cmpf one, %sub3A_92, %sub3A_92 : vector<1x128xf32>
    %add3A_93 = vector.broadcast %custom_jvp_call3A : f32 to vector<1x128xf32>
    %add3A_94 = arith.addf %add3A_88, %add3A_93 : vector<1x128xf32>
    %abs3A = math.absf %sub3A_92 : vector<1x128xf32>
    %neg3A = arith.constant 0.000000e+00 : f32
    %neg3A_95 = vector.broadcast %neg3A : f32 to vector<1x128xf32>
    %neg3A_96 = arith.subf %neg3A_95, %abs3A : vector<1x128xf32>
    %exp3A = math.exp %neg3A_96 : vector<1x128xf32>
    %log1p3A = math.log1p %exp3A : vector<1x128xf32>
    %add3A_97 = arith.addf %max3A_90, %log1p3A : vector<1x128xf32>
    %select_n3A = arith.select %ne3A, %add3A_94, %add3A_97 : vector<1x128xi1>, vector<1x128xf32>
    %broadcast_in_dim3A_98 = vector.shape_cast %add3A_79 : vector<1x128xf32> to vector<1x128xf32>
    %broadcast_in_dim3A_99 = vector.broadcast %broadcast_in_dim3A_98 : vector<1x128xf32> to vector<2528x128xf32>
    %swap3A_100 = arith.constant 0 : index
    %swap3A_101 = arith.constant 0 : index
    %swap3A_102 = vector.load %arg19[%swap3A_100, %swap3A_101] : memref<2528x128xf32, #tpu.memory_space<vmem>>, vector<2528x128xf32>
    tpu.vector_store %arg19[%swap3A_100, %swap3A_101], %broadcast_in_dim3A_99 {strides = array<i32>} : memref<2528x128xf32, #tpu.memory_space<vmem>>, vector<2528x128xf32>,
    %broadcast_in_dim3A_103 = vector.shape_cast %select_n3A : vector<1x128xf32> to vector<1x128xf32>
    %broadcast_in_dim3A_104 = vector.broadcast %broadcast_in_dim3A_103 : vector<1x128xf32> to vector<2528x128xf32>
    %swap3A_105 = arith.constant 0 : index
    %swap3A_106 = arith.constant 0 : index
    %swap3A_107 = vector.load %arg20[%swap3A_105, %swap3A_106] : memref<2528x128xf32, #tpu.memory_space<vmem>>, vector<2528x128xf32>
    tpu.vector_store %arg20[%swap3A_105, %swap3A_106], %broadcast_in_dim3A_104 {strides = array<i32>} : memref<2528x128xf32, #tpu.memory_space<vmem>>, vector<2528x128xf32>,
    return
  }
  func.func @transform_0(%arg0: i32) -> (i32, i32, i32) {
    %c0_i32 = arith.constant 0 : i32
    %c0_i32_0 = arith.constant 0 : i32
    %c0_i32_1 = arith.constant 0 : i32
    return %c0_i32, %arg0, %c0_i32_0 : i32, i32, i32
  }
  func.func @transform_1(%arg0: i32) -> (i32, i32) {
    %c0_i32 = arith.constant 0 : i32
    %c0_i32_0 = arith.constant 0 : i32
    return %arg0, %c0_i32 : i32, i32
  }
  func.func @transform_2(%arg0: i32) -> (i32, i32) {
    %c0_i32 = arith.constant 0 : i32
    %c0_i32_0 = arith.constant 0 : i32
    return %arg0, %c0_i32 : i32, i32
  }
  func.func @transform_3(%arg0: i32) -> (i32, i32) {
    %c0_i32 = arith.constant 0 : i32
    %c0_i32_0 = arith.constant 0 : i32
    return %arg0, %c0_i32 : i32, i32
  }
  func.func @transform_4(%arg0: i32) -> (i32, i32) {
    %c0_i32 = arith.constant 0 : i32
    %c0_i32_0 = arith.constant 0 : i32
    %c0_i32_1 = arith.constant 0 : i32
    return %c0_i32, %c0_i32_0 : i32, i32
  }
  func.func @transform_5(%arg0: i32) -> (i32, i32) {
    %c0_i32 = arith.constant 0 : i32
    %c0_i32_0 = arith.constant 0 : i32
    %c0_i32_1 = arith.constant 0 : i32
    return %c0_i32, %c0_i32_0 : i32, i32
  }
  func.func @transform_6(%arg0: i32) -> (i32, i32) {
    %c0_i32 = arith.constant 0 : i32
    %c0_i32_0 = arith.constant 0 : i32
    %c0_i32_1 = arith.constant 0 : i32
    return %c0_i32, %c0_i32_0 : i32, i32
  }
  func.func @transform_7(%arg0: i32) -> (i32, i32) {
    %c0_i32 = arith.constant 0 : i32
    %c0_i32_0 = arith.constant 0 : i32
    %c0_i32_1 = arith.constant 0 : i32
    return %c0_i32, %c0_i32_0 : i32, i32
  }
  func.func @transform_8(%arg0: i32) -> i32 {
    %c0_i32 = arith.constant 0 : i32
    %c0_i32_0 = arith.constant 0 : i32
    return %c0_i32 : i32
  }
  func.func @transform_9(%arg0: i32) -> i32 {
    %c0_i32 = arith.constant 0 : i32
    %c0_i32_0 = arith.constant 0 : i32
    return %c0_i32 : i32
  }
  func.func @transform_10(%arg0: i32) -> i32 {
    %c0_i32 = arith.constant 0 : i32
    %c0_i32_0 = arith.constant 0 : i32
    return %c0_i32 : i32
  }
  func.func @transform_11(%arg0: i32) -> i32 {
    %c0_i32 = arith.constant 0 : i32
    %c0_i32_0 = arith.constant 0 : i32
    return %c0_i32 : i32
  }
  func.func @transform_12(%arg0: i32) -> i32 {
    %c0_i32 = arith.constant 0 : i32
    %c0_i32_0 = arith.constant 0 : i32
    return %c0_i32 : i32
  }
  func.func @transform_13(%arg0: i32) -> (i32, i32) {
    %c0_i32 = arith.constant 0 : i32
    %c0_i32_0 = arith.constant 0 : i32
    %c0_i32_1 = arith.constant 0 : i32
    return %c0_i32, %c0_i32_0 : i32, i32
  }
  func.func @transform_14(%arg0: i32) -> i32 {
    %c0_i32 = arith.constant 0 : i32
    %c0_i32_0 = arith.constant 0 : i32
    return %c0_i32 : i32
  }
  func.func @transform_15(%arg0: i32) -> (i32, i32) {
    %c0_i32 = arith.constant 0 : i32
    %c0_i32_0 = arith.constant 0 : i32
    %c0_i32_1 = arith.constant 0 : i32
    return %c0_i32, %c0_i32_0 : i32, i32
  }
  func.func @transform_16(%arg0: i32) -> i32 {
    %c0_i32 = arith.constant 0 : i32
    %c0_i32_0 = arith.constant 0 : i32
    return %c0_i32 : i32
  }
  func.func @transform_17(%arg0: i32) -> (i32, i32) {
    %c0_i32 = arith.constant 0 : i32
    %c0_i32_0 = arith.constant 0 : i32
    return %arg0, %c0_i32 : i32, i32
  }
  func.func @transform_18(%arg0: i32) -> (i32, i32) {
    %c0_i32 = arith.constant 0 : i32
    %c0_i32_0 = arith.constant 0 : i32
    return %arg0, %c0_i32 : i32, i32
  }
  func.func @transform_19(%arg0: i32) -> (i32, i32) {
    %c0_i32 = arith.constant 0 : i32
    %c0_i32_0 = arith.constant 0 : i32
    return %arg0, %c0_i32 : i32, i32
  }
}

</mosaic_0001>

<sc_bundles>
// kernel: kernel.11.cloned.1.call-start
scs
__scs_entry_jumppad:
0x0: {  	(pc) =	sbr.rel $0x88, $3  }
0x1: {  	(tag) =	ssettag $0x0;
	lr =	simm.s32 $0x1  }
0x2: {  	[smem:$0x3F8A] =	sst lr;
	_ =	strace $0xD0000000  }
0x3: {  	_ = 	snop  }
0x4: {  	_ = 	snop  }
0x5: {  	_ = 	snop  }
0x6: {  	_ = 	snop  }
0x7: {  	_ = 	snop  }
__scs_overlays_trampoline_lowered:
0x8: {  	[smem:$0x3F99] =	sst s0  }
0x9: {  	[smem:$0x3F9A] =	sst s1  }
0xa: {  	[smem:$0x3F9B] =	sst s2  }
0xb: {  	[smem:$0x3F9C] =	sst s3  }
0xc: {  	[smem:$0x3F9D] =	sst s4  }
0xd: {  	[smem:$0x3F9E] =	sst s5  }
0xe: {  	[smem:$0x3F9F] =	sst s6  }
0xf: {  	[smem:$0x3FA0] =	sst s7  }
0x10: {  	[smem:$0x3FA1] =	sst s8  }
0x11: {  	[smem:$0x3FA2] =	sst s9;
	s0 =	simm.s32 @!p0 $0x0  }
0x12: {  	s1 =	sld [smem:$0x3F88];
	s0 =	simm.s32 @p0 $0x1  }
0x13: {  	[smem:$0x3FA3] =	sst s0;
	s0 =	simm.s32 @!p1 $0x0  }
0x14: {  	s2 =	sld [smem:$0x3F87];
	s0 =	simm.s32 @p1 $0x1  }
0x15: {  	[smem:$0x3FA4] =	sst s0;
	s0 =	simm.s32 @!p2 $0x0  }
0x16: {  	s3 =	sld [smem:$0x3FDB];
	s0 =	simm.s32 @p2 $0x1  }
0x17: {  	s4 =	simm.s32 $0x1BF5;
	[smem:$0x3FA6] =	sst s0  }
0x18: {  	s0 =	sld [smem:$0x3F89];
	_ =	swait.ge [sflag:s4], $0x0  }
0x19: {  	s7 =	sld [smem:$0x3F8A]  }
0x1a: {  	s8 =	sadd.s32 $0xFFFFE003, lr  }
0x1b: {  	s9 =	sadd.s32 $0xFFFFFEF7, lr;
	s5 =	simm.s32 $0xFFFFFFFF;
	p2 =	slt.u32 s8, $0xFFFFF086  }
0x1c: {  	p1 =	slt.u32 s9, $0xF7A;
	s5 =	simm.s32 @!p2 $0x0  }
0x1d: {  	s5 =	simm.s32 @p1 $0x1;
	p0 =	seq.s32 s7, s2  }
0x1e: {  	s7 =	smul.u32 @!p0 $0xF7A, s2;
	p2 =	seq.s32 @!p0 s5, $0x0  }
0x1f: {  	s9 =	smul.u32 $0xF7A, s1;
	s8 =	simm.s32 @!p0 $0x1BF5;
	p2 =	por !p2, p0  }
0x20: {  	[sflag:s8] =	ssyncset.s32 @!p0 $0xFFFFF086;
	s6 =	sadd.s32 @!p0 s3, s7;
	s7 =	simm.s32 @!p0 $0x108  }
0x21: {  	s3 =	sadd.s32 s3, s9;
	s6 =	sadd.s32 @!p0 $0x88, s6;
	s7 =	simm.s32 @p2 $0x1082  }
0x22: {  	[simem:s7], [sflag:s8] =	dma.local @!p0 [hbm:s6], $0xF7A  }
0x23: {  	s9 =	sor.u32 $0xD0000000, s2;
	s6 =	simm.s32 $0x108;
	_ =	swait.ge @!p0 [sflag:s8], $0x0  }
0x24: {  	s3 =	sadd.s32 $0x88, s3;
	s6 =	simm.s32 @!p1 $0x1082;
	[sflag:s4] =	ssyncset.s32 $0xFFFFF086  }
0x25: {  	[simem:s6], [sflag:s4] =	dma.local [hbm:s3], $0xF7A  }
0x26: {  	[smem:$0x3F8A] =	sst s1;
	(tag) =	ssettag s2;
	_ =	strace s9  }
0x27: {  	s1 =	sld [smem:$0x3F9A]  }
0x28: {  	s2 =	sld [smem:$0x3F9B]  }
0x29: {  	s4 =	sld [smem:$0x3F9D]  }
0x2a: {  	p0 =	seq.s32 s5, $0x0;
	s5 =	sld [smem:$0x3F9E]  }
0x2b: {  	s6 =	sld [smem:$0x3F9F]  }
0x2c: {  	s7 =	sld [smem:$0x3FA0]  }
0x2d: {  	s3 =	simm.s32 $0x108;
	s8 =	sld [smem:$0x3FA1]  }
0x2e: {  	s3 =	simm.s32 @!p0 $0x1082;
	s9 =	sld [smem:$0x3FA2]  }
0x2f: {  	lr =	sadd.s32 s0, s3;
	s0 =	sld [smem:$0x3F99]  }
0x30: {  	s3 =	sld [smem:$0x3F9C]  }
0x31: {  	[smem:$0x3FA5] =	sst s10  }
0x32: {  	s10 =	sld [smem:$0x3FA3];
	_ =	sdelay $0x3  }
0x33: {  	p0 =	seq.s32 s10, $0x1;
	s10 =	sld [smem:$0x3FA5];
	_ =	sdelay $0x3  }
0x34: {  	[smem:$0x3FA5] =	sst s10  }
0x35: {  	s10 =	sld [smem:$0x3FA4];
	_ =	sdelay $0x3  }
0x36: {  	p1 =	seq.s32 s10, $0x1;
	s10 =	sld [smem:$0x3FA5];
	_ =	sdelay $0x3  }
0x37: {  	[smem:$0x3FA5] =	sst s10  }
0x38: {  	s10 =	sld [smem:$0x3FA6]  }
0x39: {  	_ = 	snop;
	(pc) =	sbr.ind lr, $3  }
0x3a: {  	_ = 	snop  }
0x3b: {  	_ = 	snop  }
0x3c: {  	p2 =	seq.s32 s10, $0x1;
	s10 =	sld [smem:$0x3FA5]  }
0x3d: {  	_ =	shalt  }
0x3e: {  	_ =	shalt  }
0x3f: {  	_ =	shalt  }
0x40: {  	_ =	shalt  }
0x41: {  	_ =	shalt  }
0x42: {  	_ =	shalt  }
0x43: {  	_ =	shalt  }
0x44: {  	_ =	shalt  }
0x45: {  	_ =	shalt  }
0x46: {  	_ =	shalt  }
0x47: {  	_ =	shalt  }
0x48: {  	_ =	shalt  }
0x49: {  	_ =	shalt  }
0x4a: {  	_ =	shalt  }
0x4b: {  	_ =	shalt  }
0x4c: {  	_ =	shalt  }
0x4d: {  	_ =	shalt  }
0x4e: {  	_ =	shalt  }
0x4f: {  	_ =	shalt  }
0x50: {  	_ =	shalt  }
0x51: {  	_ =	shalt  }
0x52: {  	_ =	shalt  }
0x53: {  	_ =	shalt  }
0x54: {  	_ =	shalt  }
0x55: {  	_ =	shalt  }
0x56: {  	_ =	shalt  }
0x57: {  	_ =	shalt  }
0x58: {  	_ =	shalt  }
0x59: {  	_ =	shalt  }
0x5a: {  	_ =	shalt  }
0x5b: {  	_ =	shalt  }
0x5c: {  	_ =	shalt  }
0x5d: {  	_ =	shalt  }
0x5e: {  	_ =	shalt  }
0x5f: {  	_ =	shalt  }
0x60: {  	_ =	shalt  }
0x61: {  	_ =	shalt  }
0x62: {  	_ =	shalt  }
0x63: {  	_ =	shalt  }
0x64: {  	_ =	shalt  }
0x65: {  	_ =	shalt  }
0x66: {  	_ =	shalt  }
0x67: {  	_ =	shalt  }
0x68: {  	_ =	shalt  }
0x69: {  	_ =	shalt  }
0x6a: {  	_ =	shalt  }
0x6b: {  	_ =	shalt  }
0x6c: {  	_ =	shalt  }
0x6d: {  	_ =	shalt  }
0x6e: {  	_ =	shalt  }
0x6f: {  	_ =	shalt  }
0x70: {  	_ =	shalt  }
0x71: {  	_ =	shalt  }
0x72: {  	_ =	shalt  }
0x73: {  	_ =	shalt  }
0x74: {  	_ =	shalt  }
0x75: {  	_ =	shalt  }
0x76: {  	_ =	shalt  }
0x77: {  	_ =	shalt  }
0x78: {  	_ =	shalt  }
0x79: {  	_ =	shalt  }
0x7a: {  	_ =	shalt  }
0x7b: {  	_ =	shalt  }
0x7c: {  	_ =	shalt  }
0x7d: {  	_ =	shalt  }
0x7e: {  	_ =	shalt  }
0x7f: {  	_ =	shalt  }
0x80: {  	_ =	shalt  }
0x81: {  	_ =	shalt  }
0x82: {  	_ =	shalt  }
0x83: {  	_ =	shalt  }
0x84: {  	_ =	shalt  }
0x85: {  	_ =	shalt  }
0x86: {  	_ =	shalt  }
0x87: {  	_ =	shalt  }
.Lfunc_end0:
.L_simem_size_0:
called_computation_lowered:
.L_overlay_start_0:
0x88: {  	s2 =	sld [smem:$0x3FD9]  }
0x89: {  	s3 =	sld [smem:$0x3FFE];
	_ =	sdelay $0x1  }
0x8a: {  	s1 =	srdreg.scid  }
0x8b: {  	s0 =	sand.u32 $0x1, s1  }
0x8c: {  	s15 =	sshll.u32 s0, $0xA;
	s2 =	sadd.s32 s3, s2  }
0x8d: {  	s2 =	sadd.s32 s2, s15  }
0x8e: {  	[smem:$0x3FB1] =	sst s2  }
0x8f: {  	_ = 	snop  }
0x90: {  	s2 =	sld [smem:$0x3FD0];
	_ =	sdelay $0x2  }
0x91: {  	s16 =	simm.s32 $0xA;
	s4 =	simm.s32 $0x10  }
0x92: {  	[smem:s4], [sflag:s16] =	dma.local [hbm:s2], $0x1  }
0x93: {  	_ =	swait.eq [sflag:s16], $0x1  }
0x94: {  	s17 =	sld [smem:$0x10]  }
0x95: {  	s18 =	sld [smem:$0x12];
	[sflag:s16] =	ssyncset.done $0x0  }
0x96: {  	s5 =	sld [smem:$0x13];
	[sflag:s16] =	ssyncadd.s32 $0xFFFFFFFF  }
0x97: {  	s19 =	sld [smem:$0x14];
	(tm) =	ssettm $0x1  }
0x98: {  	s6 =	sld [smem:$0x3FFB];
	_ =	sdelay $0x3  }
0x99: {  	_ =	strace s6  }
0x9a: {  	s6 =	sld [smem:$0x3FFC];
	_ =	sdelay $0x3  }
0x9b: {  	_ =	strace s6  }
0x9c: {  	s6 =	sld [smem:$0x3FFD];
	_ =	sdelay $0x3  }
0x9d: {  	_ =	strace s6  }
0x9e: {  	_ =	strace $0x8FFFFFFF  }
0x9f: {  	s20 =	sld [smem:$0x3FDB];
	_ =	sdelay $0x1  }
0xa0: {  	s7 =	simm.s32 $_scs_section_size  }
0xa1: {  	s8 =	simm.s32 $_size__tile_overlayer_lowered;
	s9 =	simm.s32 $_tile_overlayer_lowered  }
0xa2: {  	s23 =	simm.s32 $0x1BFF;
	s22 =	sshll.u32 s9, $0x1;
	s6 =	sadd.s32 s7, s20  }
0xa3: {  	s10 =	simm.s32 $0x0;
	s21 =	sshll.u32 s8, $0x1;
	s8 =	sadd.s32 s22, s6  }
0xa4: {  	[timem:s10], [sflag:s23] =	dma.local [hbm:s8], s21  }
0xa5: {  	_ =	swait.ge [sflag:s23], s21  }
0xa6: {  	s7 =	ssub.s32 $0x0, s21;
	[sflag:s23] =	ssyncset.done $0x0  }
0xa7: {  	[sflag:s23] =	ssyncadd.s32 s7;
	_ =	sdelay $0x1  }
0xa8: {  	s24 =	simm.s32 $0x1B8B  }
0xa9: {  	_ =	swait.ge [sflag:s24], $0x1  }
0xaa: {  	[sflag:s24] =	ssyncset.done $0x0  }
0xab: {  	s25 =	simm.s32 $0x1B8E;
	[sflag:s24] =	ssyncadd.s32 $0xFFFFFFFF  }
0xac: {  	s26 =	simm.s32 $execute0_lowered;
	[smem:$0x3FD2] =	sst s25  }
0xad: {  	s7 =	sshll.u32 s26, $0x1;
	_ =	strace $0x80000046;
	[dreg:$0x1] =	wrdreg $0xFFFFFFFF  }
0xae: {  	s28 =	simm.s32 $_size_execute0_lowered;
	s6 =	sadd.s32 s6, s7;
	[dreg:$0x0] =	wrdreg $0x0  }
0xaf: {  	s7 =	sshll.u32 s28, $0x1;
	[dreg:$0x2] =	wrdreg s6  }
0xb0: {  	[dreg:$0x3] =	wrdreg s7  }
0xb1: {  	[dreg:$0x4] =	wrdreg $0xC0  }
0xb2: {  	_ =	task [dreg:s10], $0x5FFFF  }
0xb3: {  	[dreg:$0x1] =	wrdreg $0xFFFFFFFF  }
0xb4: {  	[dreg:$0x0] =	wrdreg $0x60  }
0xb5: {  	[dreg:$0x2] =	wrdreg s19  }
0xb6: {  	[dreg:$0x3] =	wrdreg s18  }
0xb7: {  	[dreg:$0x4] =	wrdreg s5  }
0xb8: {  	[dreg:$0x5] =	wrdreg s17  }
0xb9: {  	[dreg:$0x6] =	wrdreg $0x68000  }
0xba: {  	[dreg:$0x7] =	wrdreg $0x9  }
0xbb: {  	_ =	task.clear_ibuf [dreg:s10], $0x8FFFF;
	_ =	strace $0x90000046  }
0xbc: {  	s29 =	simm.s32 $0x9;
	_ =	strace $0x80000048  }
0xbd: {  	_ =	swait.ge [sflag:s29], $0x1  }
0xbe: {  	[sflag:s29] =	ssyncadd.s32 $0xFFFFFFFF  }
0xbf: {  	_ =	strace $0x90000048  }
0xc0: {  	_ =	sfence  }
0xc1: {  	s30 =	sld [smem:$0x0];
	_ =	sdelay $0x2  }
0xc2: {  	s31 =	sshll.u32 s1, $0xD;
	s1 =	sshrl.u32 s1, $0x2  }
0xc3: {  	s3 =	sand.u32 $0x4000, s31;
	s1 =	sadd.s32 s1, s30  }
0xc4: {  	s0 =	sor.u32 s3, s0;
	s1 =	sshll.u32 s1, $0x11  }
0xc5: {  	s0 =	sor.u32 s1, s0  }
0xc6: {  	s0 =	sadd.s32 $0x8F2B, s0  }
0xc7: {  	[sflag:s0] =	ssyncadd.remote.s32 $0x1  }
0xc8: {  	_ =	sfence.sel $0xFFFF  }
0xc9: {  	[dreg:$0x0] =	wrdreg $0xFFFFFFFF;
	(pc) =	sbr.abs _section_cstart, $3  }
0xca: {  	[dreg:$0x1] =	wrdreg $0xFFFFFFFF  }
0xcb: {  	_ =	task.clear_ibuf [dreg:s10], $0x2FFFF;
	_ =	strace $0x9FFFFFFF  }
0xcc: {  	(tm) =	ssettm $0x7FFFFFFF  }
0xcd: {  	_ =	shalt  }
tec
execute0_lowered:
.L_overlay_start_1:
0x0: {  	(tag) =	ssettag $0x1  }
0x1: {  	s7 =	rddreg [dreg:$0x0]  }
0x2: {  	s1 =	rddreg [dreg:$0x1]  }
0x3: {  	s2 =	rddreg [dreg:$0x2]  }
0x4: {  	s8 =	rddreg [dreg:$0x3]  }
0x5: {  	s4 =	rddreg [dreg:$0x4]  }
0x6: {  	s0 =	rddreg [dreg:$0x5]  }
0x7: {  	s6 =	srdreg.scid;
	s3 =	stileid.u32  }
0x8: {  	s5 =	simm.s32 $0x0;
	s6 =	sand.u32 $0x1, s6;
	s9 =	smul.u32 $0x4F000, s3  }
0x9: {  	[smem:$0x7FF] =	sst s5;
	s13 =	sshll.u32 s3, $0x1;
	s14 =	smul.u32 $0x13C00, s3  }
0xa: {  	s30 =	sshll.u32 s3, $0x6;
	s10 =	ssub.s32 $0x2, s6;
	s11 =	smul.u32 $0x13C000, s6  }
0xb: {  	_ =	strace $0x80000047;
	s6 =	sor.u32 s6, s13;
	s13 =	simm.s32 $0x80  }
0xc: {  	s12 =	sshrl.u32 s10, $0x1;
	s9 =	sshrl.u32 s9, $0x2;
	s26 =	smul.u32 $0x500, s6  }
0xd: {  	s6 =	sor.u32 $0x1C01, s30;
	s10 =	ssub.s32 s10, s12;
	s28 =	sadd.s32 s14, s11  }
0xe: {  	s29 =	sadd.s32 s9, s4;
	s11 =	simm.s32 $0x1;
	s12 =	simm.s32 $0x2800  }
0xf: {  	s14 =	simm.s32 $0x0;
	s31 =	sshrl.u32 s28, $0x3;
	s7 =	sadd.s32 s7, s26  }
0x10: {  	s9 =	smax.u32 s10, $0x1;
	s10 =	sshrl.u32 s29, $0x3;
	s8 =	sadd.s32 s8, s31  }
.LBB2_1:
0x11: {  	[spmem:s10], [sflag:s6] =	dma.local [hbm:s2], $0x2780  }
0x12: {  	_ =	swait.ge [sflag:s11], $0x2780  }
0x13: {  	[sflag:s11] =	ssyncset.done $0x0  }
0x14: {  	[sflag:s11] =	ssyncadd.s32 $0xFFFFD880  }
0x15: {  	[tilespmem:s12], [sflag:$0x1] =	stream.linear.gather [hbm4b:s1+s5], $0x4000, $0x38;
	[tilespmem:$0x1A400] =	vst v63  }
0x16: {  	_ =	swait.ge [sflag:s11], $0x4000  }
0x17: {  	[sflag:s11] =	ssyncset.done $0x0  }
0x18: {  	[sflag:s11] =	ssyncadd.s32 $0xFFFFC000  }
0x19: {  	[tilespmem:s5], [sflag:$0x1] =	stream.linear.gather [hbm4b:s7+s5], $0x2800, $0x38;
	[tilespmem:$0x1A400] =	vst v63  }
0x1a: {  	_ =	swait.ge [sflag:s11], $0x2800  }
0x1b: {  	[sflag:s11] =	ssyncset.done $0x0  }
0x1c: {  	[sflag:s11] =	ssyncadd.s32 $0xFFFFD800  }
0x1d: {  	s15 =	simm.s32 $0x0;
	[bflag:$0x0] =	sbarrier.arrive $0xFFFF  }
0x1e: {  	[spmem:s4] =	stream.indirect.scatter.add.f32 [tilespmem:s12], [sflag:$0x1], $0x80, s15, s13, $0xb8;
	[tilespmem:$0x1A400] =	vst v63  }
0x1f: {  	_ =	swait.ge [sflag:s11], $0x4000  }
0x20: {  	s15 =	simm.s32 $0x200;
	[sflag:s11] =	ssyncset.done $0x0  }
.LBB2_2:
0x21: {  	s16 =	sshra.s32 s15, $0x2;
	[sflag:s11] =	ssyncadd.s32 $0xFFFFC000;
	p0 =	sne.s32 s15, $0x9E00  }
0x22: {  	[spmem:s4] =	stream.indirect.scatter.add.f32 [tilespmem:s12], [sflag:$0x1], $0x80, s16, s13, $0xb8;
	[tilespmem:$0x1A400] =	vst v63  }
.Ltmp0:
0x23: {  	_ = 	snop;
	(pc) =	sbr.rel @p0 .LBB2_2-.Ltmp0, $4  }
0x24: {  	_ = 	snop  }
0x25: {  	s15 =	sadd.s32 $0x200, s15  }
0x26: {  	_ =	swait.ge [sflag:s11], $0x4000  }
0x27: {  	[sflag:s11] =	ssyncset.done $0x0  }
0x28: {  	s14 =	sadd.s32 $0x1, s14  }
0x29: {  	[sflag:s11] =	ssyncadd.s32 $0xFFFFC000;
	p0 =	sne.s32 s14, s9  }
.Ltmp1:
0x2a: {  	[bflag:$0x0] =	sbarrier.arrive $0xFFFF;
	(pc) =	sbr.rel @p0 .LBB2_1-.Ltmp1, $4  }
0x2b: {  	[hbm:s8], [sflag:s6] =	dma.local [spmem:s10], $0x2780  }
0x2c: {  	_ =	swait.ge [sflag:s11], $0x2780  }
0x2d: {  	[sflag:s11] =	ssyncset.done $0x0  }
0x2e: {  	[sflag:s11] =	ssyncadd.s32 $0xFFFFD880  }
0x2f: {  	_ =	sfence.sel $0x180000  }
0x30: {  	[bflag:$0x0] =	sbarrier.arrive $0xFFFF  }
0x31: {  	p0 =	sne.s32 s3, $0x0;
	_ =	strace $0x90000047  }
0x32: {  	s0 =	sadd.s32 @!p0 $0x100000, s0;
	[bflag:$0x2] =	sbarrier.arrive $0xFFFF  }
0x33: {  	[sflag:s0] =	ssyncadd.tile.s32 @!p0 $0x1;
	_ =	shalt  }
.Lfunc_end2:
_tile_overlayer_lowered:
.L_overlay_start_2:
0x34: {  	(tag) =	ssettag $0x2  }
0x35: {  	s0 =	rddreg [dreg:$0x0];
	s2 =	stileid.u32  }
0x36: {  	s1 =	rddreg [dreg:$0x1];
	p0 =	sne.s32 s2, $0x0  }
0x37: {  	s3 =	rddreg [dreg:$0x2];
	[bflag:$0x3] =	sbarrier.arrive $0xFFFF;
	s2 =	simm.s32 @!p0 $0x1C01  }
0x38: {  	[timem:s3], [sflag:s2] =	dma.local @!p0 [hbm:s0], s1  }
0x39: {  	s0 =	simm.s32 @!p0 $0x1  }
0x3a: {  	_ =	swait.ge @!p0 [sflag:s0], s1  }
0x3b: {  	s1 =	ssub.s32 @!p0 $0x0, s1;
	[sflag:s0] =	ssyncset.done @!p0 $0x0  }
0x3c: {  	[sflag:s0] =	ssyncadd.s32 @!p0 s1  }
0x3d: {  	[bflag:$0x3] =	sbarrier.arrive $0xFFFF  }
0x3e: {  	_ =	shalt  }

// kernel: kernel.14.cloned.1.call-start
scs
__scs_entry_jumppad:
0x0: {  	(pc) =	sbr.rel $0x88, $3  }
0x1: {  	(tag) =	ssettag $0x0;
	lr =	simm.s32 $0x1  }
0x2: {  	[smem:$0x3F8A] =	sst lr;
	_ =	strace $0xD0000000  }
0x3: {  	_ = 	snop  }
0x4: {  	_ = 	snop  }
0x5: {  	_ = 	snop  }
0x6: {  	_ = 	snop  }
0x7: {  	_ = 	snop  }
__scs_overlays_trampoline_lowered:
0x8: {  	[smem:$0x3F99] =	sst s0  }
0x9: {  	[smem:$0x3F9A] =	sst s1  }
0xa: {  	[smem:$0x3F9B] =	sst s2  }
0xb: {  	[smem:$0x3F9C] =	sst s3  }
0xc: {  	[smem:$0x3F9D] =	sst s4  }
0xd: {  	[smem:$0x3F9E] =	sst s5  }
0xe: {  	[smem:$0x3F9F] =	sst s6  }
0xf: {  	[smem:$0x3FA0] =	sst s7  }
0x10: {  	[smem:$0x3FA1] =	sst s8  }
0x11: {  	[smem:$0x3FA2] =	sst s9;
	s0 =	simm.s32 @!p0 $0x0  }
0x12: {  	s1 =	sld [smem:$0x3F88];
	s0 =	simm.s32 @p0 $0x1  }
0x13: {  	[smem:$0x3FA3] =	sst s0;
	s0 =	simm.s32 @!p1 $0x0  }
0x14: {  	s2 =	sld [smem:$0x3F87];
	s0 =	simm.s32 @p1 $0x1  }
0x15: {  	[smem:$0x3FA4] =	sst s0;
	s0 =	simm.s32 @!p2 $0x0  }
0x16: {  	s3 =	sld [smem:$0x3FDB];
	s0 =	simm.s32 @p2 $0x1  }
0x17: {  	s4 =	simm.s32 $0x1BF5;
	[smem:$0x3FA6] =	sst s0  }
0x18: {  	s0 =	sld [smem:$0x3F89];
	_ =	swait.ge [sflag:s4], $0x0  }
0x19: {  	s7 =	sld [smem:$0x3F8A]  }
0x1a: {  	s8 =	sadd.s32 $0xFFFFE003, lr  }
0x1b: {  	s9 =	sadd.s32 $0xFFFFFEF7, lr;
	s5 =	simm.s32 $0xFFFFFFFF;
	p2 =	slt.u32 s8, $0xFFFFF086  }
0x1c: {  	p1 =	slt.u32 s9, $0xF7A;
	s5 =	simm.s32 @!p2 $0x0  }
0x1d: {  	s5 =	simm.s32 @p1 $0x1;
	p0 =	seq.s32 s7, s2  }
0x1e: {  	s7 =	smul.u32 @!p0 $0xF7A, s2;
	p2 =	seq.s32 @!p0 s5, $0x0  }
0x1f: {  	s9 =	smul.u32 $0xF7A, s1;
	s8 =	simm.s32 @!p0 $0x1BF5;
	p2 =	por !p2, p0  }
0x20: {  	[sflag:s8] =	ssyncset.s32 @!p0 $0xFFFFF086;
	s6 =	sadd.s32 @!p0 s3, s7;
	s7 =	simm.s32 @!p0 $0x108  }
0x21: {  	s3 =	sadd.s32 s3, s9;
	s6 =	sadd.s32 @!p0 $0x88, s6;
	s7 =	simm.s32 @p2 $0x1082  }
0x22: {  	[simem:s7], [sflag:s8] =	dma.local @!p0 [hbm:s6], $0xF7A  }
0x23: {  	s9 =	sor.u32 $0xD0000000, s2;
	s6 =	simm.s32 $0x108;
	_ =	swait.ge @!p0 [sflag:s8], $0x0  }
0x24: {  	s3 =	sadd.s32 $0x88, s3;
	s6 =	simm.s32 @!p1 $0x1082;
	[sflag:s4] =	ssyncset.s32 $0xFFFFF086  }
0x25: {  	[simem:s6], [sflag:s4] =	dma.local [hbm:s3], $0xF7A  }
0x26: {  	[smem:$0x3F8A] =	sst s1;
	(tag) =	ssettag s2;
	_ =	strace s9  }
0x27: {  	s1 =	sld [smem:$0x3F9A]  }
0x28: {  	s2 =	sld [smem:$0x3F9B]  }
0x29: {  	s4 =	sld [smem:$0x3F9D]  }
0x2a: {  	p0 =	seq.s32 s5, $0x0;
	s5 =	sld [smem:$0x3F9E]  }
0x2b: {  	s6 =	sld [smem:$0x3F9F]  }
0x2c: {  	s7 =	sld [smem:$0x3FA0]  }
0x2d: {  	s3 =	simm.s32 $0x108;
	s8 =	sld [smem:$0x3FA1]  }
0x2e: {  	s3 =	simm.s32 @!p0 $0x1082;
	s9 =	sld [smem:$0x3FA2]  }
0x2f: {  	lr =	sadd.s32 s0, s3;
	s0 =	sld [smem:$0x3F99]  }
0x30: {  	s3 =	sld [smem:$0x3F9C]  }
0x31: {  	[smem:$0x3FA5] =	sst s10  }
0x32: {  	s10 =	sld [smem:$0x3FA3];
	_ =	sdelay $0x3  }
0x33: {  	p0 =	seq.s32 s10, $0x1;
	s10 =	sld [smem:$0x3FA5];
	_ =	sdelay $0x3  }
0x34: {  	[smem:$0x3FA5] =	sst s10  }
0x35: {  	s10 =	sld [smem:$0x3FA4];
	_ =	sdelay $0x3  }
0x36: {  	p1 =	seq.s32 s10, $0x1;
	s10 =	sld [smem:$0x3FA5];
	_ =	sdelay $0x3  }
0x37: {  	[smem:$0x3FA5] =	sst s10  }
0x38: {  	s10 =	sld [smem:$0x3FA6]  }
0x39: {  	_ = 	snop;
	(pc) =	sbr.ind lr, $3  }
0x3a: {  	_ = 	snop  }
0x3b: {  	_ = 	snop  }
0x3c: {  	p2 =	seq.s32 s10, $0x1;
	s10 =	sld [smem:$0x3FA5]  }
0x3d: {  	_ =	shalt  }
0x3e: {  	_ =	shalt  }
0x3f: {  	_ =	shalt  }
0x40: {  	_ =	shalt  }
0x41: {  	_ =	shalt  }
0x42: {  	_ =	shalt  }
0x43: {  	_ =	shalt  }
0x44: {  	_ =	shalt  }
0x45: {  	_ =	shalt  }
0x46: {  	_ =	shalt  }
0x47: {  	_ =	shalt  }
0x48: {  	_ =	shalt  }
0x49: {  	_ =	shalt  }
0x4a: {  	_ =	shalt  }
0x4b: {  	_ =	shalt  }
0x4c: {  	_ =	shalt  }
0x4d: {  	_ =	shalt  }
0x4e: {  	_ =	shalt  }
0x4f: {  	_ =	shalt  }
0x50: {  	_ =	shalt  }
0x51: {  	_ =	shalt  }
0x52: {  	_ =	shalt  }
0x53: {  	_ =	shalt  }
0x54: {  	_ =	shalt  }
0x55: {  	_ =	shalt  }
0x56: {  	_ =	shalt  }
0x57: {  	_ =	shalt  }
0x58: {  	_ =	shalt  }
0x59: {  	_ =	shalt  }
0x5a: {  	_ =	shalt  }
0x5b: {  	_ =	shalt  }
0x5c: {  	_ =	shalt  }
0x5d: {  	_ =	shalt  }
0x5e: {  	_ =	shalt  }
0x5f: {  	_ =	shalt  }
0x60: {  	_ =	shalt  }
0x61: {  	_ =	shalt  }
0x62: {  	_ =	shalt  }
0x63: {  	_ =	shalt  }
0x64: {  	_ =	shalt  }
0x65: {  	_ =	shalt  }
0x66: {  	_ =	shalt  }
0x67: {  	_ =	shalt  }
0x68: {  	_ =	shalt  }
0x69: {  	_ =	shalt  }
0x6a: {  	_ =	shalt  }
0x6b: {  	_ =	shalt  }
0x6c: {  	_ =	shalt  }
0x6d: {  	_ =	shalt  }
0x6e: {  	_ =	shalt  }
0x6f: {  	_ =	shalt  }
0x70: {  	_ =	shalt  }
0x71: {  	_ =	shalt  }
0x72: {  	_ =	shalt  }
0x73: {  	_ =	shalt  }
0x74: {  	_ =	shalt  }
0x75: {  	_ =	shalt  }
0x76: {  	_ =	shalt  }
0x77: {  	_ =	shalt  }
0x78: {  	_ =	shalt  }
0x79: {  	_ =	shalt  }
0x7a: {  	_ =	shalt  }
0x7b: {  	_ =	shalt  }
0x7c: {  	_ =	shalt  }
0x7d: {  	_ =	shalt  }
0x7e: {  	_ =	shalt  }
0x7f: {  	_ =	shalt  }
0x80: {  	_ =	shalt  }
0x81: {  	_ =	shalt  }
0x82: {  	_ =	shalt  }
0x83: {  	_ =	shalt  }
0x84: {  	_ =	shalt  }
0x85: {  	_ =	shalt  }
0x86: {  	_ =	shalt  }
0x87: {  	_ =	shalt  }
.Lfunc_end0:
.L_simem_size_0:
called_computation.1_lowered:
.L_overlay_start_0:
0x88: {  	s2 =	sld [smem:$0x3FD9]  }
0x89: {  	s3 =	sld [smem:$0x3FFE];
	_ =	sdelay $0x1  }
0x8a: {  	s1 =	srdreg.scid  }
0x8b: {  	s0 =	sand.u32 $0x1, s1  }
0x8c: {  	s14 =	sshll.u32 s0, $0xA;
	s2 =	sadd.s32 s3, s2  }
0x8d: {  	s2 =	sadd.s32 s2, s14  }
0x8e: {  	[smem:$0x3FB1] =	sst s2  }
0x8f: {  	_ = 	snop  }
0x90: {  	s2 =	sld [smem:$0x3FD0];
	_ =	sdelay $0x2  }
0x91: {  	s15 =	simm.s32 $0xA;
	s4 =	simm.s32 $0x10  }
0x92: {  	[smem:s4], [sflag:s15] =	dma.local [hbm:s2], $0x1  }
0x93: {  	_ =	swait.eq [sflag:s15], $0x1  }
0x94: {  	s16 =	sld [smem:$0x10]  }
0x95: {  	s17 =	sld [smem:$0x13];
	[sflag:s15] =	ssyncset.done $0x0  }
0x96: {  	s5 =	sld [smem:$0x14];
	[sflag:s15] =	ssyncadd.s32 $0xFFFFFFFF  }
0x97: {  	s18 =	sld [smem:$0x15];
	(tm) =	ssettm $0x1  }
0x98: {  	s6 =	sld [smem:$0x3FFB];
	_ =	sdelay $0x3  }
0x99: {  	_ =	strace s6  }
0x9a: {  	s6 =	sld [smem:$0x3FFC];
	_ =	sdelay $0x3  }
0x9b: {  	_ =	strace s6  }
0x9c: {  	s6 =	sld [smem:$0x3FFD];
	_ =	sdelay $0x3  }
0x9d: {  	_ =	strace s6  }
0x9e: {  	_ =	strace $0x8FFFFFFF  }
0x9f: {  	s19 =	sld [smem:$0x3FDB];
	_ =	sdelay $0x1  }
0xa0: {  	s7 =	simm.s32 $_scs_section_size  }
0xa1: {  	s8 =	simm.s32 $_size__tile_overlayer_lowered;
	s9 =	simm.s32 $_tile_overlayer_lowered  }
0xa2: {  	s22 =	simm.s32 $0x1BFF;
	s21 =	sshll.u32 s9, $0x1;
	s6 =	sadd.s32 s7, s19  }
0xa3: {  	s10 =	simm.s32 $0x0;
	s20 =	sshll.u32 s8, $0x1;
	s8 =	sadd.s32 s21, s6  }
0xa4: {  	[timem:s10], [sflag:s22] =	dma.local [hbm:s8], s20  }
0xa5: {  	_ =	swait.ge [sflag:s22], s20  }
0xa6: {  	s7 =	ssub.s32 $0x0, s20;
	[sflag:s22] =	ssyncset.done $0x0  }
0xa7: {  	[sflag:s22] =	ssyncadd.s32 s7;
	_ =	sdelay $0x1  }
0xa8: {  	s23 =	simm.s32 $0x1B8B  }
0xa9: {  	_ =	swait.ge [sflag:s23], $0x1  }
0xaa: {  	[sflag:s23] =	ssyncset.done $0x0  }
0xab: {  	s25 =	simm.s32 $0x1B8E;
	s24 =	sld [smem:$0x3FFE];
	[sflag:s23] =	ssyncadd.s32 $0xFFFFFFFF  }
0xac: {  	s26 =	simm.s32 $execute0_lowered;
	[smem:$0x3FD2] =	sst s25  }
0xad: {  	s8 =	sshll.u32 s26, $0x1;
	_ =	strace $0x80000049;
	[dreg:$0x1] =	wrdreg $0xFFFFFFFF  }
0xae: {  	s28 =	simm.s32 $_size_execute0_lowered;
	s6 =	sadd.s32 s6, s8;
	[dreg:$0x0] =	wrdreg $0x0  }
0xaf: {  	s8 =	sshll.u32 s28, $0x1;
	[dreg:$0x2] =	wrdreg s6  }
0xb0: {  	[dreg:$0x3] =	wrdreg s8  }
0xb1: {  	[dreg:$0x4] =	wrdreg $0xC0  }
0xb2: {  	_ =	task [dreg:s10], $0x5FFFF  }
0xb3: {  	[dreg:$0x1] =	wrdreg $0xFFFFFFFF  }
0xb4: {  	[dreg:$0x0] =	wrdreg $0x60  }
0xb5: {  	[dreg:$0x2] =	wrdreg s24  }
0xb6: {  	[dreg:$0x3] =	wrdreg s18  }
0xb7: {  	[dreg:$0x4] =	wrdreg s5  }
0xb8: {  	[dreg:$0x5] =	wrdreg s17  }
0xb9: {  	[dreg:$0x6] =	wrdreg s16  }
0xba: {  	[dreg:$0x7] =	wrdreg $0xB0000  }
0xbb: {  	[dreg:$0x8] =	wrdreg $0x9  }
0xbc: {  	_ =	task.clear_ibuf [dreg:s10], $0x9FFFF;
	_ =	strace $0x90000049  }
0xbd: {  	s29 =	simm.s32 $0x9;
	_ =	strace $0x8000004B  }
0xbe: {  	_ =	swait.ge [sflag:s29], $0x1  }
0xbf: {  	[sflag:s29] =	ssyncadd.s32 $0xFFFFFFFF  }
0xc0: {  	_ =	strace $0x9000004B  }
0xc1: {  	_ =	sfence  }
0xc2: {  	s30 =	sld [smem:$0x0];
	_ =	sdelay $0x2  }
0xc3: {  	s31 =	sshll.u32 s1, $0xD;
	s1 =	sshrl.u32 s1, $0x2  }
0xc4: {  	s3 =	sand.u32 $0x4000, s31;
	s1 =	sadd.s32 s1, s30  }
0xc5: {  	s0 =	sor.u32 s3, s0;
	s1 =	sshll.u32 s1, $0x11  }
0xc6: {  	s0 =	sor.u32 s1, s0  }
0xc7: {  	s0 =	sadd.s32 $0x8F2B, s0  }
0xc8: {  	[sflag:s0] =	ssyncadd.remote.s32 $0x1  }
0xc9: {  	_ =	sfence.sel $0xFFFF  }
0xca: {  	[dreg:$0x0] =	wrdreg $0xFFFFFFFF;
	(pc) =	sbr.abs _section_cstart, $3  }
0xcb: {  	[dreg:$0x1] =	wrdreg $0xFFFFFFFF  }
0xcc: {  	_ =	task.clear_ibuf [dreg:s10], $0x2FFFF;
	_ =	strace $0x9FFFFFFF  }
0xcd: {  	(tm) =	ssettm $0x7FFFFFFF  }
tec
execute0_lowered:
.L_overlay_start_1:
0x0: {  	(tag) =	ssettag $0x1  }
0x1: {  	s0 =	rddreg [dreg:$0x0]  }
0x2: {  	s1 =	rddreg [dreg:$0x1]  }
0x3: {  	s2 =	rddreg [dreg:$0x2]  }
0x4: {  	s3 =	rddreg [dreg:$0x4]  }
0x5: {  	s5 =	rddreg [dreg:$0x5];
	s6 =	simm.s32 $0x0;
	s4 =	srdreg.scid  }
0x6: {  	s14 =	stileid.u32;
	s15 =	simm.s32 $0x5;
	s16 =	simm.s32 $0x1800  }
0x7: {  	s17 =	simm.s32 $0x80;
	s18 =	simm.s32 $0x3000;
	s19 =	simm.s32 $0x7000  }
0x8: {  	s20 =	simm.s32 $0x1;
	s21 =	simm.s32 $0x2;
	s22 =	simm.s32 $0x3  }
0x9: {  	s23 =	simm.s32 $0x4;
	s28 =	simm.s32 $0x380;
	s29 =	simm.s32 $0x1B00  }
0xa: {  	s30 =	simm.s32 $0x1B80;
	s31 =	simm.s32 $0x0;
	[smem:$0x7FF] =	sst s6  }
0xb: {  	s4 =	sand.u32 $0x1, s4;
	s8 =	smul.u32 $0x4F000, s14;
	s7 =	sadd.s32 $0x5C00, s0  }
0xc: {  	s12 =	smul.u32 $0x13C00, s14;
	s25 =	sshll.u32 s14, $0x6;
	s26 =	sshll.u32 s14, $0x7  }
0xd: {  	s13 =	smul.u32 $0x4C00, s14;
	_ =	strace $0x8000004A;
	s24 =	ssub.s32 $0x2, s4  }
0xe: {  	s10 =	smul.u32 $0x13C000, s4;
	p0 =	sne.s32 s4, $0x0;
	s9 =	sshrl.u32 s24, $0x1  }
0xf: {  	s8 =	sshrl.u32 s8, $0x2;
	s13 =	sshrl.u32 s13, $0x3;
	s0 =	ssub.s32 s24, s9  }
.Ltmp0:
0x10: {  	s11 =	sadd.s32 s8, s5;
	s8 =	sor.u32 $0x1C05, s25;
	(pc) =	sbr.rel .LBB2_1-.Ltmp0, $4  }
0x11: {  	s9 =	sor.u32 $0x9800, s26;
	s12 =	sadd.s32 s12, s10;
	s10 =	smul.u32 $0x98, s14  }
0x12: {  	s13 =	sadd.s32 $0x900, s13;
	s24 =	simm.s32 $0x2F00;
	s25 =	simm.s32 $0x2F80  }
0x13: {  	s26 =	simm.s32 $0x300;
	s12 =	sshrl.u32 s12, $0x3;
	[dreg:$0x7] =	wrdreg s13  }
0x14: {  	s13 =	smax.u32 s0, $0x1;
	s14 =	sshrl.u32 s11, $0x3;
	s12 =	sadd.s32 s3, s12  }
.LBB2_6:
0x15: {  	s0 =	sadd.s32 s1, s4  }
0x16: {  	[tilespmem:s6], [sflag:$0x5] =	stream.linear.gather [hbm4b:s0+s6], $0x400, $0x38;
	[tilespmem:$0x1EC00] =	vst v63  }
0x17: {  	_ =	swait.ge [sflag:s15], $0x400  }
0x18: {  	[sflag:s15] =	ssyncset.done $0x0  }
0x19: {  	s11 =	sadd.s32 s2, s4;
	[sflag:s15] =	ssyncadd.s32 $0xFFFFFC00  }
0x1a: {  	[tilespmem:s16], [sflag:$0x5] =	stream.linear.gather [hbm4b:s11+s6], $0x400, $0x38;
	[tilespmem:$0x1EC00] =	vst v63  }
0x1b: {  	_ =	swait.ge [sflag:s15], $0x400  }
0x1c: {  	[sflag:s15] =	ssyncset.done $0x0  }
0x1d: {  	[sflag:s15] =	ssyncadd.s32 $0xFFFFFC00  }
0x1e: {  	[tilespmem:s18], [sflag:$0x1] =	stream.indirect.gather [hbm4b:s7+s17], $0x80, s6, s17, $0xb8;
	[tilespmem:$0x1EC00] =	vst v63  }
0x1f: {  	_ = 	snop  }
0x20: {  	[tilespmem:s19], [sflag:$0x2] =	stream.indirect.gather [hbm4b:s7+s17], $0x80, s17, s17, $0xb8;
	[tilespmem:$0x1EC00] =	vst v63  }
0x21: {  	_ =	swait.ge [sflag:s20], $0x4000  }
0x22: {  	[sflag:s20] =	ssyncset.done $0x0  }
0x23: {  	[sflag:s20] =	ssyncadd.s32 $0xFFFFC000  }
0x24: {  	[spmem:s5] =	stream.indirect.scatter.add.f32 [tilespmem:s18], [sflag:$0x3], $0x80, s16, s17, $0xb8;
	[tilespmem:$0x1EC00] =	vst v63  }
0x25: {  	_ =	swait.ge [sflag:s21], $0x4000  }
0x26: {  	[sflag:s21] =	ssyncset.done $0x0  }
0x27: {  	s3 =	simm.s32 $0x1880;
	[sflag:s21] =	ssyncadd.s32 $0xFFFFC000  }
0x28: {  	[spmem:s5] =	stream.indirect.scatter.add.f32 [tilespmem:s19], [sflag:$0x4], $0x80, s3, s17, $0xb8;
	[tilespmem:$0x1EC00] =	vst v63  }
0x29: {  	_ =	swait.ge [sflag:s22], $0x4000  }
0x2a: {  	[sflag:s22] =	ssyncset.done $0x0  }
0x2b: {  	s4 =	simm.s32 $0x100;
	[sflag:s22] =	ssyncadd.s32 $0xFFFFC000  }
0x2c: {  	[tilespmem:s18], [sflag:$0x1] =	stream.indirect.gather [hbm4b:s7+s17], $0x80, s4, s17, $0xb8;
	[tilespmem:$0x1EC00] =	vst v63  }
0x2d: {  	_ =	swait.ge [sflag:s23], $0x4000  }
0x2e: {  	[sflag:s23] =	ssyncset.done $0x0  }
0x2f: {  	s11 =	simm.s32 $0x180;
	[sflag:s23] =	ssyncadd.s32 $0xFFFFC000  }
0x30: {  	[tilespmem:s19], [sflag:$0x2] =	stream.indirect.gather [hbm4b:s7+s17], $0x80, s11, s17, $0xb8;
	[tilespmem:$0x1EC00] =	vst v63  }
0x31: {  	_ =	swait.ge [sflag:s20], $0x4000  }
0x32: {  	[sflag:s20] =	ssyncset.done $0x0  }
0x33: {  	s3 =	simm.s32 $0x1900;
	[sflag:s20] =	ssyncadd.s32 $0xFFFFC000  }
0x34: {  	[spmem:s5] =	stream.indirect.scatter.add.f32 [tilespmem:s18], [sflag:$0x3], $0x80, s3, s17, $0xb8;
	[tilespmem:$0x1EC00] =	vst v63  }
0x35: {  	_ =	swait.ge [sflag:s21], $0x4000  }
0x36: {  	[sflag:s21] =	ssyncset.done $0x0  }
0x37: {  	s4 =	simm.s32 $0x1980;
	[sflag:s21] =	ssyncadd.s32 $0xFFFFC000  }
0x38: {  	[spmem:s5] =	stream.indirect.scatter.add.f32 [tilespmem:s19], [sflag:$0x4], $0x80, s4, s17, $0xb8;
	[tilespmem:$0x1EC00] =	vst v63  }
0x39: {  	_ =	swait.ge [sflag:s22], $0x4000  }
0x3a: {  	[sflag:s22] =	ssyncset.done $0x0  }
0x3b: {  	s11 =	simm.s32 $0x200;
	[sflag:s22] =	ssyncadd.s32 $0xFFFFC000  }
0x3c: {  	[tilespmem:s18], [sflag:$0x1] =	stream.indirect.gather [hbm4b:s7+s17], $0x80, s11, s17, $0xb8;
	[tilespmem:$0x1EC00] =	vst v63  }
0x3d: {  	_ =	swait.ge [sflag:s23], $0x4000  }
0x3e: {  	[sflag:s23] =	ssyncset.done $0x0  }
0x3f: {  	s3 =	simm.s32 $0x280;
	[sflag:s23] =	ssyncadd.s32 $0xFFFFC000  }
0x40: {  	[tilespmem:s19], [sflag:$0x2] =	stream.indirect.gather [hbm4b:s7+s17], $0x80, s3, s17, $0xb8;
	[tilespmem:$0x1EC00] =	vst v63  }
0x41: {  	_ =	swait.ge [sflag:s20], $0x4000  }
0x42: {  	[sflag:s20] =	ssyncset.done $0x0  }
0x43: {  	s4 =	simm.s32 $0x1A00;
	[sflag:s20] =	ssyncadd.s32 $0xFFFFC000  }
0x44: {  	[spmem:s5] =	stream.indirect.scatter.add.f32 [tilespmem:s18], [sflag:$0x3], $0x80, s4, s17, $0xb8;
	[tilespmem:$0x1EC00] =	vst v63  }
0x45: {  	_ =	swait.ge [sflag:s21], $0x4000  }
0x46: {  	[sflag:s21] =	ssyncset.done $0x0  }
0x47: {  	s11 =	simm.s32 $0x1A80;
	[sflag:s21] =	ssyncadd.s32 $0xFFFFC000  }
0x48: {  	[spmem:s5] =	stream.indirect.scatter.add.f32 [tilespmem:s19], [sflag:$0x4], $0x80, s11, s17, $0xb8;
	[tilespmem:$0x1EC00] =	vst v63  }
0x49: {  	_ =	swait.ge [sflag:s22], $0x4000  }
0x4a: {  	[sflag:s22] =	ssyncset.done $0x0  }
0x4b: {  	[sflag:s22] =	ssyncadd.s32 $0xFFFFC000  }
0x4c: {  	[tilespmem:s18], [sflag:$0x1] =	stream.indirect.gather [hbm4b:s7+s17], $0x80, s26, s17, $0xb8;
	[tilespmem:$0x1EC00] =	vst v63  }
0x4d: {  	_ =	swait.ge [sflag:s23], $0x4000  }
0x4e: {  	[sflag:s23] =	ssyncset.done $0x0  }
0x4f: {  	[sflag:s23] =	ssyncadd.s32 $0xFFFFC000  }
0x50: {  	[tilespmem:s19], [sflag:$0x2] =	stream.indirect.gather [hbm4b:s7+s17], $0x80, s28, s17, $0xb8;
	[tilespmem:$0x1EC00] =	vst v63  }
0x51: {  	_ =	swait.ge [sflag:s20], $0x4000  }
0x52: {  	[sflag:s20] =	ssyncset.done $0x0  }
0x53: {  	[sflag:s20] =	ssyncadd.s32 $0xFFFFC000  }
0x54: {  	[spmem:s5] =	stream.indirect.scatter.add.f32 [tilespmem:s18], [sflag:$0x3], $0x80, s29, s17, $0xb8;
	[tilespmem:$0x1EC00] =	vst v63  }
0x55: {  	_ =	swait.ge [sflag:s21], $0x4000  }
0x56: {  	[sflag:s21] =	ssyncset.done $0x0  }
0x57: {  	[sflag:s21] =	ssyncadd.s32 $0xFFFFC000  }
0x58: {  	[spmem:s5] =	stream.indirect.scatter.add.f32 [tilespmem:s19], [sflag:$0x4], $0x80, s30, s17, $0xb8;
	[tilespmem:$0x1EC00] =	vst v63  }
0x59: {  	_ =	swait.ge [sflag:s22], $0x4000  }
0x5a: {  	[sflag:s22] =	ssyncset.done $0x0  }
0x5b: {  	[sflag:s22] =	ssyncadd.s32 $0xFFFFC000  }
0x5c: {  	_ =	swait.ge [sflag:s23], $0x4000  }
0x5d: {  	s31 =	sadd.s32 $0x1, s31;
	[sflag:s23] =	ssyncset.done $0x0  }
0x5e: {  	p1 =	sne.s32 s31, s13;
	[sflag:s23] =	ssyncadd.s32 $0xFFFFC000  }
.Ltmp1:
0x5f: {  	[bflag:$0x0] =	sbarrier.arrive $0xFFFF;
	(pc) =	sbr.rel @!p1 .LBB2_7-.Ltmp1, $4  }
0x60: {  	[hbm:s12], [sflag:s8] =	dma.local [spmem:s14], $0x2780  }
0x61: {  	_ =	swait.ge [sflag:s15], $0x2780  }
0x62: {  	[sflag:s15] =	ssyncset.done $0x0  }
0x63: {  	[sflag:s15] =	ssyncadd.s32 $0xFFFFD880  }
.LBB2_1:
0x64: {  	s0 =	rddreg [dreg:$0x3]  }
0x65: {  	[spmem:s14], [sflag:s8] =	dma.local [hbm:s0], $0x2780  }
.Ltmp2:
0x66: {  	_ =	swait.ge [sflag:s15], $0x2780;
	(pc) =	sbr.rel @p0 .LBB2_6-.Ltmp2, $4  }
0x67: {  	[sflag:s15] =	ssyncset.done $0x0  }
0x68: {  	[sflag:s15] =	ssyncadd.s32 $0xFFFFD880  }
0x69: {  	[bflag:$0x0] =	sbarrier.arrive $0xFFFF  }
0x6a: {  	s4 =	smov.u32 s9;
	s0 =	simm.s32 $0x0  }
.LBB2_2:
0x6b: {  	s3 =	smul.u32 $0x30, s0;
	_ =	sdelay $0x1  }
0x6c: {  	s3 =	sadd.s32 s10, s3  }
0x6d: {  	s3 =	sshll.u32 s3, $0x4  }
0x6e: {  	s11 =	simm.s32 $0x0;
	s4 =	sadd.s32 s1, s3  }
0x6f: {  	[tilespmem:s11], [sflag:$0x5] =	stream.linear.gather [hbm4b:s4+s11], $0x1800, $0x38;
	[tilespmem:$0x1EC00] =	vst v63  }
0x70: {  	_ =	swait.ge [sflag:s15], $0x1800  }
0x71: {  	[sflag:s15] =	ssyncset.done $0x0  }
0x72: {  	s3 =	sadd.s32 s2, s3;
	[sflag:s15] =	ssyncadd.s32 $0xFFFFE800  }
0x73: {  	[tilespmem:s16], [sflag:$0x5] =	stream.linear.gather [hbm4b:s3+s11], $0x1800, $0x38;
	[tilespmem:$0x1EC00] =	vst v63  }
0x74: {  	_ =	swait.ge [sflag:s15], $0x1800  }
0x75: {  	[sflag:s15] =	ssyncset.done $0x0  }
0x76: {  	[sflag:s15] =	ssyncadd.s32 $0xFFFFE800  }
0x77: {  	[tilespmem:s18], [sflag:$0x1] =	stream.indirect.gather [hbm4b:s7+s17], $0x80, s11, s17, $0xb8;
	[tilespmem:$0x1EC00] =	vst v63  }
0x78: {  	_ = 	snop  }
0x79: {  	[tilespmem:s19], [sflag:$0x2] =	stream.indirect.gather [hbm4b:s7+s17], $0x80, s17, s17, $0xb8;
	[tilespmem:$0x1EC00] =	vst v63  }
0x7a: {  	_ =	swait.ge [sflag:s20], $0x4000  }
0x7b: {  	[sflag:s20] =	ssyncset.done $0x0  }
0x7c: {  	s11 =	simm.s32 $0x1800;
	[sflag:s20] =	ssyncadd.s32 $0xFFFFC000  }
0x7d: {  	[spmem:s5] =	stream.indirect.scatter.add.f32 [tilespmem:s18], [sflag:$0x3], $0x80, s11, s17, $0xb8;
	[tilespmem:$0x1EC00] =	vst v63  }
0x7e: {  	_ =	swait.ge [sflag:s21], $0x4000  }
0x7f: {  	[sflag:s21] =	ssyncset.done $0x0  }
0x80: {  	s4 =	simm.s32 $0x1880;
	[sflag:s21] =	ssyncadd.s32 $0xFFFFC000  }
0x81: {  	[spmem:s5] =	stream.indirect.scatter.add.f32 [tilespmem:s19], [sflag:$0x4], $0x80, s4, s17, $0xb8;
	[tilespmem:$0x1EC00] =	vst v63  }
0x82: {  	_ =	swait.ge [sflag:s22], $0x4000  }
0x83: {  	[sflag:s22] =	ssyncset.done $0x0  }
0x84: {  	s11 =	simm.s32 $0x100;
	[sflag:s22] =	ssyncadd.s32 $0xFFFFC000  }
0x85: {  	[tilespmem:s18], [sflag:$0x1] =	stream.indirect.gather [hbm4b:s7+s17], $0x80, s11, s17, $0xb8;
	[tilespmem:$0x1EC00] =	vst v63  }
0x86: {  	_ =	swait.ge [sflag:s23], $0x4000  }
0x87: {  	[sflag:s23] =	ssyncset.done $0x0  }
0x88: {  	s3 =	simm.s32 $0x180;
	s4 =	simm.s32 $0x400;
	[sflag:s23] =	ssyncadd.s32 $0xFFFFC000  }
.LBB2_3:
0x89: {  	[tilespmem:s19], [sflag:$0x2] =	stream.indirect.gather [hbm4b:s7+s17], $0x80, s3, s17, $0xb8;
	[tilespmem:$0x1EC00] =	vst v63  }
0x8a: {  	s3 =	smov.u32 s4  }
0x8b: {  	p1 =	sne.s32 s4, $0x5800;
	s4 =	sadd.s32 $0x400, s4;
	_ =	swait.ge [sflag:s20], $0x4000  }
0x8c: {  	s3 =	sshra.s32 s3, $0x2;
	[sflag:s20] =	ssyncset.done $0x0  }
0x8d: {  	s11 =	sadd.s32 $0x1800, s3;
	[sflag:s20] =	ssyncadd.s32 $0xFFFFC000  }
0x8e: {  	[spmem:s5] =	stream.indirect.scatter.add.f32 [tilespmem:s18], [sflag:$0x3], $0x80, s11, s17, $0xb8;
	[tilespmem:$0x1EC00] =	vst v63  }
0x8f: {  	_ =	swait.ge [sflag:s21], $0x4000  }
0x90: {  	[sflag:s21] =	ssyncset.done $0x0  }
0x91: {  	s11 =	sadd.s32 $0x1880, s3;
	[sflag:s21] =	ssyncadd.s32 $0xFFFFC000  }
0x92: {  	[spmem:s5] =	stream.indirect.scatter.add.f32 [tilespmem:s19], [sflag:$0x4], $0x80, s11, s17, $0xb8;
	[tilespmem:$0x1EC00] =	vst v63  }
0x93: {  	_ =	swait.ge [sflag:s22], $0x4000  }
0x94: {  	[sflag:s22] =	ssyncset.done $0x0  }
.Ltmp3:
0x95: {  	s11 =	sadd.s32 $0x100, s3;
	[sflag:s22] =	ssyncadd.s32 $0xFFFFC000;
	(pc) =	sbr.rel @p1 .LBB2_3-.Ltmp3, $4  }
0x96: {  	[tilespmem:s18], [sflag:$0x1] =	stream.indirect.gather [hbm4b:s7+s17], $0x80, s11, s17, $0xb8;
	[tilespmem:$0x1EC00] =	vst v63  }
0x97: {  	_ =	swait.ge [sflag:s23], $0x4000  }
0x98: {  	[sflag:s23] =	ssyncset.done $0x0  }
0x99: {  	s3 =	sadd.s32 $0x180, s3;
	[sflag:s23] =	ssyncadd.s32 $0xFFFFC000  }
0x9a: {  	[tilespmem:s19], [sflag:$0x2] =	stream.indirect.gather [hbm4b:s7+s17], $0x80, s3, s17, $0xb8;
	[tilespmem:$0x1EC00] =	vst v63  }
0x9b: {  	_ =	swait.ge [sflag:s20], $0x4000  }
0x9c: {  	[sflag:s20] =	ssyncset.done $0x0  }
0x9d: {  	[sflag:s20] =	ssyncadd.s32 $0xFFFFC000  }
0x9e: {  	[spmem:s5] =	stream.indirect.scatter.add.f32 [tilespmem:s18], [sflag:$0x3], $0x80, s24, s17, $0xb8;
	[tilespmem:$0x1EC00] =	vst v63  }
0x9f: {  	_ =	swait.ge [sflag:s21], $0x4000  }
0xa0: {  	[sflag:s21] =	ssyncset.done $0x0  }
0xa1: {  	s0 =	sadd.s32 $0x1, s0;
	[sflag:s21] =	ssyncadd.s32 $0xFFFFC000  }
0xa2: {  	[spmem:s5] =	stream.indirect.scatter.add.f32 [tilespmem:s19], [sflag:$0x4], $0x80, s25, s17, $0xb8;
	[tilespmem:$0x1EC00] =	vst v63  }
0xa3: {  	p1 =	sne.s32 s0, $0x3;
	_ =	swait.ge [sflag:s22], $0x4000  }
.Ltmp4:
0xa4: {  	[sflag:s22] =	ssyncset.done $0x0;
	(pc) =	sbr.rel @p1 .LBB2_2-.Ltmp4, $4  }
0xa5: {  	[sflag:s22] =	ssyncadd.s32 $0xFFFFC000  }
0xa6: {  	_ =	swait.ge [sflag:s23], $0x4000  }
0xa7: {  	[sflag:s23] =	ssyncset.done $0x0  }
0xa8: {  	[sflag:s23] =	ssyncadd.s32 $0xFFFFC000  }
.Ltmp5:
0xa9: {  	(pc) =	sbr.rel .LBB2_6-.Ltmp5, $2  }
0xaa: {  	_ =	sdelay $0x2  }
0xab: {  	s4 =	rddreg [dreg:$0x7]  }
.LBB2_7:
0xac: {  	_ =	sfence.sel $0x180000  }
0xad: {  	[bflag:$0x0] =	sbarrier.arrive $0xFFFF  }
0xae: {  	_ =	strace $0x9000004A  }
0xaf: {  	s0 =	stileid.u32;
	[bflag:$0x2] =	sbarrier.arrive $0xFFFF  }
0xb0: {  	p0 =	sne.s32 s0, $0x0;
	s0 =	rddreg [dreg:$0x6]  }
0xb1: {  	s0 =	sadd.s32 @!p0 $0x100000, s0  }
0xb2: {  	[sflag:s0] =	ssyncadd.tile.s32 @!p0 $0x1;
	_ =	shalt  }
.Lfunc_end2:
_tile_overlayer_lowered:
.L_overlay_start_2:
0xb3: {  	(tag) =	ssettag $0x2  }
0xb4: {  	s0 =	rddreg [dreg:$0x0];
	s2 =	stileid.u32  }
0xb5: {  	s1 =	rddreg [dreg:$0x1];
	p0 =	sne.s32 s2, $0x0  }
0xb6: {  	s3 =	rddreg [dreg:$0x2];
	[bflag:$0x3] =	sbarrier.arrive $0xFFFF;
	s2 =	simm.s32 @!p0 $0x1C05  }
0xb7: {  	[timem:s3], [sflag:s2] =	dma.local @!p0 [hbm:s0], s1  }
0xb8: {  	s0 =	simm.s32 @!p0 $0x5  }
0xb9: {  	_ =	swait.ge @!p0 [sflag:s0], s1  }
0xba: {  	s1 =	ssub.s32 @!p0 $0x0, s1;
	[sflag:s0] =	ssyncset.done @!p0 $0x0  }
0xbb: {  	[sflag:s0] =	ssyncadd.s32 @!p0 s1  }
0xbc: {  	[bflag:$0x3] =	sbarrier.arrive $0xFFFF  }
0xbd: {  	_ =	shalt  }

// kernel: kernel.17.cloned.1.call-start
scs
__scs_entry_jumppad:
0x0: {  	(pc) =	sbr.rel $0x88, $3  }
0x1: {  	(tag) =	ssettag $0x0;
	lr =	simm.s32 $0x1  }
0x2: {  	[smem:$0x3F8A] =	sst lr;
	_ =	strace $0xD0000000  }
0x3: {  	_ = 	snop  }
0x4: {  	_ = 	snop  }
0x5: {  	_ = 	snop  }
0x6: {  	_ = 	snop  }
0x7: {  	_ = 	snop  }
__scs_overlays_trampoline_lowered:
0x8: {  	[smem:$0x3F99] =	sst s0  }
0x9: {  	[smem:$0x3F9A] =	sst s1  }
0xa: {  	[smem:$0x3F9B] =	sst s2  }
0xb: {  	[smem:$0x3F9C] =	sst s3  }
0xc: {  	[smem:$0x3F9D] =	sst s4  }
0xd: {  	[smem:$0x3F9E] =	sst s5  }
0xe: {  	[smem:$0x3F9F] =	sst s6  }
0xf: {  	[smem:$0x3FA0] =	sst s7  }
0x10: {  	[smem:$0x3FA1] =	sst s8  }
0x11: {  	[smem:$0x3FA2] =	sst s9;
	s0 =	simm.s32 @!p0 $0x0  }
0x12: {  	s1 =	sld [smem:$0x3F88];
	s0 =	simm.s32 @p0 $0x1  }
0x13: {  	[smem:$0x3FA3] =	sst s0;
	s0 =	simm.s32 @!p1 $0x0  }
0x14: {  	s2 =	sld [smem:$0x3F87];
	s0 =	simm.s32 @p1 $0x1  }
0x15: {  	[smem:$0x3FA4] =	sst s0;
	s0 =	simm.s32 @!p2 $0x0  }
0x16: {  	s3 =	sld [smem:$0x3FDB];
	s0 =	simm.s32 @p2 $0x1  }
0x17: {  	s4 =	simm.s32 $0x1BF5;
	[smem:$0x3FA6] =	sst s0  }
0x18: {  	s0 =	sld [smem:$0x3F89];
	_ =	swait.ge [sflag:s4], $0x0  }
0x19: {  	s7 =	sld [smem:$0x3F8A]  }
0x1a: {  	s8 =	sadd.s32 $0xFFFFE003, lr  }
0x1b: {  	s9 =	sadd.s32 $0xFFFFFEF7, lr;
	s5 =	simm.s32 $0xFFFFFFFF;
	p2 =	slt.u32 s8, $0xFFFFF086  }
0x1c: {  	p1 =	slt.u32 s9, $0xF7A;
	s5 =	simm.s32 @!p2 $0x0  }
0x1d: {  	s5 =	simm.s32 @p1 $0x1;
	p0 =	seq.s32 s7, s2  }
0x1e: {  	s7 =	smul.u32 @!p0 $0xF7A, s2;
	p2 =	seq.s32 @!p0 s5, $0x0  }
0x1f: {  	s9 =	smul.u32 $0xF7A, s1;
	s8 =	simm.s32 @!p0 $0x1BF5;
	p2 =	por !p2, p0  }
0x20: {  	[sflag:s8] =	ssyncset.s32 @!p0 $0xFFFFF086;
	s6 =	sadd.s32 @!p0 s3, s7;
	s7 =	simm.s32 @!p0 $0x108  }
0x21: {  	s3 =	sadd.s32 s3, s9;
	s6 =	sadd.s32 @!p0 $0x88, s6;
	s7 =	simm.s32 @p2 $0x1082  }
0x22: {  	[simem:s7], [sflag:s8] =	dma.local @!p0 [hbm:s6], $0xF7A  }
0x23: {  	s9 =	sor.u32 $0xD0000000, s2;
	s6 =	simm.s32 $0x108;
	_ =	swait.ge @!p0 [sflag:s8], $0x0  }
0x24: {  	s3 =	sadd.s32 $0x88, s3;
	s6 =	simm.s32 @!p1 $0x1082;
	[sflag:s4] =	ssyncset.s32 $0xFFFFF086  }
0x25: {  	[simem:s6], [sflag:s4] =	dma.local [hbm:s3], $0xF7A  }
0x26: {  	[smem:$0x3F8A] =	sst s1;
	(tag) =	ssettag s2;
	_ =	strace s9  }
0x27: {  	s1 =	sld [smem:$0x3F9A]  }
0x28: {  	s2 =	sld [smem:$0x3F9B]  }
0x29: {  	s4 =	sld [smem:$0x3F9D]  }
0x2a: {  	p0 =	seq.s32 s5, $0x0;
	s5 =	sld [smem:$0x3F9E]  }
0x2b: {  	s6 =	sld [smem:$0x3F9F]  }
0x2c: {  	s7 =	sld [smem:$0x3FA0]  }
0x2d: {  	s3 =	simm.s32 $0x108;
	s8 =	sld [smem:$0x3FA1]  }
0x2e: {  	s3 =	simm.s32 @!p0 $0x1082;
	s9 =	sld [smem:$0x3FA2]  }
0x2f: {  	lr =	sadd.s32 s0, s3;
	s0 =	sld [smem:$0x3F99]  }
0x30: {  	s3 =	sld [smem:$0x3F9C]  }
0x31: {  	[smem:$0x3FA5] =	sst s10  }
0x32: {  	s10 =	sld [smem:$0x3FA3];
	_ =	sdelay $0x3  }
0x33: {  	p0 =	seq.s32 s10, $0x1;
	s10 =	sld [smem:$0x3FA5];
	_ =	sdelay $0x3  }
0x34: {  	[smem:$0x3FA5] =	sst s10  }
0x35: {  	s10 =	sld [smem:$0x3FA4];
	_ =	sdelay $0x3  }
0x36: {  	p1 =	seq.s32 s10, $0x1;
	s10 =	sld [smem:$0x3FA5];
	_ =	sdelay $0x3  }
0x37: {  	[smem:$0x3FA5] =	sst s10  }
0x38: {  	s10 =	sld [smem:$0x3FA6]  }
0x39: {  	_ = 	snop;
	(pc) =	sbr.ind lr, $3  }
0x3a: {  	_ = 	snop  }
0x3b: {  	_ = 	snop  }
0x3c: {  	p2 =	seq.s32 s10, $0x1;
	s10 =	sld [smem:$0x3FA5]  }
0x3d: {  	_ =	shalt  }
0x3e: {  	_ =	shalt  }
0x3f: {  	_ =	shalt  }
0x40: {  	_ =	shalt  }
0x41: {  	_ =	shalt  }
0x42: {  	_ =	shalt  }
0x43: {  	_ =	shalt  }
0x44: {  	_ =	shalt  }
0x45: {  	_ =	shalt  }
0x46: {  	_ =	shalt  }
0x47: {  	_ =	shalt  }
0x48: {  	_ =	shalt  }
0x49: {  	_ =	shalt  }
0x4a: {  	_ =	shalt  }
0x4b: {  	_ =	shalt  }
0x4c: {  	_ =	shalt  }
0x4d: {  	_ =	shalt  }
0x4e: {  	_ =	shalt  }
0x4f: {  	_ =	shalt  }
0x50: {  	_ =	shalt  }
0x51: {  	_ =	shalt  }
0x52: {  	_ =	shalt  }
0x53: {  	_ =	shalt  }
0x54: {  	_ =	shalt  }
0x55: {  	_ =	shalt  }
0x56: {  	_ =	shalt  }
0x57: {  	_ =	shalt  }
0x58: {  	_ =	shalt  }
0x59: {  	_ =	shalt  }
0x5a: {  	_ =	shalt  }
0x5b: {  	_ =	shalt  }
0x5c: {  	_ =	shalt  }
0x5d: {  	_ =	shalt  }
0x5e: {  	_ =	shalt  }
0x5f: {  	_ =	shalt  }
0x60: {  	_ =	shalt  }
0x61: {  	_ =	shalt  }
0x62: {  	_ =	shalt  }
0x63: {  	_ =	shalt  }
0x64: {  	_ =	shalt  }
0x65: {  	_ =	shalt  }
0x66: {  	_ =	shalt  }
0x67: {  	_ =	shalt  }
0x68: {  	_ =	shalt  }
0x69: {  	_ =	shalt  }
0x6a: {  	_ =	shalt  }
0x6b: {  	_ =	shalt  }
0x6c: {  	_ =	shalt  }
0x6d: {  	_ =	shalt  }
0x6e: {  	_ =	shalt  }
0x6f: {  	_ =	shalt  }
0x70: {  	_ =	shalt  }
0x71: {  	_ =	shalt  }
0x72: {  	_ =	shalt  }
0x73: {  	_ =	shalt  }
0x74: {  	_ =	shalt  }
0x75: {  	_ =	shalt  }
0x76: {  	_ =	shalt  }
0x77: {  	_ =	shalt  }
0x78: {  	_ =	shalt  }
0x79: {  	_ =	shalt  }
0x7a: {  	_ =	shalt  }
0x7b: {  	_ =	shalt  }
0x7c: {  	_ =	shalt  }
0x7d: {  	_ =	shalt  }
0x7e: {  	_ =	shalt  }
0x7f: {  	_ =	shalt  }
0x80: {  	_ =	shalt  }
0x81: {  	_ =	shalt  }
0x82: {  	_ =	shalt  }
0x83: {  	_ =	shalt  }
0x84: {  	_ =	shalt  }
0x85: {  	_ =	shalt  }
0x86: {  	_ =	shalt  }
0x87: {  	_ =	shalt  }
.Lfunc_end0:
.L_simem_size_0:
called_computation.2_lowered:
.L_overlay_start_0:
0x88: {  	s2 =	sld [smem:$0x3FD9]  }
0x89: {  	s3 =	sld [smem:$0x3FFE];
	_ =	sdelay $0x1  }
0x8a: {  	s1 =	srdreg.scid  }
0x8b: {  	s0 =	sand.u32 $0x1, s1  }
0x8c: {  	s14 =	sshll.u32 s0, $0xA;
	s2 =	sadd.s32 s3, s2  }
0x8d: {  	s2 =	sadd.s32 s2, s14  }
0x8e: {  	[smem:$0x3FB1] =	sst s2  }
0x8f: {  	_ = 	snop  }
0x90: {  	s2 =	sld [smem:$0x3FD0];
	_ =	sdelay $0x2  }
0x91: {  	s15 =	simm.s32 $0xA;
	s4 =	simm.s32 $0x10  }
0x92: {  	[smem:s4], [sflag:s15] =	dma.local [hbm:s2], $0x1  }
0x93: {  	_ =	swait.eq [sflag:s15], $0x1  }
0x94: {  	s16 =	sld [smem:$0x10]  }
0x95: {  	s17 =	sld [smem:$0x13];
	[sflag:s15] =	ssyncset.done $0x0  }
0x96: {  	s5 =	sld [smem:$0x14];
	[sflag:s15] =	ssyncadd.s32 $0xFFFFFFFF  }
0x97: {  	s18 =	sld [smem:$0x15];
	(tm) =	ssettm $0x1  }
0x98: {  	s6 =	sld [smem:$0x3FFB];
	_ =	sdelay $0x3  }
0x99: {  	_ =	strace s6  }
0x9a: {  	s6 =	sld [smem:$0x3FFC];
	_ =	sdelay $0x3  }
0x9b: {  	_ =	strace s6  }
0x9c: {  	s6 =	sld [smem:$0x3FFD];
	_ =	sdelay $0x3  }
0x9d: {  	_ =	strace s6  }
0x9e: {  	_ =	strace $0x8FFFFFFF  }
0x9f: {  	s19 =	sld [smem:$0x3FDB];
	_ =	sdelay $0x1  }
0xa0: {  	s7 =	simm.s32 $_scs_section_size  }
0xa1: {  	s8 =	simm.s32 $_size__tile_overlayer_lowered;
	s9 =	simm.s32 $_tile_overlayer_lowered  }
0xa2: {  	s22 =	simm.s32 $0x1BFF;
	s21 =	sshll.u32 s9, $0x1;
	s6 =	sadd.s32 s7, s19  }
0xa3: {  	s10 =	simm.s32 $0x0;
	s20 =	sshll.u32 s8, $0x1;
	s8 =	sadd.s32 s21, s6  }
0xa4: {  	[timem:s10], [sflag:s22] =	dma.local [hbm:s8], s20  }
0xa5: {  	_ =	swait.ge [sflag:s22], s20  }
0xa6: {  	s7 =	ssub.s32 $0x0, s20;
	[sflag:s22] =	ssyncset.done $0x0  }
0xa7: {  	[sflag:s22] =	ssyncadd.s32 s7;
	_ =	sdelay $0x1  }
0xa8: {  	s23 =	simm.s32 $0x1B8B  }
0xa9: {  	_ =	swait.ge [sflag:s23], $0x1  }
0xaa: {  	[sflag:s23] =	ssyncset.done $0x0  }
0xab: {  	s25 =	simm.s32 $0x1B8E;
	s24 =	sld [smem:$0x3FFE];
	[sflag:s23] =	ssyncadd.s32 $0xFFFFFFFF  }
0xac: {  	s26 =	simm.s32 $execute0_lowered;
	[smem:$0x3FD2] =	sst s25  }
0xad: {  	s8 =	sshll.u32 s26, $0x1;
	_ =	strace $0x8000004C;
	[dreg:$0x1] =	wrdreg $0xFFFFFFFF  }
0xae: {  	s28 =	simm.s32 $_size_execute0_lowered;
	s6 =	sadd.s32 s6, s8;
	[dreg:$0x0] =	wrdreg $0x0  }
0xaf: {  	s8 =	sshll.u32 s28, $0x1;
	[dreg:$0x2] =	wrdreg s6  }
0xb0: {  	[dreg:$0x3] =	wrdreg s8  }
0xb1: {  	[dreg:$0x4] =	wrdreg $0xC0  }
0xb2: {  	_ =	task [dreg:s10], $0x5FFFF  }
0xb3: {  	[dreg:$0x1] =	wrdreg $0xFFFFFFFF  }
0xb4: {  	[dreg:$0x0] =	wrdreg $0x60  }
0xb5: {  	[dreg:$0x2] =	wrdreg s24  }
0xb6: {  	[dreg:$0x3] =	wrdreg s18  }
0xb7: {  	[dreg:$0x4] =	wrdreg s5  }
0xb8: {  	[dreg:$0x5] =	wrdreg s17  }
0xb9: {  	[dreg:$0x6] =	wrdreg s16  }
0xba: {  	[dreg:$0x7] =	wrdreg $0xB0000  }
0xbb: {  	[dreg:$0x8] =	wrdreg $0x9  }
0xbc: {  	_ =	task.clear_ibuf [dreg:s10], $0x9FFFF;
	_ =	strace $0x9000004C  }
0xbd: {  	s29 =	simm.s32 $0x9;
	_ =	strace $0x8000004E  }
0xbe: {  	_ =	swait.ge [sflag:s29], $0x1  }
0xbf: {  	[sflag:s29] =	ssyncadd.s32 $0xFFFFFFFF  }
0xc0: {  	_ =	strace $0x9000004E  }
0xc1: {  	_ =	sfence  }
0xc2: {  	s30 =	sld [smem:$0x0];
	_ =	sdelay $0x2  }
0xc3: {  	s31 =	sshll.u32 s1, $0xD;
	s1 =	sshrl.u32 s1, $0x2  }
0xc4: {  	s3 =	sand.u32 $0x4000, s31;
	s1 =	sadd.s32 s1, s30  }
0xc5: {  	s0 =	sor.u32 s3, s0;
	s1 =	sshll.u32 s1, $0x11  }
0xc6: {  	s0 =	sor.u32 s1, s0  }
0xc7: {  	s0 =	sadd.s32 $0x8F2B, s0  }
0xc8: {  	[sflag:s0] =	ssyncadd.remote.s32 $0x1  }
0xc9: {  	_ =	sfence.sel $0xFFFF  }
0xca: {  	[dreg:$0x0] =	wrdreg $0xFFFFFFFF;
	(pc) =	sbr.abs _section_cstart, $3  }
0xcb: {  	[dreg:$0x1] =	wrdreg $0xFFFFFFFF  }
0xcc: {  	_ =	task.clear_ibuf [dreg:s10], $0x2FFFF;
	_ =	strace $0x9FFFFFFF  }
0xcd: {  	(tm) =	ssettm $0x7FFFFFFF  }
tec
execute0_lowered:
.L_overlay_start_1:
0x0: {  	(tag) =	ssettag $0x1  }
0x1: {  	s0 =	rddreg [dreg:$0x0]  }
0x2: {  	s1 =	rddreg [dreg:$0x1]  }
0x3: {  	s2 =	rddreg [dreg:$0x2]  }
0x4: {  	s3 =	rddreg [dreg:$0x4]  }
0x5: {  	s5 =	rddreg [dreg:$0x5];
	s6 =	simm.s32 $0x0;
	s4 =	srdreg.scid  }
0x6: {  	s14 =	stileid.u32;
	s15 =	simm.s32 $0x5;
	s16 =	simm.s32 $0x1800  }
0x7: {  	s17 =	simm.s32 $0x80;
	s18 =	simm.s32 $0x3000;
	s19 =	simm.s32 $0x7000  }
0x8: {  	s20 =	simm.s32 $0x1;
	s21 =	simm.s32 $0x2;
	s22 =	simm.s32 $0x3  }
0x9: {  	s23 =	simm.s32 $0x4;
	s28 =	simm.s32 $0x380;
	s29 =	simm.s32 $0x1B00  }
0xa: {  	s30 =	simm.s32 $0x1B80;
	s31 =	simm.s32 $0x0;
	[smem:$0x7FF] =	sst s6  }
0xb: {  	s4 =	sand.u32 $0x1, s4;
	s8 =	smul.u32 $0x4F000, s14;
	s7 =	sadd.s32 $0x5C00, s0  }
0xc: {  	s12 =	smul.u32 $0x13C00, s14;
	s25 =	sshll.u32 s14, $0x6;
	s26 =	sshll.u32 s14, $0x7  }
0xd: {  	s13 =	smul.u32 $0x4C00, s14;
	_ =	strace $0x8000004D;
	s24 =	ssub.s32 $0x2, s4  }
0xe: {  	s10 =	smul.u32 $0x13C000, s4;
	p0 =	sne.s32 s4, $0x0;
	s9 =	sshrl.u32 s24, $0x1  }
0xf: {  	s8 =	sshrl.u32 s8, $0x2;
	s13 =	sshrl.u32 s13, $0x3;
	s0 =	ssub.s32 s24, s9  }
.Ltmp0:
0x10: {  	s11 =	sadd.s32 s8, s5;
	s8 =	sor.u32 $0x1C05, s25;
	(pc) =	sbr.rel .LBB2_1-.Ltmp0, $4  }
0x11: {  	s9 =	sor.u32 $0x9800, s26;
	s12 =	sadd.s32 s12, s10;
	s10 =	smul.u32 $0x98, s14  }
0x12: {  	s13 =	sadd.s32 $0x900, s13;
	s24 =	simm.s32 $0x2F00;
	s25 =	simm.s32 $0x2F80  }
0x13: {  	s26 =	simm.s32 $0x300;
	s12 =	sshrl.u32 s12, $0x3;
	[dreg:$0x7] =	wrdreg s13  }
0x14: {  	s13 =	smax.u32 s0, $0x1;
	s14 =	sshrl.u32 s11, $0x3;
	s12 =	sadd.s32 s3, s12  }
.LBB2_6:
0x15: {  	s0 =	sadd.s32 s1, s4  }
0x16: {  	[tilespmem:s6], [sflag:$0x5] =	stream.linear.gather [hbm4b:s0+s6], $0x400, $0x38;
	[tilespmem:$0x1EC00] =	vst v63  }
0x17: {  	_ =	swait.ge [sflag:s15], $0x400  }
0x18: {  	[sflag:s15] =	ssyncset.done $0x0  }
0x19: {  	s11 =	sadd.s32 s2, s4;
	[sflag:s15] =	ssyncadd.s32 $0xFFFFFC00  }
0x1a: {  	[tilespmem:s16], [sflag:$0x5] =	stream.linear.gather [hbm4b:s11+s6], $0x400, $0x38;
	[tilespmem:$0x1EC00] =	vst v63  }
0x1b: {  	_ =	swait.ge [sflag:s15], $0x400  }
0x1c: {  	[sflag:s15] =	ssyncset.done $0x0  }
0x1d: {  	[sflag:s15] =	ssyncadd.s32 $0xFFFFFC00  }
0x1e: {  	[tilespmem:s18], [sflag:$0x1] =	stream.indirect.gather [hbm4b:s7+s17], $0x80, s6, s17, $0xb8;
	[tilespmem:$0x1EC00] =	vst v63  }
0x1f: {  	_ = 	snop  }
0x20: {  	[tilespmem:s19], [sflag:$0x2] =	stream.indirect.gather [hbm4b:s7+s17], $0x80, s17, s17, $0xb8;
	[tilespmem:$0x1EC00] =	vst v63  }
0x21: {  	_ =	swait.ge [sflag:s20], $0x4000  }
0x22: {  	[sflag:s20] =	ssyncset.done $0x0  }
0x23: {  	[sflag:s20] =	ssyncadd.s32 $0xFFFFC000  }
0x24: {  	[spmem:s5] =	stream.indirect.scatter.add.f32 [tilespmem:s18], [sflag:$0x3], $0x80, s16, s17, $0xb8;
	[tilespmem:$0x1EC00] =	vst v63  }
0x25: {  	_ =	swait.ge [sflag:s21], $0x4000  }
0x26: {  	[sflag:s21] =	ssyncset.done $0x0  }
0x27: {  	s3 =	simm.s32 $0x1880;
	[sflag:s21] =	ssyncadd.s32 $0xFFFFC000  }
0x28: {  	[spmem:s5] =	stream.indirect.scatter.add.f32 [tilespmem:s19], [sflag:$0x4], $0x80, s3, s17, $0xb8;
	[tilespmem:$0x1EC00] =	vst v63  }
0x29: {  	_ =	swait.ge [sflag:s22], $0x4000  }
0x2a: {  	[sflag:s22] =	ssyncset.done $0x0  }
0x2b: {  	s4 =	simm.s32 $0x100;
	[sflag:s22] =	ssyncadd.s32 $0xFFFFC000  }
0x2c: {  	[tilespmem:s18], [sflag:$0x1] =	stream.indirect.gather [hbm4b:s7+s17], $0x80, s4, s17, $0xb8;
	[tilespmem:$0x1EC00] =	vst v63  }
0x2d: {  	_ =	swait.ge [sflag:s23], $0x4000  }
0x2e: {  	[sflag:s23] =	ssyncset.done $0x0  }
0x2f: {  	s11 =	simm.s32 $0x180;
	[sflag:s23] =	ssyncadd.s32 $0xFFFFC000  }
0x30: {  	[tilespmem:s19], [sflag:$0x2] =	stream.indirect.gather [hbm4b:s7+s17], $0x80, s11, s17, $0xb8;
	[tilespmem:$0x1EC00] =	vst v63  }
0x31: {  	_ =	swait.ge [sflag:s20], $0x4000  }
0x32: {  	[sflag:s20] =	ssyncset.done $0x0  }
0x33: {  	s3 =	simm.s32 $0x1900;
	[sflag:s20] =	ssyncadd.s32 $0xFFFFC000  }
0x34: {  	[spmem:s5] =	stream.indirect.scatter.add.f32 [tilespmem:s18], [sflag:$0x3], $0x80, s3, s17, $0xb8;
	[tilespmem:$0x1EC00] =	vst v63  }
0x35: {  	_ =	swait.ge [sflag:s21], $0x4000  }
0x36: {  	[sflag:s21] =	ssyncset.done $0x0  }
0x37: {  	s4 =	simm.s32 $0x1980;
	[sflag:s21] =	ssyncadd.s32 $0xFFFFC000  }
0x38: {  	[spmem:s5] =	stream.indirect.scatter.add.f32 [tilespmem:s19], [sflag:$0x4], $0x80, s4, s17, $0xb8;
	[tilespmem:$0x1EC00] =	vst v63  }
0x39: {  	_ =	swait.ge [sflag:s22], $0x4000  }
0x3a: {  	[sflag:s22] =	ssyncset.done $0x0  }
0x3b: {  	s11 =	simm.s32 $0x200;
	[sflag:s22] =	ssyncadd.s32 $0xFFFFC000  }
0x3c: {  	[tilespmem:s18], [sflag:$0x1] =	stream.indirect.gather [hbm4b:s7+s17], $0x80, s11, s17, $0xb8;
	[tilespmem:$0x1EC00] =	vst v63  }
0x3d: {  	_ =	swait.ge [sflag:s23], $0x4000  }
0x3e: {  	[sflag:s23] =	ssyncset.done $0x0  }
0x3f: {  	s3 =	simm.s32 $0x280;
	[sflag:s23] =	ssyncadd.s32 $0xFFFFC000  }
0x40: {  	[tilespmem:s19], [sflag:$0x2] =	stream.indirect.gather [hbm4b:s7+s17], $0x80, s3, s17, $0xb8;
	[tilespmem:$0x1EC00] =	vst v63  }
0x41: {  	_ =	swait.ge [sflag:s20], $0x4000  }
0x42: {  	[sflag:s20] =	ssyncset.done $0x0  }
0x43: {  	s4 =	simm.s32 $0x1A00;
	[sflag:s20] =	ssyncadd.s32 $0xFFFFC000  }
0x44: {  	[spmem:s5] =	stream.indirect.scatter.add.f32 [tilespmem:s18], [sflag:$0x3], $0x80, s4, s17, $0xb8;
	[tilespmem:$0x1EC00] =	vst v63  }
0x45: {  	_ =	swait.ge [sflag:s21], $0x4000  }
0x46: {  	[sflag:s21] =	ssyncset.done $0x0  }
0x47: {  	s11 =	simm.s32 $0x1A80;
	[sflag:s21] =	ssyncadd.s32 $0xFFFFC000  }
0x48: {  	[spmem:s5] =	stream.indirect.scatter.add.f32 [tilespmem:s19], [sflag:$0x4], $0x80, s11, s17, $0xb8;
	[tilespmem:$0x1EC00] =	vst v63  }
0x49: {  	_ =	swait.ge [sflag:s22], $0x4000  }
0x4a: {  	[sflag:s22] =	ssyncset.done $0x0  }
0x4b: {  	[sflag:s22] =	ssyncadd.s32 $0xFFFFC000  }
0x4c: {  	[tilespmem:s18], [sflag:$0x1] =	stream.indirect.gather [hbm4b:s7+s17], $0x80, s26, s17, $0xb8;
	[tilespmem:$0x1EC00] =	vst v63  }
0x4d: {  	_ =	swait.ge [sflag:s23], $0x4000  }
0x4e: {  	[sflag:s23] =	ssyncset.done $0x0  }
0x4f: {  	[sflag:s23] =	ssyncadd.s32 $0xFFFFC000  }
0x50: {  	[tilespmem:s19], [sflag:$0x2] =	stream.indirect.gather [hbm4b:s7+s17], $0x80, s28, s17, $0xb8;
	[tilespmem:$0x1EC00] =	vst v63  }
0x51: {  	_ =	swait.ge [sflag:s20], $0x4000  }
0x52: {  	[sflag:s20] =	ssyncset.done $0x0  }
0x53: {  	[sflag:s20] =	ssyncadd.s32 $0xFFFFC000  }
0x54: {  	[spmem:s5] =	stream.indirect.scatter.add.f32 [tilespmem:s18], [sflag:$0x3], $0x80, s29, s17, $0xb8;
	[tilespmem:$0x1EC00] =	vst v63  }
0x55: {  	_ =	swait.ge [sflag:s21], $0x4000  }
0x56: {  	[sflag:s21] =	ssyncset.done $0x0  }
0x57: {  	[sflag:s21] =	ssyncadd.s32 $0xFFFFC000  }
0x58: {  	[spmem:s5] =	stream.indirect.scatter.add.f32 [tilespmem:s19], [sflag:$0x4], $0x80, s30, s17, $0xb8;
	[tilespmem:$0x1EC00] =	vst v63  }
0x59: {  	_ =	swait.ge [sflag:s22], $0x4000  }
0x5a: {  	[sflag:s22] =	ssyncset.done $0x0  }
0x5b: {  	[sflag:s22] =	ssyncadd.s32 $0xFFFFC000  }
0x5c: {  	_ =	swait.ge [sflag:s23], $0x4000  }
0x5d: {  	s31 =	sadd.s32 $0x1, s31;
	[sflag:s23] =	ssyncset.done $0x0  }
0x5e: {  	p1 =	sne.s32 s31, s13;
	[sflag:s23] =	ssyncadd.s32 $0xFFFFC000  }
.Ltmp1:
0x5f: {  	[bflag:$0x0] =	sbarrier.arrive $0xFFFF;
	(pc) =	sbr.rel @!p1 .LBB2_7-.Ltmp1, $4  }
0x60: {  	[hbm:s12], [sflag:s8] =	dma.local [spmem:s14], $0x2780  }
0x61: {  	_ =	swait.ge [sflag:s15], $0x2780  }
0x62: {  	[sflag:s15] =	ssyncset.done $0x0  }
0x63: {  	[sflag:s15] =	ssyncadd.s32 $0xFFFFD880  }
.LBB2_1:
0x64: {  	s0 =	rddreg [dreg:$0x3]  }
0x65: {  	[spmem:s14], [sflag:s8] =	dma.local [hbm:s0], $0x2780  }
.Ltmp2:
0x66: {  	_ =	swait.ge [sflag:s15], $0x2780;
	(pc) =	sbr.rel @p0 .LBB2_6-.Ltmp2, $4  }
0x67: {  	[sflag:s15] =	ssyncset.done $0x0  }
0x68: {  	[sflag:s15] =	ssyncadd.s32 $0xFFFFD880  }
0x69: {  	[bflag:$0x0] =	sbarrier.arrive $0xFFFF  }
0x6a: {  	s4 =	smov.u32 s9;
	s0 =	simm.s32 $0x0  }
.LBB2_2:
0x6b: {  	s3 =	smul.u32 $0x30, s0;
	_ =	sdelay $0x1  }
0x6c: {  	s3 =	sadd.s32 s10, s3  }
0x6d: {  	s3 =	sshll.u32 s3, $0x4  }
0x6e: {  	s11 =	simm.s32 $0x0;
	s4 =	sadd.s32 s1, s3  }
0x6f: {  	[tilespmem:s11], [sflag:$0x5] =	stream.linear.gather [hbm4b:s4+s11], $0x1800, $0x38;
	[tilespmem:$0x1EC00] =	vst v63  }
0x70: {  	_ =	swait.ge [sflag:s15], $0x1800  }
0x71: {  	[sflag:s15] =	ssyncset.done $0x0  }
0x72: {  	s3 =	sadd.s32 s2, s3;
	[sflag:s15] =	ssyncadd.s32 $0xFFFFE800  }
0x73: {  	[tilespmem:s16], [sflag:$0x5] =	stream.linear.gather [hbm4b:s3+s11], $0x1800, $0x38;
	[tilespmem:$0x1EC00] =	vst v63  }
0x74: {  	_ =	swait.ge [sflag:s15], $0x1800  }
0x75: {  	[sflag:s15] =	ssyncset.done $0x0  }
0x76: {  	[sflag:s15] =	ssyncadd.s32 $0xFFFFE800  }
0x77: {  	[tilespmem:s18], [sflag:$0x1] =	stream.indirect.gather [hbm4b:s7+s17], $0x80, s11, s17, $0xb8;
	[tilespmem:$0x1EC00] =	vst v63  }
0x78: {  	_ = 	snop  }
0x79: {  	[tilespmem:s19], [sflag:$0x2] =	stream.indirect.gather [hbm4b:s7+s17], $0x80, s17, s17, $0xb8;
	[tilespmem:$0x1EC00] =	vst v63  }
0x7a: {  	_ =	swait.ge [sflag:s20], $0x4000  }
0x7b: {  	[sflag:s20] =	ssyncset.done $0x0  }
0x7c: {  	s11 =	simm.s32 $0x1800;
	[sflag:s20] =	ssyncadd.s32 $0xFFFFC000  }
0x7d: {  	[spmem:s5] =	stream.indirect.scatter.add.f32 [tilespmem:s18], [sflag:$0x3], $0x80, s11, s17, $0xb8;
	[tilespmem:$0x1EC00] =	vst v63  }
0x7e: {  	_ =	swait.ge [sflag:s21], $0x4000  }
0x7f: {  	[sflag:s21] =	ssyncset.done $0x0  }
0x80: {  	s4 =	simm.s32 $0x1880;
	[sflag:s21] =	ssyncadd.s32 $0xFFFFC000  }
0x81: {  	[spmem:s5] =	stream.indirect.scatter.add.f32 [tilespmem:s19], [sflag:$0x4], $0x80, s4, s17, $0xb8;
	[tilespmem:$0x1EC00] =	vst v63  }
0x82: {  	_ =	swait.ge [sflag:s22], $0x4000  }
0x83: {  	[sflag:s22] =	ssyncset.done $0x0  }
0x84: {  	s11 =	simm.s32 $0x100;
	[sflag:s22] =	ssyncadd.s32 $0xFFFFC000  }
0x85: {  	[tilespmem:s18], [sflag:$0x1] =	stream.indirect.gather [hbm4b:s7+s17], $0x80, s11, s17, $0xb8;
	[tilespmem:$0x1EC00] =	vst v63  }
0x86: {  	_ =	swait.ge [sflag:s23], $0x4000  }
0x87: {  	[sflag:s23] =	ssyncset.done $0x0  }
0x88: {  	s3 =	simm.s32 $0x180;
	s4 =	simm.s32 $0x400;
	[sflag:s23] =	ssyncadd.s32 $0xFFFFC000  }
.LBB2_3:
0x89: {  	[tilespmem:s19], [sflag:$0x2] =	stream.indirect.gather [hbm4b:s7+s17], $0x80, s3, s17, $0xb8;
	[tilespmem:$0x1EC00] =	vst v63  }
0x8a: {  	s3 =	smov.u32 s4  }
0x8b: {  	p1 =	sne.s32 s4, $0x5800;
	s4 =	sadd.s32 $0x400, s4;
	_ =	swait.ge [sflag:s20], $0x4000  }
0x8c: {  	s3 =	sshra.s32 s3, $0x2;
	[sflag:s20] =	ssyncset.done $0x0  }
0x8d: {  	s11 =	sadd.s32 $0x1800, s3;
	[sflag:s20] =	ssyncadd.s32 $0xFFFFC000  }
0x8e: {  	[spmem:s5] =	stream.indirect.scatter.add.f32 [tilespmem:s18], [sflag:$0x3], $0x80, s11, s17, $0xb8;
	[tilespmem:$0x1EC00] =	vst v63  }
0x8f: {  	_ =	swait.ge [sflag:s21], $0x4000  }
0x90: {  	[sflag:s21] =	ssyncset.done $0x0  }
0x91: {  	s11 =	sadd.s32 $0x1880, s3;
	[sflag:s21] =	ssyncadd.s32 $0xFFFFC000  }
0x92: {  	[spmem:s5] =	stream.indirect.scatter.add.f32 [tilespmem:s19], [sflag:$0x4], $0x80, s11, s17, $0xb8;
	[tilespmem:$0x1EC00] =	vst v63  }
0x93: {  	_ =	swait.ge [sflag:s22], $0x4000  }
0x94: {  	[sflag:s22] =	ssyncset.done $0x0  }
.Ltmp3:
0x95: {  	s11 =	sadd.s32 $0x100, s3;
	[sflag:s22] =	ssyncadd.s32 $0xFFFFC000;
	(pc) =	sbr.rel @p1 .LBB2_3-.Ltmp3, $4  }
0x96: {  	[tilespmem:s18], [sflag:$0x1] =	stream.indirect.gather [hbm4b:s7+s17], $0x80, s11, s17, $0xb8;
	[tilespmem:$0x1EC00] =	vst v63  }
0x97: {  	_ =	swait.ge [sflag:s23], $0x4000  }
0x98: {  	[sflag:s23] =	ssyncset.done $0x0  }
0x99: {  	s3 =	sadd.s32 $0x180, s3;
	[sflag:s23] =	ssyncadd.s32 $0xFFFFC000  }
0x9a: {  	[tilespmem:s19], [sflag:$0x2] =	stream.indirect.gather [hbm4b:s7+s17], $0x80, s3, s17, $0xb8;
	[tilespmem:$0x1EC00] =	vst v63  }
0x9b: {  	_ =	swait.ge [sflag:s20], $0x4000  }
0x9c: {  	[sflag:s20] =	ssyncset.done $0x0  }
0x9d: {  	[sflag:s20] =	ssyncadd.s32 $0xFFFFC000  }
0x9e: {  	[spmem:s5] =	stream.indirect.scatter.add.f32 [tilespmem:s18], [sflag:$0x3], $0x80, s24, s17, $0xb8;
	[tilespmem:$0x1EC00] =	vst v63  }
0x9f: {  	_ =	swait.ge [sflag:s21], $0x4000  }
0xa0: {  	[sflag:s21] =	ssyncset.done $0x0  }
0xa1: {  	s0 =	sadd.s32 $0x1, s0;
	[sflag:s21] =	ssyncadd.s32 $0xFFFFC000  }
0xa2: {  	[spmem:s5] =	stream.indirect.scatter.add.f32 [tilespmem:s19], [sflag:$0x4], $0x80, s25, s17, $0xb8;
	[tilespmem:$0x1EC00] =	vst v63  }
0xa3: {  	p1 =	sne.s32 s0, $0x3;
	_ =	swait.ge [sflag:s22], $0x4000  }
.Ltmp4:
0xa4: {  	[sflag:s22] =	ssyncset.done $0x0;
	(pc) =	sbr.rel @p1 .LBB2_2-.Ltmp4, $4  }
0xa5: {  	[sflag:s22] =	ssyncadd.s32 $0xFFFFC000  }
0xa6: {  	_ =	swait.ge [sflag:s23], $0x4000  }
0xa7: {  	[sflag:s23] =	ssyncset.done $0x0  }
0xa8: {  	[sflag:s23] =	ssyncadd.s32 $0xFFFFC000  }
.Ltmp5:
0xa9: {  	(pc) =	sbr.rel .LBB2_6-.Ltmp5, $2  }
0xaa: {  	_ =	sdelay $0x2  }
0xab: {  	s4 =	rddreg [dreg:$0x7]  }
.LBB2_7:
0xac: {  	_ =	sfence.sel $0x180000  }
0xad: {  	[bflag:$0x0] =	sbarrier.arrive $0xFFFF  }
0xae: {  	_ =	strace $0x9000004D  }
0xaf: {  	s0 =	stileid.u32;
	[bflag:$0x2] =	sbarrier.arrive $0xFFFF  }
0xb0: {  	p0 =	sne.s32 s0, $0x0;
	s0 =	rddreg [dreg:$0x6]  }
0xb1: {  	s0 =	sadd.s32 @!p0 $0x100000, s0  }
0xb2: {  	[sflag:s0] =	ssyncadd.tile.s32 @!p0 $0x1;
	_ =	shalt  }
.Lfunc_end2:
_tile_overlayer_lowered:
.L_overlay_start_2:
0xb3: {  	(tag) =	ssettag $0x2  }
0xb4: {  	s0 =	rddreg [dreg:$0x0];
	s2 =	stileid.u32  }
0xb5: {  	s1 =	rddreg [dreg:$0x1];
	p0 =	sne.s32 s2, $0x0  }
0xb6: {  	s3 =	rddreg [dreg:$0x2];
	[bflag:$0x3] =	sbarrier.arrive $0xFFFF;
	s2 =	simm.s32 @!p0 $0x1C05  }
0xb7: {  	[timem:s3], [sflag:s2] =	dma.local @!p0 [hbm:s0], s1  }
0xb8: {  	s0 =	simm.s32 @!p0 $0x5  }
0xb9: {  	_ =	swait.ge @!p0 [sflag:s0], s1  }
0xba: {  	s1 =	ssub.s32 @!p0 $0x0, s1;
	[sflag:s0] =	ssyncset.done @!p0 $0x0  }
0xbb: {  	[sflag:s0] =	ssyncadd.s32 @!p0 s1  }
0xbc: {  	[bflag:$0x3] =	sbarrier.arrive $0xFFFF  }
0xbd: {  	_ =	shalt  }

// kernel: kernel.20.cloned.1.call-start
scs
__scs_entry_jumppad:
0x0: {  	(pc) =	sbr.rel $0x88, $3  }
0x1: {  	(tag) =	ssettag $0x0;
	lr =	simm.s32 $0x1  }
0x2: {  	[smem:$0x3F8A] =	sst lr;
	_ =	strace $0xD0000000  }
0x3: {  	_ = 	snop  }
0x4: {  	_ = 	snop  }
0x5: {  	_ = 	snop  }
0x6: {  	_ = 	snop  }
0x7: {  	_ = 	snop  }
__scs_overlays_trampoline_lowered:
0x8: {  	[smem:$0x3F99] =	sst s0  }
0x9: {  	[smem:$0x3F9A] =	sst s1  }
0xa: {  	[smem:$0x3F9B] =	sst s2  }
0xb: {  	[smem:$0x3F9C] =	sst s3  }
0xc: {  	[smem:$0x3F9D] =	sst s4  }
0xd: {  	[smem:$0x3F9E] =	sst s5  }
0xe: {  	[smem:$0x3F9F] =	sst s6  }
0xf: {  	[smem:$0x3FA0] =	sst s7  }
0x10: {  	[smem:$0x3FA1] =	sst s8  }
0x11: {  	[smem:$0x3FA2] =	sst s9;
	s0 =	simm.s32 @!p0 $0x0  }
0x12: {  	s1 =	sld [smem:$0x3F88];
	s0 =	simm.s32 @p0 $0x1  }
0x13: {  	[smem:$0x3FA3] =	sst s0;
	s0 =	simm.s32 @!p1 $0x0  }
0x14: {  	s2 =	sld [smem:$0x3F87];
	s0 =	simm.s32 @p1 $0x1  }
0x15: {  	[smem:$0x3FA4] =	sst s0;
	s0 =	simm.s32 @!p2 $0x0  }
0x16: {  	s3 =	sld [smem:$0x3FDB];
	s0 =	simm.s32 @p2 $0x1  }
0x17: {  	s4 =	simm.s32 $0x1BF5;
	[smem:$0x3FA6] =	sst s0  }
0x18: {  	s0 =	sld [smem:$0x3F89];
	_ =	swait.ge [sflag:s4], $0x0  }
0x19: {  	s7 =	sld [smem:$0x3F8A]  }
0x1a: {  	s8 =	sadd.s32 $0xFFFFE003, lr  }
0x1b: {  	s9 =	sadd.s32 $0xFFFFFEF7, lr;
	s5 =	simm.s32 $0xFFFFFFFF;
	p2 =	slt.u32 s8, $0xFFFFF086  }
0x1c: {  	p1 =	slt.u32 s9, $0xF7A;
	s5 =	simm.s32 @!p2 $0x0  }
0x1d: {  	s5 =	simm.s32 @p1 $0x1;
	p0 =	seq.s32 s7, s2  }
0x1e: {  	s7 =	smul.u32 @!p0 $0xF7A, s2;
	p2 =	seq.s32 @!p0 s5, $0x0  }
0x1f: {  	s9 =	smul.u32 $0xF7A, s1;
	s8 =	simm.s32 @!p0 $0x1BF5;
	p2 =	por !p2, p0  }
0x20: {  	[sflag:s8] =	ssyncset.s32 @!p0 $0xFFFFF086;
	s6 =	sadd.s32 @!p0 s3, s7;
	s7 =	simm.s32 @!p0 $0x108  }
0x21: {  	s3 =	sadd.s32 s3, s9;
	s6 =	sadd.s32 @!p0 $0x88, s6;
	s7 =	simm.s32 @p2 $0x1082  }
0x22: {  	[simem:s7], [sflag:s8] =	dma.local @!p0 [hbm:s6], $0xF7A  }
0x23: {  	s9 =	sor.u32 $0xD0000000, s2;
	s6 =	simm.s32 $0x108;
	_ =	swait.ge @!p0 [sflag:s8], $0x0  }
0x24: {  	s3 =	sadd.s32 $0x88, s3;
	s6 =	simm.s32 @!p1 $0x1082;
	[sflag:s4] =	ssyncset.s32 $0xFFFFF086  }
0x25: {  	[simem:s6], [sflag:s4] =	dma.local [hbm:s3], $0xF7A  }
0x26: {  	[smem:$0x3F8A] =	sst s1;
	(tag) =	ssettag s2;
	_ =	strace s9  }
0x27: {  	s1 =	sld [smem:$0x3F9A]  }
0x28: {  	s2 =	sld [smem:$0x3F9B]  }
0x29: {  	s4 =	sld [smem:$0x3F9D]  }
0x2a: {  	p0 =	seq.s32 s5, $0x0;
	s5 =	sld [smem:$0x3F9E]  }
0x2b: {  	s6 =	sld [smem:$0x3F9F]  }
0x2c: {  	s7 =	sld [smem:$0x3FA0]  }
0x2d: {  	s3 =	simm.s32 $0x108;
	s8 =	sld [smem:$0x3FA1]  }
0x2e: {  	s3 =	simm.s32 @!p0 $0x1082;
	s9 =	sld [smem:$0x3FA2]  }
0x2f: {  	lr =	sadd.s32 s0, s3;
	s0 =	sld [smem:$0x3F99]  }
0x30: {  	s3 =	sld [smem:$0x3F9C]  }
0x31: {  	[smem:$0x3FA5] =	sst s10  }
0x32: {  	s10 =	sld [smem:$0x3FA3];
	_ =	sdelay $0x3  }
0x33: {  	p0 =	seq.s32 s10, $0x1;
	s10 =	sld [smem:$0x3FA5];
	_ =	sdelay $0x3  }
0x34: {  	[smem:$0x3FA5] =	sst s10  }
0x35: {  	s10 =	sld [smem:$0x3FA4];
	_ =	sdelay $0x3  }
0x36: {  	p1 =	seq.s32 s10, $0x1;
	s10 =	sld [smem:$0x3FA5];
	_ =	sdelay $0x3  }
0x37: {  	[smem:$0x3FA5] =	sst s10  }
0x38: {  	s10 =	sld [smem:$0x3FA6]  }
0x39: {  	_ = 	snop;
	(pc) =	sbr.ind lr, $3  }
0x3a: {  	_ = 	snop  }
0x3b: {  	_ = 	snop  }
0x3c: {  	p2 =	seq.s32 s10, $0x1;
	s10 =	sld [smem:$0x3FA5]  }
0x3d: {  	_ =	shalt  }
0x3e: {  	_ =	shalt  }
0x3f: {  	_ =	shalt  }
0x40: {  	_ =	shalt  }
0x41: {  	_ =	shalt  }
0x42: {  	_ =	shalt  }
0x43: {  	_ =	shalt  }
0x44: {  	_ =	shalt  }
0x45: {  	_ =	shalt  }
0x46: {  	_ =	shalt  }
0x47: {  	_ =	shalt  }
0x48: {  	_ =	shalt  }
0x49: {  	_ =	shalt  }
0x4a: {  	_ =	shalt  }
0x4b: {  	_ =	shalt  }
0x4c: {  	_ =	shalt  }
0x4d: {  	_ =	shalt  }
0x4e: {  	_ =	shalt  }
0x4f: {  	_ =	shalt  }
0x50: {  	_ =	shalt  }
0x51: {  	_ =	shalt  }
0x52: {  	_ =	shalt  }
0x53: {  	_ =	shalt  }
0x54: {  	_ =	shalt  }
0x55: {  	_ =	shalt  }
0x56: {  	_ =	shalt  }
0x57: {  	_ =	shalt  }
0x58: {  	_ =	shalt  }
0x59: {  	_ =	shalt  }
0x5a: {  	_ =	shalt  }
0x5b: {  	_ =	shalt  }
0x5c: {  	_ =	shalt  }
0x5d: {  	_ =	shalt  }
0x5e: {  	_ =	shalt  }
0x5f: {  	_ =	shalt  }
0x60: {  	_ =	shalt  }
0x61: {  	_ =	shalt  }
0x62: {  	_ =	shalt  }
0x63: {  	_ =	shalt  }
0x64: {  	_ =	shalt  }
0x65: {  	_ =	shalt  }
0x66: {  	_ =	shalt  }
0x67: {  	_ =	shalt  }
0x68: {  	_ =	shalt  }
0x69: {  	_ =	shalt  }
0x6a: {  	_ =	shalt  }
0x6b: {  	_ =	shalt  }
0x6c: {  	_ =	shalt  }
0x6d: {  	_ =	shalt  }
0x6e: {  	_ =	shalt  }
0x6f: {  	_ =	shalt  }
0x70: {  	_ =	shalt  }
0x71: {  	_ =	shalt  }
0x72: {  	_ =	shalt  }
0x73: {  	_ =	shalt  }
0x74: {  	_ =	shalt  }
0x75: {  	_ =	shalt  }
0x76: {  	_ =	shalt  }
0x77: {  	_ =	shalt  }
0x78: {  	_ =	shalt  }
0x79: {  	_ =	shalt  }
0x7a: {  	_ =	shalt  }
0x7b: {  	_ =	shalt  }
0x7c: {  	_ =	shalt  }
0x7d: {  	_ =	shalt  }
0x7e: {  	_ =	shalt  }
0x7f: {  	_ =	shalt  }
0x80: {  	_ =	shalt  }
0x81: {  	_ =	shalt  }
0x82: {  	_ =	shalt  }
0x83: {  	_ =	shalt  }
0x84: {  	_ =	shalt  }
0x85: {  	_ =	shalt  }
0x86: {  	_ =	shalt  }
0x87: {  	_ =	shalt  }
.Lfunc_end0:
.L_simem_size_0:
called_computation.3_lowered:
.L_overlay_start_0:
0x88: {  	s2 =	sld [smem:$0x3FD9]  }
0x89: {  	s3 =	sld [smem:$0x3FFE];
	_ =	sdelay $0x1  }
0x8a: {  	s1 =	srdreg.scid  }
0x8b: {  	s0 =	sand.u32 $0x1, s1  }
0x8c: {  	s14 =	sshll.u32 s0, $0xA;
	s2 =	sadd.s32 s3, s2  }
0x8d: {  	s2 =	sadd.s32 s2, s14  }
0x8e: {  	[smem:$0x3FB1] =	sst s2  }
0x8f: {  	_ = 	snop  }
0x90: {  	s2 =	sld [smem:$0x3FD0];
	_ =	sdelay $0x2  }
0x91: {  	s15 =	simm.s32 $0xA;
	s4 =	simm.s32 $0x10  }
0x92: {  	[smem:s4], [sflag:s15] =	dma.local [hbm:s2], $0x1  }
0x93: {  	_ =	swait.eq [sflag:s15], $0x1  }
0x94: {  	s16 =	sld [smem:$0x13];
	[sflag:s15] =	ssyncset.done $0x0  }
0x95: {  	s17 =	sld [smem:$0x14];
	[sflag:s15] =	ssyncadd.s32 $0xFFFFFFFF  }
0x96: {  	s18 =	sld [smem:$0x15];
	(tm) =	ssettm $0x1  }
0x97: {  	s5 =	sld [smem:$0x3FFB];
	_ =	sdelay $0x3  }
0x98: {  	_ =	strace s5  }
0x99: {  	s5 =	sld [smem:$0x3FFC];
	_ =	sdelay $0x3  }
0x9a: {  	_ =	strace s5  }
0x9b: {  	s5 =	sld [smem:$0x3FFD];
	_ =	sdelay $0x3  }
0x9c: {  	_ =	strace s5  }
0x9d: {  	_ =	strace $0x8FFFFFFF  }
0x9e: {  	s19 =	sld [smem:$0x3FDB];
	_ =	sdelay $0x1  }
0x9f: {  	s6 =	simm.s32 $_scs_section_size  }
0xa0: {  	s7 =	simm.s32 $_size__tile_overlayer_lowered;
	s8 =	simm.s32 $_tile_overlayer_lowered  }
0xa1: {  	s22 =	simm.s32 $0x1BFF;
	s21 =	sshll.u32 s8, $0x1;
	s5 =	sadd.s32 s6, s19  }
0xa2: {  	s9 =	simm.s32 $0x0;
	s20 =	sshll.u32 s7, $0x1;
	s7 =	sadd.s32 s21, s5  }
0xa3: {  	[timem:s9], [sflag:s22] =	dma.local [hbm:s7], s20  }
0xa4: {  	_ =	swait.ge [sflag:s22], s20  }
0xa5: {  	s6 =	ssub.s32 $0x0, s20;
	[sflag:s22] =	ssyncset.done $0x0  }
0xa6: {  	[sflag:s22] =	ssyncadd.s32 s6;
	_ =	sdelay $0x1  }
0xa7: {  	s23 =	simm.s32 $0x1B8B  }
0xa8: {  	_ =	swait.ge [sflag:s23], $0x1  }
0xa9: {  	[sflag:s23] =	ssyncset.done $0x0  }
0xaa: {  	s25 =	simm.s32 $0x1B8E;
	s24 =	sld [smem:$0x3FFE];
	[sflag:s23] =	ssyncadd.s32 $0xFFFFFFFF  }
0xab: {  	s26 =	simm.s32 $execute0_lowered;
	[smem:$0x3FD2] =	sst s25  }
0xac: {  	s7 =	sshll.u32 s26, $0x1;
	_ =	strace $0x8000004F;
	[dreg:$0x1] =	wrdreg $0xFFFFFFFF  }
0xad: {  	s28 =	simm.s32 $_size_execute0_lowered;
	s5 =	sadd.s32 s5, s7;
	[dreg:$0x0] =	wrdreg $0x0  }
0xae: {  	s7 =	sshll.u32 s28, $0x1;
	[dreg:$0x2] =	wrdreg s5  }
0xaf: {  	[dreg:$0x3] =	wrdreg s7  }
0xb0: {  	[dreg:$0x4] =	wrdreg $0xC0  }
0xb1: {  	_ =	task [dreg:s9], $0x5FFFF  }
0xb2: {  	[dreg:$0x1] =	wrdreg $0xFFFFFFFF  }
0xb3: {  	[dreg:$0x0] =	wrdreg $0x60  }
0xb4: {  	[dreg:$0x2] =	wrdreg s24  }
0xb5: {  	[dreg:$0x3] =	wrdreg s18  }
0xb6: {  	[dreg:$0x4] =	wrdreg s17  }
0xb7: {  	[dreg:$0x5] =	wrdreg s16  }
0xb8: {  	[dreg:$0x6] =	wrdreg $0xB0000  }
0xb9: {  	[dreg:$0x7] =	wrdreg $0x9  }
0xba: {  	_ =	task.clear_ibuf [dreg:s9], $0x8FFFF;
	_ =	strace $0x9000004F  }
0xbb: {  	s29 =	simm.s32 $0x9;
	_ =	strace $0x80000051  }
0xbc: {  	_ =	swait.ge [sflag:s29], $0x1  }
0xbd: {  	[sflag:s29] =	ssyncadd.s32 $0xFFFFFFFF  }
0xbe: {  	_ =	strace $0x90000051  }
0xbf: {  	_ =	sfence  }
0xc0: {  	s30 =	sld [smem:$0x0];
	_ =	sdelay $0x2  }
0xc1: {  	s31 =	sshll.u32 s1, $0xD;
	s1 =	sshrl.u32 s1, $0x2  }
0xc2: {  	s3 =	sand.u32 $0x4000, s31;
	s1 =	sadd.s32 s1, s30  }
0xc3: {  	s0 =	sor.u32 s3, s0;
	s1 =	sshll.u32 s1, $0x11  }
0xc4: {  	s0 =	sor.u32 s1, s0  }
0xc5: {  	s0 =	sadd.s32 $0x8F2B, s0  }
0xc6: {  	[sflag:s0] =	ssyncadd.remote.s32 $0x1  }
0xc7: {  	_ =	sfence.sel $0xFFFF  }
0xc8: {  	[dreg:$0x0] =	wrdreg $0xFFFFFFFF;
	(pc) =	sbr.abs _section_cstart, $3  }
0xc9: {  	[dreg:$0x1] =	wrdreg $0xFFFFFFFF  }
0xca: {  	_ =	task.clear_ibuf [dreg:s9], $0x2FFFF;
	_ =	strace $0x9FFFFFFF  }
0xcb: {  	(tm) =	ssettm $0x7FFFFFFF  }
tec
execute0_lowered:
.L_overlay_start_1:
0x0: {  	(tag) =	ssettag $0x1  }
0x1: {  	s2 =	rddreg [dreg:$0x0]  }
0x2: {  	s0 =	rddreg [dreg:$0x1]  }
0x3: {  	s1 =	rddreg [dreg:$0x2];
	s3 =	srdreg.scid  }
0x4: {  	s5 =	rddreg [dreg:$0x4];
	s12 =	stileid.u32;
	s6 =	simm.s32 $0x0  }
0x5: {  	s15 =	simm.s32 $0x5;
	s16 =	simm.s32 $0x1800;
	s17 =	simm.s32 $0x80  }
0x6: {  	s18 =	simm.s32 $0x3000;
	s19 =	simm.s32 $0x7000;
	s20 =	simm.s32 $0x1  }
0x7: {  	s21 =	simm.s32 $0x2;
	s22 =	simm.s32 $0x3;
	s28 =	simm.s32 $0x380  }
0x8: {  	s29 =	simm.s32 $0x1B00;
	s30 =	simm.s32 $0x1B80;
	s7 =	smul.u32 $0x13C00, s12  }
0x9: {  	s31 =	simm.s32 $0x0;
	s3 =	sand.u32 $0x1, s3;
	s10 =	smul.u32 $0x4F000, s12  }
0xa: {  	[smem:$0x7FF] =	sst s6;
	s25 =	sshll.u32 s12, $0x6;
	s11 =	smul.u32 $0x4C00, s12  }
0xb: {  	s26 =	sshll.u32 s12, $0x7;
	s4 =	smul.u32 $0x13C000, s3;
	s8 =	ssub.s32 $0x2, s3  }
0xc: {  	_ =	strace $0x80000050;
	p0 =	sne.s32 s3, $0x0;
	s9 =	sshrl.u32 s8, $0x1  }
0xd: {  	s24 =	sshrl.u32 s10, $0x2;
	s10 =	smul.u32 $0x98, s12;
	s11 =	sshrl.u32 s11, $0x3  }
0xe: {  	s4 =	sadd.s32 s7, s4;
	s7 =	sadd.s32 $0x5C00, s2;
	s23 =	ssub.s32 s8, s9  }
.Ltmp0:
0xf: {  	s14 =	sadd.s32 s24, s5;
	s8 =	sor.u32 $0x1C05, s25;
	(pc) =	sbr.rel .LBB2_1-.Ltmp0, $4  }
0x10: {  	s9 =	sor.u32 $0x9800, s26;
	s11 =	sadd.s32 $0x900, s11;
	s24 =	simm.s32 $0x2F00  }
0x11: {  	s25 =	simm.s32 $0x2F80;
	s26 =	simm.s32 $0x300;
	s4 =	sshrl.u32 s4, $0x3  }
0x12: {  	[dreg:$0x6] =	wrdreg s11;
	s13 =	smax.u32 s23, $0x1;
	s2 =	sadd.s32 s4, s2  }
0x13: {  	s14 =	sshrl.u32 s14, $0x3;
	s23 =	simm.s32 $0x4;
	s12 =	sadd.s32 $0x7C400, s2  }
.LBB2_6:
0x14: {  	s2 =	sadd.s32 s0, s3  }
0x15: {  	[tilespmem:s6], [sflag:$0x5] =	stream.linear.gather [hbm4b:s2+s6], $0x400, $0x38;
	[tilespmem:$0x1EC00] =	vst v63  }
0x16: {  	_ =	swait.ge [sflag:s15], $0x400  }
0x17: {  	[sflag:s15] =	ssyncset.done $0x0  }
0x18: {  	s11 =	sadd.s32 s1, s3;
	[sflag:s15] =	ssyncadd.s32 $0xFFFFFC00  }
0x19: {  	[tilespmem:s16], [sflag:$0x5] =	stream.linear.gather [hbm4b:s11+s6], $0x400, $0x38;
	[tilespmem:$0x1EC00] =	vst v63  }
0x1a: {  	_ =	swait.ge [sflag:s15], $0x400  }
0x1b: {  	[sflag:s15] =	ssyncset.done $0x0  }
0x1c: {  	[sflag:s15] =	ssyncadd.s32 $0xFFFFFC00  }
0x1d: {  	[tilespmem:s18], [sflag:$0x1] =	stream.indirect.gather [hbm4b:s7+s17], $0x80, s6, s17, $0xb8;
	[tilespmem:$0x1EC00] =	vst v63  }
0x1e: {  	_ = 	snop  }
0x1f: {  	[tilespmem:s19], [sflag:$0x2] =	stream.indirect.gather [hbm4b:s7+s17], $0x80, s17, s17, $0xb8;
	[tilespmem:$0x1EC00] =	vst v63  }
0x20: {  	_ =	swait.ge [sflag:s20], $0x4000  }
0x21: {  	[sflag:s20] =	ssyncset.done $0x0  }
0x22: {  	[sflag:s20] =	ssyncadd.s32 $0xFFFFC000  }
0x23: {  	[spmem:s5] =	stream.indirect.scatter.add.f32 [tilespmem:s18], [sflag:$0x3], $0x80, s16, s17, $0xb8;
	[tilespmem:$0x1EC00] =	vst v63  }
0x24: {  	_ =	swait.ge [sflag:s21], $0x4000  }
0x25: {  	[sflag:s21] =	ssyncset.done $0x0  }
0x26: {  	s3 =	simm.s32 $0x1880;
	[sflag:s21] =	ssyncadd.s32 $0xFFFFC000  }
0x27: {  	[spmem:s5] =	stream.indirect.scatter.add.f32 [tilespmem:s19], [sflag:$0x4], $0x80, s3, s17, $0xb8;
	[tilespmem:$0x1EC00] =	vst v63  }
0x28: {  	_ =	swait.ge [sflag:s22], $0x4000  }
0x29: {  	[sflag:s22] =	ssyncset.done $0x0  }
0x2a: {  	s4 =	simm.s32 $0x100;
	[sflag:s22] =	ssyncadd.s32 $0xFFFFC000  }
0x2b: {  	[tilespmem:s18], [sflag:$0x1] =	stream.indirect.gather [hbm4b:s7+s17], $0x80, s4, s17, $0xb8;
	[tilespmem:$0x1EC00] =	vst v63  }
0x2c: {  	_ =	swait.ge [sflag:s23], $0x4000  }
0x2d: {  	[sflag:s23] =	ssyncset.done $0x0  }
0x2e: {  	s11 =	simm.s32 $0x180;
	[sflag:s23] =	ssyncadd.s32 $0xFFFFC000  }
0x2f: {  	[tilespmem:s19], [sflag:$0x2] =	stream.indirect.gather [hbm4b:s7+s17], $0x80, s11, s17, $0xb8;
	[tilespmem:$0x1EC00] =	vst v63  }
0x30: {  	_ =	swait.ge [sflag:s20], $0x4000  }
0x31: {  	[sflag:s20] =	ssyncset.done $0x0  }
0x32: {  	s3 =	simm.s32 $0x1900;
	[sflag:s20] =	ssyncadd.s32 $0xFFFFC000  }
0x33: {  	[spmem:s5] =	stream.indirect.scatter.add.f32 [tilespmem:s18], [sflag:$0x3], $0x80, s3, s17, $0xb8;
	[tilespmem:$0x1EC00] =	vst v63  }
0x34: {  	_ =	swait.ge [sflag:s21], $0x4000  }
0x35: {  	[sflag:s21] =	ssyncset.done $0x0  }
0x36: {  	s4 =	simm.s32 $0x1980;
	[sflag:s21] =	ssyncadd.s32 $0xFFFFC000  }
0x37: {  	[spmem:s5] =	stream.indirect.scatter.add.f32 [tilespmem:s19], [sflag:$0x4], $0x80, s4, s17, $0xb8;
	[tilespmem:$0x1EC00] =	vst v63  }
0x38: {  	_ =	swait.ge [sflag:s22], $0x4000  }
0x39: {  	[sflag:s22] =	ssyncset.done $0x0  }
0x3a: {  	s11 =	simm.s32 $0x200;
	[sflag:s22] =	ssyncadd.s32 $0xFFFFC000  }
0x3b: {  	[tilespmem:s18], [sflag:$0x1] =	stream.indirect.gather [hbm4b:s7+s17], $0x80, s11, s17, $0xb8;
	[tilespmem:$0x1EC00] =	vst v63  }
0x3c: {  	_ =	swait.ge [sflag:s23], $0x4000  }
0x3d: {  	[sflag:s23] =	ssyncset.done $0x0  }
0x3e: {  	s3 =	simm.s32 $0x280;
	[sflag:s23] =	ssyncadd.s32 $0xFFFFC000  }
0x3f: {  	[tilespmem:s19], [sflag:$0x2] =	stream.indirect.gather [hbm4b:s7+s17], $0x80, s3, s17, $0xb8;
	[tilespmem:$0x1EC00] =	vst v63  }
0x40: {  	_ =	swait.ge [sflag:s20], $0x4000  }
0x41: {  	[sflag:s20] =	ssyncset.done $0x0  }
0x42: {  	s4 =	simm.s32 $0x1A00;
	[sflag:s20] =	ssyncadd.s32 $0xFFFFC000  }
0x43: {  	[spmem:s5] =	stream.indirect.scatter.add.f32 [tilespmem:s18], [sflag:$0x3], $0x80, s4, s17, $0xb8;
	[tilespmem:$0x1EC00] =	vst v63  }
0x44: {  	_ =	swait.ge [sflag:s21], $0x4000  }
0x45: {  	[sflag:s21] =	ssyncset.done $0x0  }
0x46: {  	s11 =	simm.s32 $0x1A80;
	[sflag:s21] =	ssyncadd.s32 $0xFFFFC000  }
0x47: {  	[spmem:s5] =	stream.indirect.scatter.add.f32 [tilespmem:s19], [sflag:$0x4], $0x80, s11, s17, $0xb8;
	[tilespmem:$0x1EC00] =	vst v63  }
0x48: {  	_ =	swait.ge [sflag:s22], $0x4000  }
0x49: {  	[sflag:s22] =	ssyncset.done $0x0  }
0x4a: {  	[sflag:s22] =	ssyncadd.s32 $0xFFFFC000  }
0x4b: {  	[tilespmem:s18], [sflag:$0x1] =	stream.indirect.gather [hbm4b:s7+s17], $0x80, s26, s17, $0xb8;
	[tilespmem:$0x1EC00] =	vst v63  }
0x4c: {  	_ =	swait.ge [sflag:s23], $0x4000  }
0x4d: {  	[sflag:s23] =	ssyncset.done $0x0  }
0x4e: {  	[sflag:s23] =	ssyncadd.s32 $0xFFFFC000  }
0x4f: {  	[tilespmem:s19], [sflag:$0x2] =	stream.indirect.gather [hbm4b:s7+s17], $0x80, s28, s17, $0xb8;
	[tilespmem:$0x1EC00] =	vst v63  }
0x50: {  	_ =	swait.ge [sflag:s20], $0x4000  }
0x51: {  	[sflag:s20] =	ssyncset.done $0x0  }
0x52: {  	[sflag:s20] =	ssyncadd.s32 $0xFFFFC000  }
0x53: {  	[spmem:s5] =	stream.indirect.scatter.add.f32 [tilespmem:s18], [sflag:$0x3], $0x80, s29, s17, $0xb8;
	[tilespmem:$0x1EC00] =	vst v63  }
0x54: {  	_ =	swait.ge [sflag:s21], $0x4000  }
0x55: {  	[sflag:s21] =	ssyncset.done $0x0  }
0x56: {  	[sflag:s21] =	ssyncadd.s32 $0xFFFFC000  }
0x57: {  	[spmem:s5] =	stream.indirect.scatter.add.f32 [tilespmem:s19], [sflag:$0x4], $0x80, s30, s17, $0xb8;
	[tilespmem:$0x1EC00] =	vst v63  }
0x58: {  	_ =	swait.ge [sflag:s22], $0x4000  }
0x59: {  	[sflag:s22] =	ssyncset.done $0x0  }
0x5a: {  	[sflag:s22] =	ssyncadd.s32 $0xFFFFC000  }
0x5b: {  	_ =	swait.ge [sflag:s23], $0x4000  }
0x5c: {  	s31 =	sadd.s32 $0x1, s31;
	[sflag:s23] =	ssyncset.done $0x0  }
0x5d: {  	p1 =	sne.s32 s31, s13;
	[sflag:s23] =	ssyncadd.s32 $0xFFFFC000  }
.Ltmp1:
0x5e: {  	[bflag:$0x0] =	sbarrier.arrive $0xFFFF;
	(pc) =	sbr.rel @!p1 .LBB2_7-.Ltmp1, $4  }
0x5f: {  	[hbm:s12], [sflag:s8] =	dma.local [spmem:s14], $0x2780  }
0x60: {  	_ =	swait.ge [sflag:s15], $0x2780  }
0x61: {  	[sflag:s15] =	ssyncset.done $0x0  }
0x62: {  	[sflag:s15] =	ssyncadd.s32 $0xFFFFD880  }
.LBB2_1:
0x63: {  	s2 =	rddreg [dreg:$0x3]  }
0x64: {  	[spmem:s14], [sflag:s8] =	dma.local [hbm:s2], $0x2780  }
.Ltmp2:
0x65: {  	_ =	swait.ge [sflag:s15], $0x2780;
	(pc) =	sbr.rel @p0 .LBB2_6-.Ltmp2, $4  }
0x66: {  	[sflag:s15] =	ssyncset.done $0x0  }
0x67: {  	[sflag:s15] =	ssyncadd.s32 $0xFFFFD880  }
0x68: {  	[bflag:$0x0] =	sbarrier.arrive $0xFFFF  }
0x69: {  	s3 =	smov.u32 s9;
	s2 =	simm.s32 $0x0  }
.LBB2_2:
0x6a: {  	s3 =	smul.u32 $0x30, s2;
	_ =	sdelay $0x1  }
0x6b: {  	s3 =	sadd.s32 s10, s3  }
0x6c: {  	s3 =	sshll.u32 s3, $0x4  }
0x6d: {  	s11 =	simm.s32 $0x0;
	s4 =	sadd.s32 s0, s3  }
0x6e: {  	[tilespmem:s11], [sflag:$0x5] =	stream.linear.gather [hbm4b:s4+s11], $0x1800, $0x38;
	[tilespmem:$0x1EC00] =	vst v63  }
0x6f: {  	_ =	swait.ge [sflag:s15], $0x1800  }
0x70: {  	[sflag:s15] =	ssyncset.done $0x0  }
0x71: {  	s3 =	sadd.s32 s1, s3;
	[sflag:s15] =	ssyncadd.s32 $0xFFFFE800  }
0x72: {  	[tilespmem:s16], [sflag:$0x5] =	stream.linear.gather [hbm4b:s3+s11], $0x1800, $0x38;
	[tilespmem:$0x1EC00] =	vst v63  }
0x73: {  	_ =	swait.ge [sflag:s15], $0x1800  }
0x74: {  	[sflag:s15] =	ssyncset.done $0x0  }
0x75: {  	[sflag:s15] =	ssyncadd.s32 $0xFFFFE800  }
0x76: {  	[tilespmem:s18], [sflag:$0x1] =	stream.indirect.gather [hbm4b:s7+s17], $0x80, s11, s17, $0xb8;
	[tilespmem:$0x1EC00] =	vst v63  }
0x77: {  	_ = 	snop  }
0x78: {  	[tilespmem:s19], [sflag:$0x2] =	stream.indirect.gather [hbm4b:s7+s17], $0x80, s17, s17, $0xb8;
	[tilespmem:$0x1EC00] =	vst v63  }
0x79: {  	_ =	swait.ge [sflag:s20], $0x4000  }
0x7a: {  	[sflag:s20] =	ssyncset.done $0x0  }
0x7b: {  	s11 =	simm.s32 $0x1800;
	[sflag:s20] =	ssyncadd.s32 $0xFFFFC000  }
0x7c: {  	[spmem:s5] =	stream.indirect.scatter.add.f32 [tilespmem:s18], [sflag:$0x3], $0x80, s11, s17, $0xb8;
	[tilespmem:$0x1EC00] =	vst v63  }
0x7d: {  	_ =	swait.ge [sflag:s21], $0x4000  }
0x7e: {  	[sflag:s21] =	ssyncset.done $0x0  }
0x7f: {  	s4 =	simm.s32 $0x1880;
	[sflag:s21] =	ssyncadd.s32 $0xFFFFC000  }
0x80: {  	[spmem:s5] =	stream.indirect.scatter.add.f32 [tilespmem:s19], [sflag:$0x4], $0x80, s4, s17, $0xb8;
	[tilespmem:$0x1EC00] =	vst v63  }
0x81: {  	_ =	swait.ge [sflag:s22], $0x4000  }
0x82: {  	[sflag:s22] =	ssyncset.done $0x0  }
0x83: {  	s11 =	simm.s32 $0x100;
	[sflag:s22] =	ssyncadd.s32 $0xFFFFC000  }
0x84: {  	[tilespmem:s18], [sflag:$0x1] =	stream.indirect.gather [hbm4b:s7+s17], $0x80, s11, s17, $0xb8;
	[tilespmem:$0x1EC00] =	vst v63  }
0x85: {  	_ =	swait.ge [sflag:s23], $0x4000  }
0x86: {  	[sflag:s23] =	ssyncset.done $0x0  }
0x87: {  	s3 =	simm.s32 $0x400;
	s4 =	simm.s32 $0x180;
	[sflag:s23] =	ssyncadd.s32 $0xFFFFC000  }
.LBB2_3:
0x88: {  	[tilespmem:s19], [sflag:$0x2] =	stream.indirect.gather [hbm4b:s7+s17], $0x80, s4, s17, $0xb8;
	[tilespmem:$0x1EC00] =	vst v63  }
0x89: {  	s4 =	smov.u32 s3  }
0x8a: {  	p1 =	sne.s32 s3, $0x5800;
	s3 =	sadd.s32 $0x400, s3;
	_ =	swait.ge [sflag:s20], $0x4000  }
0x8b: {  	s4 =	sshra.s32 s4, $0x2;
	[sflag:s20] =	ssyncset.done $0x0  }
0x8c: {  	s11 =	sadd.s32 $0x1800, s4;
	[sflag:s20] =	ssyncadd.s32 $0xFFFFC000  }
0x8d: {  	[spmem:s5] =	stream.indirect.scatter.add.f32 [tilespmem:s18], [sflag:$0x3], $0x80, s11, s17, $0xb8;
	[tilespmem:$0x1EC00] =	vst v63  }
0x8e: {  	_ =	swait.ge [sflag:s21], $0x4000  }
0x8f: {  	[sflag:s21] =	ssyncset.done $0x0  }
0x90: {  	s11 =	sadd.s32 $0x1880, s4;
	[sflag:s21] =	ssyncadd.s32 $0xFFFFC000  }
0x91: {  	[spmem:s5] =	stream.indirect.scatter.add.f32 [tilespmem:s19], [sflag:$0x4], $0x80, s11, s17, $0xb8;
	[tilespmem:$0x1EC00] =	vst v63  }
0x92: {  	_ =	swait.ge [sflag:s22], $0x4000  }
0x93: {  	[sflag:s22] =	ssyncset.done $0x0  }
.Ltmp3:
0x94: {  	s11 =	sadd.s32 $0x100, s4;
	[sflag:s22] =	ssyncadd.s32 $0xFFFFC000;
	(pc) =	sbr.rel @p1 .LBB2_3-.Ltmp3, $4  }
0x95: {  	[tilespmem:s18], [sflag:$0x1] =	stream.indirect.gather [hbm4b:s7+s17], $0x80, s11, s17, $0xb8;
	[tilespmem:$0x1EC00] =	vst v63  }
0x96: {  	_ =	swait.ge [sflag:s23], $0x4000  }
0x97: {  	[sflag:s23] =	ssyncset.done $0x0  }
0x98: {  	s4 =	sadd.s32 $0x180, s4;
	[sflag:s23] =	ssyncadd.s32 $0xFFFFC000  }
0x99: {  	[tilespmem:s19], [sflag:$0x2] =	stream.indirect.gather [hbm4b:s7+s17], $0x80, s4, s17, $0xb8;
	[tilespmem:$0x1EC00] =	vst v63  }
0x9a: {  	_ =	swait.ge [sflag:s20], $0x4000  }
0x9b: {  	[sflag:s20] =	ssyncset.done $0x0  }
0x9c: {  	[sflag:s20] =	ssyncadd.s32 $0xFFFFC000  }
0x9d: {  	[spmem:s5] =	stream.indirect.scatter.add.f32 [tilespmem:s18], [sflag:$0x3], $0x80, s24, s17, $0xb8;
	[tilespmem:$0x1EC00] =	vst v63  }
0x9e: {  	_ =	swait.ge [sflag:s21], $0x4000  }
0x9f: {  	[sflag:s21] =	ssyncset.done $0x0  }
0xa0: {  	s2 =	sadd.s32 $0x1, s2;
	[sflag:s21] =	ssyncadd.s32 $0xFFFFC000  }
0xa1: {  	[spmem:s5] =	stream.indirect.scatter.add.f32 [tilespmem:s19], [sflag:$0x4], $0x80, s25, s17, $0xb8;
	[tilespmem:$0x1EC00] =	vst v63  }
0xa2: {  	p1 =	sne.s32 s2, $0x3;
	_ =	swait.ge [sflag:s22], $0x4000  }
.Ltmp4:
0xa3: {  	[sflag:s22] =	ssyncset.done $0x0;
	(pc) =	sbr.rel @p1 .LBB2_2-.Ltmp4, $4  }
0xa4: {  	[sflag:s22] =	ssyncadd.s32 $0xFFFFC000  }
0xa5: {  	_ =	swait.ge [sflag:s23], $0x4000  }
0xa6: {  	[sflag:s23] =	ssyncset.done $0x0  }
0xa7: {  	[sflag:s23] =	ssyncadd.s32 $0xFFFFC000  }
.Ltmp5:
0xa8: {  	(pc) =	sbr.rel .LBB2_6-.Ltmp5, $2  }
0xa9: {  	_ =	sdelay $0x2  }
0xaa: {  	s3 =	rddreg [dreg:$0x6]  }
.LBB2_7:
0xab: {  	_ =	sfence.sel $0x180000  }
0xac: {  	[bflag:$0x0] =	sbarrier.arrive $0xFFFF  }
0xad: {  	_ =	strace $0x90000050  }
0xae: {  	s0 =	stileid.u32;
	[bflag:$0x2] =	sbarrier.arrive $0xFFFF  }
0xaf: {  	p0 =	sne.s32 s0, $0x0;
	s0 =	rddreg [dreg:$0x5]  }
0xb0: {  	s0 =	sadd.s32 @!p0 $0x100000, s0  }
0xb1: {  	[sflag:s0] =	ssyncadd.tile.s32 @!p0 $0x1;
	_ =	shalt  }
.Lfunc_end2:
_tile_overlayer_lowered:
.L_overlay_start_2:
0xb2: {  	(tag) =	ssettag $0x2  }
0xb3: {  	s0 =	rddreg [dreg:$0x0];
	s2 =	stileid.u32  }
0xb4: {  	s1 =	rddreg [dreg:$0x1];
	p0 =	sne.s32 s2, $0x0  }
0xb5: {  	s3 =	rddreg [dreg:$0x2];
	[bflag:$0x3] =	sbarrier.arrive $0xFFFF;
	s2 =	simm.s32 @!p0 $0x1C05  }
0xb6: {  	[timem:s3], [sflag:s2] =	dma.local @!p0 [hbm:s0], s1  }
0xb7: {  	s0 =	simm.s32 @!p0 $0x5  }
0xb8: {  	_ =	swait.ge @!p0 [sflag:s0], s1  }
0xb9: {  	s1 =	ssub.s32 @!p0 $0x0, s1;
	[sflag:s0] =	ssyncset.done @!p0 $0x0  }
0xba: {  	[sflag:s0] =	ssyncadd.s32 @!p0 s1  }
0xbb: {  	[bflag:$0x3] =	sbarrier.arrive $0xFFFF  }
0xbc: {  	_ =	shalt  }

</sc_bundles>
